<compile_context>
chip_gen: v7x
topology: tpu7x:2x2x1
jax: 0.10.2.dev20260603
libtpu: 0.0.44.dev20260713+nightly
codegen_flags: <defaults>
</compile_context>

<pallas_src>
import functools

import jax
import jax.numpy as jnp
from jax import lax
from jax.experimental import pallas as pl
from jax.experimental.pallas import tpu as pltpu
from jax.experimental.pallas import tpu_sc as plsc

EPS = 1e-5
NC = 2
NS = 16
LN = 128
KC = 2
CB = 32


def _rup(x, m):
    return ((x + m - 1) // m) * m




def _sc_aggregate(htab, dst2, srcp, gv2, hcol, zrow, zsc,
                  n2, n_pad, col_mode, ep_rows):
    rpt = n_pad // NS
    t_rows = ep_rows // NS
    n_pass = n2 // 2
    n_chunks = t_rows // KC
    assert n_chunks % 2 == 0
    mesh = plsc.VectorSubcoreMesh(core_axis_name="c", subcore_axis_name="s")

    @functools.partial(
        pl.kernel,
        out_type=(
            jax.ShapeDtypeStruct((n2, n_pad, CB), jnp.float32),
            jax.ShapeDtypeStruct((2, n_pad), jnp.float32),
        ),
        mesh=mesh,
        compiler_params=pltpu.CompilerParams(use_tc_tiling_on_sc=False),
        scratch_types=(
            pltpu.VMEM_SHARED((n_pad, CB), jnp.float32),
            pltpu.VMEM_SHARED((n_pad,), jnp.float32),
            pltpu.VMEM((2, KC, LN), jnp.int32),
            pltpu.VMEM((2, KC, LN), jnp.int32),
            pltpu.VMEM((2, KC, LN), jnp.int32),
            pltpu.VMEM((2, KC * LN, CB), jnp.float32),
            pltpu.VMEM((2, KC, LN), jnp.float32),
            pltpu.VMEM((2, KC * LN), jnp.float32),
            pltpu.SemaphoreType.DMA,
            pltpu.SemaphoreType.DMA,
            pltpu.SemaphoreType.DMA,
            pltpu.SemaphoreType.DMA,
        ),
    )
    def body(htab_r, dst_r, srcp_r, gv_r, hcol_r, zrow_r, zsc_r,
             outh_r, outs_r,
             acc, accs, dbuf, sbuf, rbuf, rows, gbuf, cbuf,
             semg0, semg1, semc0, semc1):
        c = lax.axis_index("c")
        s = lax.axis_index("s")
        semg = (semg0, semg1)
        semc = (semc0, semc1)
        for p in range(n_pass):
            blk = p * 2 + c

            def load(i, b):
                rb = s * t_rows + i * KC
                pltpu.sync_copy(dst_r.at[pl.ds(rb, KC)], dbuf.at[b])
                pltpu.sync_copy(srcp_r.at[blk, pl.ds(rb, KC)], sbuf.at[b])
                for j in range(KC):
                    pltpu.async_copy(
                        htab_r.at[sbuf.at[b, j]],
                        rows.at[b, pl.ds(j * LN, LN)], semg[b])
                if p == 0:
                    if not col_mode:
                        @pl.when(c == b)
                        def _():
                            pltpu.sync_copy(gv_r.at[pl.ds(rb, KC)],
                                            gbuf.at[b])
                    else:
                        @pl.when(c == b)
                        def _():
                            pltpu.sync_copy(srcp_r.at[n2, pl.ds(rb, KC)],
                                            rbuf.at[b])
                            for j in range(KC):
                                pltpu.async_copy(
                                    hcol_r.at[rbuf.at[b, j]],
                                    cbuf.at[b, pl.ds(j * LN, LN)], semc[b])

            def process(i, b):
                pltpu.make_async_copy(
                    htab_r.at[pl.ds(0, KC * LN)], rows.at[b],
                    semg[b]).wait()
                for j in range(KC):
                    pltpu.sync_copy(rows.at[b, pl.ds(j * LN, LN)],
                                    acc.at[dbuf.at[b, j]], add=True)
                if p == 0:
                    if not col_mode:
                        @pl.when(c == b)
                        def _():
                            for j in range(KC):
                                pltpu.sync_copy(gbuf.at[b, j],
                                                accs.at[dbuf.at[b, j]],
                                                add=True)
                    else:
                        @pl.when(c == b)
                        def _():
                            pltpu.make_async_copy(
                                hcol_r.at[pl.ds(0, KC * LN)], cbuf.at[b],
                                semc[b]).wait()
                            for j in range(KC):
                                pltpu.sync_copy(
                                    cbuf.at[b, pl.ds(j * LN, LN)],
                                    accs.at[dbuf.at[b, j]], add=True)

                @pl.when(i + 2 < n_chunks)
                def _():
                    load(i + 2, b)

            load(0, 0)
            load(1, 1)
            pltpu.sync_copy(zrow_r, acc.at[pl.ds(s * rpt, rpt)])
            if p == 0:
                pltpu.sync_copy(zsc_r, accs.at[pl.ds(s * rpt, rpt)])
            plsc.subcore_barrier()

            def chunk_pair(gi, carry):
                process(2 * gi, 0)
                process(2 * gi + 1, 1)
                return carry

            lax.fori_loop(0, n_chunks // 2, chunk_pair, 0)
            plsc.subcore_barrier()
            pltpu.sync_copy(acc.at[pl.ds(s * rpt, rpt)],
                            outh_r.at[blk, pl.ds(s * rpt, rpt)])
            if p == 0:
                pltpu.sync_copy(accs.at[pl.ds(s * rpt, rpt)],
                                outs_r.at[c, pl.ds(s * rpt, rpt)])
            plsc.subcore_barrier()

    return body(htab, dst2, srcp, gv2, hcol, zrow, zsc)



_TC_R = 512


def _make_stats_body(n, n2, k):
    def body(ablk_ref, scp_ref, stb_ref, sts_ref):
        i = pl.program_id(0)
        lim = n - i * _TC_R
        m = (lax.broadcasted_iota(jnp.int32, (_TC_R, CB), 0)
             < lim).astype(jnp.float32)
        x = ablk_ref[...] * m[None]
        mr = (lax.broadcasted_iota(jnp.int32, (1, _TC_R), 1)
              < lim).astype(jnp.float32)
        xp = scp_ref[...] * mr
        xs = xp.reshape(k, 2, _TC_R).sum(axis=1)
        s1 = jnp.sum(x, axis=1)
        s2 = jnp.sum(x * x, axis=1)
        pb = jnp.concatenate(
            [s1[:, None], s2[:, None],
             jnp.zeros((n2, 6, CB), jnp.float32)], axis=1)
        ps = jnp.concatenate(
            [jnp.sum(xs, axis=1, keepdims=True),
             jnp.sum(xs * xs, axis=1, keepdims=True),
             jnp.zeros((k, 6), jnp.float32)], axis=1)

        @pl.when(i == 0)
        def _():
            stb_ref[...] = pb
            sts_ref[...] = ps

        @pl.when(i > 0)
        def _():
            stb_ref[...] += pb
            sts_ref[...] += ps

    return body


def _make_transform_body(n, n2, k, do, n_blk_out):
    inv_n = 1.0 / n

    def body(ablk_ref, scp_ref, hin_ref, stb_ref, sts_ref,
             w1b_ref, w1s_ref, w2a_ref, w2b_ref, *out_refs):
        stb = stb_ref[...]
        mb = stb[:, 0:1] * inv_n
        vb = stb[:, 1:2] * inv_n - mb * mb
        ib = lax.rsqrt(vb + EPS)
        xb = (ablk_ref[...] - mb) * ib
        xs = scp_ref[...].reshape(k, 2, _TC_R).sum(axis=1)
        sts = sts_ref[...]
        ms = sts[:, 0:1] * inv_n
        vs = sts[:, 1:2] * inv_n - ms * ms
        ivs = lax.rsqrt(vs + EPS)
        bnp = (xs - ms) * ivs
        w1b = w1b_ref[...]
        r = lax.dot_general(
            bnp, w1s_ref[...], (((0,), (0,)), ((), ())),
            preferred_element_type=jnp.float32)
        for b in range(n2):
            r = r + jnp.dot(xb[b], w1b[b],
                            preferred_element_type=jnp.float32)
        r = jnp.maximum(r, 0.0)
        o = (jnp.dot(hin_ref[...], w2a_ref[...],
                     preferred_element_type=jnp.float32)
             + jnp.dot(r, w2b_ref[...], preferred_element_type=jnp.float32))
        out_refs[0][...] = o[:, :do]
        if n_blk_out:
            out_refs[1][...] = o
            out_refs[2][...] = o[:, :n_blk_out * CB]

    return body


def _tc_dense(ablk, scp, hin, W1, W2, n, di, n_blk_out):
    n2, n_pad, _ = ablk.shape
    k = scp.shape[0] // 2
    da = W1.shape[0]
    do = W2.shape[0]
    dip = hin.shape[1]
    dhp = _rup(da, 128)
    dop = _rup(do, 128)
    w1t = W1.T
    w1b = (jnp.zeros((n2, CB, dhp), jnp.float32)
           .at[:, :, :da].set(w1t[:n2 * CB].reshape(n2, CB, da)))
    w1s = jnp.zeros((k, dhp), jnp.float32).at[:, :da].set(w1t[n2 * CB:])
    w2a = jnp.zeros((dip, dop), jnp.float32).at[:di, :do].set(W2[:, :di].T)
    w2b = jnp.zeros((dhp, dop), jnp.float32).at[:da, :do].set(W2[:, di:].T)
    nb = n_pad // _TC_R
    stb, sts = pl.pallas_call(
        _make_stats_body(n, n2, k),
        grid=(nb,),
        in_specs=[
            pl.BlockSpec((n2, _TC_R, CB), lambda i: (0, i, 0)),
            pl.BlockSpec((2 * k, _TC_R), lambda i: (0, i)),
        ],
        out_specs=[
            pl.BlockSpec((n2, 8, CB), lambda i: (0, 0, 0)),
            pl.BlockSpec((k, 8), lambda i: (0, 0)),
        ],
        out_shape=(
            jax.ShapeDtypeStruct((n2, 8, CB), jnp.float32),
            jax.ShapeDtypeStruct((k, 8), jnp.float32),
        ),
    )(ablk, scp)
    out_specs = [pl.BlockSpec((_TC_R, do), lambda i: (i, 0))]
    out_shape = [jax.ShapeDtypeStruct((n, do), jnp.float32)]
    if n_blk_out:
        out_specs.append(pl.BlockSpec((_TC_R, dop), lambda i: (i, 0)))
        out_shape.append(jax.ShapeDtypeStruct((n_pad, dop), jnp.float32))
        out_specs.append(
            pl.BlockSpec((_TC_R, n_blk_out * CB), lambda i: (i, 0)))
        out_shape.append(
            jax.ShapeDtypeStruct((n_pad, n_blk_out * CB), jnp.float32))
    outs = pl.pallas_call(
        _make_transform_body(n, n2, k, do, n_blk_out),
        grid=(nb,),
        in_specs=[
            pl.BlockSpec((n2, _TC_R, CB), lambda i: (0, i, 0)),
            pl.BlockSpec((2 * k, _TC_R), lambda i: (0, i)),
            pl.BlockSpec((_TC_R, dip), lambda i: (i, 0)),
            pl.BlockSpec((n2, 8, CB), lambda i: (0, 0, 0)),
            pl.BlockSpec((k, 8), lambda i: (0, 0)),
            pl.BlockSpec((n2, CB, dhp), lambda i: (0, 0, 0)),
            pl.BlockSpec((k, dhp), lambda i: (0, 0)),
            pl.BlockSpec((dip, dop), lambda i: (0, 0)),
            pl.BlockSpec((dhp, dop), lambda i: (0, 0)),
        ],
        out_specs=out_specs,
        out_shape=tuple(out_shape),
    )(ablk, scp, hin, stb, sts, w1b, w1s, w2a, w2b)
    if n_blk_out:
        return outs
    return outs[0], None, None




def kernel(u, v, t, event, h0, W1_0, W2_0, W1_1, W2_1):
    e = u.shape[0]
    n = h0.shape[0]
    d0 = h0.shape[1]
    tfirst = t[0]
    tlast = t[event - 1]
    g = (tlast - t) / (1.0 + tlast - tfirst)

    per = NS * KC * LN * 2
    ep = _rup(2 * e, per)
    ep_rows = ep // LN
    n_pad = _rup(n + 1, _TC_R)
    pad = ep - 2 * e
    dst2 = jnp.concatenate(
        [u.astype(jnp.int32), v.astype(jnp.int32),
         jnp.full((pad,), n_pad - 1, jnp.int32)]).reshape(ep_rows, LN)
    srcr = jnp.concatenate(
        [v.astype(jnp.int32), u.astype(jnp.int32),
         jnp.zeros((pad,), jnp.int32)])
    gv2 = jnp.concatenate(
        [g, g, jnp.zeros((pad,), jnp.float32)]).reshape(ep_rows, LN)

    rpt = n_pad // NS
    zrow = jnp.zeros((rpt, CB), jnp.float32)
    zsc = jnp.zeros((rpt,), jnp.float32)
    dcol = jnp.zeros((8,), jnp.float32)
    do0 = W2_0.shape[0]
    nb0 = d0 // CB
    nb1 = do0 // CB

    htab0 = (jnp.zeros((nb0, n_pad, CB), jnp.float32)
             .at[:, :n].set(h0.reshape(n, nb0, CB).transpose(1, 0, 2))
             .reshape(nb0 * n_pad, CB))
    srcp0 = (srcr[None, :]
             + (jnp.arange(nb0, dtype=jnp.int32) * n_pad)[:, None]
             ).reshape(nb0, ep_rows, LN)
    outh0, outs0 = _sc_aggregate(htab0, dst2, srcp0, gv2, dcol, zrow, zsc,
                                 nb0, n_pad, False, ep_rows)
    h0p = jnp.zeros((n_pad, _rup(d0, 128)), jnp.float32).at[:n, :d0].set(h0)
    h1x, h1p, h1d = _tc_dense(outh0, outs0, h0p, W1_0, W2_0, n, d0, nb1)

    htab1 = h1d.reshape(nb1 * n_pad, CB)
    hcol1 = h1p[:, nb1 * CB]
    srcp1 = jnp.concatenate(
        [srcr[None, :] * nb1
         + jnp.arange(nb1, dtype=jnp.int32)[:, None],
         srcr[None, :]], axis=0).reshape(nb1 + 1, ep_rows, LN)
    outh1, outs1 = _sc_aggregate(htab1, dst2, srcp1, gv2, hcol1, zrow, zsc,
                                 nb1, n_pad, True, ep_rows)
    scp1 = jnp.concatenate([outs1, outs0], axis=0)
    h2x, _, _ = _tc_dense(outh1, scp1, h1p, W1_1, W2_1, n, do0, 0)

    return (h0, h1x, h2x)

# --- scband reference (transcript-rebuilt; emitter-appended) ---
"""Pipeline reference for scband-model-5557687681833 (READ-ONLY COPY).

The authoritative reference and input builder live on the scoring server;
editing this copy changes nothing except your own understanding.
"""

import jax, jax.numpy as jnp
import numpy as np

EMBED = 64
LAYERS = 2
N = 50000
E = 800000
EPS = 1e-5


def setup_inputs(seed: int = 0) -> dict:
    key = jax.random.key(seed)
    ks = jax.random.split(key, 8)
    u = jax.random.randint(ks[0], (E,), 0, N)
    v = jax.random.randint(ks[1], (E,), 0, N)
    t = jnp.sort(jax.random.uniform(ks[2], (E,), dtype=jnp.float32))
    h0 = jax.random.uniform(ks[3], (N, EMBED), dtype=jnp.float32)
    params = {}
    embed = EMBED
    ki = 4
    for l in range(LAYERS):
        agg = embed + 1
        out = agg + embed
        params['W1_%d' % l] = jax.random.normal(ks[ki], (agg, agg), dtype=jnp.float32) * 0.05
        ki += 1
        params['W2_%d' % l] = jax.random.normal(ks[ki], (out, out), dtype=jnp.float32) * 0.05
        ki += 1
        embed = out
    return {'u': u, 'v': v, 't': t, 'event': E, 'h0': h0, **params}


def _t2_layer(h, u, v, g, mask, W1, W2):
    # T2.forward: gather previous embeddings, concat edge feature g, scatter-add both directions
    src_u = jnp.concatenate([h[u], g], axis=1) * mask
    src_v = jnp.concatenate([h[v], g], axis=1) * mask
    agg_u = jax.ops.segment_sum(src_v, u, num_segments=N)
    agg_v = jax.ops.segment_sum(src_u, v, num_segments=N)
    agg = agg_u + agg_v
    # BatchNorm1d(affine=False), training-mode batch statistics (biased variance)
    mean = jnp.mean(agg, axis=0, keepdims=True)
    var = jnp.var(agg, axis=0, keepdims=True)
    bn = (agg - mean) / jnp.sqrt(var + EPS)
    # after_aggregation: w2(cat(h, relu(w1(bn(agg)))))
    return jnp.concatenate([h, jax.nn.relu(bn @ W1.T)], axis=1) @ W2.T


def reference(u, v, t, event, h0, W1_0, W2_0, W1_1, W2_1):
    # Model.embed
    mask = (jnp.arange(u.shape[0]) < event)[:, None].astype(t.dtype)
    tfirst = t[0]
    tlast = t[event - 1]
    g = ((tlast - t) / (1.0 + tlast - tfirst))[:, None]
    h = h0
    hs = [h]
    for W1, W2 in ((W1_0, W2_0), (W1_1, W2_1)):
        h = _t2_layer(h, u, v, g, mask, W1, W2)
        hs.append(h)
    return tuple(hs)

if __name__ == "__main__":
    import jax
    _d = setup_inputs()
    print(jax.jit(kernel)(*tuple(_d.values())))

</pallas_src>

<mosaic_0001>
#map = affine_map<(d0, d1) -> (0, 0)>
#map1 = affine_map<(d0, d1) -> (0, 0, 0)>
#map2 = affine_map<(d0, d1) -> (0)>
module attributes {stable_mosaic.version = 14 : i64} {
  func.func @body(%arg0: i32, %arg1: i32, %arg2: memref<100352x32xf32, #tpu.memory_space<hbm>>, %arg3: memref<12544x128xi32, #tpu.memory_space<hbm>>, %arg4: memref<2x12544x128xi32, #tpu.memory_space<hbm>>, %arg5: memref<12544x128xf32, #tpu.memory_space<hbm>>, %arg6: memref<8xf32, #tpu.memory_space<hbm>>, %arg7: memref<3136x32xf32, #tpu.memory_space<hbm>>, %arg8: memref<3136xf32, #tpu.memory_space<hbm>>, %arg9: memref<2x50176x32xf32, #tpu.memory_space<hbm>>, %arg10: memref<2x50176xf32, #tpu.memory_space<hbm>>, %arg11: memref<50176x32xf32, #tpu.memory_space<vmem_shared>>, %arg12: memref<50176xf32, #tpu.memory_space<vmem_shared>>, %arg13: memref<2x2x128xi32, #tpu.memory_space<vmem>>, %arg14: memref<2x2x128xi32, #tpu.memory_space<vmem>>, %arg15: memref<2x2x128xi32, #tpu.memory_space<vmem>>, %arg16: memref<2x256x32xf32, #tpu.memory_space<vmem>>, %arg17: memref<2x2x128xf32, #tpu.memory_space<vmem>>, %arg18: memref<2x256xf32, #tpu.memory_space<vmem>>, %arg19: memref<!tpu.dma_semaphore, #tpu.memory_space<semaphore_mem>>, %arg20: memref<!tpu.dma_semaphore, #tpu.memory_space<semaphore_mem>>, %arg21: memref<!tpu.dma_semaphore, #tpu.memory_space<semaphore_mem>>, %arg22: memref<!tpu.dma_semaphore, #tpu.memory_space<semaphore_mem>>) attributes {dimension_semantics = [#tpu.dimension_semantics<core_parallel>, #tpu.dimension_semantics<subcore_parallel>], iteration_bounds = array<i64: 2, 16>, scalar_prefetch = 0 : i64, scratch_operands = 12 : i64, tpu.core_type = #tpu.core_type<sc_vector_subcore>, window_params = [{transform_indices = #map}, {transform_indices = #map}, {transform_indices = #map1}, {transform_indices = #map}, {transform_indices = #map2}, {transform_indices = #map}, {transform_indices = #map2}, {transform_indices = #map1}, {transform_indices = #map}]} {
    %add3A = arith.constant 0 : i32
    %add3A_0 = arith.addi %add3A, %arg0 : i32
    %mul3A = arith.constant 784 : i32
    %mul3A_1 = arith.muli %arg1, %mul3A : i32
    %add3A_2 = arith.constant 0 : i32
    %add3A_3 = arith.addi %mul3A_1, %add3A_2 : i32
    %run_scoped3A = arith.constant 0 : i32
    "tpu.region"() ({
      %run_scoped3A_88 = tpu.sem_alloc : memref<!tpu.dma_semaphore, #tpu.memory_space<semaphore_mem>>
      %dma_start3A_89 = arith.constant 0 : i32
      %dma_start3A_90 = arith.constant 0 : i32
      %dma_start3A_91 = tpu.memref_slice %arg13[%run_scoped3A, %dma_start3A_89, %dma_start3A_90] : memref<2x2x128xi32, #tpu.memory_space<vmem>> -> memref<1x2x128xi32, #tpu.memory_space<vmem>>
      %dma_start3A_92 = tpu.memref_squeeze %dma_start3A_91 : memref<1x2x128xi32, #tpu.memory_space<vmem>> -> memref<2x128xi32, #tpu.memory_space<vmem>>
      %dma_start3A_93 = arith.constant 0 : i32
      %dma_start3A_94 = tpu.memref_slice %arg3[%add3A_3, %dma_start3A_93] : memref<12544x128xi32, #tpu.memory_space<hbm>> -> memref<2x128xi32, #tpu.memory_space<hbm>>
      %dma_start3A_95 = arith.constant 0 : i32
      %dma_start3A_96 = arith.constant 0 : i32
      %dma_start3A_97 = tpu.memref_slice %arg13[%run_scoped3A, %dma_start3A_95, %dma_start3A_96] : memref<2x2x128xi32, #tpu.memory_space<vmem>> -> memref<1x2x128xi32, #tpu.memory_space<vmem>>
      %dma_start3A_98 = tpu.memref_squeeze %dma_start3A_97 : memref<1x2x128xi32, #tpu.memory_space<vmem>> -> memref<2x128xi32, #tpu.memory_space<vmem>>
      %dma_start3A_99 = arith.constant 0 : i32
      %dma_start3A_100 = tpu.memref_slice %arg3[%add3A_3, %dma_start3A_99] : memref<12544x128xi32, #tpu.memory_space<hbm>> -> memref<2x128xi32, #tpu.memory_space<hbm>>
      tpu.enqueue_dma source(%dma_start3A_100 : memref<2x128xi32, #tpu.memory_space<hbm>>) target(%dma_start3A_98 : memref<2x128xi32, #tpu.memory_space<vmem>>) target_semaphore(%run_scoped3A_88 : memref<!tpu.dma_semaphore, #tpu.memory_space<semaphore_mem>>)
      %dma_wait3A = arith.constant 0 : i32
      %dma_wait3A_101 = arith.constant 0 : i32
      %dma_wait3A_102 = tpu.memref_slice %arg13[%run_scoped3A, %dma_wait3A, %dma_wait3A_101] : memref<2x2x128xi32, #tpu.memory_space<vmem>> -> memref<1x2x128xi32, #tpu.memory_space<vmem>>
      %dma_wait3A_103 = tpu.memref_squeeze %dma_wait3A_102 : memref<1x2x128xi32, #tpu.memory_space<vmem>> -> memref<2x128xi32, #tpu.memory_space<vmem>>
      %dma_wait3A_104 = arith.constant 0 : i32
      %dma_wait3A_105 = tpu.memref_slice %arg3[%add3A_3, %dma_wait3A_104] : memref<12544x128xi32, #tpu.memory_space<hbm>> -> memref<2x128xi32, #tpu.memory_space<hbm>>
      %dma_wait3A_106 = arith.constant 0 : i32
      %dma_wait3A_107 = arith.constant 0 : i32
      %dma_wait3A_108 = tpu.memref_slice %arg13[%run_scoped3A, %dma_wait3A_106, %dma_wait3A_107] : memref<2x2x128xi32, #tpu.memory_space<vmem>> -> memref<1x2x128xi32, #tpu.memory_space<vmem>>
      %dma_wait3A_109 = tpu.memref_squeeze %dma_wait3A_108 : memref<1x2x128xi32, #tpu.memory_space<vmem>> -> memref<2x128xi32, #tpu.memory_space<vmem>>
      %dma_wait3A_110 = arith.constant 0 : i32
      %dma_wait3A_111 = tpu.memref_slice %arg3[%add3A_3, %dma_wait3A_110] : memref<12544x128xi32, #tpu.memory_space<hbm>> -> memref<2x128xi32, #tpu.memory_space<hbm>>
      tpu.wait_dma2 semaphore(%run_scoped3A_88 : memref<!tpu.dma_semaphore, #tpu.memory_space<semaphore_mem>>) src(%dma_wait3A_111 : memref<2x128xi32, #tpu.memory_space<hbm>>) dst(%dma_wait3A_109 : memref<2x128xi32, #tpu.memory_space<vmem>>)
      tpu.yield
    }) : () -> ()
    %run_scoped3A_4 = arith.constant 0 : i32
    "tpu.region"() ({
      %run_scoped3A_88 = tpu.sem_alloc : memref<!tpu.dma_semaphore, #tpu.memory_space<semaphore_mem>>
      %dma_start3A_89 = arith.constant 0 : i32
      %dma_start3A_90 = arith.constant 0 : i32
      %dma_start3A_91 = tpu.memref_slice %arg14[%run_scoped3A_4, %dma_start3A_89, %dma_start3A_90] : memref<2x2x128xi32, #tpu.memory_space<vmem>> -> memref<1x2x128xi32, #tpu.memory_space<vmem>>
      %dma_start3A_92 = tpu.memref_squeeze %dma_start3A_91 : memref<1x2x128xi32, #tpu.memory_space<vmem>> -> memref<2x128xi32, #tpu.memory_space<vmem>>
      %dma_start3A_93 = arith.constant 0 : i32
      %dma_start3A_94 = tpu.memref_slice %arg4[%add3A_0, %add3A_3, %dma_start3A_93] : memref<2x12544x128xi32, #tpu.memory_space<hbm>> -> memref<1x2x128xi32, #tpu.memory_space<hbm>>
      %dma_start3A_95 = tpu.memref_squeeze %dma_start3A_94 : memref<1x2x128xi32, #tpu.memory_space<hbm>> -> memref<2x128xi32, #tpu.memory_space<hbm>>
      %dma_start3A_96 = arith.constant 0 : i32
      %dma_start3A_97 = arith.constant 0 : i32
      %dma_start3A_98 = tpu.memref_slice %arg14[%run_scoped3A_4, %dma_start3A_96, %dma_start3A_97] : memref<2x2x128xi32, #tpu.memory_space<vmem>> -> memref<1x2x128xi32, #tpu.memory_space<vmem>>
      %dma_start3A_99 = tpu.memref_squeeze %dma_start3A_98 : memref<1x2x128xi32, #tpu.memory_space<vmem>> -> memref<2x128xi32, #tpu.memory_space<vmem>>
      %dma_start3A_100 = arith.constant 0 : i32
      %dma_start3A_101 = tpu.memref_slice %arg4[%add3A_0, %add3A_3, %dma_start3A_100] : memref<2x12544x128xi32, #tpu.memory_space<hbm>> -> memref<1x2x128xi32, #tpu.memory_space<hbm>>
      %dma_start3A_102 = tpu.memref_squeeze %dma_start3A_101 : memref<1x2x128xi32, #tpu.memory_space<hbm>> -> memref<2x128xi32, #tpu.memory_space<hbm>>
      tpu.enqueue_dma source(%dma_start3A_102 : memref<2x128xi32, #tpu.memory_space<hbm>>) target(%dma_start3A_99 : memref<2x128xi32, #tpu.memory_space<vmem>>) target_semaphore(%run_scoped3A_88 : memref<!tpu.dma_semaphore, #tpu.memory_space<semaphore_mem>>)
      %dma_wait3A = arith.constant 0 : i32
      %dma_wait3A_103 = arith.constant 0 : i32
      %dma_wait3A_104 = tpu.memref_slice %arg14[%run_scoped3A_4, %dma_wait3A, %dma_wait3A_103] : memref<2x2x128xi32, #tpu.memory_space<vmem>> -> memref<1x2x128xi32, #tpu.memory_space<vmem>>
      %dma_wait3A_105 = tpu.memref_squeeze %dma_wait3A_104 : memref<1x2x128xi32, #tpu.memory_space<vmem>> -> memref<2x128xi32, #tpu.memory_space<vmem>>
      %dma_wait3A_106 = arith.constant 0 : i32
      %dma_wait3A_107 = tpu.memref_slice %arg4[%add3A_0, %add3A_3, %dma_wait3A_106] : memref<2x12544x128xi32, #tpu.memory_space<hbm>> -> memref<1x2x128xi32, #tpu.memory_space<hbm>>
      %dma_wait3A_108 = tpu.memref_squeeze %dma_wait3A_107 : memref<1x2x128xi32, #tpu.memory_space<hbm>> -> memref<2x128xi32, #tpu.memory_space<hbm>>
      %dma_wait3A_109 = arith.constant 0 : i32
      %dma_wait3A_110 = arith.constant 0 : i32
      %dma_wait3A_111 = tpu.memref_slice %arg14[%run_scoped3A_4, %dma_wait3A_109, %dma_wait3A_110] : memref<2x2x128xi32, #tpu.memory_space<vmem>> -> memref<1x2x128xi32, #tpu.memory_space<vmem>>
      %dma_wait3A_112 = tpu.memref_squeeze %dma_wait3A_111 : memref<1x2x128xi32, #tpu.memory_space<vmem>> -> memref<2x128xi32, #tpu.memory_space<vmem>>
      %dma_wait3A_113 = arith.constant 0 : i32
      %dma_wait3A_114 = tpu.memref_slice %arg4[%add3A_0, %add3A_3, %dma_wait3A_113] : memref<2x12544x128xi32, #tpu.memory_space<hbm>> -> memref<1x2x128xi32, #tpu.memory_space<hbm>>
      %dma_wait3A_115 = tpu.memref_squeeze %dma_wait3A_114 : memref<1x2x128xi32, #tpu.memory_space<hbm>> -> memref<2x128xi32, #tpu.memory_space<hbm>>
      tpu.wait_dma2 semaphore(%run_scoped3A_88 : memref<!tpu.dma_semaphore, #tpu.memory_space<semaphore_mem>>) src(%dma_wait3A_115 : memref<2x128xi32, #tpu.memory_space<hbm>>) dst(%dma_wait3A_112 : memref<2x128xi32, #tpu.memory_space<vmem>>)
      tpu.yield
    }) : () -> ()
    %dma_start3A = arith.constant 0 : i32
    %dma_start3A_5 = arith.constant 0 : i32
    %dma_start3A_6 = arith.constant 0 : i32
    %dma_start3A_7 = arith.constant 0 : i32
    %dma_start3A_8 = arith.constant 0 : i32
    %dma_start3A_9 = tpu.memref_slice %arg16[%dma_start3A_6, %dma_start3A_7, %dma_start3A_8] : memref<2x256x32xf32, #tpu.memory_space<vmem>> -> memref<1x128x32xf32, #tpu.memory_space<vmem>>
    %dma_start3A_10 = tpu.memref_squeeze %dma_start3A_9 : memref<1x128x32xf32, #tpu.memory_space<vmem>> -> memref<128x32xf32, #tpu.memory_space<vmem>>
    %dma_start3A_11 = arith.constant 0 : i32
    %dma_start3A_12 = tpu.memref_slice %arg14[%dma_start3A, %dma_start3A_5, %dma_start3A_11] : memref<2x2x128xi32, #tpu.memory_space<vmem>> -> memref<1x1x128xi32, #tpu.memory_space<vmem>>
    %dma_start3A_13 = tpu.memref_squeeze %dma_start3A_12 : memref<1x1x128xi32, #tpu.memory_space<vmem>> -> memref<128xi32, #tpu.memory_space<vmem>>
    %dma_start3A_14 = arith.constant 0 : i32
    %dma_start3A_15 = arith.constant 0 : i32
    %dma_start3A_16 = tpu.memref_slice %arg2[%dma_start3A_14, %dma_start3A_15] : memref<100352x32xf32, #tpu.memory_space<hbm>> -> memref<100352x32xf32, #tpu.memory_space<hbm>>
    tpu.enqueue_indirect_dma source(%dma_start3A_16 : memref<100352x32xf32, #tpu.memory_space<hbm>>) target(%dma_start3A_10 : memref<128x32xf32, #tpu.memory_space<vmem>>) offsets(%dma_start3A_13 : memref<128xi32, #tpu.memory_space<vmem>>) semaphore(%arg19 : memref<!tpu.dma_semaphore, #tpu.memory_space<semaphore_mem>>)
    %dma_start3A_17 = arith.constant 0 : i32
    %dma_start3A_18 = arith.constant 1 : i32
    %dma_start3A_19 = arith.constant 0 : i32
    %dma_start3A_20 = arith.constant 128 : i32
    %dma_start3A_21 = arith.constant 0 : i32
    %dma_start3A_22 = tpu.memref_slice %arg16[%dma_start3A_19, %dma_start3A_20, %dma_start3A_21] : memref<2x256x32xf32, #tpu.memory_space<vmem>> -> memref<1x128x32xf32, #tpu.memory_space<vmem>>
    %dma_start3A_23 = tpu.memref_squeeze %dma_start3A_22 : memref<1x128x32xf32, #tpu.memory_space<vmem>> -> memref<128x32xf32, #tpu.memory_space<vmem>>
    %dma_start3A_24 = arith.constant 0 : i32
    %dma_start3A_25 = tpu.memref_slice %arg14[%dma_start3A_17, %dma_start3A_18, %dma_start3A_24] : memref<2x2x128xi32, #tpu.memory_space<vmem>> -> memref<1x1x128xi32, #tpu.memory_space<vmem>>
    %dma_start3A_26 = tpu.memref_squeeze %dma_start3A_25 : memref<1x1x128xi32, #tpu.memory_space<vmem>> -> memref<128xi32, #tpu.memory_space<vmem>>
    %dma_start3A_27 = arith.constant 0 : i32
    %dma_start3A_28 = arith.constant 0 : i32
    %dma_start3A_29 = tpu.memref_slice %arg2[%dma_start3A_27, %dma_start3A_28] : memref<100352x32xf32, #tpu.memory_space<hbm>> -> memref<100352x32xf32, #tpu.memory_space<hbm>>
    tpu.enqueue_indirect_dma source(%dma_start3A_29 : memref<100352x32xf32, #tpu.memory_space<hbm>>) target(%dma_start3A_23 : memref<128x32xf32, #tpu.memory_space<vmem>>) offsets(%dma_start3A_26 : memref<128xi32, #tpu.memory_space<vmem>>) semaphore(%arg19 : memref<!tpu.dma_semaphore, #tpu.memory_space<semaphore_mem>>)
    %eq3A = arith.constant 0 : i32
    %eq3A_30 = arith.cmpi eq, %arg0, %eq3A : i32
    %convert_element_type3A = arith.extui %eq3A_30 : i1 to i32
    %cond3A = arith.constant 0 : i32
    %cond3A_31 = arith.cmpi ne, %convert_element_type3A, %cond3A : i32
    scf.if %cond3A_31 {
      %run_scoped3A_88 = arith.constant 0 : i32
      "tpu.region"() ({
        %run_scoped3A_89 = tpu.sem_alloc : memref<!tpu.dma_semaphore, #tpu.memory_space<semaphore_mem>>
        %dma_start3A_90 = arith.constant 0 : i32
        %dma_start3A_91 = arith.constant 0 : i32
        %dma_start3A_92 = tpu.memref_slice %arg17[%run_scoped3A_88, %dma_start3A_90, %dma_start3A_91] : memref<2x2x128xf32, #tpu.memory_space<vmem>> -> memref<1x2x128xf32, #tpu.memory_space<vmem>>
        %dma_start3A_93 = tpu.memref_squeeze %dma_start3A_92 : memref<1x2x128xf32, #tpu.memory_space<vmem>> -> memref<2x128xf32, #tpu.memory_space<vmem>>
        %dma_start3A_94 = arith.constant 0 : i32
        %dma_start3A_95 = tpu.memref_slice %arg5[%add3A_3, %dma_start3A_94] : memref<12544x128xf32, #tpu.memory_space<hbm>> -> memref<2x128xf32, #tpu.memory_space<hbm>>
        %dma_start3A_96 = arith.constant 0 : i32
        %dma_start3A_97 = arith.constant 0 : i32
        %dma_start3A_98 = tpu.memref_slice %arg17[%run_scoped3A_88, %dma_start3A_96, %dma_start3A_97] : memref<2x2x128xf32, #tpu.memory_space<vmem>> -> memref<1x2x128xf32, #tpu.memory_space<vmem>>
        %dma_start3A_99 = tpu.memref_squeeze %dma_start3A_98 : memref<1x2x128xf32, #tpu.memory_space<vmem>> -> memref<2x128xf32, #tpu.memory_space<vmem>>
        %dma_start3A_100 = arith.constant 0 : i32
        %dma_start3A_101 = tpu.memref_slice %arg5[%add3A_3, %dma_start3A_100] : memref<12544x128xf32, #tpu.memory_space<hbm>> -> memref<2x128xf32, #tpu.memory_space<hbm>>
        tpu.enqueue_dma source(%dma_start3A_101 : memref<2x128xf32, #tpu.memory_space<hbm>>) target(%dma_start3A_99 : memref<2x128xf32, #tpu.memory_space<vmem>>) target_semaphore(%run_scoped3A_89 : memref<!tpu.dma_semaphore, #tpu.memory_space<semaphore_mem>>)
        %dma_wait3A = arith.constant 0 : i32
        %dma_wait3A_102 = arith.constant 0 : i32
        %dma_wait3A_103 = tpu.memref_slice %arg17[%run_scoped3A_88, %dma_wait3A, %dma_wait3A_102] : memref<2x2x128xf32, #tpu.memory_space<vmem>> -> memref<1x2x128xf32, #tpu.memory_space<vmem>>
        %dma_wait3A_104 = tpu.memref_squeeze %dma_wait3A_103 : memref<1x2x128xf32, #tpu.memory_space<vmem>> -> memref<2x128xf32, #tpu.memory_space<vmem>>
        %dma_wait3A_105 = arith.constant 0 : i32
        %dma_wait3A_106 = tpu.memref_slice %arg5[%add3A_3, %dma_wait3A_105] : memref<12544x128xf32, #tpu.memory_space<hbm>> -> memref<2x128xf32, #tpu.memory_space<hbm>>
        %dma_wait3A_107 = arith.constant 0 : i32
        %dma_wait3A_108 = arith.constant 0 : i32
        %dma_wait3A_109 = tpu.memref_slice %arg17[%run_scoped3A_88, %dma_wait3A_107, %dma_wait3A_108] : memref<2x2x128xf32, #tpu.memory_space<vmem>> -> memref<1x2x128xf32, #tpu.memory_space<vmem>>
        %dma_wait3A_110 = tpu.memref_squeeze %dma_wait3A_109 : memref<1x2x128xf32, #tpu.memory_space<vmem>> -> memref<2x128xf32, #tpu.memory_space<vmem>>
        %dma_wait3A_111 = arith.constant 0 : i32
        %dma_wait3A_112 = tpu.memref_slice %arg5[%add3A_3, %dma_wait3A_111] : memref<12544x128xf32, #tpu.memory_space<hbm>> -> memref<2x128xf32, #tpu.memory_space<hbm>>
        tpu.wait_dma2 semaphore(%run_scoped3A_89 : memref<!tpu.dma_semaphore, #tpu.memory_space<semaphore_mem>>) src(%dma_wait3A_112 : memref<2x128xf32, #tpu.memory_space<hbm>>) dst(%dma_wait3A_110 : memref<2x128xf32, #tpu.memory_space<vmem>>)
        tpu.yield
      }) : () -> ()
    } else {
    }
    %mul3A_32 = arith.constant 784 : i32
    %mul3A_33 = arith.muli %arg1, %mul3A_32 : i32
    %add3A_34 = arith.constant 2 : i32
    %add3A_35 = arith.addi %mul3A_33, %add3A_34 : i32
    %run_scoped3A_36 = arith.constant 1 : i32
    "tpu.region"() ({
      %run_scoped3A_88 = tpu.sem_alloc : memref<!tpu.dma_semaphore, #tpu.memory_space<semaphore_mem>>
      %dma_start3A_89 = arith.constant 0 : i32
      %dma_start3A_90 = arith.constant 0 : i32
      %dma_start3A_91 = tpu.memref_slice %arg13[%run_scoped3A_36, %dma_start3A_89, %dma_start3A_90] : memref<2x2x128xi32, #tpu.memory_space<vmem>> -> memref<1x2x128xi32, #tpu.memory_space<vmem>>
      %dma_start3A_92 = tpu.memref_squeeze %dma_start3A_91 : memref<1x2x128xi32, #tpu.memory_space<vmem>> -> memref<2x128xi32, #tpu.memory_space<vmem>>
      %dma_start3A_93 = arith.constant 0 : i32
      %dma_start3A_94 = tpu.memref_slice %arg3[%add3A_35, %dma_start3A_93] : memref<12544x128xi32, #tpu.memory_space<hbm>> -> memref<2x128xi32, #tpu.memory_space<hbm>>
      %dma_start3A_95 = arith.constant 0 : i32
      %dma_start3A_96 = arith.constant 0 : i32
      %dma_start3A_97 = tpu.memref_slice %arg13[%run_scoped3A_36, %dma_start3A_95, %dma_start3A_96] : memref<2x2x128xi32, #tpu.memory_space<vmem>> -> memref<1x2x128xi32, #tpu.memory_space<vmem>>
      %dma_start3A_98 = tpu.memref_squeeze %dma_start3A_97 : memref<1x2x128xi32, #tpu.memory_space<vmem>> -> memref<2x128xi32, #tpu.memory_space<vmem>>
      %dma_start3A_99 = arith.constant 0 : i32
      %dma_start3A_100 = tpu.memref_slice %arg3[%add3A_35, %dma_start3A_99] : memref<12544x128xi32, #tpu.memory_space<hbm>> -> memref<2x128xi32, #tpu.memory_space<hbm>>
      tpu.enqueue_dma source(%dma_start3A_100 : memref<2x128xi32, #tpu.memory_space<hbm>>) target(%dma_start3A_98 : memref<2x128xi32, #tpu.memory_space<vmem>>) target_semaphore(%run_scoped3A_88 : memref<!tpu.dma_semaphore, #tpu.memory_space<semaphore_mem>>)
      %dma_wait3A = arith.constant 0 : i32
      %dma_wait3A_101 = arith.constant 0 : i32
      %dma_wait3A_102 = tpu.memref_slice %arg13[%run_scoped3A_36, %dma_wait3A, %dma_wait3A_101] : memref<2x2x128xi32, #tpu.memory_space<vmem>> -> memref<1x2x128xi32, #tpu.memory_space<vmem>>
      %dma_wait3A_103 = tpu.memref_squeeze %dma_wait3A_102 : memref<1x2x128xi32, #tpu.memory_space<vmem>> -> memref<2x128xi32, #tpu.memory_space<vmem>>
      %dma_wait3A_104 = arith.constant 0 : i32
      %dma_wait3A_105 = tpu.memref_slice %arg3[%add3A_35, %dma_wait3A_104] : memref<12544x128xi32, #tpu.memory_space<hbm>> -> memref<2x128xi32, #tpu.memory_space<hbm>>
      %dma_wait3A_106 = arith.constant 0 : i32
      %dma_wait3A_107 = arith.constant 0 : i32
      %dma_wait3A_108 = tpu.memref_slice %arg13[%run_scoped3A_36, %dma_wait3A_106, %dma_wait3A_107] : memref<2x2x128xi32, #tpu.memory_space<vmem>> -> memref<1x2x128xi32, #tpu.memory_space<vmem>>
      %dma_wait3A_109 = tpu.memref_squeeze %dma_wait3A_108 : memref<1x2x128xi32, #tpu.memory_space<vmem>> -> memref<2x128xi32, #tpu.memory_space<vmem>>
      %dma_wait3A_110 = arith.constant 0 : i32
      %dma_wait3A_111 = tpu.memref_slice %arg3[%add3A_35, %dma_wait3A_110] : memref<12544x128xi32, #tpu.memory_space<hbm>> -> memref<2x128xi32, #tpu.memory_space<hbm>>
      tpu.wait_dma2 semaphore(%run_scoped3A_88 : memref<!tpu.dma_semaphore, #tpu.memory_space<semaphore_mem>>) src(%dma_wait3A_111 : memref<2x128xi32, #tpu.memory_space<hbm>>) dst(%dma_wait3A_109 : memref<2x128xi32, #tpu.memory_space<vmem>>)
      tpu.yield
    }) : () -> ()
    %run_scoped3A_37 = arith.constant 1 : i32
    "tpu.region"() ({
      %run_scoped3A_88 = tpu.sem_alloc : memref<!tpu.dma_semaphore, #tpu.memory_space<semaphore_mem>>
      %dma_start3A_89 = arith.constant 0 : i32
      %dma_start3A_90 = arith.constant 0 : i32
      %dma_start3A_91 = tpu.memref_slice %arg14[%run_scoped3A_37, %dma_start3A_89, %dma_start3A_90] : memref<2x2x128xi32, #tpu.memory_space<vmem>> -> memref<1x2x128xi32, #tpu.memory_space<vmem>>
      %dma_start3A_92 = tpu.memref_squeeze %dma_start3A_91 : memref<1x2x128xi32, #tpu.memory_space<vmem>> -> memref<2x128xi32, #tpu.memory_space<vmem>>
      %dma_start3A_93 = arith.constant 0 : i32
      %dma_start3A_94 = tpu.memref_slice %arg4[%add3A_0, %add3A_35, %dma_start3A_93] : memref<2x12544x128xi32, #tpu.memory_space<hbm>> -> memref<1x2x128xi32, #tpu.memory_space<hbm>>
      %dma_start3A_95 = tpu.memref_squeeze %dma_start3A_94 : memref<1x2x128xi32, #tpu.memory_space<hbm>> -> memref<2x128xi32, #tpu.memory_space<hbm>>
      %dma_start3A_96 = arith.constant 0 : i32
      %dma_start3A_97 = arith.constant 0 : i32
      %dma_start3A_98 = tpu.memref_slice %arg14[%run_scoped3A_37, %dma_start3A_96, %dma_start3A_97] : memref<2x2x128xi32, #tpu.memory_space<vmem>> -> memref<1x2x128xi32, #tpu.memory_space<vmem>>
      %dma_start3A_99 = tpu.memref_squeeze %dma_start3A_98 : memref<1x2x128xi32, #tpu.memory_space<vmem>> -> memref<2x128xi32, #tpu.memory_space<vmem>>
      %dma_start3A_100 = arith.constant 0 : i32
      %dma_start3A_101 = tpu.memref_slice %arg4[%add3A_0, %add3A_35, %dma_start3A_100] : memref<2x12544x128xi32, #tpu.memory_space<hbm>> -> memref<1x2x128xi32, #tpu.memory_space<hbm>>
      %dma_start3A_102 = tpu.memref_squeeze %dma_start3A_101 : memref<1x2x128xi32, #tpu.memory_space<hbm>> -> memref<2x128xi32, #tpu.memory_space<hbm>>
      tpu.enqueue_dma source(%dma_start3A_102 : memref<2x128xi32, #tpu.memory_space<hbm>>) target(%dma_start3A_99 : memref<2x128xi32, #tpu.memory_space<vmem>>) target_semaphore(%run_scoped3A_88 : memref<!tpu.dma_semaphore, #tpu.memory_space<semaphore_mem>>)
      %dma_wait3A = arith.constant 0 : i32
      %dma_wait3A_103 = arith.constant 0 : i32
      %dma_wait3A_104 = tpu.memref_slice %arg14[%run_scoped3A_37, %dma_wait3A, %dma_wait3A_103] : memref<2x2x128xi32, #tpu.memory_space<vmem>> -> memref<1x2x128xi32, #tpu.memory_space<vmem>>
      %dma_wait3A_105 = tpu.memref_squeeze %dma_wait3A_104 : memref<1x2x128xi32, #tpu.memory_space<vmem>> -> memref<2x128xi32, #tpu.memory_space<vmem>>
      %dma_wait3A_106 = arith.constant 0 : i32
      %dma_wait3A_107 = tpu.memref_slice %arg4[%add3A_0, %add3A_35, %dma_wait3A_106] : memref<2x12544x128xi32, #tpu.memory_space<hbm>> -> memref<1x2x128xi32, #tpu.memory_space<hbm>>
      %dma_wait3A_108 = tpu.memref_squeeze %dma_wait3A_107 : memref<1x2x128xi32, #tpu.memory_space<hbm>> -> memref<2x128xi32, #tpu.memory_space<hbm>>
      %dma_wait3A_109 = arith.constant 0 : i32
      %dma_wait3A_110 = arith.constant 0 : i32
      %dma_wait3A_111 = tpu.memref_slice %arg14[%run_scoped3A_37, %dma_wait3A_109, %dma_wait3A_110] : memref<2x2x128xi32, #tpu.memory_space<vmem>> -> memref<1x2x128xi32, #tpu.memory_space<vmem>>
      %dma_wait3A_112 = tpu.memref_squeeze %dma_wait3A_111 : memref<1x2x128xi32, #tpu.memory_space<vmem>> -> memref<2x128xi32, #tpu.memory_space<vmem>>
      %dma_wait3A_113 = arith.constant 0 : i32
      %dma_wait3A_114 = tpu.memref_slice %arg4[%add3A_0, %add3A_35, %dma_wait3A_113] : memref<2x12544x128xi32, #tpu.memory_space<hbm>> -> memref<1x2x128xi32, #tpu.memory_space<hbm>>
      %dma_wait3A_115 = tpu.memref_squeeze %dma_wait3A_114 : memref<1x2x128xi32, #tpu.memory_space<hbm>> -> memref<2x128xi32, #tpu.memory_space<hbm>>
      tpu.wait_dma2 semaphore(%run_scoped3A_88 : memref<!tpu.dma_semaphore, #tpu.memory_space<semaphore_mem>>) src(%dma_wait3A_115 : memref<2x128xi32, #tpu.memory_space<hbm>>) dst(%dma_wait3A_112 : memref<2x128xi32, #tpu.memory_space<vmem>>)
      tpu.yield
    }) : () -> ()
    %dma_start3A_38 = arith.constant 1 : i32
    %dma_start3A_39 = arith.constant 0 : i32
    %dma_start3A_40 = arith.constant 1 : i32
    %dma_start3A_41 = arith.constant 0 : i32
    %dma_start3A_42 = arith.constant 0 : i32
    %dma_start3A_43 = tpu.memref_slice %arg16[%dma_start3A_40, %dma_start3A_41, %dma_start3A_42] : memref<2x256x32xf32, #tpu.memory_space<vmem>> -> memref<1x128x32xf32, #tpu.memory_space<vmem>>
    %dma_start3A_44 = tpu.memref_squeeze %dma_start3A_43 : memref<1x128x32xf32, #tpu.memory_space<vmem>> -> memref<128x32xf32, #tpu.memory_space<vmem>>
    %dma_start3A_45 = arith.constant 0 : i32
    %dma_start3A_46 = tpu.memref_slice %arg14[%dma_start3A_38, %dma_start3A_39, %dma_start3A_45] : memref<2x2x128xi32, #tpu.memory_space<vmem>> -> memref<1x1x128xi32, #tpu.memory_space<vmem>>
    %dma_start3A_47 = tpu.memref_squeeze %dma_start3A_46 : memref<1x1x128xi32, #tpu.memory_space<vmem>> -> memref<128xi32, #tpu.memory_space<vmem>>
    %dma_start3A_48 = arith.constant 0 : i32
    %dma_start3A_49 = arith.constant 0 : i32
    %dma_start3A_50 = tpu.memref_slice %arg2[%dma_start3A_48, %dma_start3A_49] : memref<100352x32xf32, #tpu.memory_space<hbm>> -> memref<100352x32xf32, #tpu.memory_space<hbm>>
    tpu.enqueue_indirect_dma source(%dma_start3A_50 : memref<100352x32xf32, #tpu.memory_space<hbm>>) target(%dma_start3A_44 : memref<128x32xf32, #tpu.memory_space<vmem>>) offsets(%dma_start3A_47 : memref<128xi32, #tpu.memory_space<vmem>>) semaphore(%arg20 : memref<!tpu.dma_semaphore, #tpu.memory_space<semaphore_mem>>)
    %dma_start3A_51 = arith.constant 1 : i32
    %dma_start3A_52 = arith.constant 1 : i32
    %dma_start3A_53 = arith.constant 1 : i32
    %dma_start3A_54 = arith.constant 128 : i32
    %dma_start3A_55 = arith.constant 0 : i32
    %dma_start3A_56 = tpu.memref_slice %arg16[%dma_start3A_53, %dma_start3A_54, %dma_start3A_55] : memref<2x256x32xf32, #tpu.memory_space<vmem>> -> memref<1x128x32xf32, #tpu.memory_space<vmem>>
    %dma_start3A_57 = tpu.memref_squeeze %dma_start3A_56 : memref<1x128x32xf32, #tpu.memory_space<vmem>> -> memref<128x32xf32, #tpu.memory_space<vmem>>
    %dma_start3A_58 = arith.constant 0 : i32
    %dma_start3A_59 = tpu.memref_slice %arg14[%dma_start3A_51, %dma_start3A_52, %dma_start3A_58] : memref<2x2x128xi32, #tpu.memory_space<vmem>> -> memref<1x1x128xi32, #tpu.memory_space<vmem>>
    %dma_start3A_60 = tpu.memref_squeeze %dma_start3A_59 : memref<1x1x128xi32, #tpu.memory_space<vmem>> -> memref<128xi32, #tpu.memory_space<vmem>>
    %dma_start3A_61 = arith.constant 0 : i32
    %dma_start3A_62 = arith.constant 0 : i32
    %dma_start3A_63 = tpu.memref_slice %arg2[%dma_start3A_61, %dma_start3A_62] : memref<100352x32xf32, #tpu.memory_space<hbm>> -> memref<100352x32xf32, #tpu.memory_space<hbm>>
    tpu.enqueue_indirect_dma source(%dma_start3A_63 : memref<100352x32xf32, #tpu.memory_space<hbm>>) target(%dma_start3A_57 : memref<128x32xf32, #tpu.memory_space<vmem>>) offsets(%dma_start3A_60 : memref<128xi32, #tpu.memory_space<vmem>>) semaphore(%arg20 : memref<!tpu.dma_semaphore, #tpu.memory_space<semaphore_mem>>)
    %eq3A_64 = arith.constant 1 : i32
    %eq3A_65 = arith.cmpi eq, %arg0, %eq3A_64 : i32
    %convert_element_type3A_66 = arith.extui %eq3A_65 : i1 to i32
    %cond3A_67 = arith.constant 0 : i32
    %cond3A_68 = arith.cmpi ne, %convert_element_type3A_66, %cond3A_67 : i32
    scf.if %cond3A_68 {
      %run_scoped3A_88 = arith.constant 1 : i32
      "tpu.region"() ({
        %run_scoped3A_89 = tpu.sem_alloc : memref<!tpu.dma_semaphore, #tpu.memory_space<semaphore_mem>>
        %dma_start3A_90 = arith.constant 0 : i32
        %dma_start3A_91 = arith.constant 0 : i32
        %dma_start3A_92 = tpu.memref_slice %arg17[%run_scoped3A_88, %dma_start3A_90, %dma_start3A_91] : memref<2x2x128xf32, #tpu.memory_space<vmem>> -> memref<1x2x128xf32, #tpu.memory_space<vmem>>
        %dma_start3A_93 = tpu.memref_squeeze %dma_start3A_92 : memref<1x2x128xf32, #tpu.memory_space<vmem>> -> memref<2x128xf32, #tpu.memory_space<vmem>>
        %dma_start3A_94 = arith.constant 0 : i32
        %dma_start3A_95 = tpu.memref_slice %arg5[%add3A_35, %dma_start3A_94] : memref<12544x128xf32, #tpu.memory_space<hbm>> -> memref<2x128xf32, #tpu.memory_space<hbm>>
        %dma_start3A_96 = arith.constant 0 : i32
        %dma_start3A_97 = arith.constant 0 : i32
        %dma_start3A_98 = tpu.memref_slice %arg17[%run_scoped3A_88, %dma_start3A_96, %dma_start3A_97] : memref<2x2x128xf32, #tpu.memory_space<vmem>> -> memref<1x2x128xf32, #tpu.memory_space<vmem>>
        %dma_start3A_99 = tpu.memref_squeeze %dma_start3A_98 : memref<1x2x128xf32, #tpu.memory_space<vmem>> -> memref<2x128xf32, #tpu.memory_space<vmem>>
        %dma_start3A_100 = arith.constant 0 : i32
        %dma_start3A_101 = tpu.memref_slice %arg5[%add3A_35, %dma_start3A_100] : memref<12544x128xf32, #tpu.memory_space<hbm>> -> memref<2x128xf32, #tpu.memory_space<hbm>>
        tpu.enqueue_dma source(%dma_start3A_101 : memref<2x128xf32, #tpu.memory_space<hbm>>) target(%dma_start3A_99 : memref<2x128xf32, #tpu.memory_space<vmem>>) target_semaphore(%run_scoped3A_89 : memref<!tpu.dma_semaphore, #tpu.memory_space<semaphore_mem>>)
        %dma_wait3A = arith.constant 0 : i32
        %dma_wait3A_102 = arith.constant 0 : i32
        %dma_wait3A_103 = tpu.memref_slice %arg17[%run_scoped3A_88, %dma_wait3A, %dma_wait3A_102] : memref<2x2x128xf32, #tpu.memory_space<vmem>> -> memref<1x2x128xf32, #tpu.memory_space<vmem>>
        %dma_wait3A_104 = tpu.memref_squeeze %dma_wait3A_103 : memref<1x2x128xf32, #tpu.memory_space<vmem>> -> memref<2x128xf32, #tpu.memory_space<vmem>>
        %dma_wait3A_105 = arith.constant 0 : i32
        %dma_wait3A_106 = tpu.memref_slice %arg5[%add3A_35, %dma_wait3A_105] : memref<12544x128xf32, #tpu.memory_space<hbm>> -> memref<2x128xf32, #tpu.memory_space<hbm>>
        %dma_wait3A_107 = arith.constant 0 : i32
        %dma_wait3A_108 = arith.constant 0 : i32
        %dma_wait3A_109 = tpu.memref_slice %arg17[%run_scoped3A_88, %dma_wait3A_107, %dma_wait3A_108] : memref<2x2x128xf32, #tpu.memory_space<vmem>> -> memref<1x2x128xf32, #tpu.memory_space<vmem>>
        %dma_wait3A_110 = tpu.memref_squeeze %dma_wait3A_109 : memref<1x2x128xf32, #tpu.memory_space<vmem>> -> memref<2x128xf32, #tpu.memory_space<vmem>>
        %dma_wait3A_111 = arith.constant 0 : i32
        %dma_wait3A_112 = tpu.memref_slice %arg5[%add3A_35, %dma_wait3A_111] : memref<12544x128xf32, #tpu.memory_space<hbm>> -> memref<2x128xf32, #tpu.memory_space<hbm>>
        tpu.wait_dma2 semaphore(%run_scoped3A_89 : memref<!tpu.dma_semaphore, #tpu.memory_space<semaphore_mem>>) src(%dma_wait3A_112 : memref<2x128xf32, #tpu.memory_space<hbm>>) dst(%dma_wait3A_110 : memref<2x128xf32, #tpu.memory_space<vmem>>)
        tpu.yield
      }) : () -> ()
    } else {
    }
    %mul3A_69 = arith.constant 3136 : i32
    %mul3A_70 = arith.muli %arg1, %mul3A_69 : i32
    "tpu.region"() ({
      %run_scoped3A_88 = tpu.sem_alloc : memref<!tpu.dma_semaphore, #tpu.memory_space<semaphore_mem>>
      %dma_start3A_89 = arith.constant 0 : i32
      %dma_start3A_90 = tpu.memref_slice %arg11[%mul3A_70, %dma_start3A_89] : memref<50176x32xf32, #tpu.memory_space<vmem_shared>> -> memref<3136x32xf32, #tpu.memory_space<vmem_shared>>
      tpu.enqueue_dma source(%arg7 : memref<3136x32xf32, #tpu.memory_space<hbm>>) target(%dma_start3A_90 : memref<3136x32xf32, #tpu.memory_space<vmem_shared>>) target_semaphore(%run_scoped3A_88 : memref<!tpu.dma_semaphore, #tpu.memory_space<semaphore_mem>>)
      %dma_wait3A = arith.constant 0 : i32
      %dma_wait3A_91 = tpu.memref_slice %arg11[%mul3A_70, %dma_wait3A] : memref<50176x32xf32, #tpu.memory_space<vmem_shared>> -> memref<3136x32xf32, #tpu.memory_space<vmem_shared>>
      tpu.wait_dma2 semaphore(%run_scoped3A_88 : memref<!tpu.dma_semaphore, #tpu.memory_space<semaphore_mem>>) src(%arg7 : memref<3136x32xf32, #tpu.memory_space<hbm>>) dst(%dma_wait3A_91 : memref<3136x32xf32, #tpu.memory_space<vmem_shared>>)
      tpu.yield
    }) : () -> ()
    %mul3A_71 = arith.constant 3136 : i32
    %mul3A_72 = arith.muli %arg1, %mul3A_71 : i32
    "tpu.region"() ({
      %run_scoped3A_88 = tpu.sem_alloc : memref<!tpu.dma_semaphore, #tpu.memory_space<semaphore_mem>>
      %dma_start3A_89 = tpu.memref_slice %arg12[%mul3A_72] : memref<50176xf32, #tpu.memory_space<vmem_shared>> -> memref<3136xf32, #tpu.memory_space<vmem_shared>>
      tpu.enqueue_dma source(%arg8 : memref<3136xf32, #tpu.memory_space<hbm>>) target(%dma_start3A_89 : memref<3136xf32, #tpu.memory_space<vmem_shared>>) target_semaphore(%run_scoped3A_88 : memref<!tpu.dma_semaphore, #tpu.memory_space<semaphore_mem>>)
      %dma_wait3A = tpu.memref_slice %arg12[%mul3A_72] : memref<50176xf32, #tpu.memory_space<vmem_shared>> -> memref<3136xf32, #tpu.memory_space<vmem_shared>>
      tpu.wait_dma2 semaphore(%run_scoped3A_88 : memref<!tpu.dma_semaphore, #tpu.memory_space<semaphore_mem>>) src(%arg8 : memref<3136xf32, #tpu.memory_space<hbm>>) dst(%dma_wait3A : memref<3136xf32, #tpu.memory_space<vmem_shared>>)
      tpu.yield
    }) : () -> ()
    %barrier3A = arith.constant 0 : index
    tpu.barrier barrier_id(%barrier3A)
    %scan3A = arith.constant 0 : i32
    %scan3A_73 = arith.constant 0 : i32
    %scan3A_74 = arith.constant 196 : i32
    %scan3A_75 = arith.addi %scan3A_73, %scan3A_74 : i32
    %scan3A_76 = arith.constant 1 : i32
    scf.for %scan3A_88 = %scan3A_73 to %scan3A_75 step %scan3A_76  : i32 {
      %mul3A_89 = arith.constant 2 : i32
      %mul3A_90 = arith.muli %mul3A_89, %scan3A_88 : i32
      %dma_wait3A = arith.constant 0 : i32
      %dma_wait3A_91 = arith.constant 0 : i32
      %dma_wait3A_92 = arith.constant 0 : i32
      %dma_wait3A_93 = tpu.memref_slice %arg16[%dma_wait3A, %dma_wait3A_91, %dma_wait3A_92] : memref<2x256x32xf32, #tpu.memory_space<vmem>> -> memref<1x256x32xf32, #tpu.memory_space<vmem>>
      %dma_wait3A_94 = tpu.memref_squeeze %dma_wait3A_93 : memref<1x256x32xf32, #tpu.memory_space<vmem>> -> memref<256x32xf32, #tpu.memory_space<vmem>>
      %dma_wait3A_95 = arith.constant 0 : i32
      %dma_wait3A_96 = arith.constant 0 : i32
      %dma_wait3A_97 = tpu.memref_slice %arg2[%dma_wait3A_95, %dma_wait3A_96] : memref<100352x32xf32, #tpu.memory_space<hbm>> -> memref<256x32xf32, #tpu.memory_space<hbm>>
      %dma_wait3A_98 = arith.constant 0 : i32
      %dma_wait3A_99 = arith.constant 0 : i32
      %dma_wait3A_100 = tpu.memref_slice %arg16[%dma_wait3A, %dma_wait3A_98, %dma_wait3A_99] : memref<2x256x32xf32, #tpu.memory_space<vmem>> -> memref<1x256x32xf32, #tpu.memory_space<vmem>>
      %dma_wait3A_101 = tpu.memref_squeeze %dma_wait3A_100 : memref<1x256x32xf32, #tpu.memory_space<vmem>> -> memref<256x32xf32, #tpu.memory_space<vmem>>
      %dma_wait3A_102 = arith.constant 0 : i32
      %dma_wait3A_103 = arith.constant 0 : i32
      %dma_wait3A_104 = tpu.memref_slice %arg2[%dma_wait3A_102, %dma_wait3A_103] : memref<100352x32xf32, #tpu.memory_space<hbm>> -> memref<256x32xf32, #tpu.memory_space<hbm>>
      tpu.wait_dma2 semaphore(%arg19 : memref<!tpu.dma_semaphore, #tpu.memory_space<semaphore_mem>>) src(%dma_wait3A_104 : memref<256x32xf32, #tpu.memory_space<hbm>>) dst(%dma_wait3A_101 : memref<256x32xf32, #tpu.memory_space<vmem>>)
      %run_scoped3A_105 = arith.constant 0 : i32
      %run_scoped3A_106 = arith.constant 0 : i32
      %run_scoped3A_107 = arith.constant 0 : i32
      "tpu.region"() ({
        %run_scoped3A_159 = tpu.sem_alloc : memref<!tpu.dma_semaphore, #tpu.memory_space<semaphore_mem>>
        %dma_start3A_160 = arith.constant 0 : i32
        %dma_start3A_161 = arith.constant 0 : i32
        %dma_start3A_162 = tpu.memref_slice %arg16[%run_scoped3A_105, %dma_start3A_160, %dma_start3A_161] : memref<2x256x32xf32, #tpu.memory_space<vmem>> -> memref<1x128x32xf32, #tpu.memory_space<vmem>>
        %dma_start3A_163 = tpu.memref_squeeze %dma_start3A_162 : memref<1x128x32xf32, #tpu.memory_space<vmem>> -> memref<128x32xf32, #tpu.memory_space<vmem>>
        %dma_start3A_164 = arith.constant 0 : i32
        %dma_start3A_165 = tpu.memref_slice %arg13[%run_scoped3A_106, %run_scoped3A_107, %dma_start3A_164] : memref<2x2x128xi32, #tpu.memory_space<vmem>> -> memref<1x1x128xi32, #tpu.memory_space<vmem>>
        %dma_start3A_166 = tpu.memref_squeeze %dma_start3A_165 : memref<1x1x128xi32, #tpu.memory_space<vmem>> -> memref<128xi32, #tpu.memory_space<vmem>>
        %dma_start3A_167 = arith.constant 0 : i32
        %dma_start3A_168 = arith.constant 0 : i32
        %dma_start3A_169 = tpu.memref_slice %arg11[%dma_start3A_167, %dma_start3A_168] : memref<50176x32xf32, #tpu.memory_space<vmem_shared>> -> memref<50176x32xf32, #tpu.memory_space<vmem_shared>>
        tpu.enqueue_indirect_dma source(%dma_start3A_163 : memref<128x32xf32, #tpu.memory_space<vmem>>) target(%dma_start3A_169 : memref<50176x32xf32, #tpu.memory_space<vmem_shared>>) offsets(%dma_start3A_166 : memref<128xi32, #tpu.memory_space<vmem>>) semaphore(%run_scoped3A_159 : memref<!tpu.dma_semaphore, #tpu.memory_space<semaphore_mem>>) {add = true}
        %dma_wait3A_170 = arith.constant 0 : i32
        %dma_wait3A_171 = arith.constant 0 : i32
        %dma_wait3A_172 = tpu.memref_slice %arg16[%run_scoped3A_105, %dma_wait3A_170, %dma_wait3A_171] : memref<2x256x32xf32, #tpu.memory_space<vmem>> -> memref<1x128x32xf32, #tpu.memory_space<vmem>>
        %dma_wait3A_173 = tpu.memref_squeeze %dma_wait3A_172 : memref<1x128x32xf32, #tpu.memory_space<vmem>> -> memref<128x32xf32, #tpu.memory_space<vmem>>
        %dma_wait3A_174 = arith.constant 0 : i32
        %dma_wait3A_175 = tpu.memref_slice %arg13[%run_scoped3A_106, %run_scoped3A_107, %dma_wait3A_174] : memref<2x2x128xi32, #tpu.memory_space<vmem>> -> memref<1x1x128xi32, #tpu.memory_space<vmem>>
        %dma_wait3A_176 = tpu.memref_squeeze %dma_wait3A_175 : memref<1x1x128xi32, #tpu.memory_space<vmem>> -> memref<128xi32, #tpu.memory_space<vmem>>
        %dma_wait3A_177 = arith.constant 0 : i32
        %dma_wait3A_178 = arith.constant 0 : i32
        %dma_wait3A_179 = tpu.memref_slice %arg11[%dma_wait3A_177, %dma_wait3A_178] : memref<50176x32xf32, #tpu.memory_space<vmem_shared>> -> memref<50176x32xf32, #tpu.memory_space<vmem_shared>>
        tpu.wait_indirect_dma semaphore(%run_scoped3A_159 : memref<!tpu.dma_semaphore, #tpu.memory_space<semaphore_mem>>) src(%dma_wait3A_173 : memref<128x32xf32, #tpu.memory_space<vmem>>) dst(%dma_wait3A_179 : memref<50176x32xf32, #tpu.memory_space<vmem_shared>>)
        tpu.yield
      }) : () -> ()
      %run_scoped3A_108 = arith.constant 0 : i32
      %run_scoped3A_109 = arith.constant 0 : i32
      %run_scoped3A_110 = arith.constant 1 : i32
      "tpu.region"() ({
        %run_scoped3A_159 = tpu.sem_alloc : memref<!tpu.dma_semaphore, #tpu.memory_space<semaphore_mem>>
        %dma_start3A_160 = arith.constant 128 : i32
        %dma_start3A_161 = arith.constant 0 : i32
        %dma_start3A_162 = tpu.memref_slice %arg16[%run_scoped3A_108, %dma_start3A_160, %dma_start3A_161] : memref<2x256x32xf32, #tpu.memory_space<vmem>> -> memref<1x128x32xf32, #tpu.memory_space<vmem>>
        %dma_start3A_163 = tpu.memref_squeeze %dma_start3A_162 : memref<1x128x32xf32, #tpu.memory_space<vmem>> -> memref<128x32xf32, #tpu.memory_space<vmem>>
        %dma_start3A_164 = arith.constant 0 : i32
        %dma_start3A_165 = tpu.memref_slice %arg13[%run_scoped3A_109, %run_scoped3A_110, %dma_start3A_164] : memref<2x2x128xi32, #tpu.memory_space<vmem>> -> memref<1x1x128xi32, #tpu.memory_space<vmem>>
        %dma_start3A_166 = tpu.memref_squeeze %dma_start3A_165 : memref<1x1x128xi32, #tpu.memory_space<vmem>> -> memref<128xi32, #tpu.memory_space<vmem>>
        %dma_start3A_167 = arith.constant 0 : i32
        %dma_start3A_168 = arith.constant 0 : i32
        %dma_start3A_169 = tpu.memref_slice %arg11[%dma_start3A_167, %dma_start3A_168] : memref<50176x32xf32, #tpu.memory_space<vmem_shared>> -> memref<50176x32xf32, #tpu.memory_space<vmem_shared>>
        tpu.enqueue_indirect_dma source(%dma_start3A_163 : memref<128x32xf32, #tpu.memory_space<vmem>>) target(%dma_start3A_169 : memref<50176x32xf32, #tpu.memory_space<vmem_shared>>) offsets(%dma_start3A_166 : memref<128xi32, #tpu.memory_space<vmem>>) semaphore(%run_scoped3A_159 : memref<!tpu.dma_semaphore, #tpu.memory_space<semaphore_mem>>) {add = true}
        %dma_wait3A_170 = arith.constant 128 : i32
        %dma_wait3A_171 = arith.constant 0 : i32
        %dma_wait3A_172 = tpu.memref_slice %arg16[%run_scoped3A_108, %dma_wait3A_170, %dma_wait3A_171] : memref<2x256x32xf32, #tpu.memory_space<vmem>> -> memref<1x128x32xf32, #tpu.memory_space<vmem>>
        %dma_wait3A_173 = tpu.memref_squeeze %dma_wait3A_172 : memref<1x128x32xf32, #tpu.memory_space<vmem>> -> memref<128x32xf32, #tpu.memory_space<vmem>>
        %dma_wait3A_174 = arith.constant 0 : i32
        %dma_wait3A_175 = tpu.memref_slice %arg13[%run_scoped3A_109, %run_scoped3A_110, %dma_wait3A_174] : memref<2x2x128xi32, #tpu.memory_space<vmem>> -> memref<1x1x128xi32, #tpu.memory_space<vmem>>
        %dma_wait3A_176 = tpu.memref_squeeze %dma_wait3A_175 : memref<1x1x128xi32, #tpu.memory_space<vmem>> -> memref<128xi32, #tpu.memory_space<vmem>>
        %dma_wait3A_177 = arith.constant 0 : i32
        %dma_wait3A_178 = arith.constant 0 : i32
        %dma_wait3A_179 = tpu.memref_slice %arg11[%dma_wait3A_177, %dma_wait3A_178] : memref<50176x32xf32, #tpu.memory_space<vmem_shared>> -> memref<50176x32xf32, #tpu.memory_space<vmem_shared>>
        tpu.wait_indirect_dma semaphore(%run_scoped3A_159 : memref<!tpu.dma_semaphore, #tpu.memory_space<semaphore_mem>>) src(%dma_wait3A_173 : memref<128x32xf32, #tpu.memory_space<vmem>>) dst(%dma_wait3A_179 : memref<50176x32xf32, #tpu.memory_space<vmem_shared>>)
        tpu.yield
      }) : () -> ()
      %eq3A_111 = arith.constant 0 : i32
      %eq3A_112 = arith.cmpi eq, %arg0, %eq3A_111 : i32
      %convert_element_type3A_113 = arith.extui %eq3A_112 : i1 to i32
      %cond3A_114 = arith.constant 0 : i32
      %cond3A_115 = arith.cmpi ne, %convert_element_type3A_113, %cond3A_114 : i32
      scf.if %cond3A_115 {
        %run_scoped3A_159 = arith.constant 0 : i32
        %run_scoped3A_160 = arith.constant 0 : i32
        %run_scoped3A_161 = arith.constant 0 : i32
        %run_scoped3A_162 = arith.constant 0 : i32
        "tpu.region"() ({
          %run_scoped3A_167 = tpu.sem_alloc : memref<!tpu.dma_semaphore, #tpu.memory_space<semaphore_mem>>
          %dma_start3A_168 = arith.constant 0 : i32
          %dma_start3A_169 = tpu.memref_slice %arg17[%run_scoped3A_159, %run_scoped3A_160, %dma_start3A_168] : memref<2x2x128xf32, #tpu.memory_space<vmem>> -> memref<1x1x128xf32, #tpu.memory_space<vmem>>
          %dma_start3A_170 = tpu.memref_squeeze %dma_start3A_169 : memref<1x1x128xf32, #tpu.memory_space<vmem>> -> memref<128xf32, #tpu.memory_space<vmem>>
          %dma_start3A_171 = arith.constant 0 : i32
          %dma_start3A_172 = tpu.memref_slice %arg13[%run_scoped3A_161, %run_scoped3A_162, %dma_start3A_171] : memref<2x2x128xi32, #tpu.memory_space<vmem>> -> memref<1x1x128xi32, #tpu.memory_space<vmem>>
          %dma_start3A_173 = tpu.memref_squeeze %dma_start3A_172 : memref<1x1x128xi32, #tpu.memory_space<vmem>> -> memref<128xi32, #tpu.memory_space<vmem>>
          %dma_start3A_174 = arith.constant 0 : i32
          %dma_start3A_175 = tpu.memref_slice %arg12[%dma_start3A_174] : memref<50176xf32, #tpu.memory_space<vmem_shared>> -> memref<50176xf32, #tpu.memory_space<vmem_shared>>
          tpu.enqueue_indirect_dma source(%dma_start3A_170 : memref<128xf32, #tpu.memory_space<vmem>>) target(%dma_start3A_175 : memref<50176xf32, #tpu.memory_space<vmem_shared>>) offsets(%dma_start3A_173 : memref<128xi32, #tpu.memory_space<vmem>>) semaphore(%run_scoped3A_167 : memref<!tpu.dma_semaphore, #tpu.memory_space<semaphore_mem>>) {add = true}
          %dma_wait3A_176 = arith.constant 0 : i32
          %dma_wait3A_177 = tpu.memref_slice %arg17[%run_scoped3A_159, %run_scoped3A_160, %dma_wait3A_176] : memref<2x2x128xf32, #tpu.memory_space<vmem>> -> memref<1x1x128xf32, #tpu.memory_space<vmem>>
          %dma_wait3A_178 = tpu.memref_squeeze %dma_wait3A_177 : memref<1x1x128xf32, #tpu.memory_space<vmem>> -> memref<128xf32, #tpu.memory_space<vmem>>
          %dma_wait3A_179 = arith.constant 0 : i32
          %dma_wait3A_180 = tpu.memref_slice %arg13[%run_scoped3A_161, %run_scoped3A_162, %dma_wait3A_179] : memref<2x2x128xi32, #tpu.memory_space<vmem>> -> memref<1x1x128xi32, #tpu.memory_space<vmem>>
          %dma_wait3A_181 = tpu.memref_squeeze %dma_wait3A_180 : memref<1x1x128xi32, #tpu.memory_space<vmem>> -> memref<128xi32, #tpu.memory_space<vmem>>
          %dma_wait3A_182 = arith.constant 0 : i32
          %dma_wait3A_183 = tpu.memref_slice %arg12[%dma_wait3A_182] : memref<50176xf32, #tpu.memory_space<vmem_shared>> -> memref<50176xf32, #tpu.memory_space<vmem_shared>>
          tpu.wait_indirect_dma semaphore(%run_scoped3A_167 : memref<!tpu.dma_semaphore, #tpu.memory_space<semaphore_mem>>) src(%dma_wait3A_178 : memref<128xf32, #tpu.memory_space<vmem>>) dst(%dma_wait3A_183 : memref<50176xf32, #tpu.memory_space<vmem_shared>>)
          tpu.yield
        }) : () -> ()
        %run_scoped3A_163 = arith.constant 0 : i32
        %run_scoped3A_164 = arith.constant 1 : i32
        %run_scoped3A_165 = arith.constant 0 : i32
        %run_scoped3A_166 = arith.constant 1 : i32
        "tpu.region"() ({
          %run_scoped3A_167 = tpu.sem_alloc : memref<!tpu.dma_semaphore, #tpu.memory_space<semaphore_mem>>
          %dma_start3A_168 = arith.constant 0 : i32
          %dma_start3A_169 = tpu.memref_slice %arg17[%run_scoped3A_163, %run_scoped3A_164, %dma_start3A_168] : memref<2x2x128xf32, #tpu.memory_space<vmem>> -> memref<1x1x128xf32, #tpu.memory_space<vmem>>
          %dma_start3A_170 = tpu.memref_squeeze %dma_start3A_169 : memref<1x1x128xf32, #tpu.memory_space<vmem>> -> memref<128xf32, #tpu.memory_space<vmem>>
          %dma_start3A_171 = arith.constant 0 : i32
          %dma_start3A_172 = tpu.memref_slice %arg13[%run_scoped3A_165, %run_scoped3A_166, %dma_start3A_171] : memref<2x2x128xi32, #tpu.memory_space<vmem>> -> memref<1x1x128xi32, #tpu.memory_space<vmem>>
          %dma_start3A_173 = tpu.memref_squeeze %dma_start3A_172 : memref<1x1x128xi32, #tpu.memory_space<vmem>> -> memref<128xi32, #tpu.memory_space<vmem>>
          %dma_start3A_174 = arith.constant 0 : i32
          %dma_start3A_175 = tpu.memref_slice %arg12[%dma_start3A_174] : memref<50176xf32, #tpu.memory_space<vmem_shared>> -> memref<50176xf32, #tpu.memory_space<vmem_shared>>
          tpu.enqueue_indirect_dma source(%dma_start3A_170 : memref<128xf32, #tpu.memory_space<vmem>>) target(%dma_start3A_175 : memref<50176xf32, #tpu.memory_space<vmem_shared>>) offsets(%dma_start3A_173 : memref<128xi32, #tpu.memory_space<vmem>>) semaphore(%run_scoped3A_167 : memref<!tpu.dma_semaphore, #tpu.memory_space<semaphore_mem>>) {add = true}
          %dma_wait3A_176 = arith.constant 0 : i32
          %dma_wait3A_177 = tpu.memref_slice %arg17[%run_scoped3A_163, %run_scoped3A_164, %dma_wait3A_176] : memref<2x2x128xf32, #tpu.memory_space<vmem>> -> memref<1x1x128xf32, #tpu.memory_space<vmem>>
          %dma_wait3A_178 = tpu.memref_squeeze %dma_wait3A_177 : memref<1x1x128xf32, #tpu.memory_space<vmem>> -> memref<128xf32, #tpu.memory_space<vmem>>
          %dma_wait3A_179 = arith.constant 0 : i32
          %dma_wait3A_180 = tpu.memref_slice %arg13[%run_scoped3A_165, %run_scoped3A_166, %dma_wait3A_179] : memref<2x2x128xi32, #tpu.memory_space<vmem>> -> memref<1x1x128xi32, #tpu.memory_space<vmem>>
          %dma_wait3A_181 = tpu.memref_squeeze %dma_wait3A_180 : memref<1x1x128xi32, #tpu.memory_space<vmem>> -> memref<128xi32, #tpu.memory_space<vmem>>
          %dma_wait3A_182 = arith.constant 0 : i32
          %dma_wait3A_183 = tpu.memref_slice %arg12[%dma_wait3A_182] : memref<50176xf32, #tpu.memory_space<vmem_shared>> -> memref<50176xf32, #tpu.memory_space<vmem_shared>>
          tpu.wait_indirect_dma semaphore(%run_scoped3A_167 : memref<!tpu.dma_semaphore, #tpu.memory_space<semaphore_mem>>) src(%dma_wait3A_178 : memref<128xf32, #tpu.memory_space<vmem>>) dst(%dma_wait3A_183 : memref<50176xf32, #tpu.memory_space<vmem_shared>>)
          tpu.yield
        }) : () -> ()
      } else {
      }
      %add3A_116 = arith.constant 2 : i32
      %add3A_117 = arith.addi %mul3A_90, %add3A_116 : i32
      %lt3A = arith.constant 392 : i32
      %lt3A_118 = arith.cmpi slt, %add3A_117, %lt3A : i32
      %convert_element_type3A_119 = arith.extui %lt3A_118 : i1 to i32
      %cond3A_120 = arith.constant 0 : i32
      %cond3A_121 = arith.cmpi ne, %convert_element_type3A_119, %cond3A_120 : i32
      scf.if %cond3A_121 {
        %add3A_159 = arith.constant 2 : i32
        %add3A_160 = arith.addi %mul3A_90, %add3A_159 : i32
        %mul3A_161 = arith.constant 784 : i32
        %mul3A_162 = arith.muli %arg1, %mul3A_161 : i32
        %mul3A_163 = arith.constant 2 : i32
        %mul3A_164 = arith.muli %add3A_160, %mul3A_163 : i32
        %add3A_165 = arith.addi %mul3A_162, %mul3A_164 : i32
        %run_scoped3A_166 = arith.constant 0 : i32
        "tpu.region"() ({
          %run_scoped3A_199 = tpu.sem_alloc : memref<!tpu.dma_semaphore, #tpu.memory_space<semaphore_mem>>
          %dma_start3A_200 = arith.constant 0 : i32
          %dma_start3A_201 = arith.constant 0 : i32
          %dma_start3A_202 = tpu.memref_slice %arg13[%run_scoped3A_166, %dma_start3A_200, %dma_start3A_201] : memref<2x2x128xi32, #tpu.memory_space<vmem>> -> memref<1x2x128xi32, #tpu.memory_space<vmem>>
          %dma_start3A_203 = tpu.memref_squeeze %dma_start3A_202 : memref<1x2x128xi32, #tpu.memory_space<vmem>> -> memref<2x128xi32, #tpu.memory_space<vmem>>
          %dma_start3A_204 = arith.constant 0 : i32
          %dma_start3A_205 = tpu.memref_slice %arg3[%add3A_165, %dma_start3A_204] : memref<12544x128xi32, #tpu.memory_space<hbm>> -> memref<2x128xi32, #tpu.memory_space<hbm>>
          %dma_start3A_206 = arith.constant 0 : i32
          %dma_start3A_207 = arith.constant 0 : i32
          %dma_start3A_208 = tpu.memref_slice %arg13[%run_scoped3A_166, %dma_start3A_206, %dma_start3A_207] : memref<2x2x128xi32, #tpu.memory_space<vmem>> -> memref<1x2x128xi32, #tpu.memory_space<vmem>>
          %dma_start3A_209 = tpu.memref_squeeze %dma_start3A_208 : memref<1x2x128xi32, #tpu.memory_space<vmem>> -> memref<2x128xi32, #tpu.memory_space<vmem>>
          %dma_start3A_210 = arith.constant 0 : i32
          %dma_start3A_211 = tpu.memref_slice %arg3[%add3A_165, %dma_start3A_210] : memref<12544x128xi32, #tpu.memory_space<hbm>> -> memref<2x128xi32, #tpu.memory_space<hbm>>
          tpu.enqueue_dma source(%dma_start3A_211 : memref<2x128xi32, #tpu.memory_space<hbm>>) target(%dma_start3A_209 : memref<2x128xi32, #tpu.memory_space<vmem>>) target_semaphore(%run_scoped3A_199 : memref<!tpu.dma_semaphore, #tpu.memory_space<semaphore_mem>>)
          %dma_wait3A_212 = arith.constant 0 : i32
          %dma_wait3A_213 = arith.constant 0 : i32
          %dma_wait3A_214 = tpu.memref_slice %arg13[%run_scoped3A_166, %dma_wait3A_212, %dma_wait3A_213] : memref<2x2x128xi32, #tpu.memory_space<vmem>> -> memref<1x2x128xi32, #tpu.memory_space<vmem>>
          %dma_wait3A_215 = tpu.memref_squeeze %dma_wait3A_214 : memref<1x2x128xi32, #tpu.memory_space<vmem>> -> memref<2x128xi32, #tpu.memory_space<vmem>>
          %dma_wait3A_216 = arith.constant 0 : i32
          %dma_wait3A_217 = tpu.memref_slice %arg3[%add3A_165, %dma_wait3A_216] : memref<12544x128xi32, #tpu.memory_space<hbm>> -> memref<2x128xi32, #tpu.memory_space<hbm>>
          %dma_wait3A_218 = arith.constant 0 : i32
          %dma_wait3A_219 = arith.constant 0 : i32
          %dma_wait3A_220 = tpu.memref_slice %arg13[%run_scoped3A_166, %dma_wait3A_218, %dma_wait3A_219] : memref<2x2x128xi32, #tpu.memory_space<vmem>> -> memref<1x2x128xi32, #tpu.memory_space<vmem>>
          %dma_wait3A_221 = tpu.memref_squeeze %dma_wait3A_220 : memref<1x2x128xi32, #tpu.memory_space<vmem>> -> memref<2x128xi32, #tpu.memory_space<vmem>>
          %dma_wait3A_222 = arith.constant 0 : i32
          %dma_wait3A_223 = tpu.memref_slice %arg3[%add3A_165, %dma_wait3A_222] : memref<12544x128xi32, #tpu.memory_space<hbm>> -> memref<2x128xi32, #tpu.memory_space<hbm>>
          tpu.wait_dma2 semaphore(%run_scoped3A_199 : memref<!tpu.dma_semaphore, #tpu.memory_space<semaphore_mem>>) src(%dma_wait3A_223 : memref<2x128xi32, #tpu.memory_space<hbm>>) dst(%dma_wait3A_221 : memref<2x128xi32, #tpu.memory_space<vmem>>)
          tpu.yield
        }) : () -> ()
        %run_scoped3A_167 = arith.constant 0 : i32
        "tpu.region"() ({
          %run_scoped3A_199 = tpu.sem_alloc : memref<!tpu.dma_semaphore, #tpu.memory_space<semaphore_mem>>
          %dma_start3A_200 = arith.constant 0 : i32
          %dma_start3A_201 = arith.constant 0 : i32
          %dma_start3A_202 = tpu.memref_slice %arg14[%run_scoped3A_167, %dma_start3A_200, %dma_start3A_201] : memref<2x2x128xi32, #tpu.memory_space<vmem>> -> memref<1x2x128xi32, #tpu.memory_space<vmem>>
          %dma_start3A_203 = tpu.memref_squeeze %dma_start3A_202 : memref<1x2x128xi32, #tpu.memory_space<vmem>> -> memref<2x128xi32, #tpu.memory_space<vmem>>
          %dma_start3A_204 = arith.constant 0 : i32
          %dma_start3A_205 = tpu.memref_slice %arg4[%add3A_0, %add3A_165, %dma_start3A_204] : memref<2x12544x128xi32, #tpu.memory_space<hbm>> -> memref<1x2x128xi32, #tpu.memory_space<hbm>>
          %dma_start3A_206 = tpu.memref_squeeze %dma_start3A_205 : memref<1x2x128xi32, #tpu.memory_space<hbm>> -> memref<2x128xi32, #tpu.memory_space<hbm>>
          %dma_start3A_207 = arith.constant 0 : i32
          %dma_start3A_208 = arith.constant 0 : i32
          %dma_start3A_209 = tpu.memref_slice %arg14[%run_scoped3A_167, %dma_start3A_207, %dma_start3A_208] : memref<2x2x128xi32, #tpu.memory_space<vmem>> -> memref<1x2x128xi32, #tpu.memory_space<vmem>>
          %dma_start3A_210 = tpu.memref_squeeze %dma_start3A_209 : memref<1x2x128xi32, #tpu.memory_space<vmem>> -> memref<2x128xi32, #tpu.memory_space<vmem>>
          %dma_start3A_211 = arith.constant 0 : i32
          %dma_start3A_212 = tpu.memref_slice %arg4[%add3A_0, %add3A_165, %dma_start3A_211] : memref<2x12544x128xi32, #tpu.memory_space<hbm>> -> memref<1x2x128xi32, #tpu.memory_space<hbm>>
          %dma_start3A_213 = tpu.memref_squeeze %dma_start3A_212 : memref<1x2x128xi32, #tpu.memory_space<hbm>> -> memref<2x128xi32, #tpu.memory_space<hbm>>
          tpu.enqueue_dma source(%dma_start3A_213 : memref<2x128xi32, #tpu.memory_space<hbm>>) target(%dma_start3A_210 : memref<2x128xi32, #tpu.memory_space<vmem>>) target_semaphore(%run_scoped3A_199 : memref<!tpu.dma_semaphore, #tpu.memory_space<semaphore_mem>>)
          %dma_wait3A_214 = arith.constant 0 : i32
          %dma_wait3A_215 = arith.constant 0 : i32
          %dma_wait3A_216 = tpu.memref_slice %arg14[%run_scoped3A_167, %dma_wait3A_214, %dma_wait3A_215] : memref<2x2x128xi32, #tpu.memory_space<vmem>> -> memref<1x2x128xi32, #tpu.memory_space<vmem>>
          %dma_wait3A_217 = tpu.memref_squeeze %dma_wait3A_216 : memref<1x2x128xi32, #tpu.memory_space<vmem>> -> memref<2x128xi32, #tpu.memory_space<vmem>>
          %dma_wait3A_218 = arith.constant 0 : i32
          %dma_wait3A_219 = tpu.memref_slice %arg4[%add3A_0, %add3A_165, %dma_wait3A_218] : memref<2x12544x128xi32, #tpu.memory_space<hbm>> -> memref<1x2x128xi32, #tpu.memory_space<hbm>>
          %dma_wait3A_220 = tpu.memref_squeeze %dma_wait3A_219 : memref<1x2x128xi32, #tpu.memory_space<hbm>> -> memref<2x128xi32, #tpu.memory_space<hbm>>
          %dma_wait3A_221 = arith.constant 0 : i32
          %dma_wait3A_222 = arith.constant 0 : i32
          %dma_wait3A_223 = tpu.memref_slice %arg14[%run_scoped3A_167, %dma_wait3A_221, %dma_wait3A_222] : memref<2x2x128xi32, #tpu.memory_space<vmem>> -> memref<1x2x128xi32, #tpu.memory_space<vmem>>
          %dma_wait3A_224 = tpu.memref_squeeze %dma_wait3A_223 : memref<1x2x128xi32, #tpu.memory_space<vmem>> -> memref<2x128xi32, #tpu.memory_space<vmem>>
          %dma_wait3A_225 = arith.constant 0 : i32
          %dma_wait3A_226 = tpu.memref_slice %arg4[%add3A_0, %add3A_165, %dma_wait3A_225] : memref<2x12544x128xi32, #tpu.memory_space<hbm>> -> memref<1x2x128xi32, #tpu.memory_space<hbm>>
          %dma_wait3A_227 = tpu.memref_squeeze %dma_wait3A_226 : memref<1x2x128xi32, #tpu.memory_space<hbm>> -> memref<2x128xi32, #tpu.memory_space<hbm>>
          tpu.wait_dma2 semaphore(%run_scoped3A_199 : memref<!tpu.dma_semaphore, #tpu.memory_space<semaphore_mem>>) src(%dma_wait3A_227 : memref<2x128xi32, #tpu.memory_space<hbm>>) dst(%dma_wait3A_224 : memref<2x128xi32, #tpu.memory_space<vmem>>)
          tpu.yield
        }) : () -> ()
        %dma_start3A_168 = arith.constant 0 : i32
        %dma_start3A_169 = arith.constant 0 : i32
        %dma_start3A_170 = arith.constant 0 : i32
        %dma_start3A_171 = arith.constant 0 : i32
        %dma_start3A_172 = arith.constant 0 : i32
        %dma_start3A_173 = tpu.memref_slice %arg16[%dma_start3A_170, %dma_start3A_171, %dma_start3A_172] : memref<2x256x32xf32, #tpu.memory_space<vmem>> -> memref<1x128x32xf32, #tpu.memory_space<vmem>>
        %dma_start3A_174 = tpu.memref_squeeze %dma_start3A_173 : memref<1x128x32xf32, #tpu.memory_space<vmem>> -> memref<128x32xf32, #tpu.memory_space<vmem>>
        %dma_start3A_175 = arith.constant 0 : i32
        %dma_start3A_176 = tpu.memref_slice %arg14[%dma_start3A_168, %dma_start3A_169, %dma_start3A_175] : memref<2x2x128xi32, #tpu.memory_space<vmem>> -> memref<1x1x128xi32, #tpu.memory_space<vmem>>
        %dma_start3A_177 = tpu.memref_squeeze %dma_start3A_176 : memref<1x1x128xi32, #tpu.memory_space<vmem>> -> memref<128xi32, #tpu.memory_space<vmem>>
        %dma_start3A_178 = arith.constant 0 : i32
        %dma_start3A_179 = arith.constant 0 : i32
        %dma_start3A_180 = tpu.memref_slice %arg2[%dma_start3A_178, %dma_start3A_179] : memref<100352x32xf32, #tpu.memory_space<hbm>> -> memref<100352x32xf32, #tpu.memory_space<hbm>>
        tpu.enqueue_indirect_dma source(%dma_start3A_180 : memref<100352x32xf32, #tpu.memory_space<hbm>>) target(%dma_start3A_174 : memref<128x32xf32, #tpu.memory_space<vmem>>) offsets(%dma_start3A_177 : memref<128xi32, #tpu.memory_space<vmem>>) semaphore(%arg19 : memref<!tpu.dma_semaphore, #tpu.memory_space<semaphore_mem>>)
        %dma_start3A_181 = arith.constant 0 : i32
        %dma_start3A_182 = arith.constant 1 : i32
        %dma_start3A_183 = arith.constant 0 : i32
        %dma_start3A_184 = arith.constant 128 : i32
        %dma_start3A_185 = arith.constant 0 : i32
        %dma_start3A_186 = tpu.memref_slice %arg16[%dma_start3A_183, %dma_start3A_184, %dma_start3A_185] : memref<2x256x32xf32, #tpu.memory_space<vmem>> -> memref<1x128x32xf32, #tpu.memory_space<vmem>>
        %dma_start3A_187 = tpu.memref_squeeze %dma_start3A_186 : memref<1x128x32xf32, #tpu.memory_space<vmem>> -> memref<128x32xf32, #tpu.memory_space<vmem>>
        %dma_start3A_188 = arith.constant 0 : i32
        %dma_start3A_189 = tpu.memref_slice %arg14[%dma_start3A_181, %dma_start3A_182, %dma_start3A_188] : memref<2x2x128xi32, #tpu.memory_space<vmem>> -> memref<1x1x128xi32, #tpu.memory_space<vmem>>
        %dma_start3A_190 = tpu.memref_squeeze %dma_start3A_189 : memref<1x1x128xi32, #tpu.memory_space<vmem>> -> memref<128xi32, #tpu.memory_space<vmem>>
        %dma_start3A_191 = arith.constant 0 : i32
        %dma_start3A_192 = arith.constant 0 : i32
        %dma_start3A_193 = tpu.memref_slice %arg2[%dma_start3A_191, %dma_start3A_192] : memref<100352x32xf32, #tpu.memory_space<hbm>> -> memref<100352x32xf32, #tpu.memory_space<hbm>>
        tpu.enqueue_indirect_dma source(%dma_start3A_193 : memref<100352x32xf32, #tpu.memory_space<hbm>>) target(%dma_start3A_187 : memref<128x32xf32, #tpu.memory_space<vmem>>) offsets(%dma_start3A_190 : memref<128xi32, #tpu.memory_space<vmem>>) semaphore(%arg19 : memref<!tpu.dma_semaphore, #tpu.memory_space<semaphore_mem>>)
        %eq3A_194 = arith.constant 0 : i32
        %eq3A_195 = arith.cmpi eq, %arg0, %eq3A_194 : i32
        %convert_element_type3A_196 = arith.extui %eq3A_195 : i1 to i32
        %cond3A_197 = arith.constant 0 : i32
        %cond3A_198 = arith.cmpi ne, %convert_element_type3A_196, %cond3A_197 : i32
        scf.if %cond3A_198 {
          %run_scoped3A_199 = arith.constant 0 : i32
          "tpu.region"() ({
            %run_scoped3A_200 = tpu.sem_alloc : memref<!tpu.dma_semaphore, #tpu.memory_space<semaphore_mem>>
            %dma_start3A_201 = arith.constant 0 : i32
            %dma_start3A_202 = arith.constant 0 : i32
            %dma_start3A_203 = tpu.memref_slice %arg17[%run_scoped3A_199, %dma_start3A_201, %dma_start3A_202] : memref<2x2x128xf32, #tpu.memory_space<vmem>> -> memref<1x2x128xf32, #tpu.memory_space<vmem>>
            %dma_start3A_204 = tpu.memref_squeeze %dma_start3A_203 : memref<1x2x128xf32, #tpu.memory_space<vmem>> -> memref<2x128xf32, #tpu.memory_space<vmem>>
            %dma_start3A_205 = arith.constant 0 : i32
            %dma_start3A_206 = tpu.memref_slice %arg5[%add3A_165, %dma_start3A_205] : memref<12544x128xf32, #tpu.memory_space<hbm>> -> memref<2x128xf32, #tpu.memory_space<hbm>>
            %dma_start3A_207 = arith.constant 0 : i32
            %dma_start3A_208 = arith.constant 0 : i32
            %dma_start3A_209 = tpu.memref_slice %arg17[%run_scoped3A_199, %dma_start3A_207, %dma_start3A_208] : memref<2x2x128xf32, #tpu.memory_space<vmem>> -> memref<1x2x128xf32, #tpu.memory_space<vmem>>
            %dma_start3A_210 = tpu.memref_squeeze %dma_start3A_209 : memref<1x2x128xf32, #tpu.memory_space<vmem>> -> memref<2x128xf32, #tpu.memory_space<vmem>>
            %dma_start3A_211 = arith.constant 0 : i32
            %dma_start3A_212 = tpu.memref_slice %arg5[%add3A_165, %dma_start3A_211] : memref<12544x128xf32, #tpu.memory_space<hbm>> -> memref<2x128xf32, #tpu.memory_space<hbm>>
            tpu.enqueue_dma source(%dma_start3A_212 : memref<2x128xf32, #tpu.memory_space<hbm>>) target(%dma_start3A_210 : memref<2x128xf32, #tpu.memory_space<vmem>>) target_semaphore(%run_scoped3A_200 : memref<!tpu.dma_semaphore, #tpu.memory_space<semaphore_mem>>)
            %dma_wait3A_213 = arith.constant 0 : i32
            %dma_wait3A_214 = arith.constant 0 : i32
            %dma_wait3A_215 = tpu.memref_slice %arg17[%run_scoped3A_199, %dma_wait3A_213, %dma_wait3A_214] : memref<2x2x128xf32, #tpu.memory_space<vmem>> -> memref<1x2x128xf32, #tpu.memory_space<vmem>>
            %dma_wait3A_216 = tpu.memref_squeeze %dma_wait3A_215 : memref<1x2x128xf32, #tpu.memory_space<vmem>> -> memref<2x128xf32, #tpu.memory_space<vmem>>
            %dma_wait3A_217 = arith.constant 0 : i32
            %dma_wait3A_218 = tpu.memref_slice %arg5[%add3A_165, %dma_wait3A_217] : memref<12544x128xf32, #tpu.memory_space<hbm>> -> memref<2x128xf32, #tpu.memory_space<hbm>>
            %dma_wait3A_219 = arith.constant 0 : i32
            %dma_wait3A_220 = arith.constant 0 : i32
            %dma_wait3A_221 = tpu.memref_slice %arg17[%run_scoped3A_199, %dma_wait3A_219, %dma_wait3A_220] : memref<2x2x128xf32, #tpu.memory_space<vmem>> -> memref<1x2x128xf32, #tpu.memory_space<vmem>>
            %dma_wait3A_222 = tpu.memref_squeeze %dma_wait3A_221 : memref<1x2x128xf32, #tpu.memory_space<vmem>> -> memref<2x128xf32, #tpu.memory_space<vmem>>
            %dma_wait3A_223 = arith.constant 0 : i32
            %dma_wait3A_224 = tpu.memref_slice %arg5[%add3A_165, %dma_wait3A_223] : memref<12544x128xf32, #tpu.memory_space<hbm>> -> memref<2x128xf32, #tpu.memory_space<hbm>>
            tpu.wait_dma2 semaphore(%run_scoped3A_200 : memref<!tpu.dma_semaphore, #tpu.memory_space<semaphore_mem>>) src(%dma_wait3A_224 : memref<2x128xf32, #tpu.memory_space<hbm>>) dst(%dma_wait3A_222 : memref<2x128xf32, #tpu.memory_space<vmem>>)
            tpu.yield
          }) : () -> ()
        } else {
        }
      } else {
      }
      %mul3A_122 = arith.constant 2 : i32
      %mul3A_123 = arith.muli %mul3A_122, %scan3A_88 : i32
      %add3A_124 = arith.constant 1 : i32
      %add3A_125 = arith.addi %mul3A_123, %add3A_124 : i32
      %dma_wait3A_126 = arith.constant 1 : i32
      %dma_wait3A_127 = arith.constant 0 : i32
      %dma_wait3A_128 = arith.constant 0 : i32
      %dma_wait3A_129 = tpu.memref_slice %arg16[%dma_wait3A_126, %dma_wait3A_127, %dma_wait3A_128] : memref<2x256x32xf32, #tpu.memory_space<vmem>> -> memref<1x256x32xf32, #tpu.memory_space<vmem>>
      %dma_wait3A_130 = tpu.memref_squeeze %dma_wait3A_129 : memref<1x256x32xf32, #tpu.memory_space<vmem>> -> memref<256x32xf32, #tpu.memory_space<vmem>>
      %dma_wait3A_131 = arith.constant 0 : i32
      %dma_wait3A_132 = arith.constant 0 : i32
      %dma_wait3A_133 = tpu.memref_slice %arg2[%dma_wait3A_131, %dma_wait3A_132] : memref<100352x32xf32, #tpu.memory_space<hbm>> -> memref<256x32xf32, #tpu.memory_space<hbm>>
      %dma_wait3A_134 = arith.constant 0 : i32
      %dma_wait3A_135 = arith.constant 0 : i32
      %dma_wait3A_136 = tpu.memref_slice %arg16[%dma_wait3A_126, %dma_wait3A_134, %dma_wait3A_135] : memref<2x256x32xf32, #tpu.memory_space<vmem>> -> memref<1x256x32xf32, #tpu.memory_space<vmem>>
      %dma_wait3A_137 = tpu.memref_squeeze %dma_wait3A_136 : memref<1x256x32xf32, #tpu.memory_space<vmem>> -> memref<256x32xf32, #tpu.memory_space<vmem>>
      %dma_wait3A_138 = arith.constant 0 : i32
      %dma_wait3A_139 = arith.constant 0 : i32
      %dma_wait3A_140 = tpu.memref_slice %arg2[%dma_wait3A_138, %dma_wait3A_139] : memref<100352x32xf32, #tpu.memory_space<hbm>> -> memref<256x32xf32, #tpu.memory_space<hbm>>
      tpu.wait_dma2 semaphore(%arg20 : memref<!tpu.dma_semaphore, #tpu.memory_space<semaphore_mem>>) src(%dma_wait3A_140 : memref<256x32xf32, #tpu.memory_space<hbm>>) dst(%dma_wait3A_137 : memref<256x32xf32, #tpu.memory_space<vmem>>)
      %run_scoped3A_141 = arith.constant 1 : i32
      %run_scoped3A_142 = arith.constant 1 : i32
      %run_scoped3A_143 = arith.constant 0 : i32
      "tpu.region"() ({
        %run_scoped3A_159 = tpu.sem_alloc : memref<!tpu.dma_semaphore, #tpu.memory_space<semaphore_mem>>
        %dma_start3A_160 = arith.constant 0 : i32
        %dma_start3A_161 = arith.constant 0 : i32
        %dma_start3A_162 = tpu.memref_slice %arg16[%run_scoped3A_141, %dma_start3A_160, %dma_start3A_161] : memref<2x256x32xf32, #tpu.memory_space<vmem>> -> memref<1x128x32xf32, #tpu.memory_space<vmem>>
        %dma_start3A_163 = tpu.memref_squeeze %dma_start3A_162 : memref<1x128x32xf32, #tpu.memory_space<vmem>> -> memref<128x32xf32, #tpu.memory_space<vmem>>
        %dma_start3A_164 = arith.constant 0 : i32
        %dma_start3A_165 = tpu.memref_slice %arg13[%run_scoped3A_142, %run_scoped3A_143, %dma_start3A_164] : memref<2x2x128xi32, #tpu.memory_space<vmem>> -> memref<1x1x128xi32, #tpu.memory_space<vmem>>
        %dma_start3A_166 = tpu.memref_squeeze %dma_start3A_165 : memref<1x1x128xi32, #tpu.memory_space<vmem>> -> memref<128xi32, #tpu.memory_space<vmem>>
        %dma_start3A_167 = arith.constant 0 : i32
        %dma_start3A_168 = arith.constant 0 : i32
        %dma_start3A_169 = tpu.memref_slice %arg11[%dma_start3A_167, %dma_start3A_168] : memref<50176x32xf32, #tpu.memory_space<vmem_shared>> -> memref<50176x32xf32, #tpu.memory_space<vmem_shared>>
        tpu.enqueue_indirect_dma source(%dma_start3A_163 : memref<128x32xf32, #tpu.memory_space<vmem>>) target(%dma_start3A_169 : memref<50176x32xf32, #tpu.memory_space<vmem_shared>>) offsets(%dma_start3A_166 : memref<128xi32, #tpu.memory_space<vmem>>) semaphore(%run_scoped3A_159 : memref<!tpu.dma_semaphore, #tpu.memory_space<semaphore_mem>>) {add = true}
        %dma_wait3A_170 = arith.constant 0 : i32
        %dma_wait3A_171 = arith.constant 0 : i32
        %dma_wait3A_172 = tpu.memref_slice %arg16[%run_scoped3A_141, %dma_wait3A_170, %dma_wait3A_171] : memref<2x256x32xf32, #tpu.memory_space<vmem>> -> memref<1x128x32xf32, #tpu.memory_space<vmem>>
        %dma_wait3A_173 = tpu.memref_squeeze %dma_wait3A_172 : memref<1x128x32xf32, #tpu.memory_space<vmem>> -> memref<128x32xf32, #tpu.memory_space<vmem>>
        %dma_wait3A_174 = arith.constant 0 : i32
        %dma_wait3A_175 = tpu.memref_slice %arg13[%run_scoped3A_142, %run_scoped3A_143, %dma_wait3A_174] : memref<2x2x128xi32, #tpu.memory_space<vmem>> -> memref<1x1x128xi32, #tpu.memory_space<vmem>>
        %dma_wait3A_176 = tpu.memref_squeeze %dma_wait3A_175 : memref<1x1x128xi32, #tpu.memory_space<vmem>> -> memref<128xi32, #tpu.memory_space<vmem>>
        %dma_wait3A_177 = arith.constant 0 : i32
        %dma_wait3A_178 = arith.constant 0 : i32
        %dma_wait3A_179 = tpu.memref_slice %arg11[%dma_wait3A_177, %dma_wait3A_178] : memref<50176x32xf32, #tpu.memory_space<vmem_shared>> -> memref<50176x32xf32, #tpu.memory_space<vmem_shared>>
        tpu.wait_indirect_dma semaphore(%run_scoped3A_159 : memref<!tpu.dma_semaphore, #tpu.memory_space<semaphore_mem>>) src(%dma_wait3A_173 : memref<128x32xf32, #tpu.memory_space<vmem>>) dst(%dma_wait3A_179 : memref<50176x32xf32, #tpu.memory_space<vmem_shared>>)
        tpu.yield
      }) : () -> ()
      %run_scoped3A_144 = arith.constant 1 : i32
      %run_scoped3A_145 = arith.constant 1 : i32
      %run_scoped3A_146 = arith.constant 1 : i32
      "tpu.region"() ({
        %run_scoped3A_159 = tpu.sem_alloc : memref<!tpu.dma_semaphore, #tpu.memory_space<semaphore_mem>>
        %dma_start3A_160 = arith.constant 128 : i32
        %dma_start3A_161 = arith.constant 0 : i32
        %dma_start3A_162 = tpu.memref_slice %arg16[%run_scoped3A_144, %dma_start3A_160, %dma_start3A_161] : memref<2x256x32xf32, #tpu.memory_space<vmem>> -> memref<1x128x32xf32, #tpu.memory_space<vmem>>
        %dma_start3A_163 = tpu.memref_squeeze %dma_start3A_162 : memref<1x128x32xf32, #tpu.memory_space<vmem>> -> memref<128x32xf32, #tpu.memory_space<vmem>>
        %dma_start3A_164 = arith.constant 0 : i32
        %dma_start3A_165 = tpu.memref_slice %arg13[%run_scoped3A_145, %run_scoped3A_146, %dma_start3A_164] : memref<2x2x128xi32, #tpu.memory_space<vmem>> -> memref<1x1x128xi32, #tpu.memory_space<vmem>>
        %dma_start3A_166 = tpu.memref_squeeze %dma_start3A_165 : memref<1x1x128xi32, #tpu.memory_space<vmem>> -> memref<128xi32, #tpu.memory_space<vmem>>
        %dma_start3A_167 = arith.constant 0 : i32
        %dma_start3A_168 = arith.constant 0 : i32
        %dma_start3A_169 = tpu.memref_slice %arg11[%dma_start3A_167, %dma_start3A_168] : memref<50176x32xf32, #tpu.memory_space<vmem_shared>> -> memref<50176x32xf32, #tpu.memory_space<vmem_shared>>
        tpu.enqueue_indirect_dma source(%dma_start3A_163 : memref<128x32xf32, #tpu.memory_space<vmem>>) target(%dma_start3A_169 : memref<50176x32xf32, #tpu.memory_space<vmem_shared>>) offsets(%dma_start3A_166 : memref<128xi32, #tpu.memory_space<vmem>>) semaphore(%run_scoped3A_159 : memref<!tpu.dma_semaphore, #tpu.memory_space<semaphore_mem>>) {add = true}
        %dma_wait3A_170 = arith.constant 128 : i32
        %dma_wait3A_171 = arith.constant 0 : i32
        %dma_wait3A_172 = tpu.memref_slice %arg16[%run_scoped3A_144, %dma_wait3A_170, %dma_wait3A_171] : memref<2x256x32xf32, #tpu.memory_space<vmem>> -> memref<1x128x32xf32, #tpu.memory_space<vmem>>
        %dma_wait3A_173 = tpu.memref_squeeze %dma_wait3A_172 : memref<1x128x32xf32, #tpu.memory_space<vmem>> -> memref<128x32xf32, #tpu.memory_space<vmem>>
        %dma_wait3A_174 = arith.constant 0 : i32
        %dma_wait3A_175 = tpu.memref_slice %arg13[%run_scoped3A_145, %run_scoped3A_146, %dma_wait3A_174] : memref<2x2x128xi32, #tpu.memory_space<vmem>> -> memref<1x1x128xi32, #tpu.memory_space<vmem>>
        %dma_wait3A_176 = tpu.memref_squeeze %dma_wait3A_175 : memref<1x1x128xi32, #tpu.memory_space<vmem>> -> memref<128xi32, #tpu.memory_space<vmem>>
        %dma_wait3A_177 = arith.constant 0 : i32
        %dma_wait3A_178 = arith.constant 0 : i32
        %dma_wait3A_179 = tpu.memref_slice %arg11[%dma_wait3A_177, %dma_wait3A_178] : memref<50176x32xf32, #tpu.memory_space<vmem_shared>> -> memref<50176x32xf32, #tpu.memory_space<vmem_shared>>
        tpu.wait_indirect_dma semaphore(%run_scoped3A_159 : memref<!tpu.dma_semaphore, #tpu.memory_space<semaphore_mem>>) src(%dma_wait3A_173 : memref<128x32xf32, #tpu.memory_space<vmem>>) dst(%dma_wait3A_179 : memref<50176x32xf32, #tpu.memory_space<vmem_shared>>)
        tpu.yield
      }) : () -> ()
      %eq3A_147 = arith.constant 1 : i32
      %eq3A_148 = arith.cmpi eq, %arg0, %eq3A_147 : i32
      %convert_element_type3A_149 = arith.extui %eq3A_148 : i1 to i32
      %cond3A_150 = arith.constant 0 : i32
      %cond3A_151 = arith.cmpi ne, %convert_element_type3A_149, %cond3A_150 : i32
      scf.if %cond3A_151 {
        %run_scoped3A_159 = arith.constant 1 : i32
        %run_scoped3A_160 = arith.constant 0 : i32
        %run_scoped3A_161 = arith.constant 1 : i32
        %run_scoped3A_162 = arith.constant 0 : i32
        "tpu.region"() ({
          %run_scoped3A_167 = tpu.sem_alloc : memref<!tpu.dma_semaphore, #tpu.memory_space<semaphore_mem>>
          %dma_start3A_168 = arith.constant 0 : i32
          %dma_start3A_169 = tpu.memref_slice %arg17[%run_scoped3A_159, %run_scoped3A_160, %dma_start3A_168] : memref<2x2x128xf32, #tpu.memory_space<vmem>> -> memref<1x1x128xf32, #tpu.memory_space<vmem>>
          %dma_start3A_170 = tpu.memref_squeeze %dma_start3A_169 : memref<1x1x128xf32, #tpu.memory_space<vmem>> -> memref<128xf32, #tpu.memory_space<vmem>>
          %dma_start3A_171 = arith.constant 0 : i32
          %dma_start3A_172 = tpu.memref_slice %arg13[%run_scoped3A_161, %run_scoped3A_162, %dma_start3A_171] : memref<2x2x128xi32, #tpu.memory_space<vmem>> -> memref<1x1x128xi32, #tpu.memory_space<vmem>>
          %dma_start3A_173 = tpu.memref_squeeze %dma_start3A_172 : memref<1x1x128xi32, #tpu.memory_space<vmem>> -> memref<128xi32, #tpu.memory_space<vmem>>
          %dma_start3A_174 = arith.constant 0 : i32
          %dma_start3A_175 = tpu.memref_slice %arg12[%dma_start3A_174] : memref<50176xf32, #tpu.memory_space<vmem_shared>> -> memref<50176xf32, #tpu.memory_space<vmem_shared>>
          tpu.enqueue_indirect_dma source(%dma_start3A_170 : memref<128xf32, #tpu.memory_space<vmem>>) target(%dma_start3A_175 : memref<50176xf32, #tpu.memory_space<vmem_shared>>) offsets(%dma_start3A_173 : memref<128xi32, #tpu.memory_space<vmem>>) semaphore(%run_scoped3A_167 : memref<!tpu.dma_semaphore, #tpu.memory_space<semaphore_mem>>) {add = true}
          %dma_wait3A_176 = arith.constant 0 : i32
          %dma_wait3A_177 = tpu.memref_slice %arg17[%run_scoped3A_159, %run_scoped3A_160, %dma_wait3A_176] : memref<2x2x128xf32, #tpu.memory_space<vmem>> -> memref<1x1x128xf32, #tpu.memory_space<vmem>>
          %dma_wait3A_178 = tpu.memref_squeeze %dma_wait3A_177 : memref<1x1x128xf32, #tpu.memory_space<vmem>> -> memref<128xf32, #tpu.memory_space<vmem>>
          %dma_wait3A_179 = arith.constant 0 : i32
          %dma_wait3A_180 = tpu.memref_slice %arg13[%run_scoped3A_161, %run_scoped3A_162, %dma_wait3A_179] : memref<2x2x128xi32, #tpu.memory_space<vmem>> -> memref<1x1x128xi32, #tpu.memory_space<vmem>>
          %dma_wait3A_181 = tpu.memref_squeeze %dma_wait3A_180 : memref<1x1x128xi32, #tpu.memory_space<vmem>> -> memref<128xi32, #tpu.memory_space<vmem>>
          %dma_wait3A_182 = arith.constant 0 : i32
          %dma_wait3A_183 = tpu.memref_slice %arg12[%dma_wait3A_182] : memref<50176xf32, #tpu.memory_space<vmem_shared>> -> memref<50176xf32, #tpu.memory_space<vmem_shared>>
          tpu.wait_indirect_dma semaphore(%run_scoped3A_167 : memref<!tpu.dma_semaphore, #tpu.memory_space<semaphore_mem>>) src(%dma_wait3A_178 : memref<128xf32, #tpu.memory_space<vmem>>) dst(%dma_wait3A_183 : memref<50176xf32, #tpu.memory_space<vmem_shared>>)
          tpu.yield
        }) : () -> ()
        %run_scoped3A_163 = arith.constant 1 : i32
        %run_scoped3A_164 = arith.constant 1 : i32
        %run_scoped3A_165 = arith.constant 1 : i32
        %run_scoped3A_166 = arith.constant 1 : i32
        "tpu.region"() ({
          %run_scoped3A_167 = tpu.sem_alloc : memref<!tpu.dma_semaphore, #tpu.memory_space<semaphore_mem>>
          %dma_start3A_168 = arith.constant 0 : i32
          %dma_start3A_169 = tpu.memref_slice %arg17[%run_scoped3A_163, %run_scoped3A_164, %dma_start3A_168] : memref<2x2x128xf32, #tpu.memory_space<vmem>> -> memref<1x1x128xf32, #tpu.memory_space<vmem>>
          %dma_start3A_170 = tpu.memref_squeeze %dma_start3A_169 : memref<1x1x128xf32, #tpu.memory_space<vmem>> -> memref<128xf32, #tpu.memory_space<vmem>>
          %dma_start3A_171 = arith.constant 0 : i32
          %dma_start3A_172 = tpu.memref_slice %arg13[%run_scoped3A_165, %run_scoped3A_166, %dma_start3A_171] : memref<2x2x128xi32, #tpu.memory_space<vmem>> -> memref<1x1x128xi32, #tpu.memory_space<vmem>>
          %dma_start3A_173 = tpu.memref_squeeze %dma_start3A_172 : memref<1x1x128xi32, #tpu.memory_space<vmem>> -> memref<128xi32, #tpu.memory_space<vmem>>
          %dma_start3A_174 = arith.constant 0 : i32
          %dma_start3A_175 = tpu.memref_slice %arg12[%dma_start3A_174] : memref<50176xf32, #tpu.memory_space<vmem_shared>> -> memref<50176xf32, #tpu.memory_space<vmem_shared>>
          tpu.enqueue_indirect_dma source(%dma_start3A_170 : memref<128xf32, #tpu.memory_space<vmem>>) target(%dma_start3A_175 : memref<50176xf32, #tpu.memory_space<vmem_shared>>) offsets(%dma_start3A_173 : memref<128xi32, #tpu.memory_space<vmem>>) semaphore(%run_scoped3A_167 : memref<!tpu.dma_semaphore, #tpu.memory_space<semaphore_mem>>) {add = true}
          %dma_wait3A_176 = arith.constant 0 : i32
          %dma_wait3A_177 = tpu.memref_slice %arg17[%run_scoped3A_163, %run_scoped3A_164, %dma_wait3A_176] : memref<2x2x128xf32, #tpu.memory_space<vmem>> -> memref<1x1x128xf32, #tpu.memory_space<vmem>>
          %dma_wait3A_178 = tpu.memref_squeeze %dma_wait3A_177 : memref<1x1x128xf32, #tpu.memory_space<vmem>> -> memref<128xf32, #tpu.memory_space<vmem>>
          %dma_wait3A_179 = arith.constant 0 : i32
          %dma_wait3A_180 = tpu.memref_slice %arg13[%run_scoped3A_165, %run_scoped3A_166, %dma_wait3A_179] : memref<2x2x128xi32, #tpu.memory_space<vmem>> -> memref<1x1x128xi32, #tpu.memory_space<vmem>>
          %dma_wait3A_181 = tpu.memref_squeeze %dma_wait3A_180 : memref<1x1x128xi32, #tpu.memory_space<vmem>> -> memref<128xi32, #tpu.memory_space<vmem>>
          %dma_wait3A_182 = arith.constant 0 : i32
          %dma_wait3A_183 = tpu.memref_slice %arg12[%dma_wait3A_182] : memref<50176xf32, #tpu.memory_space<vmem_shared>> -> memref<50176xf32, #tpu.memory_space<vmem_shared>>
          tpu.wait_indirect_dma semaphore(%run_scoped3A_167 : memref<!tpu.dma_semaphore, #tpu.memory_space<semaphore_mem>>) src(%dma_wait3A_178 : memref<128xf32, #tpu.memory_space<vmem>>) dst(%dma_wait3A_183 : memref<50176xf32, #tpu.memory_space<vmem_shared>>)
          tpu.yield
        }) : () -> ()
      } else {
      }
      %add3A_152 = arith.constant 2 : i32
      %add3A_153 = arith.addi %add3A_125, %add3A_152 : i32
      %lt3A_154 = arith.constant 392 : i32
      %lt3A_155 = arith.cmpi slt, %add3A_153, %lt3A_154 : i32
      %convert_element_type3A_156 = arith.extui %lt3A_155 : i1 to i32
      %cond3A_157 = arith.constant 0 : i32
      %cond3A_158 = arith.cmpi ne, %convert_element_type3A_156, %cond3A_157 : i32
      scf.if %cond3A_158 {
        %add3A_159 = arith.constant 2 : i32
        %add3A_160 = arith.addi %add3A_125, %add3A_159 : i32
        %mul3A_161 = arith.constant 784 : i32
        %mul3A_162 = arith.muli %arg1, %mul3A_161 : i32
        %mul3A_163 = arith.constant 2 : i32
        %mul3A_164 = arith.muli %add3A_160, %mul3A_163 : i32
        %add3A_165 = arith.addi %mul3A_162, %mul3A_164 : i32
        %run_scoped3A_166 = arith.constant 1 : i32
        "tpu.region"() ({
          %run_scoped3A_199 = tpu.sem_alloc : memref<!tpu.dma_semaphore, #tpu.memory_space<semaphore_mem>>
          %dma_start3A_200 = arith.constant 0 : i32
          %dma_start3A_201 = arith.constant 0 : i32
          %dma_start3A_202 = tpu.memref_slice %arg13[%run_scoped3A_166, %dma_start3A_200, %dma_start3A_201] : memref<2x2x128xi32, #tpu.memory_space<vmem>> -> memref<1x2x128xi32, #tpu.memory_space<vmem>>
          %dma_start3A_203 = tpu.memref_squeeze %dma_start3A_202 : memref<1x2x128xi32, #tpu.memory_space<vmem>> -> memref<2x128xi32, #tpu.memory_space<vmem>>
          %dma_start3A_204 = arith.constant 0 : i32
          %dma_start3A_205 = tpu.memref_slice %arg3[%add3A_165, %dma_start3A_204] : memref<12544x128xi32, #tpu.memory_space<hbm>> -> memref<2x128xi32, #tpu.memory_space<hbm>>
          %dma_start3A_206 = arith.constant 0 : i32
          %dma_start3A_207 = arith.constant 0 : i32
          %dma_start3A_208 = tpu.memref_slice %arg13[%run_scoped3A_166, %dma_start3A_206, %dma_start3A_207] : memref<2x2x128xi32, #tpu.memory_space<vmem>> -> memref<1x2x128xi32, #tpu.memory_space<vmem>>
          %dma_start3A_209 = tpu.memref_squeeze %dma_start3A_208 : memref<1x2x128xi32, #tpu.memory_space<vmem>> -> memref<2x128xi32, #tpu.memory_space<vmem>>
          %dma_start3A_210 = arith.constant 0 : i32
          %dma_start3A_211 = tpu.memref_slice %arg3[%add3A_165, %dma_start3A_210] : memref<12544x128xi32, #tpu.memory_space<hbm>> -> memref<2x128xi32, #tpu.memory_space<hbm>>
          tpu.enqueue_dma source(%dma_start3A_211 : memref<2x128xi32, #tpu.memory_space<hbm>>) target(%dma_start3A_209 : memref<2x128xi32, #tpu.memory_space<vmem>>) target_semaphore(%run_scoped3A_199 : memref<!tpu.dma_semaphore, #tpu.memory_space<semaphore_mem>>)
          %dma_wait3A_212 = arith.constant 0 : i32
          %dma_wait3A_213 = arith.constant 0 : i32
          %dma_wait3A_214 = tpu.memref_slice %arg13[%run_scoped3A_166, %dma_wait3A_212, %dma_wait3A_213] : memref<2x2x128xi32, #tpu.memory_space<vmem>> -> memref<1x2x128xi32, #tpu.memory_space<vmem>>
          %dma_wait3A_215 = tpu.memref_squeeze %dma_wait3A_214 : memref<1x2x128xi32, #tpu.memory_space<vmem>> -> memref<2x128xi32, #tpu.memory_space<vmem>>
          %dma_wait3A_216 = arith.constant 0 : i32
          %dma_wait3A_217 = tpu.memref_slice %arg3[%add3A_165, %dma_wait3A_216] : memref<12544x128xi32, #tpu.memory_space<hbm>> -> memref<2x128xi32, #tpu.memory_space<hbm>>
          %dma_wait3A_218 = arith.constant 0 : i32
          %dma_wait3A_219 = arith.constant 0 : i32
          %dma_wait3A_220 = tpu.memref_slice %arg13[%run_scoped3A_166, %dma_wait3A_218, %dma_wait3A_219] : memref<2x2x128xi32, #tpu.memory_space<vmem>> -> memref<1x2x128xi32, #tpu.memory_space<vmem>>
          %dma_wait3A_221 = tpu.memref_squeeze %dma_wait3A_220 : memref<1x2x128xi32, #tpu.memory_space<vmem>> -> memref<2x128xi32, #tpu.memory_space<vmem>>
          %dma_wait3A_222 = arith.constant 0 : i32
          %dma_wait3A_223 = tpu.memref_slice %arg3[%add3A_165, %dma_wait3A_222] : memref<12544x128xi32, #tpu.memory_space<hbm>> -> memref<2x128xi32, #tpu.memory_space<hbm>>
          tpu.wait_dma2 semaphore(%run_scoped3A_199 : memref<!tpu.dma_semaphore, #tpu.memory_space<semaphore_mem>>) src(%dma_wait3A_223 : memref<2x128xi32, #tpu.memory_space<hbm>>) dst(%dma_wait3A_221 : memref<2x128xi32, #tpu.memory_space<vmem>>)
          tpu.yield
        }) : () -> ()
        %run_scoped3A_167 = arith.constant 1 : i32
        "tpu.region"() ({
          %run_scoped3A_199 = tpu.sem_alloc : memref<!tpu.dma_semaphore, #tpu.memory_space<semaphore_mem>>
          %dma_start3A_200 = arith.constant 0 : i32
          %dma_start3A_201 = arith.constant 0 : i32
          %dma_start3A_202 = tpu.memref_slice %arg14[%run_scoped3A_167, %dma_start3A_200, %dma_start3A_201] : memref<2x2x128xi32, #tpu.memory_space<vmem>> -> memref<1x2x128xi32, #tpu.memory_space<vmem>>
          %dma_start3A_203 = tpu.memref_squeeze %dma_start3A_202 : memref<1x2x128xi32, #tpu.memory_space<vmem>> -> memref<2x128xi32, #tpu.memory_space<vmem>>
          %dma_start3A_204 = arith.constant 0 : i32
          %dma_start3A_205 = tpu.memref_slice %arg4[%add3A_0, %add3A_165, %dma_start3A_204] : memref<2x12544x128xi32, #tpu.memory_space<hbm>> -> memref<1x2x128xi32, #tpu.memory_space<hbm>>
          %dma_start3A_206 = tpu.memref_squeeze %dma_start3A_205 : memref<1x2x128xi32, #tpu.memory_space<hbm>> -> memref<2x128xi32, #tpu.memory_space<hbm>>
          %dma_start3A_207 = arith.constant 0 : i32
          %dma_start3A_208 = arith.constant 0 : i32
          %dma_start3A_209 = tpu.memref_slice %arg14[%run_scoped3A_167, %dma_start3A_207, %dma_start3A_208] : memref<2x2x128xi32, #tpu.memory_space<vmem>> -> memref<1x2x128xi32, #tpu.memory_space<vmem>>
          %dma_start3A_210 = tpu.memref_squeeze %dma_start3A_209 : memref<1x2x128xi32, #tpu.memory_space<vmem>> -> memref<2x128xi32, #tpu.memory_space<vmem>>
          %dma_start3A_211 = arith.constant 0 : i32
          %dma_start3A_212 = tpu.memref_slice %arg4[%add3A_0, %add3A_165, %dma_start3A_211] : memref<2x12544x128xi32, #tpu.memory_space<hbm>> -> memref<1x2x128xi32, #tpu.memory_space<hbm>>
          %dma_start3A_213 = tpu.memref_squeeze %dma_start3A_212 : memref<1x2x128xi32, #tpu.memory_space<hbm>> -> memref<2x128xi32, #tpu.memory_space<hbm>>
          tpu.enqueue_dma source(%dma_start3A_213 : memref<2x128xi32, #tpu.memory_space<hbm>>) target(%dma_start3A_210 : memref<2x128xi32, #tpu.memory_space<vmem>>) target_semaphore(%run_scoped3A_199 : memref<!tpu.dma_semaphore, #tpu.memory_space<semaphore_mem>>)
          %dma_wait3A_214 = arith.constant 0 : i32
          %dma_wait3A_215 = arith.constant 0 : i32
          %dma_wait3A_216 = tpu.memref_slice %arg14[%run_scoped3A_167, %dma_wait3A_214, %dma_wait3A_215] : memref<2x2x128xi32, #tpu.memory_space<vmem>> -> memref<1x2x128xi32, #tpu.memory_space<vmem>>
          %dma_wait3A_217 = tpu.memref_squeeze %dma_wait3A_216 : memref<1x2x128xi32, #tpu.memory_space<vmem>> -> memref<2x128xi32, #tpu.memory_space<vmem>>
          %dma_wait3A_218 = arith.constant 0 : i32
          %dma_wait3A_219 = tpu.memref_slice %arg4[%add3A_0, %add3A_165, %dma_wait3A_218] : memref<2x12544x128xi32, #tpu.memory_space<hbm>> -> memref<1x2x128xi32, #tpu.memory_space<hbm>>
          %dma_wait3A_220 = tpu.memref_squeeze %dma_wait3A_219 : memref<1x2x128xi32, #tpu.memory_space<hbm>> -> memref<2x128xi32, #tpu.memory_space<hbm>>
          %dma_wait3A_221 = arith.constant 0 : i32
          %dma_wait3A_222 = arith.constant 0 : i32
          %dma_wait3A_223 = tpu.memref_slice %arg14[%run_scoped3A_167, %dma_wait3A_221, %dma_wait3A_222] : memref<2x2x128xi32, #tpu.memory_space<vmem>> -> memref<1x2x128xi32, #tpu.memory_space<vmem>>
          %dma_wait3A_224 = tpu.memref_squeeze %dma_wait3A_223 : memref<1x2x128xi32, #tpu.memory_space<vmem>> -> memref<2x128xi32, #tpu.memory_space<vmem>>
          %dma_wait3A_225 = arith.constant 0 : i32
          %dma_wait3A_226 = tpu.memref_slice %arg4[%add3A_0, %add3A_165, %dma_wait3A_225] : memref<2x12544x128xi32, #tpu.memory_space<hbm>> -> memref<1x2x128xi32, #tpu.memory_space<hbm>>
          %dma_wait3A_227 = tpu.memref_squeeze %dma_wait3A_226 : memref<1x2x128xi32, #tpu.memory_space<hbm>> -> memref<2x128xi32, #tpu.memory_space<hbm>>
          tpu.wait_dma2 semaphore(%run_scoped3A_199 : memref<!tpu.dma_semaphore, #tpu.memory_space<semaphore_mem>>) src(%dma_wait3A_227 : memref<2x128xi32, #tpu.memory_space<hbm>>) dst(%dma_wait3A_224 : memref<2x128xi32, #tpu.memory_space<vmem>>)
          tpu.yield
        }) : () -> ()
        %dma_start3A_168 = arith.constant 1 : i32
        %dma_start3A_169 = arith.constant 0 : i32
        %dma_start3A_170 = arith.constant 1 : i32
        %dma_start3A_171 = arith.constant 0 : i32
        %dma_start3A_172 = arith.constant 0 : i32
        %dma_start3A_173 = tpu.memref_slice %arg16[%dma_start3A_170, %dma_start3A_171, %dma_start3A_172] : memref<2x256x32xf32, #tpu.memory_space<vmem>> -> memref<1x128x32xf32, #tpu.memory_space<vmem>>
        %dma_start3A_174 = tpu.memref_squeeze %dma_start3A_173 : memref<1x128x32xf32, #tpu.memory_space<vmem>> -> memref<128x32xf32, #tpu.memory_space<vmem>>
        %dma_start3A_175 = arith.constant 0 : i32
        %dma_start3A_176 = tpu.memref_slice %arg14[%dma_start3A_168, %dma_start3A_169, %dma_start3A_175] : memref<2x2x128xi32, #tpu.memory_space<vmem>> -> memref<1x1x128xi32, #tpu.memory_space<vmem>>
        %dma_start3A_177 = tpu.memref_squeeze %dma_start3A_176 : memref<1x1x128xi32, #tpu.memory_space<vmem>> -> memref<128xi32, #tpu.memory_space<vmem>>
        %dma_start3A_178 = arith.constant 0 : i32
        %dma_start3A_179 = arith.constant 0 : i32
        %dma_start3A_180 = tpu.memref_slice %arg2[%dma_start3A_178, %dma_start3A_179] : memref<100352x32xf32, #tpu.memory_space<hbm>> -> memref<100352x32xf32, #tpu.memory_space<hbm>>
        tpu.enqueue_indirect_dma source(%dma_start3A_180 : memref<100352x32xf32, #tpu.memory_space<hbm>>) target(%dma_start3A_174 : memref<128x32xf32, #tpu.memory_space<vmem>>) offsets(%dma_start3A_177 : memref<128xi32, #tpu.memory_space<vmem>>) semaphore(%arg20 : memref<!tpu.dma_semaphore, #tpu.memory_space<semaphore_mem>>)
        %dma_start3A_181 = arith.constant 1 : i32
        %dma_start3A_182 = arith.constant 1 : i32
        %dma_start3A_183 = arith.constant 1 : i32
        %dma_start3A_184 = arith.constant 128 : i32
        %dma_start3A_185 = arith.constant 0 : i32
        %dma_start3A_186 = tpu.memref_slice %arg16[%dma_start3A_183, %dma_start3A_184, %dma_start3A_185] : memref<2x256x32xf32, #tpu.memory_space<vmem>> -> memref<1x128x32xf32, #tpu.memory_space<vmem>>
        %dma_start3A_187 = tpu.memref_squeeze %dma_start3A_186 : memref<1x128x32xf32, #tpu.memory_space<vmem>> -> memref<128x32xf32, #tpu.memory_space<vmem>>
        %dma_start3A_188 = arith.constant 0 : i32
        %dma_start3A_189 = tpu.memref_slice %arg14[%dma_start3A_181, %dma_start3A_182, %dma_start3A_188] : memref<2x2x128xi32, #tpu.memory_space<vmem>> -> memref<1x1x128xi32, #tpu.memory_space<vmem>>
        %dma_start3A_190 = tpu.memref_squeeze %dma_start3A_189 : memref<1x1x128xi32, #tpu.memory_space<vmem>> -> memref<128xi32, #tpu.memory_space<vmem>>
        %dma_start3A_191 = arith.constant 0 : i32
        %dma_start3A_192 = arith.constant 0 : i32
        %dma_start3A_193 = tpu.memref_slice %arg2[%dma_start3A_191, %dma_start3A_192] : memref<100352x32xf32, #tpu.memory_space<hbm>> -> memref<100352x32xf32, #tpu.memory_space<hbm>>
        tpu.enqueue_indirect_dma source(%dma_start3A_193 : memref<100352x32xf32, #tpu.memory_space<hbm>>) target(%dma_start3A_187 : memref<128x32xf32, #tpu.memory_space<vmem>>) offsets(%dma_start3A_190 : memref<128xi32, #tpu.memory_space<vmem>>) semaphore(%arg20 : memref<!tpu.dma_semaphore, #tpu.memory_space<semaphore_mem>>)
        %eq3A_194 = arith.constant 1 : i32
        %eq3A_195 = arith.cmpi eq, %arg0, %eq3A_194 : i32
        %convert_element_type3A_196 = arith.extui %eq3A_195 : i1 to i32
        %cond3A_197 = arith.constant 0 : i32
        %cond3A_198 = arith.cmpi ne, %convert_element_type3A_196, %cond3A_197 : i32
        scf.if %cond3A_198 {
          %run_scoped3A_199 = arith.constant 1 : i32
          "tpu.region"() ({
            %run_scoped3A_200 = tpu.sem_alloc : memref<!tpu.dma_semaphore, #tpu.memory_space<semaphore_mem>>
            %dma_start3A_201 = arith.constant 0 : i32
            %dma_start3A_202 = arith.constant 0 : i32
            %dma_start3A_203 = tpu.memref_slice %arg17[%run_scoped3A_199, %dma_start3A_201, %dma_start3A_202] : memref<2x2x128xf32, #tpu.memory_space<vmem>> -> memref<1x2x128xf32, #tpu.memory_space<vmem>>
            %dma_start3A_204 = tpu.memref_squeeze %dma_start3A_203 : memref<1x2x128xf32, #tpu.memory_space<vmem>> -> memref<2x128xf32, #tpu.memory_space<vmem>>
            %dma_start3A_205 = arith.constant 0 : i32
            %dma_start3A_206 = tpu.memref_slice %arg5[%add3A_165, %dma_start3A_205] : memref<12544x128xf32, #tpu.memory_space<hbm>> -> memref<2x128xf32, #tpu.memory_space<hbm>>
            %dma_start3A_207 = arith.constant 0 : i32
            %dma_start3A_208 = arith.constant 0 : i32
            %dma_start3A_209 = tpu.memref_slice %arg17[%run_scoped3A_199, %dma_start3A_207, %dma_start3A_208] : memref<2x2x128xf32, #tpu.memory_space<vmem>> -> memref<1x2x128xf32, #tpu.memory_space<vmem>>
            %dma_start3A_210 = tpu.memref_squeeze %dma_start3A_209 : memref<1x2x128xf32, #tpu.memory_space<vmem>> -> memref<2x128xf32, #tpu.memory_space<vmem>>
            %dma_start3A_211 = arith.constant 0 : i32
            %dma_start3A_212 = tpu.memref_slice %arg5[%add3A_165, %dma_start3A_211] : memref<12544x128xf32, #tpu.memory_space<hbm>> -> memref<2x128xf32, #tpu.memory_space<hbm>>
            tpu.enqueue_dma source(%dma_start3A_212 : memref<2x128xf32, #tpu.memory_space<hbm>>) target(%dma_start3A_210 : memref<2x128xf32, #tpu.memory_space<vmem>>) target_semaphore(%run_scoped3A_200 : memref<!tpu.dma_semaphore, #tpu.memory_space<semaphore_mem>>)
            %dma_wait3A_213 = arith.constant 0 : i32
            %dma_wait3A_214 = arith.constant 0 : i32
            %dma_wait3A_215 = tpu.memref_slice %arg17[%run_scoped3A_199, %dma_wait3A_213, %dma_wait3A_214] : memref<2x2x128xf32, #tpu.memory_space<vmem>> -> memref<1x2x128xf32, #tpu.memory_space<vmem>>
            %dma_wait3A_216 = tpu.memref_squeeze %dma_wait3A_215 : memref<1x2x128xf32, #tpu.memory_space<vmem>> -> memref<2x128xf32, #tpu.memory_space<vmem>>
            %dma_wait3A_217 = arith.constant 0 : i32
            %dma_wait3A_218 = tpu.memref_slice %arg5[%add3A_165, %dma_wait3A_217] : memref<12544x128xf32, #tpu.memory_space<hbm>> -> memref<2x128xf32, #tpu.memory_space<hbm>>
            %dma_wait3A_219 = arith.constant 0 : i32
            %dma_wait3A_220 = arith.constant 0 : i32
            %dma_wait3A_221 = tpu.memref_slice %arg17[%run_scoped3A_199, %dma_wait3A_219, %dma_wait3A_220] : memref<2x2x128xf32, #tpu.memory_space<vmem>> -> memref<1x2x128xf32, #tpu.memory_space<vmem>>
            %dma_wait3A_222 = tpu.memref_squeeze %dma_wait3A_221 : memref<1x2x128xf32, #tpu.memory_space<vmem>> -> memref<2x128xf32, #tpu.memory_space<vmem>>
            %dma_wait3A_223 = arith.constant 0 : i32
            %dma_wait3A_224 = tpu.memref_slice %arg5[%add3A_165, %dma_wait3A_223] : memref<12544x128xf32, #tpu.memory_space<hbm>> -> memref<2x128xf32, #tpu.memory_space<hbm>>
            tpu.wait_dma2 semaphore(%run_scoped3A_200 : memref<!tpu.dma_semaphore, #tpu.memory_space<semaphore_mem>>) src(%dma_wait3A_224 : memref<2x128xf32, #tpu.memory_space<hbm>>) dst(%dma_wait3A_222 : memref<2x128xf32, #tpu.memory_space<vmem>>)
            tpu.yield
          }) : () -> ()
        } else {
        }
      } else {
      }
    }
    %scan3A_77 = arith.constant 196 : i32
    %barrier3A_78 = arith.constant 0 : index
    tpu.barrier barrier_id(%barrier3A_78)
    %mul3A_79 = arith.constant 3136 : i32
    %mul3A_80 = arith.muli %arg1, %mul3A_79 : i32
    %mul3A_81 = arith.constant 3136 : i32
    %mul3A_82 = arith.muli %arg1, %mul3A_81 : i32
    "tpu.region"() ({
      %run_scoped3A_88 = tpu.sem_alloc : memref<!tpu.dma_semaphore, #tpu.memory_space<semaphore_mem>>
      %dma_start3A_89 = arith.constant 0 : i32
      %dma_start3A_90 = tpu.memref_slice %arg9[%add3A_0, %mul3A_82, %dma_start3A_89] : memref<2x50176x32xf32, #tpu.memory_space<hbm>> -> memref<1x3136x32xf32, #tpu.memory_space<hbm>>
      %dma_start3A_91 = tpu.memref_squeeze %dma_start3A_90 : memref<1x3136x32xf32, #tpu.memory_space<hbm>> -> memref<3136x32xf32, #tpu.memory_space<hbm>>
      %dma_start3A_92 = arith.constant 0 : i32
      %dma_start3A_93 = tpu.memref_slice %arg11[%mul3A_80, %dma_start3A_92] : memref<50176x32xf32, #tpu.memory_space<vmem_shared>> -> memref<3136x32xf32, #tpu.memory_space<vmem_shared>>
      tpu.enqueue_dma source(%dma_start3A_93 : memref<3136x32xf32, #tpu.memory_space<vmem_shared>>) target(%dma_start3A_91 : memref<3136x32xf32, #tpu.memory_space<hbm>>) target_semaphore(%run_scoped3A_88 : memref<!tpu.dma_semaphore, #tpu.memory_space<semaphore_mem>>)
      %dma_wait3A = arith.constant 0 : i32
      %dma_wait3A_94 = tpu.memref_slice %arg9[%add3A_0, %mul3A_82, %dma_wait3A] : memref<2x50176x32xf32, #tpu.memory_space<hbm>> -> memref<1x3136x32xf32, #tpu.memory_space<hbm>>
      %dma_wait3A_95 = tpu.memref_squeeze %dma_wait3A_94 : memref<1x3136x32xf32, #tpu.memory_space<hbm>> -> memref<3136x32xf32, #tpu.memory_space<hbm>>
      %dma_wait3A_96 = arith.constant 0 : i32
      %dma_wait3A_97 = tpu.memref_slice %arg11[%mul3A_80, %dma_wait3A_96] : memref<50176x32xf32, #tpu.memory_space<vmem_shared>> -> memref<3136x32xf32, #tpu.memory_space<vmem_shared>>
      tpu.wait_dma2 semaphore(%run_scoped3A_88 : memref<!tpu.dma_semaphore, #tpu.memory_space<semaphore_mem>>) src(%dma_wait3A_97 : memref<3136x32xf32, #tpu.memory_space<vmem_shared>>) dst(%dma_wait3A_95 : memref<3136x32xf32, #tpu.memory_space<hbm>>)
      tpu.yield
    }) : () -> ()
    %mul3A_83 = arith.constant 3136 : i32
    %mul3A_84 = arith.muli %arg1, %mul3A_83 : i32
    %mul3A_85 = arith.constant 3136 : i32
    %mul3A_86 = arith.muli %arg1, %mul3A_85 : i32
    "tpu.region"() ({
      %run_scoped3A_88 = tpu.sem_alloc : memref<!tpu.dma_semaphore, #tpu.memory_space<semaphore_mem>>
      %dma_start3A_89 = tpu.memref_slice %arg10[%arg0, %mul3A_86] : memref<2x50176xf32, #tpu.memory_space<hbm>> -> memref<1x3136xf32, #tpu.memory_space<hbm>>
      %dma_start3A_90 = tpu.memref_squeeze %dma_start3A_89 : memref<1x3136xf32, #tpu.memory_space<hbm>> -> memref<3136xf32, #tpu.memory_space<hbm>>
      %dma_start3A_91 = tpu.memref_slice %arg12[%mul3A_84] : memref<50176xf32, #tpu.memory_space<vmem_shared>> -> memref<3136xf32, #tpu.memory_space<vmem_shared>>
      tpu.enqueue_dma source(%dma_start3A_91 : memref<3136xf32, #tpu.memory_space<vmem_shared>>) target(%dma_start3A_90 : memref<3136xf32, #tpu.memory_space<hbm>>) target_semaphore(%run_scoped3A_88 : memref<!tpu.dma_semaphore, #tpu.memory_space<semaphore_mem>>)
      %dma_wait3A = tpu.memref_slice %arg10[%arg0, %mul3A_86] : memref<2x50176xf32, #tpu.memory_space<hbm>> -> memref<1x3136xf32, #tpu.memory_space<hbm>>
      %dma_wait3A_92 = tpu.memref_squeeze %dma_wait3A : memref<1x3136xf32, #tpu.memory_space<hbm>> -> memref<3136xf32, #tpu.memory_space<hbm>>
      %dma_wait3A_93 = tpu.memref_slice %arg12[%mul3A_84] : memref<50176xf32, #tpu.memory_space<vmem_shared>> -> memref<3136xf32, #tpu.memory_space<vmem_shared>>
      tpu.wait_dma2 semaphore(%run_scoped3A_88 : memref<!tpu.dma_semaphore, #tpu.memory_space<semaphore_mem>>) src(%dma_wait3A_93 : memref<3136xf32, #tpu.memory_space<vmem_shared>>) dst(%dma_wait3A_92 : memref<3136xf32, #tpu.memory_space<hbm>>)
      tpu.yield
    }) : () -> ()
    %barrier3A_87 = arith.constant 0 : index
    tpu.barrier barrier_id(%barrier3A_87)
    return
  }
}

#map = affine_map<(d0, d1) -> (0, 0)>
#map1 = affine_map<(d0, d1) -> (0, 0, 0)>
#map2 = affine_map<(d0, d1) -> (0)>
module attributes {stable_mosaic.version = 14 : i64} {
  func.func @body(%arg0: i32, %arg1: i32, %arg2: memref<200704x32xf32, #tpu.memory_space<hbm>>, %arg3: memref<12544x128xi32, #tpu.memory_space<hbm>>, %arg4: memref<5x12544x128xi32, #tpu.memory_space<hbm>>, %arg5: memref<12544x128xf32, #tpu.memory_space<hbm>>, %arg6: memref<50176xf32, #tpu.memory_space<hbm>>, %arg7: memref<3136x32xf32, #tpu.memory_space<hbm>>, %arg8: memref<3136xf32, #tpu.memory_space<hbm>>, %arg9: memref<4x50176x32xf32, #tpu.memory_space<hbm>>, %arg10: memref<2x50176xf32, #tpu.memory_space<hbm>>, %arg11: memref<50176x32xf32, #tpu.memory_space<vmem_shared>>, %arg12: memref<50176xf32, #tpu.memory_space<vmem_shared>>, %arg13: memref<2x2x128xi32, #tpu.memory_space<vmem>>, %arg14: memref<2x2x128xi32, #tpu.memory_space<vmem>>, %arg15: memref<2x2x128xi32, #tpu.memory_space<vmem>>, %arg16: memref<2x256x32xf32, #tpu.memory_space<vmem>>, %arg17: memref<2x2x128xf32, #tpu.memory_space<vmem>>, %arg18: memref<2x256xf32, #tpu.memory_space<vmem>>, %arg19: memref<!tpu.dma_semaphore, #tpu.memory_space<semaphore_mem>>, %arg20: memref<!tpu.dma_semaphore, #tpu.memory_space<semaphore_mem>>, %arg21: memref<!tpu.dma_semaphore, #tpu.memory_space<semaphore_mem>>, %arg22: memref<!tpu.dma_semaphore, #tpu.memory_space<semaphore_mem>>) attributes {dimension_semantics = [#tpu.dimension_semantics<core_parallel>, #tpu.dimension_semantics<subcore_parallel>], iteration_bounds = array<i64: 2, 16>, scalar_prefetch = 0 : i64, scratch_operands = 12 : i64, tpu.core_type = #tpu.core_type<sc_vector_subcore>, window_params = [{transform_indices = #map}, {transform_indices = #map}, {transform_indices = #map1}, {transform_indices = #map}, {transform_indices = #map2}, {transform_indices = #map}, {transform_indices = #map2}, {transform_indices = #map1}, {transform_indices = #map}]} {
    %add3A = arith.constant 0 : i32
    %add3A_0 = arith.addi %add3A, %arg0 : i32
    %mul3A = arith.constant 784 : i32
    %mul3A_1 = arith.muli %arg1, %mul3A : i32
    %add3A_2 = arith.constant 0 : i32
    %add3A_3 = arith.addi %mul3A_1, %add3A_2 : i32
    %run_scoped3A = arith.constant 0 : i32
    "tpu.region"() ({
      %run_scoped3A_169 = tpu.sem_alloc : memref<!tpu.dma_semaphore, #tpu.memory_space<semaphore_mem>>
      %dma_start3A_170 = arith.constant 0 : i32
      %dma_start3A_171 = arith.constant 0 : i32
      %dma_start3A_172 = tpu.memref_slice %arg13[%run_scoped3A, %dma_start3A_170, %dma_start3A_171] : memref<2x2x128xi32, #tpu.memory_space<vmem>> -> memref<1x2x128xi32, #tpu.memory_space<vmem>>
      %dma_start3A_173 = tpu.memref_squeeze %dma_start3A_172 : memref<1x2x128xi32, #tpu.memory_space<vmem>> -> memref<2x128xi32, #tpu.memory_space<vmem>>
      %dma_start3A_174 = arith.constant 0 : i32
      %dma_start3A_175 = tpu.memref_slice %arg3[%add3A_3, %dma_start3A_174] : memref<12544x128xi32, #tpu.memory_space<hbm>> -> memref<2x128xi32, #tpu.memory_space<hbm>>
      %dma_start3A_176 = arith.constant 0 : i32
      %dma_start3A_177 = arith.constant 0 : i32
      %dma_start3A_178 = tpu.memref_slice %arg13[%run_scoped3A, %dma_start3A_176, %dma_start3A_177] : memref<2x2x128xi32, #tpu.memory_space<vmem>> -> memref<1x2x128xi32, #tpu.memory_space<vmem>>
      %dma_start3A_179 = tpu.memref_squeeze %dma_start3A_178 : memref<1x2x128xi32, #tpu.memory_space<vmem>> -> memref<2x128xi32, #tpu.memory_space<vmem>>
      %dma_start3A_180 = arith.constant 0 : i32
      %dma_start3A_181 = tpu.memref_slice %arg3[%add3A_3, %dma_start3A_180] : memref<12544x128xi32, #tpu.memory_space<hbm>> -> memref<2x128xi32, #tpu.memory_space<hbm>>
      tpu.enqueue_dma source(%dma_start3A_181 : memref<2x128xi32, #tpu.memory_space<hbm>>) target(%dma_start3A_179 : memref<2x128xi32, #tpu.memory_space<vmem>>) target_semaphore(%run_scoped3A_169 : memref<!tpu.dma_semaphore, #tpu.memory_space<semaphore_mem>>)
      %dma_wait3A = arith.constant 0 : i32
      %dma_wait3A_182 = arith.constant 0 : i32
      %dma_wait3A_183 = tpu.memref_slice %arg13[%run_scoped3A, %dma_wait3A, %dma_wait3A_182] : memref<2x2x128xi32, #tpu.memory_space<vmem>> -> memref<1x2x128xi32, #tpu.memory_space<vmem>>
      %dma_wait3A_184 = tpu.memref_squeeze %dma_wait3A_183 : memref<1x2x128xi32, #tpu.memory_space<vmem>> -> memref<2x128xi32, #tpu.memory_space<vmem>>
      %dma_wait3A_185 = arith.constant 0 : i32
      %dma_wait3A_186 = tpu.memref_slice %arg3[%add3A_3, %dma_wait3A_185] : memref<12544x128xi32, #tpu.memory_space<hbm>> -> memref<2x128xi32, #tpu.memory_space<hbm>>
      %dma_wait3A_187 = arith.constant 0 : i32
      %dma_wait3A_188 = arith.constant 0 : i32
      %dma_wait3A_189 = tpu.memref_slice %arg13[%run_scoped3A, %dma_wait3A_187, %dma_wait3A_188] : memref<2x2x128xi32, #tpu.memory_space<vmem>> -> memref<1x2x128xi32, #tpu.memory_space<vmem>>
      %dma_wait3A_190 = tpu.memref_squeeze %dma_wait3A_189 : memref<1x2x128xi32, #tpu.memory_space<vmem>> -> memref<2x128xi32, #tpu.memory_space<vmem>>
      %dma_wait3A_191 = arith.constant 0 : i32
      %dma_wait3A_192 = tpu.memref_slice %arg3[%add3A_3, %dma_wait3A_191] : memref<12544x128xi32, #tpu.memory_space<hbm>> -> memref<2x128xi32, #tpu.memory_space<hbm>>
      tpu.wait_dma2 semaphore(%run_scoped3A_169 : memref<!tpu.dma_semaphore, #tpu.memory_space<semaphore_mem>>) src(%dma_wait3A_192 : memref<2x128xi32, #tpu.memory_space<hbm>>) dst(%dma_wait3A_190 : memref<2x128xi32, #tpu.memory_space<vmem>>)
      tpu.yield
    }) : () -> ()
    %run_scoped3A_4 = arith.constant 0 : i32
    "tpu.region"() ({
      %run_scoped3A_169 = tpu.sem_alloc : memref<!tpu.dma_semaphore, #tpu.memory_space<semaphore_mem>>
      %dma_start3A_170 = arith.constant 0 : i32
      %dma_start3A_171 = arith.constant 0 : i32
      %dma_start3A_172 = tpu.memref_slice %arg14[%run_scoped3A_4, %dma_start3A_170, %dma_start3A_171] : memref<2x2x128xi32, #tpu.memory_space<vmem>> -> memref<1x2x128xi32, #tpu.memory_space<vmem>>
      %dma_start3A_173 = tpu.memref_squeeze %dma_start3A_172 : memref<1x2x128xi32, #tpu.memory_space<vmem>> -> memref<2x128xi32, #tpu.memory_space<vmem>>
      %dma_start3A_174 = arith.constant 0 : i32
      %dma_start3A_175 = tpu.memref_slice %arg4[%add3A_0, %add3A_3, %dma_start3A_174] : memref<5x12544x128xi32, #tpu.memory_space<hbm>> -> memref<1x2x128xi32, #tpu.memory_space<hbm>>
      %dma_start3A_176 = tpu.memref_squeeze %dma_start3A_175 : memref<1x2x128xi32, #tpu.memory_space<hbm>> -> memref<2x128xi32, #tpu.memory_space<hbm>>
      %dma_start3A_177 = arith.constant 0 : i32
      %dma_start3A_178 = arith.constant 0 : i32
      %dma_start3A_179 = tpu.memref_slice %arg14[%run_scoped3A_4, %dma_start3A_177, %dma_start3A_178] : memref<2x2x128xi32, #tpu.memory_space<vmem>> -> memref<1x2x128xi32, #tpu.memory_space<vmem>>
      %dma_start3A_180 = tpu.memref_squeeze %dma_start3A_179 : memref<1x2x128xi32, #tpu.memory_space<vmem>> -> memref<2x128xi32, #tpu.memory_space<vmem>>
      %dma_start3A_181 = arith.constant 0 : i32
      %dma_start3A_182 = tpu.memref_slice %arg4[%add3A_0, %add3A_3, %dma_start3A_181] : memref<5x12544x128xi32, #tpu.memory_space<hbm>> -> memref<1x2x128xi32, #tpu.memory_space<hbm>>
      %dma_start3A_183 = tpu.memref_squeeze %dma_start3A_182 : memref<1x2x128xi32, #tpu.memory_space<hbm>> -> memref<2x128xi32, #tpu.memory_space<hbm>>
      tpu.enqueue_dma source(%dma_start3A_183 : memref<2x128xi32, #tpu.memory_space<hbm>>) target(%dma_start3A_180 : memref<2x128xi32, #tpu.memory_space<vmem>>) target_semaphore(%run_scoped3A_169 : memref<!tpu.dma_semaphore, #tpu.memory_space<semaphore_mem>>)
      %dma_wait3A = arith.constant 0 : i32
      %dma_wait3A_184 = arith.constant 0 : i32
      %dma_wait3A_185 = tpu.memref_slice %arg14[%run_scoped3A_4, %dma_wait3A, %dma_wait3A_184] : memref<2x2x128xi32, #tpu.memory_space<vmem>> -> memref<1x2x128xi32, #tpu.memory_space<vmem>>
      %dma_wait3A_186 = tpu.memref_squeeze %dma_wait3A_185 : memref<1x2x128xi32, #tpu.memory_space<vmem>> -> memref<2x128xi32, #tpu.memory_space<vmem>>
      %dma_wait3A_187 = arith.constant 0 : i32
      %dma_wait3A_188 = tpu.memref_slice %arg4[%add3A_0, %add3A_3, %dma_wait3A_187] : memref<5x12544x128xi32, #tpu.memory_space<hbm>> -> memref<1x2x128xi32, #tpu.memory_space<hbm>>
      %dma_wait3A_189 = tpu.memref_squeeze %dma_wait3A_188 : memref<1x2x128xi32, #tpu.memory_space<hbm>> -> memref<2x128xi32, #tpu.memory_space<hbm>>
      %dma_wait3A_190 = arith.constant 0 : i32
      %dma_wait3A_191 = arith.constant 0 : i32
      %dma_wait3A_192 = tpu.memref_slice %arg14[%run_scoped3A_4, %dma_wait3A_190, %dma_wait3A_191] : memref<2x2x128xi32, #tpu.memory_space<vmem>> -> memref<1x2x128xi32, #tpu.memory_space<vmem>>
      %dma_wait3A_193 = tpu.memref_squeeze %dma_wait3A_192 : memref<1x2x128xi32, #tpu.memory_space<vmem>> -> memref<2x128xi32, #tpu.memory_space<vmem>>
      %dma_wait3A_194 = arith.constant 0 : i32
      %dma_wait3A_195 = tpu.memref_slice %arg4[%add3A_0, %add3A_3, %dma_wait3A_194] : memref<5x12544x128xi32, #tpu.memory_space<hbm>> -> memref<1x2x128xi32, #tpu.memory_space<hbm>>
      %dma_wait3A_196 = tpu.memref_squeeze %dma_wait3A_195 : memref<1x2x128xi32, #tpu.memory_space<hbm>> -> memref<2x128xi32, #tpu.memory_space<hbm>>
      tpu.wait_dma2 semaphore(%run_scoped3A_169 : memref<!tpu.dma_semaphore, #tpu.memory_space<semaphore_mem>>) src(%dma_wait3A_196 : memref<2x128xi32, #tpu.memory_space<hbm>>) dst(%dma_wait3A_193 : memref<2x128xi32, #tpu.memory_space<vmem>>)
      tpu.yield
    }) : () -> ()
    %dma_start3A = arith.constant 0 : i32
    %dma_start3A_5 = arith.constant 0 : i32
    %dma_start3A_6 = arith.constant 0 : i32
    %dma_start3A_7 = arith.constant 0 : i32
    %dma_start3A_8 = arith.constant 0 : i32
    %dma_start3A_9 = tpu.memref_slice %arg16[%dma_start3A_6, %dma_start3A_7, %dma_start3A_8] : memref<2x256x32xf32, #tpu.memory_space<vmem>> -> memref<1x128x32xf32, #tpu.memory_space<vmem>>
    %dma_start3A_10 = tpu.memref_squeeze %dma_start3A_9 : memref<1x128x32xf32, #tpu.memory_space<vmem>> -> memref<128x32xf32, #tpu.memory_space<vmem>>
    %dma_start3A_11 = arith.constant 0 : i32
    %dma_start3A_12 = tpu.memref_slice %arg14[%dma_start3A, %dma_start3A_5, %dma_start3A_11] : memref<2x2x128xi32, #tpu.memory_space<vmem>> -> memref<1x1x128xi32, #tpu.memory_space<vmem>>
    %dma_start3A_13 = tpu.memref_squeeze %dma_start3A_12 : memref<1x1x128xi32, #tpu.memory_space<vmem>> -> memref<128xi32, #tpu.memory_space<vmem>>
    %dma_start3A_14 = arith.constant 0 : i32
    %dma_start3A_15 = arith.constant 0 : i32
    %dma_start3A_16 = tpu.memref_slice %arg2[%dma_start3A_14, %dma_start3A_15] : memref<200704x32xf32, #tpu.memory_space<hbm>> -> memref<200704x32xf32, #tpu.memory_space<hbm>>
    tpu.enqueue_indirect_dma source(%dma_start3A_16 : memref<200704x32xf32, #tpu.memory_space<hbm>>) target(%dma_start3A_10 : memref<128x32xf32, #tpu.memory_space<vmem>>) offsets(%dma_start3A_13 : memref<128xi32, #tpu.memory_space<vmem>>) semaphore(%arg19 : memref<!tpu.dma_semaphore, #tpu.memory_space<semaphore_mem>>)
    %dma_start3A_17 = arith.constant 0 : i32
    %dma_start3A_18 = arith.constant 1 : i32
    %dma_start3A_19 = arith.constant 0 : i32
    %dma_start3A_20 = arith.constant 128 : i32
    %dma_start3A_21 = arith.constant 0 : i32
    %dma_start3A_22 = tpu.memref_slice %arg16[%dma_start3A_19, %dma_start3A_20, %dma_start3A_21] : memref<2x256x32xf32, #tpu.memory_space<vmem>> -> memref<1x128x32xf32, #tpu.memory_space<vmem>>
    %dma_start3A_23 = tpu.memref_squeeze %dma_start3A_22 : memref<1x128x32xf32, #tpu.memory_space<vmem>> -> memref<128x32xf32, #tpu.memory_space<vmem>>
    %dma_start3A_24 = arith.constant 0 : i32
    %dma_start3A_25 = tpu.memref_slice %arg14[%dma_start3A_17, %dma_start3A_18, %dma_start3A_24] : memref<2x2x128xi32, #tpu.memory_space<vmem>> -> memref<1x1x128xi32, #tpu.memory_space<vmem>>
    %dma_start3A_26 = tpu.memref_squeeze %dma_start3A_25 : memref<1x1x128xi32, #tpu.memory_space<vmem>> -> memref<128xi32, #tpu.memory_space<vmem>>
    %dma_start3A_27 = arith.constant 0 : i32
    %dma_start3A_28 = arith.constant 0 : i32
    %dma_start3A_29 = tpu.memref_slice %arg2[%dma_start3A_27, %dma_start3A_28] : memref<200704x32xf32, #tpu.memory_space<hbm>> -> memref<200704x32xf32, #tpu.memory_space<hbm>>
    tpu.enqueue_indirect_dma source(%dma_start3A_29 : memref<200704x32xf32, #tpu.memory_space<hbm>>) target(%dma_start3A_23 : memref<128x32xf32, #tpu.memory_space<vmem>>) offsets(%dma_start3A_26 : memref<128xi32, #tpu.memory_space<vmem>>) semaphore(%arg19 : memref<!tpu.dma_semaphore, #tpu.memory_space<semaphore_mem>>)
    %eq3A = arith.constant 0 : i32
    %eq3A_30 = arith.cmpi eq, %arg0, %eq3A : i32
    %convert_element_type3A = arith.extui %eq3A_30 : i1 to i32
    %cond3A = arith.constant 0 : i32
    %cond3A_31 = arith.cmpi ne, %convert_element_type3A, %cond3A : i32
    scf.if %cond3A_31 {
      %run_scoped3A_169 = arith.constant 4 : i32
      %run_scoped3A_170 = arith.constant 0 : i32
      "tpu.region"() ({
        %run_scoped3A_193 = tpu.sem_alloc : memref<!tpu.dma_semaphore, #tpu.memory_space<semaphore_mem>>
        %dma_start3A_194 = arith.constant 0 : i32
        %dma_start3A_195 = arith.constant 0 : i32
        %dma_start3A_196 = tpu.memref_slice %arg15[%run_scoped3A_170, %dma_start3A_194, %dma_start3A_195] : memref<2x2x128xi32, #tpu.memory_space<vmem>> -> memref<1x2x128xi32, #tpu.memory_space<vmem>>
        %dma_start3A_197 = tpu.memref_squeeze %dma_start3A_196 : memref<1x2x128xi32, #tpu.memory_space<vmem>> -> memref<2x128xi32, #tpu.memory_space<vmem>>
        %dma_start3A_198 = arith.constant 0 : i32
        %dma_start3A_199 = tpu.memref_slice %arg4[%run_scoped3A_169, %add3A_3, %dma_start3A_198] : memref<5x12544x128xi32, #tpu.memory_space<hbm>> -> memref<1x2x128xi32, #tpu.memory_space<hbm>>
        %dma_start3A_200 = tpu.memref_squeeze %dma_start3A_199 : memref<1x2x128xi32, #tpu.memory_space<hbm>> -> memref<2x128xi32, #tpu.memory_space<hbm>>
        %dma_start3A_201 = arith.constant 0 : i32
        %dma_start3A_202 = arith.constant 0 : i32
        %dma_start3A_203 = tpu.memref_slice %arg15[%run_scoped3A_170, %dma_start3A_201, %dma_start3A_202] : memref<2x2x128xi32, #tpu.memory_space<vmem>> -> memref<1x2x128xi32, #tpu.memory_space<vmem>>
        %dma_start3A_204 = tpu.memref_squeeze %dma_start3A_203 : memref<1x2x128xi32, #tpu.memory_space<vmem>> -> memref<2x128xi32, #tpu.memory_space<vmem>>
        %dma_start3A_205 = arith.constant 0 : i32
        %dma_start3A_206 = tpu.memref_slice %arg4[%run_scoped3A_169, %add3A_3, %dma_start3A_205] : memref<5x12544x128xi32, #tpu.memory_space<hbm>> -> memref<1x2x128xi32, #tpu.memory_space<hbm>>
        %dma_start3A_207 = tpu.memref_squeeze %dma_start3A_206 : memref<1x2x128xi32, #tpu.memory_space<hbm>> -> memref<2x128xi32, #tpu.memory_space<hbm>>
        tpu.enqueue_dma source(%dma_start3A_207 : memref<2x128xi32, #tpu.memory_space<hbm>>) target(%dma_start3A_204 : memref<2x128xi32, #tpu.memory_space<vmem>>) target_semaphore(%run_scoped3A_193 : memref<!tpu.dma_semaphore, #tpu.memory_space<semaphore_mem>>)
        %dma_wait3A = arith.constant 0 : i32
        %dma_wait3A_208 = arith.constant 0 : i32
        %dma_wait3A_209 = tpu.memref_slice %arg15[%run_scoped3A_170, %dma_wait3A, %dma_wait3A_208] : memref<2x2x128xi32, #tpu.memory_space<vmem>> -> memref<1x2x128xi32, #tpu.memory_space<vmem>>
        %dma_wait3A_210 = tpu.memref_squeeze %dma_wait3A_209 : memref<1x2x128xi32, #tpu.memory_space<vmem>> -> memref<2x128xi32, #tpu.memory_space<vmem>>
        %dma_wait3A_211 = arith.constant 0 : i32
        %dma_wait3A_212 = tpu.memref_slice %arg4[%run_scoped3A_169, %add3A_3, %dma_wait3A_211] : memref<5x12544x128xi32, #tpu.memory_space<hbm>> -> memref<1x2x128xi32, #tpu.memory_space<hbm>>
        %dma_wait3A_213 = tpu.memref_squeeze %dma_wait3A_212 : memref<1x2x128xi32, #tpu.memory_space<hbm>> -> memref<2x128xi32, #tpu.memory_space<hbm>>
        %dma_wait3A_214 = arith.constant 0 : i32
        %dma_wait3A_215 = arith.constant 0 : i32
        %dma_wait3A_216 = tpu.memref_slice %arg15[%run_scoped3A_170, %dma_wait3A_214, %dma_wait3A_215] : memref<2x2x128xi32, #tpu.memory_space<vmem>> -> memref<1x2x128xi32, #tpu.memory_space<vmem>>
        %dma_wait3A_217 = tpu.memref_squeeze %dma_wait3A_216 : memref<1x2x128xi32, #tpu.memory_space<vmem>> -> memref<2x128xi32, #tpu.memory_space<vmem>>
        %dma_wait3A_218 = arith.constant 0 : i32
        %dma_wait3A_219 = tpu.memref_slice %arg4[%run_scoped3A_169, %add3A_3, %dma_wait3A_218] : memref<5x12544x128xi32, #tpu.memory_space<hbm>> -> memref<1x2x128xi32, #tpu.memory_space<hbm>>
        %dma_wait3A_220 = tpu.memref_squeeze %dma_wait3A_219 : memref<1x2x128xi32, #tpu.memory_space<hbm>> -> memref<2x128xi32, #tpu.memory_space<hbm>>
        tpu.wait_dma2 semaphore(%run_scoped3A_193 : memref<!tpu.dma_semaphore, #tpu.memory_space<semaphore_mem>>) src(%dma_wait3A_220 : memref<2x128xi32, #tpu.memory_space<hbm>>) dst(%dma_wait3A_217 : memref<2x128xi32, #tpu.memory_space<vmem>>)
        tpu.yield
      }) : () -> ()
      %dma_start3A_171 = arith.constant 0 : i32
      %dma_start3A_172 = arith.constant 0 : i32
      %dma_start3A_173 = arith.constant 0 : i32
      %dma_start3A_174 = arith.constant 0 : i32
      %dma_start3A_175 = tpu.memref_slice %arg18[%dma_start3A_173, %dma_start3A_174] : memref<2x256xf32, #tpu.memory_space<vmem>> -> memref<1x128xf32, #tpu.memory_space<vmem>>
      %dma_start3A_176 = tpu.memref_squeeze %dma_start3A_175 : memref<1x128xf32, #tpu.memory_space<vmem>> -> memref<128xf32, #tpu.memory_space<vmem>>
      %dma_start3A_177 = arith.constant 0 : i32
      %dma_start3A_178 = tpu.memref_slice %arg15[%dma_start3A_171, %dma_start3A_172, %dma_start3A_177] : memref<2x2x128xi32, #tpu.memory_space<vmem>> -> memref<1x1x128xi32, #tpu.memory_space<vmem>>
      %dma_start3A_179 = tpu.memref_squeeze %dma_start3A_178 : memref<1x1x128xi32, #tpu.memory_space<vmem>> -> memref<128xi32, #tpu.memory_space<vmem>>
      %dma_start3A_180 = arith.constant 0 : i32
      %dma_start3A_181 = tpu.memref_slice %arg6[%dma_start3A_180] : memref<50176xf32, #tpu.memory_space<hbm>> -> memref<50176xf32, #tpu.memory_space<hbm>>
      tpu.enqueue_indirect_dma source(%dma_start3A_181 : memref<50176xf32, #tpu.memory_space<hbm>>) target(%dma_start3A_176 : memref<128xf32, #tpu.memory_space<vmem>>) offsets(%dma_start3A_179 : memref<128xi32, #tpu.memory_space<vmem>>) semaphore(%arg21 : memref<!tpu.dma_semaphore, #tpu.memory_space<semaphore_mem>>)
      %dma_start3A_182 = arith.constant 0 : i32
      %dma_start3A_183 = arith.constant 1 : i32
      %dma_start3A_184 = arith.constant 0 : i32
      %dma_start3A_185 = arith.constant 128 : i32
      %dma_start3A_186 = tpu.memref_slice %arg18[%dma_start3A_184, %dma_start3A_185] : memref<2x256xf32, #tpu.memory_space<vmem>> -> memref<1x128xf32, #tpu.memory_space<vmem>>
      %dma_start3A_187 = tpu.memref_squeeze %dma_start3A_186 : memref<1x128xf32, #tpu.memory_space<vmem>> -> memref<128xf32, #tpu.memory_space<vmem>>
      %dma_start3A_188 = arith.constant 0 : i32
      %dma_start3A_189 = tpu.memref_slice %arg15[%dma_start3A_182, %dma_start3A_183, %dma_start3A_188] : memref<2x2x128xi32, #tpu.memory_space<vmem>> -> memref<1x1x128xi32, #tpu.memory_space<vmem>>
      %dma_start3A_190 = tpu.memref_squeeze %dma_start3A_189 : memref<1x1x128xi32, #tpu.memory_space<vmem>> -> memref<128xi32, #tpu.memory_space<vmem>>
      %dma_start3A_191 = arith.constant 0 : i32
      %dma_start3A_192 = tpu.memref_slice %arg6[%dma_start3A_191] : memref<50176xf32, #tpu.memory_space<hbm>> -> memref<50176xf32, #tpu.memory_space<hbm>>
      tpu.enqueue_indirect_dma source(%dma_start3A_192 : memref<50176xf32, #tpu.memory_space<hbm>>) target(%dma_start3A_187 : memref<128xf32, #tpu.memory_space<vmem>>) offsets(%dma_start3A_190 : memref<128xi32, #tpu.memory_space<vmem>>) semaphore(%arg21 : memref<!tpu.dma_semaphore, #tpu.memory_space<semaphore_mem>>)
    } else {
    }
    %mul3A_32 = arith.constant 784 : i32
    %mul3A_33 = arith.muli %arg1, %mul3A_32 : i32
    %add3A_34 = arith.constant 2 : i32
    %add3A_35 = arith.addi %mul3A_33, %add3A_34 : i32
    %run_scoped3A_36 = arith.constant 1 : i32
    "tpu.region"() ({
      %run_scoped3A_169 = tpu.sem_alloc : memref<!tpu.dma_semaphore, #tpu.memory_space<semaphore_mem>>
      %dma_start3A_170 = arith.constant 0 : i32
      %dma_start3A_171 = arith.constant 0 : i32
      %dma_start3A_172 = tpu.memref_slice %arg13[%run_scoped3A_36, %dma_start3A_170, %dma_start3A_171] : memref<2x2x128xi32, #tpu.memory_space<vmem>> -> memref<1x2x128xi32, #tpu.memory_space<vmem>>
      %dma_start3A_173 = tpu.memref_squeeze %dma_start3A_172 : memref<1x2x128xi32, #tpu.memory_space<vmem>> -> memref<2x128xi32, #tpu.memory_space<vmem>>
      %dma_start3A_174 = arith.constant 0 : i32
      %dma_start3A_175 = tpu.memref_slice %arg3[%add3A_35, %dma_start3A_174] : memref<12544x128xi32, #tpu.memory_space<hbm>> -> memref<2x128xi32, #tpu.memory_space<hbm>>
      %dma_start3A_176 = arith.constant 0 : i32
      %dma_start3A_177 = arith.constant 0 : i32
      %dma_start3A_178 = tpu.memref_slice %arg13[%run_scoped3A_36, %dma_start3A_176, %dma_start3A_177] : memref<2x2x128xi32, #tpu.memory_space<vmem>> -> memref<1x2x128xi32, #tpu.memory_space<vmem>>
      %dma_start3A_179 = tpu.memref_squeeze %dma_start3A_178 : memref<1x2x128xi32, #tpu.memory_space<vmem>> -> memref<2x128xi32, #tpu.memory_space<vmem>>
      %dma_start3A_180 = arith.constant 0 : i32
      %dma_start3A_181 = tpu.memref_slice %arg3[%add3A_35, %dma_start3A_180] : memref<12544x128xi32, #tpu.memory_space<hbm>> -> memref<2x128xi32, #tpu.memory_space<hbm>>
      tpu.enqueue_dma source(%dma_start3A_181 : memref<2x128xi32, #tpu.memory_space<hbm>>) target(%dma_start3A_179 : memref<2x128xi32, #tpu.memory_space<vmem>>) target_semaphore(%run_scoped3A_169 : memref<!tpu.dma_semaphore, #tpu.memory_space<semaphore_mem>>)
      %dma_wait3A = arith.constant 0 : i32
      %dma_wait3A_182 = arith.constant 0 : i32
      %dma_wait3A_183 = tpu.memref_slice %arg13[%run_scoped3A_36, %dma_wait3A, %dma_wait3A_182] : memref<2x2x128xi32, #tpu.memory_space<vmem>> -> memref<1x2x128xi32, #tpu.memory_space<vmem>>
      %dma_wait3A_184 = tpu.memref_squeeze %dma_wait3A_183 : memref<1x2x128xi32, #tpu.memory_space<vmem>> -> memref<2x128xi32, #tpu.memory_space<vmem>>
      %dma_wait3A_185 = arith.constant 0 : i32
      %dma_wait3A_186 = tpu.memref_slice %arg3[%add3A_35, %dma_wait3A_185] : memref<12544x128xi32, #tpu.memory_space<hbm>> -> memref<2x128xi32, #tpu.memory_space<hbm>>
      %dma_wait3A_187 = arith.constant 0 : i32
      %dma_wait3A_188 = arith.constant 0 : i32
      %dma_wait3A_189 = tpu.memref_slice %arg13[%run_scoped3A_36, %dma_wait3A_187, %dma_wait3A_188] : memref<2x2x128xi32, #tpu.memory_space<vmem>> -> memref<1x2x128xi32, #tpu.memory_space<vmem>>
      %dma_wait3A_190 = tpu.memref_squeeze %dma_wait3A_189 : memref<1x2x128xi32, #tpu.memory_space<vmem>> -> memref<2x128xi32, #tpu.memory_space<vmem>>
      %dma_wait3A_191 = arith.constant 0 : i32
      %dma_wait3A_192 = tpu.memref_slice %arg3[%add3A_35, %dma_wait3A_191] : memref<12544x128xi32, #tpu.memory_space<hbm>> -> memref<2x128xi32, #tpu.memory_space<hbm>>
      tpu.wait_dma2 semaphore(%run_scoped3A_169 : memref<!tpu.dma_semaphore, #tpu.memory_space<semaphore_mem>>) src(%dma_wait3A_192 : memref<2x128xi32, #tpu.memory_space<hbm>>) dst(%dma_wait3A_190 : memref<2x128xi32, #tpu.memory_space<vmem>>)
      tpu.yield
    }) : () -> ()
    %run_scoped3A_37 = arith.constant 1 : i32
    "tpu.region"() ({
      %run_scoped3A_169 = tpu.sem_alloc : memref<!tpu.dma_semaphore, #tpu.memory_space<semaphore_mem>>
      %dma_start3A_170 = arith.constant 0 : i32
      %dma_start3A_171 = arith.constant 0 : i32
      %dma_start3A_172 = tpu.memref_slice %arg14[%run_scoped3A_37, %dma_start3A_170, %dma_start3A_171] : memref<2x2x128xi32, #tpu.memory_space<vmem>> -> memref<1x2x128xi32, #tpu.memory_space<vmem>>
      %dma_start3A_173 = tpu.memref_squeeze %dma_start3A_172 : memref<1x2x128xi32, #tpu.memory_space<vmem>> -> memref<2x128xi32, #tpu.memory_space<vmem>>
      %dma_start3A_174 = arith.constant 0 : i32
      %dma_start3A_175 = tpu.memref_slice %arg4[%add3A_0, %add3A_35, %dma_start3A_174] : memref<5x12544x128xi32, #tpu.memory_space<hbm>> -> memref<1x2x128xi32, #tpu.memory_space<hbm>>
      %dma_start3A_176 = tpu.memref_squeeze %dma_start3A_175 : memref<1x2x128xi32, #tpu.memory_space<hbm>> -> memref<2x128xi32, #tpu.memory_space<hbm>>
      %dma_start3A_177 = arith.constant 0 : i32
      %dma_start3A_178 = arith.constant 0 : i32
      %dma_start3A_179 = tpu.memref_slice %arg14[%run_scoped3A_37, %dma_start3A_177, %dma_start3A_178] : memref<2x2x128xi32, #tpu.memory_space<vmem>> -> memref<1x2x128xi32, #tpu.memory_space<vmem>>
      %dma_start3A_180 = tpu.memref_squeeze %dma_start3A_179 : memref<1x2x128xi32, #tpu.memory_space<vmem>> -> memref<2x128xi32, #tpu.memory_space<vmem>>
      %dma_start3A_181 = arith.constant 0 : i32
      %dma_start3A_182 = tpu.memref_slice %arg4[%add3A_0, %add3A_35, %dma_start3A_181] : memref<5x12544x128xi32, #tpu.memory_space<hbm>> -> memref<1x2x128xi32, #tpu.memory_space<hbm>>
      %dma_start3A_183 = tpu.memref_squeeze %dma_start3A_182 : memref<1x2x128xi32, #tpu.memory_space<hbm>> -> memref<2x128xi32, #tpu.memory_space<hbm>>
      tpu.enqueue_dma source(%dma_start3A_183 : memref<2x128xi32, #tpu.memory_space<hbm>>) target(%dma_start3A_180 : memref<2x128xi32, #tpu.memory_space<vmem>>) target_semaphore(%run_scoped3A_169 : memref<!tpu.dma_semaphore, #tpu.memory_space<semaphore_mem>>)
      %dma_wait3A = arith.constant 0 : i32
      %dma_wait3A_184 = arith.constant 0 : i32
      %dma_wait3A_185 = tpu.memref_slice %arg14[%run_scoped3A_37, %dma_wait3A, %dma_wait3A_184] : memref<2x2x128xi32, #tpu.memory_space<vmem>> -> memref<1x2x128xi32, #tpu.memory_space<vmem>>
      %dma_wait3A_186 = tpu.memref_squeeze %dma_wait3A_185 : memref<1x2x128xi32, #tpu.memory_space<vmem>> -> memref<2x128xi32, #tpu.memory_space<vmem>>
      %dma_wait3A_187 = arith.constant 0 : i32
      %dma_wait3A_188 = tpu.memref_slice %arg4[%add3A_0, %add3A_35, %dma_wait3A_187] : memref<5x12544x128xi32, #tpu.memory_space<hbm>> -> memref<1x2x128xi32, #tpu.memory_space<hbm>>
      %dma_wait3A_189 = tpu.memref_squeeze %dma_wait3A_188 : memref<1x2x128xi32, #tpu.memory_space<hbm>> -> memref<2x128xi32, #tpu.memory_space<hbm>>
      %dma_wait3A_190 = arith.constant 0 : i32
      %dma_wait3A_191 = arith.constant 0 : i32
      %dma_wait3A_192 = tpu.memref_slice %arg14[%run_scoped3A_37, %dma_wait3A_190, %dma_wait3A_191] : memref<2x2x128xi32, #tpu.memory_space<vmem>> -> memref<1x2x128xi32, #tpu.memory_space<vmem>>
      %dma_wait3A_193 = tpu.memref_squeeze %dma_wait3A_192 : memref<1x2x128xi32, #tpu.memory_space<vmem>> -> memref<2x128xi32, #tpu.memory_space<vmem>>
      %dma_wait3A_194 = arith.constant 0 : i32
      %dma_wait3A_195 = tpu.memref_slice %arg4[%add3A_0, %add3A_35, %dma_wait3A_194] : memref<5x12544x128xi32, #tpu.memory_space<hbm>> -> memref<1x2x128xi32, #tpu.memory_space<hbm>>
      %dma_wait3A_196 = tpu.memref_squeeze %dma_wait3A_195 : memref<1x2x128xi32, #tpu.memory_space<hbm>> -> memref<2x128xi32, #tpu.memory_space<hbm>>
      tpu.wait_dma2 semaphore(%run_scoped3A_169 : memref<!tpu.dma_semaphore, #tpu.memory_space<semaphore_mem>>) src(%dma_wait3A_196 : memref<2x128xi32, #tpu.memory_space<hbm>>) dst(%dma_wait3A_193 : memref<2x128xi32, #tpu.memory_space<vmem>>)
      tpu.yield
    }) : () -> ()
    %dma_start3A_38 = arith.constant 1 : i32
    %dma_start3A_39 = arith.constant 0 : i32
    %dma_start3A_40 = arith.constant 1 : i32
    %dma_start3A_41 = arith.constant 0 : i32
    %dma_start3A_42 = arith.constant 0 : i32
    %dma_start3A_43 = tpu.memref_slice %arg16[%dma_start3A_40, %dma_start3A_41, %dma_start3A_42] : memref<2x256x32xf32, #tpu.memory_space<vmem>> -> memref<1x128x32xf32, #tpu.memory_space<vmem>>
    %dma_start3A_44 = tpu.memref_squeeze %dma_start3A_43 : memref<1x128x32xf32, #tpu.memory_space<vmem>> -> memref<128x32xf32, #tpu.memory_space<vmem>>
    %dma_start3A_45 = arith.constant 0 : i32
    %dma_start3A_46 = tpu.memref_slice %arg14[%dma_start3A_38, %dma_start3A_39, %dma_start3A_45] : memref<2x2x128xi32, #tpu.memory_space<vmem>> -> memref<1x1x128xi32, #tpu.memory_space<vmem>>
    %dma_start3A_47 = tpu.memref_squeeze %dma_start3A_46 : memref<1x1x128xi32, #tpu.memory_space<vmem>> -> memref<128xi32, #tpu.memory_space<vmem>>
    %dma_start3A_48 = arith.constant 0 : i32
    %dma_start3A_49 = arith.constant 0 : i32
    %dma_start3A_50 = tpu.memref_slice %arg2[%dma_start3A_48, %dma_start3A_49] : memref<200704x32xf32, #tpu.memory_space<hbm>> -> memref<200704x32xf32, #tpu.memory_space<hbm>>
    tpu.enqueue_indirect_dma source(%dma_start3A_50 : memref<200704x32xf32, #tpu.memory_space<hbm>>) target(%dma_start3A_44 : memref<128x32xf32, #tpu.memory_space<vmem>>) offsets(%dma_start3A_47 : memref<128xi32, #tpu.memory_space<vmem>>) semaphore(%arg20 : memref<!tpu.dma_semaphore, #tpu.memory_space<semaphore_mem>>)
    %dma_start3A_51 = arith.constant 1 : i32
    %dma_start3A_52 = arith.constant 1 : i32
    %dma_start3A_53 = arith.constant 1 : i32
    %dma_start3A_54 = arith.constant 128 : i32
    %dma_start3A_55 = arith.constant 0 : i32
    %dma_start3A_56 = tpu.memref_slice %arg16[%dma_start3A_53, %dma_start3A_54, %dma_start3A_55] : memref<2x256x32xf32, #tpu.memory_space<vmem>> -> memref<1x128x32xf32, #tpu.memory_space<vmem>>
    %dma_start3A_57 = tpu.memref_squeeze %dma_start3A_56 : memref<1x128x32xf32, #tpu.memory_space<vmem>> -> memref<128x32xf32, #tpu.memory_space<vmem>>
    %dma_start3A_58 = arith.constant 0 : i32
    %dma_start3A_59 = tpu.memref_slice %arg14[%dma_start3A_51, %dma_start3A_52, %dma_start3A_58] : memref<2x2x128xi32, #tpu.memory_space<vmem>> -> memref<1x1x128xi32, #tpu.memory_space<vmem>>
    %dma_start3A_60 = tpu.memref_squeeze %dma_start3A_59 : memref<1x1x128xi32, #tpu.memory_space<vmem>> -> memref<128xi32, #tpu.memory_space<vmem>>
    %dma_start3A_61 = arith.constant 0 : i32
    %dma_start3A_62 = arith.constant 0 : i32
    %dma_start3A_63 = tpu.memref_slice %arg2[%dma_start3A_61, %dma_start3A_62] : memref<200704x32xf32, #tpu.memory_space<hbm>> -> memref<200704x32xf32, #tpu.memory_space<hbm>>
    tpu.enqueue_indirect_dma source(%dma_start3A_63 : memref<200704x32xf32, #tpu.memory_space<hbm>>) target(%dma_start3A_57 : memref<128x32xf32, #tpu.memory_space<vmem>>) offsets(%dma_start3A_60 : memref<128xi32, #tpu.memory_space<vmem>>) semaphore(%arg20 : memref<!tpu.dma_semaphore, #tpu.memory_space<semaphore_mem>>)
    %eq3A_64 = arith.constant 1 : i32
    %eq3A_65 = arith.cmpi eq, %arg0, %eq3A_64 : i32
    %convert_element_type3A_66 = arith.extui %eq3A_65 : i1 to i32
    %cond3A_67 = arith.constant 0 : i32
    %cond3A_68 = arith.cmpi ne, %convert_element_type3A_66, %cond3A_67 : i32
    scf.if %cond3A_68 {
      %run_scoped3A_169 = arith.constant 4 : i32
      %run_scoped3A_170 = arith.constant 1 : i32
      "tpu.region"() ({
        %run_scoped3A_193 = tpu.sem_alloc : memref<!tpu.dma_semaphore, #tpu.memory_space<semaphore_mem>>
        %dma_start3A_194 = arith.constant 0 : i32
        %dma_start3A_195 = arith.constant 0 : i32
        %dma_start3A_196 = tpu.memref_slice %arg15[%run_scoped3A_170, %dma_start3A_194, %dma_start3A_195] : memref<2x2x128xi32, #tpu.memory_space<vmem>> -> memref<1x2x128xi32, #tpu.memory_space<vmem>>
        %dma_start3A_197 = tpu.memref_squeeze %dma_start3A_196 : memref<1x2x128xi32, #tpu.memory_space<vmem>> -> memref<2x128xi32, #tpu.memory_space<vmem>>
        %dma_start3A_198 = arith.constant 0 : i32
        %dma_start3A_199 = tpu.memref_slice %arg4[%run_scoped3A_169, %add3A_35, %dma_start3A_198] : memref<5x12544x128xi32, #tpu.memory_space<hbm>> -> memref<1x2x128xi32, #tpu.memory_space<hbm>>
        %dma_start3A_200 = tpu.memref_squeeze %dma_start3A_199 : memref<1x2x128xi32, #tpu.memory_space<hbm>> -> memref<2x128xi32, #tpu.memory_space<hbm>>
        %dma_start3A_201 = arith.constant 0 : i32
        %dma_start3A_202 = arith.constant 0 : i32
        %dma_start3A_203 = tpu.memref_slice %arg15[%run_scoped3A_170, %dma_start3A_201, %dma_start3A_202] : memref<2x2x128xi32, #tpu.memory_space<vmem>> -> memref<1x2x128xi32, #tpu.memory_space<vmem>>
        %dma_start3A_204 = tpu.memref_squeeze %dma_start3A_203 : memref<1x2x128xi32, #tpu.memory_space<vmem>> -> memref<2x128xi32, #tpu.memory_space<vmem>>
        %dma_start3A_205 = arith.constant 0 : i32
        %dma_start3A_206 = tpu.memref_slice %arg4[%run_scoped3A_169, %add3A_35, %dma_start3A_205] : memref<5x12544x128xi32, #tpu.memory_space<hbm>> -> memref<1x2x128xi32, #tpu.memory_space<hbm>>
        %dma_start3A_207 = tpu.memref_squeeze %dma_start3A_206 : memref<1x2x128xi32, #tpu.memory_space<hbm>> -> memref<2x128xi32, #tpu.memory_space<hbm>>
        tpu.enqueue_dma source(%dma_start3A_207 : memref<2x128xi32, #tpu.memory_space<hbm>>) target(%dma_start3A_204 : memref<2x128xi32, #tpu.memory_space<vmem>>) target_semaphore(%run_scoped3A_193 : memref<!tpu.dma_semaphore, #tpu.memory_space<semaphore_mem>>)
        %dma_wait3A = arith.constant 0 : i32
        %dma_wait3A_208 = arith.constant 0 : i32
        %dma_wait3A_209 = tpu.memref_slice %arg15[%run_scoped3A_170, %dma_wait3A, %dma_wait3A_208] : memref<2x2x128xi32, #tpu.memory_space<vmem>> -> memref<1x2x128xi32, #tpu.memory_space<vmem>>
        %dma_wait3A_210 = tpu.memref_squeeze %dma_wait3A_209 : memref<1x2x128xi32, #tpu.memory_space<vmem>> -> memref<2x128xi32, #tpu.memory_space<vmem>>
        %dma_wait3A_211 = arith.constant 0 : i32
        %dma_wait3A_212 = tpu.memref_slice %arg4[%run_scoped3A_169, %add3A_35, %dma_wait3A_211] : memref<5x12544x128xi32, #tpu.memory_space<hbm>> -> memref<1x2x128xi32, #tpu.memory_space<hbm>>
        %dma_wait3A_213 = tpu.memref_squeeze %dma_wait3A_212 : memref<1x2x128xi32, #tpu.memory_space<hbm>> -> memref<2x128xi32, #tpu.memory_space<hbm>>
        %dma_wait3A_214 = arith.constant 0 : i32
        %dma_wait3A_215 = arith.constant 0 : i32
        %dma_wait3A_216 = tpu.memref_slice %arg15[%run_scoped3A_170, %dma_wait3A_214, %dma_wait3A_215] : memref<2x2x128xi32, #tpu.memory_space<vmem>> -> memref<1x2x128xi32, #tpu.memory_space<vmem>>
        %dma_wait3A_217 = tpu.memref_squeeze %dma_wait3A_216 : memref<1x2x128xi32, #tpu.memory_space<vmem>> -> memref<2x128xi32, #tpu.memory_space<vmem>>
        %dma_wait3A_218 = arith.constant 0 : i32
        %dma_wait3A_219 = tpu.memref_slice %arg4[%run_scoped3A_169, %add3A_35, %dma_wait3A_218] : memref<5x12544x128xi32, #tpu.memory_space<hbm>> -> memref<1x2x128xi32, #tpu.memory_space<hbm>>
        %dma_wait3A_220 = tpu.memref_squeeze %dma_wait3A_219 : memref<1x2x128xi32, #tpu.memory_space<hbm>> -> memref<2x128xi32, #tpu.memory_space<hbm>>
        tpu.wait_dma2 semaphore(%run_scoped3A_193 : memref<!tpu.dma_semaphore, #tpu.memory_space<semaphore_mem>>) src(%dma_wait3A_220 : memref<2x128xi32, #tpu.memory_space<hbm>>) dst(%dma_wait3A_217 : memref<2x128xi32, #tpu.memory_space<vmem>>)
        tpu.yield
      }) : () -> ()
      %dma_start3A_171 = arith.constant 1 : i32
      %dma_start3A_172 = arith.constant 0 : i32
      %dma_start3A_173 = arith.constant 1 : i32
      %dma_start3A_174 = arith.constant 0 : i32
      %dma_start3A_175 = tpu.memref_slice %arg18[%dma_start3A_173, %dma_start3A_174] : memref<2x256xf32, #tpu.memory_space<vmem>> -> memref<1x128xf32, #tpu.memory_space<vmem>>
      %dma_start3A_176 = tpu.memref_squeeze %dma_start3A_175 : memref<1x128xf32, #tpu.memory_space<vmem>> -> memref<128xf32, #tpu.memory_space<vmem>>
      %dma_start3A_177 = arith.constant 0 : i32
      %dma_start3A_178 = tpu.memref_slice %arg15[%dma_start3A_171, %dma_start3A_172, %dma_start3A_177] : memref<2x2x128xi32, #tpu.memory_space<vmem>> -> memref<1x1x128xi32, #tpu.memory_space<vmem>>
      %dma_start3A_179 = tpu.memref_squeeze %dma_start3A_178 : memref<1x1x128xi32, #tpu.memory_space<vmem>> -> memref<128xi32, #tpu.memory_space<vmem>>
      %dma_start3A_180 = arith.constant 0 : i32
      %dma_start3A_181 = tpu.memref_slice %arg6[%dma_start3A_180] : memref<50176xf32, #tpu.memory_space<hbm>> -> memref<50176xf32, #tpu.memory_space<hbm>>
      tpu.enqueue_indirect_dma source(%dma_start3A_181 : memref<50176xf32, #tpu.memory_space<hbm>>) target(%dma_start3A_176 : memref<128xf32, #tpu.memory_space<vmem>>) offsets(%dma_start3A_179 : memref<128xi32, #tpu.memory_space<vmem>>) semaphore(%arg22 : memref<!tpu.dma_semaphore, #tpu.memory_space<semaphore_mem>>)
      %dma_start3A_182 = arith.constant 1 : i32
      %dma_start3A_183 = arith.constant 1 : i32
      %dma_start3A_184 = arith.constant 1 : i32
      %dma_start3A_185 = arith.constant 128 : i32
      %dma_start3A_186 = tpu.memref_slice %arg18[%dma_start3A_184, %dma_start3A_185] : memref<2x256xf32, #tpu.memory_space<vmem>> -> memref<1x128xf32, #tpu.memory_space<vmem>>
      %dma_start3A_187 = tpu.memref_squeeze %dma_start3A_186 : memref<1x128xf32, #tpu.memory_space<vmem>> -> memref<128xf32, #tpu.memory_space<vmem>>
      %dma_start3A_188 = arith.constant 0 : i32
      %dma_start3A_189 = tpu.memref_slice %arg15[%dma_start3A_182, %dma_start3A_183, %dma_start3A_188] : memref<2x2x128xi32, #tpu.memory_space<vmem>> -> memref<1x1x128xi32, #tpu.memory_space<vmem>>
      %dma_start3A_190 = tpu.memref_squeeze %dma_start3A_189 : memref<1x1x128xi32, #tpu.memory_space<vmem>> -> memref<128xi32, #tpu.memory_space<vmem>>
      %dma_start3A_191 = arith.constant 0 : i32
      %dma_start3A_192 = tpu.memref_slice %arg6[%dma_start3A_191] : memref<50176xf32, #tpu.memory_space<hbm>> -> memref<50176xf32, #tpu.memory_space<hbm>>
      tpu.enqueue_indirect_dma source(%dma_start3A_192 : memref<50176xf32, #tpu.memory_space<hbm>>) target(%dma_start3A_187 : memref<128xf32, #tpu.memory_space<vmem>>) offsets(%dma_start3A_190 : memref<128xi32, #tpu.memory_space<vmem>>) semaphore(%arg22 : memref<!tpu.dma_semaphore, #tpu.memory_space<semaphore_mem>>)
    } else {
    }
    %mul3A_69 = arith.constant 3136 : i32
    %mul3A_70 = arith.muli %arg1, %mul3A_69 : i32
    "tpu.region"() ({
      %run_scoped3A_169 = tpu.sem_alloc : memref<!tpu.dma_semaphore, #tpu.memory_space<semaphore_mem>>
      %dma_start3A_170 = arith.constant 0 : i32
      %dma_start3A_171 = tpu.memref_slice %arg11[%mul3A_70, %dma_start3A_170] : memref<50176x32xf32, #tpu.memory_space<vmem_shared>> -> memref<3136x32xf32, #tpu.memory_space<vmem_shared>>
      tpu.enqueue_dma source(%arg7 : memref<3136x32xf32, #tpu.memory_space<hbm>>) target(%dma_start3A_171 : memref<3136x32xf32, #tpu.memory_space<vmem_shared>>) target_semaphore(%run_scoped3A_169 : memref<!tpu.dma_semaphore, #tpu.memory_space<semaphore_mem>>)
      %dma_wait3A = arith.constant 0 : i32
      %dma_wait3A_172 = tpu.memref_slice %arg11[%mul3A_70, %dma_wait3A] : memref<50176x32xf32, #tpu.memory_space<vmem_shared>> -> memref<3136x32xf32, #tpu.memory_space<vmem_shared>>
      tpu.wait_dma2 semaphore(%run_scoped3A_169 : memref<!tpu.dma_semaphore, #tpu.memory_space<semaphore_mem>>) src(%arg7 : memref<3136x32xf32, #tpu.memory_space<hbm>>) dst(%dma_wait3A_172 : memref<3136x32xf32, #tpu.memory_space<vmem_shared>>)
      tpu.yield
    }) : () -> ()
    %mul3A_71 = arith.constant 3136 : i32
    %mul3A_72 = arith.muli %arg1, %mul3A_71 : i32
    "tpu.region"() ({
      %run_scoped3A_169 = tpu.sem_alloc : memref<!tpu.dma_semaphore, #tpu.memory_space<semaphore_mem>>
      %dma_start3A_170 = tpu.memref_slice %arg12[%mul3A_72] : memref<50176xf32, #tpu.memory_space<vmem_shared>> -> memref<3136xf32, #tpu.memory_space<vmem_shared>>
      tpu.enqueue_dma source(%arg8 : memref<3136xf32, #tpu.memory_space<hbm>>) target(%dma_start3A_170 : memref<3136xf32, #tpu.memory_space<vmem_shared>>) target_semaphore(%run_scoped3A_169 : memref<!tpu.dma_semaphore, #tpu.memory_space<semaphore_mem>>)
      %dma_wait3A = tpu.memref_slice %arg12[%mul3A_72] : memref<50176xf32, #tpu.memory_space<vmem_shared>> -> memref<3136xf32, #tpu.memory_space<vmem_shared>>
      tpu.wait_dma2 semaphore(%run_scoped3A_169 : memref<!tpu.dma_semaphore, #tpu.memory_space<semaphore_mem>>) src(%arg8 : memref<3136xf32, #tpu.memory_space<hbm>>) dst(%dma_wait3A : memref<3136xf32, #tpu.memory_space<vmem_shared>>)
      tpu.yield
    }) : () -> ()
    %barrier3A = arith.constant 0 : index
    tpu.barrier barrier_id(%barrier3A)
    %scan3A = arith.constant 0 : i32
    %scan3A_73 = arith.constant 0 : i32
    %scan3A_74 = arith.constant 196 : i32
    %scan3A_75 = arith.addi %scan3A_73, %scan3A_74 : i32
    %scan3A_76 = arith.constant 1 : i32
    scf.for %scan3A_169 = %scan3A_73 to %scan3A_75 step %scan3A_76  : i32 {
      %mul3A_170 = arith.constant 2 : i32
      %mul3A_171 = arith.muli %mul3A_170, %scan3A_169 : i32
      %dma_wait3A = arith.constant 0 : i32
      %dma_wait3A_172 = arith.constant 0 : i32
      %dma_wait3A_173 = arith.constant 0 : i32
      %dma_wait3A_174 = tpu.memref_slice %arg16[%dma_wait3A, %dma_wait3A_172, %dma_wait3A_173] : memref<2x256x32xf32, #tpu.memory_space<vmem>> -> memref<1x256x32xf32, #tpu.memory_space<vmem>>
      %dma_wait3A_175 = tpu.memref_squeeze %dma_wait3A_174 : memref<1x256x32xf32, #tpu.memory_space<vmem>> -> memref<256x32xf32, #tpu.memory_space<vmem>>
      %dma_wait3A_176 = arith.constant 0 : i32
      %dma_wait3A_177 = arith.constant 0 : i32
      %dma_wait3A_178 = tpu.memref_slice %arg2[%dma_wait3A_176, %dma_wait3A_177] : memref<200704x32xf32, #tpu.memory_space<hbm>> -> memref<256x32xf32, #tpu.memory_space<hbm>>
      %dma_wait3A_179 = arith.constant 0 : i32
      %dma_wait3A_180 = arith.constant 0 : i32
      %dma_wait3A_181 = tpu.memref_slice %arg16[%dma_wait3A, %dma_wait3A_179, %dma_wait3A_180] : memref<2x256x32xf32, #tpu.memory_space<vmem>> -> memref<1x256x32xf32, #tpu.memory_space<vmem>>
      %dma_wait3A_182 = tpu.memref_squeeze %dma_wait3A_181 : memref<1x256x32xf32, #tpu.memory_space<vmem>> -> memref<256x32xf32, #tpu.memory_space<vmem>>
      %dma_wait3A_183 = arith.constant 0 : i32
      %dma_wait3A_184 = arith.constant 0 : i32
      %dma_wait3A_185 = tpu.memref_slice %arg2[%dma_wait3A_183, %dma_wait3A_184] : memref<200704x32xf32, #tpu.memory_space<hbm>> -> memref<256x32xf32, #tpu.memory_space<hbm>>
      tpu.wait_dma2 semaphore(%arg19 : memref<!tpu.dma_semaphore, #tpu.memory_space<semaphore_mem>>) src(%dma_wait3A_185 : memref<256x32xf32, #tpu.memory_space<hbm>>) dst(%dma_wait3A_182 : memref<256x32xf32, #tpu.memory_space<vmem>>)
      %run_scoped3A_186 = arith.constant 0 : i32
      %run_scoped3A_187 = arith.constant 0 : i32
      %run_scoped3A_188 = arith.constant 0 : i32
      "tpu.region"() ({
        %run_scoped3A_240 = tpu.sem_alloc : memref<!tpu.dma_semaphore, #tpu.memory_space<semaphore_mem>>
        %dma_start3A_241 = arith.constant 0 : i32
        %dma_start3A_242 = arith.constant 0 : i32
        %dma_start3A_243 = tpu.memref_slice %arg16[%run_scoped3A_186, %dma_start3A_241, %dma_start3A_242] : memref<2x256x32xf32, #tpu.memory_space<vmem>> -> memref<1x128x32xf32, #tpu.memory_space<vmem>>
        %dma_start3A_244 = tpu.memref_squeeze %dma_start3A_243 : memref<1x128x32xf32, #tpu.memory_space<vmem>> -> memref<128x32xf32, #tpu.memory_space<vmem>>
        %dma_start3A_245 = arith.constant 0 : i32
        %dma_start3A_246 = tpu.memref_slice %arg13[%run_scoped3A_187, %run_scoped3A_188, %dma_start3A_245] : memref<2x2x128xi32, #tpu.memory_space<vmem>> -> memref<1x1x128xi32, #tpu.memory_space<vmem>>
        %dma_start3A_247 = tpu.memref_squeeze %dma_start3A_246 : memref<1x1x128xi32, #tpu.memory_space<vmem>> -> memref<128xi32, #tpu.memory_space<vmem>>
        %dma_start3A_248 = arith.constant 0 : i32
        %dma_start3A_249 = arith.constant 0 : i32
        %dma_start3A_250 = tpu.memref_slice %arg11[%dma_start3A_248, %dma_start3A_249] : memref<50176x32xf32, #tpu.memory_space<vmem_shared>> -> memref<50176x32xf32, #tpu.memory_space<vmem_shared>>
        tpu.enqueue_indirect_dma source(%dma_start3A_244 : memref<128x32xf32, #tpu.memory_space<vmem>>) target(%dma_start3A_250 : memref<50176x32xf32, #tpu.memory_space<vmem_shared>>) offsets(%dma_start3A_247 : memref<128xi32, #tpu.memory_space<vmem>>) semaphore(%run_scoped3A_240 : memref<!tpu.dma_semaphore, #tpu.memory_space<semaphore_mem>>) {add = true}
        %dma_wait3A_251 = arith.constant 0 : i32
        %dma_wait3A_252 = arith.constant 0 : i32
        %dma_wait3A_253 = tpu.memref_slice %arg16[%run_scoped3A_186, %dma_wait3A_251, %dma_wait3A_252] : memref<2x256x32xf32, #tpu.memory_space<vmem>> -> memref<1x128x32xf32, #tpu.memory_space<vmem>>
        %dma_wait3A_254 = tpu.memref_squeeze %dma_wait3A_253 : memref<1x128x32xf32, #tpu.memory_space<vmem>> -> memref<128x32xf32, #tpu.memory_space<vmem>>
        %dma_wait3A_255 = arith.constant 0 : i32
        %dma_wait3A_256 = tpu.memref_slice %arg13[%run_scoped3A_187, %run_scoped3A_188, %dma_wait3A_255] : memref<2x2x128xi32, #tpu.memory_space<vmem>> -> memref<1x1x128xi32, #tpu.memory_space<vmem>>
        %dma_wait3A_257 = tpu.memref_squeeze %dma_wait3A_256 : memref<1x1x128xi32, #tpu.memory_space<vmem>> -> memref<128xi32, #tpu.memory_space<vmem>>
        %dma_wait3A_258 = arith.constant 0 : i32
        %dma_wait3A_259 = arith.constant 0 : i32
        %dma_wait3A_260 = tpu.memref_slice %arg11[%dma_wait3A_258, %dma_wait3A_259] : memref<50176x32xf32, #tpu.memory_space<vmem_shared>> -> memref<50176x32xf32, #tpu.memory_space<vmem_shared>>
        tpu.wait_indirect_dma semaphore(%run_scoped3A_240 : memref<!tpu.dma_semaphore, #tpu.memory_space<semaphore_mem>>) src(%dma_wait3A_254 : memref<128x32xf32, #tpu.memory_space<vmem>>) dst(%dma_wait3A_260 : memref<50176x32xf32, #tpu.memory_space<vmem_shared>>)
        tpu.yield
      }) : () -> ()
      %run_scoped3A_189 = arith.constant 0 : i32
      %run_scoped3A_190 = arith.constant 0 : i32
      %run_scoped3A_191 = arith.constant 1 : i32
      "tpu.region"() ({
        %run_scoped3A_240 = tpu.sem_alloc : memref<!tpu.dma_semaphore, #tpu.memory_space<semaphore_mem>>
        %dma_start3A_241 = arith.constant 128 : i32
        %dma_start3A_242 = arith.constant 0 : i32
        %dma_start3A_243 = tpu.memref_slice %arg16[%run_scoped3A_189, %dma_start3A_241, %dma_start3A_242] : memref<2x256x32xf32, #tpu.memory_space<vmem>> -> memref<1x128x32xf32, #tpu.memory_space<vmem>>
        %dma_start3A_244 = tpu.memref_squeeze %dma_start3A_243 : memref<1x128x32xf32, #tpu.memory_space<vmem>> -> memref<128x32xf32, #tpu.memory_space<vmem>>
        %dma_start3A_245 = arith.constant 0 : i32
        %dma_start3A_246 = tpu.memref_slice %arg13[%run_scoped3A_190, %run_scoped3A_191, %dma_start3A_245] : memref<2x2x128xi32, #tpu.memory_space<vmem>> -> memref<1x1x128xi32, #tpu.memory_space<vmem>>
        %dma_start3A_247 = tpu.memref_squeeze %dma_start3A_246 : memref<1x1x128xi32, #tpu.memory_space<vmem>> -> memref<128xi32, #tpu.memory_space<vmem>>
        %dma_start3A_248 = arith.constant 0 : i32
        %dma_start3A_249 = arith.constant 0 : i32
        %dma_start3A_250 = tpu.memref_slice %arg11[%dma_start3A_248, %dma_start3A_249] : memref<50176x32xf32, #tpu.memory_space<vmem_shared>> -> memref<50176x32xf32, #tpu.memory_space<vmem_shared>>
        tpu.enqueue_indirect_dma source(%dma_start3A_244 : memref<128x32xf32, #tpu.memory_space<vmem>>) target(%dma_start3A_250 : memref<50176x32xf32, #tpu.memory_space<vmem_shared>>) offsets(%dma_start3A_247 : memref<128xi32, #tpu.memory_space<vmem>>) semaphore(%run_scoped3A_240 : memref<!tpu.dma_semaphore, #tpu.memory_space<semaphore_mem>>) {add = true}
        %dma_wait3A_251 = arith.constant 128 : i32
        %dma_wait3A_252 = arith.constant 0 : i32
        %dma_wait3A_253 = tpu.memref_slice %arg16[%run_scoped3A_189, %dma_wait3A_251, %dma_wait3A_252] : memref<2x256x32xf32, #tpu.memory_space<vmem>> -> memref<1x128x32xf32, #tpu.memory_space<vmem>>
        %dma_wait3A_254 = tpu.memref_squeeze %dma_wait3A_253 : memref<1x128x32xf32, #tpu.memory_space<vmem>> -> memref<128x32xf32, #tpu.memory_space<vmem>>
        %dma_wait3A_255 = arith.constant 0 : i32
        %dma_wait3A_256 = tpu.memref_slice %arg13[%run_scoped3A_190, %run_scoped3A_191, %dma_wait3A_255] : memref<2x2x128xi32, #tpu.memory_space<vmem>> -> memref<1x1x128xi32, #tpu.memory_space<vmem>>
        %dma_wait3A_257 = tpu.memref_squeeze %dma_wait3A_256 : memref<1x1x128xi32, #tpu.memory_space<vmem>> -> memref<128xi32, #tpu.memory_space<vmem>>
        %dma_wait3A_258 = arith.constant 0 : i32
        %dma_wait3A_259 = arith.constant 0 : i32
        %dma_wait3A_260 = tpu.memref_slice %arg11[%dma_wait3A_258, %dma_wait3A_259] : memref<50176x32xf32, #tpu.memory_space<vmem_shared>> -> memref<50176x32xf32, #tpu.memory_space<vmem_shared>>
        tpu.wait_indirect_dma semaphore(%run_scoped3A_240 : memref<!tpu.dma_semaphore, #tpu.memory_space<semaphore_mem>>) src(%dma_wait3A_254 : memref<128x32xf32, #tpu.memory_space<vmem>>) dst(%dma_wait3A_260 : memref<50176x32xf32, #tpu.memory_space<vmem_shared>>)
        tpu.yield
      }) : () -> ()
      %eq3A_192 = arith.constant 0 : i32
      %eq3A_193 = arith.cmpi eq, %arg0, %eq3A_192 : i32
      %convert_element_type3A_194 = arith.extui %eq3A_193 : i1 to i32
      %cond3A_195 = arith.constant 0 : i32
      %cond3A_196 = arith.cmpi ne, %convert_element_type3A_194, %cond3A_195 : i32
      scf.if %cond3A_196 {
        %dma_wait3A_240 = arith.constant 0 : i32
        %dma_wait3A_241 = arith.constant 0 : i32
        %dma_wait3A_242 = tpu.memref_slice %arg18[%dma_wait3A_240, %dma_wait3A_241] : memref<2x256xf32, #tpu.memory_space<vmem>> -> memref<1x256xf32, #tpu.memory_space<vmem>>
        %dma_wait3A_243 = tpu.memref_squeeze %dma_wait3A_242 : memref<1x256xf32, #tpu.memory_space<vmem>> -> memref<256xf32, #tpu.memory_space<vmem>>
        %dma_wait3A_244 = arith.constant 0 : i32
        %dma_wait3A_245 = tpu.memref_slice %arg6[%dma_wait3A_244] : memref<50176xf32, #tpu.memory_space<hbm>> -> memref<256xf32, #tpu.memory_space<hbm>>
        %dma_wait3A_246 = arith.constant 0 : i32
        %dma_wait3A_247 = tpu.memref_slice %arg18[%dma_wait3A_240, %dma_wait3A_246] : memref<2x256xf32, #tpu.memory_space<vmem>> -> memref<1x256xf32, #tpu.memory_space<vmem>>
        %dma_wait3A_248 = tpu.memref_squeeze %dma_wait3A_247 : memref<1x256xf32, #tpu.memory_space<vmem>> -> memref<256xf32, #tpu.memory_space<vmem>>
        %dma_wait3A_249 = arith.constant 0 : i32
        %dma_wait3A_250 = tpu.memref_slice %arg6[%dma_wait3A_249] : memref<50176xf32, #tpu.memory_space<hbm>> -> memref<256xf32, #tpu.memory_space<hbm>>
        tpu.wait_dma2 semaphore(%arg21 : memref<!tpu.dma_semaphore, #tpu.memory_space<semaphore_mem>>) src(%dma_wait3A_250 : memref<256xf32, #tpu.memory_space<hbm>>) dst(%dma_wait3A_248 : memref<256xf32, #tpu.memory_space<vmem>>)
        %run_scoped3A_251 = arith.constant 0 : i32
        %run_scoped3A_252 = arith.constant 0 : i32
        %run_scoped3A_253 = arith.constant 0 : i32
        "tpu.region"() ({
          %run_scoped3A_257 = tpu.sem_alloc : memref<!tpu.dma_semaphore, #tpu.memory_space<semaphore_mem>>
          %dma_start3A_258 = arith.constant 0 : i32
          %dma_start3A_259 = tpu.memref_slice %arg18[%run_scoped3A_251, %dma_start3A_258] : memref<2x256xf32, #tpu.memory_space<vmem>> -> memref<1x128xf32, #tpu.memory_space<vmem>>
          %dma_start3A_260 = tpu.memref_squeeze %dma_start3A_259 : memref<1x128xf32, #tpu.memory_space<vmem>> -> memref<128xf32, #tpu.memory_space<vmem>>
          %dma_start3A_261 = arith.constant 0 : i32
          %dma_start3A_262 = tpu.memref_slice %arg13[%run_scoped3A_252, %run_scoped3A_253, %dma_start3A_261] : memref<2x2x128xi32, #tpu.memory_space<vmem>> -> memref<1x1x128xi32, #tpu.memory_space<vmem>>
          %dma_start3A_263 = tpu.memref_squeeze %dma_start3A_262 : memref<1x1x128xi32, #tpu.memory_space<vmem>> -> memref<128xi32, #tpu.memory_space<vmem>>
          %dma_start3A_264 = arith.constant 0 : i32
          %dma_start3A_265 = tpu.memref_slice %arg12[%dma_start3A_264] : memref<50176xf32, #tpu.memory_space<vmem_shared>> -> memref<50176xf32, #tpu.memory_space<vmem_shared>>
          tpu.enqueue_indirect_dma source(%dma_start3A_260 : memref<128xf32, #tpu.memory_space<vmem>>) target(%dma_start3A_265 : memref<50176xf32, #tpu.memory_space<vmem_shared>>) offsets(%dma_start3A_263 : memref<128xi32, #tpu.memory_space<vmem>>) semaphore(%run_scoped3A_257 : memref<!tpu.dma_semaphore, #tpu.memory_space<semaphore_mem>>) {add = true}
          %dma_wait3A_266 = arith.constant 0 : i32
          %dma_wait3A_267 = tpu.memref_slice %arg18[%run_scoped3A_251, %dma_wait3A_266] : memref<2x256xf32, #tpu.memory_space<vmem>> -> memref<1x128xf32, #tpu.memory_space<vmem>>
          %dma_wait3A_268 = tpu.memref_squeeze %dma_wait3A_267 : memref<1x128xf32, #tpu.memory_space<vmem>> -> memref<128xf32, #tpu.memory_space<vmem>>
          %dma_wait3A_269 = arith.constant 0 : i32
          %dma_wait3A_270 = tpu.memref_slice %arg13[%run_scoped3A_252, %run_scoped3A_253, %dma_wait3A_269] : memref<2x2x128xi32, #tpu.memory_space<vmem>> -> memref<1x1x128xi32, #tpu.memory_space<vmem>>
          %dma_wait3A_271 = tpu.memref_squeeze %dma_wait3A_270 : memref<1x1x128xi32, #tpu.memory_space<vmem>> -> memref<128xi32, #tpu.memory_space<vmem>>
          %dma_wait3A_272 = arith.constant 0 : i32
          %dma_wait3A_273 = tpu.memref_slice %arg12[%dma_wait3A_272] : memref<50176xf32, #tpu.memory_space<vmem_shared>> -> memref<50176xf32, #tpu.memory_space<vmem_shared>>
          tpu.wait_indirect_dma semaphore(%run_scoped3A_257 : memref<!tpu.dma_semaphore, #tpu.memory_space<semaphore_mem>>) src(%dma_wait3A_268 : memref<128xf32, #tpu.memory_space<vmem>>) dst(%dma_wait3A_273 : memref<50176xf32, #tpu.memory_space<vmem_shared>>)
          tpu.yield
        }) : () -> ()
        %run_scoped3A_254 = arith.constant 0 : i32
        %run_scoped3A_255 = arith.constant 0 : i32
        %run_scoped3A_256 = arith.constant 1 : i32
        "tpu.region"() ({
          %run_scoped3A_257 = tpu.sem_alloc : memref<!tpu.dma_semaphore, #tpu.memory_space<semaphore_mem>>
          %dma_start3A_258 = arith.constant 128 : i32
          %dma_start3A_259 = tpu.memref_slice %arg18[%run_scoped3A_254, %dma_start3A_258] : memref<2x256xf32, #tpu.memory_space<vmem>> -> memref<1x128xf32, #tpu.memory_space<vmem>>
          %dma_start3A_260 = tpu.memref_squeeze %dma_start3A_259 : memref<1x128xf32, #tpu.memory_space<vmem>> -> memref<128xf32, #tpu.memory_space<vmem>>
          %dma_start3A_261 = arith.constant 0 : i32
          %dma_start3A_262 = tpu.memref_slice %arg13[%run_scoped3A_255, %run_scoped3A_256, %dma_start3A_261] : memref<2x2x128xi32, #tpu.memory_space<vmem>> -> memref<1x1x128xi32, #tpu.memory_space<vmem>>
          %dma_start3A_263 = tpu.memref_squeeze %dma_start3A_262 : memref<1x1x128xi32, #tpu.memory_space<vmem>> -> memref<128xi32, #tpu.memory_space<vmem>>
          %dma_start3A_264 = arith.constant 0 : i32
          %dma_start3A_265 = tpu.memref_slice %arg12[%dma_start3A_264] : memref<50176xf32, #tpu.memory_space<vmem_shared>> -> memref<50176xf32, #tpu.memory_space<vmem_shared>>
          tpu.enqueue_indirect_dma source(%dma_start3A_260 : memref<128xf32, #tpu.memory_space<vmem>>) target(%dma_start3A_265 : memref<50176xf32, #tpu.memory_space<vmem_shared>>) offsets(%dma_start3A_263 : memref<128xi32, #tpu.memory_space<vmem>>) semaphore(%run_scoped3A_257 : memref<!tpu.dma_semaphore, #tpu.memory_space<semaphore_mem>>) {add = true}
          %dma_wait3A_266 = arith.constant 128 : i32
          %dma_wait3A_267 = tpu.memref_slice %arg18[%run_scoped3A_254, %dma_wait3A_266] : memref<2x256xf32, #tpu.memory_space<vmem>> -> memref<1x128xf32, #tpu.memory_space<vmem>>
          %dma_wait3A_268 = tpu.memref_squeeze %dma_wait3A_267 : memref<1x128xf32, #tpu.memory_space<vmem>> -> memref<128xf32, #tpu.memory_space<vmem>>
          %dma_wait3A_269 = arith.constant 0 : i32
          %dma_wait3A_270 = tpu.memref_slice %arg13[%run_scoped3A_255, %run_scoped3A_256, %dma_wait3A_269] : memref<2x2x128xi32, #tpu.memory_space<vmem>> -> memref<1x1x128xi32, #tpu.memory_space<vmem>>
          %dma_wait3A_271 = tpu.memref_squeeze %dma_wait3A_270 : memref<1x1x128xi32, #tpu.memory_space<vmem>> -> memref<128xi32, #tpu.memory_space<vmem>>
          %dma_wait3A_272 = arith.constant 0 : i32
          %dma_wait3A_273 = tpu.memref_slice %arg12[%dma_wait3A_272] : memref<50176xf32, #tpu.memory_space<vmem_shared>> -> memref<50176xf32, #tpu.memory_space<vmem_shared>>
          tpu.wait_indirect_dma semaphore(%run_scoped3A_257 : memref<!tpu.dma_semaphore, #tpu.memory_space<semaphore_mem>>) src(%dma_wait3A_268 : memref<128xf32, #tpu.memory_space<vmem>>) dst(%dma_wait3A_273 : memref<50176xf32, #tpu.memory_space<vmem_shared>>)
          tpu.yield
        }) : () -> ()
      } else {
      }
      %add3A_197 = arith.constant 2 : i32
      %add3A_198 = arith.addi %mul3A_171, %add3A_197 : i32
      %lt3A = arith.constant 392 : i32
      %lt3A_199 = arith.cmpi slt, %add3A_198, %lt3A : i32
      %convert_element_type3A_200 = arith.extui %lt3A_199 : i1 to i32
      %cond3A_201 = arith.constant 0 : i32
      %cond3A_202 = arith.cmpi ne, %convert_element_type3A_200, %cond3A_201 : i32
      scf.if %cond3A_202 {
        %add3A_240 = arith.constant 2 : i32
        %add3A_241 = arith.addi %mul3A_171, %add3A_240 : i32
        %mul3A_242 = arith.constant 784 : i32
        %mul3A_243 = arith.muli %arg1, %mul3A_242 : i32
        %mul3A_244 = arith.constant 2 : i32
        %mul3A_245 = arith.muli %add3A_241, %mul3A_244 : i32
        %add3A_246 = arith.addi %mul3A_243, %mul3A_245 : i32
        %run_scoped3A_247 = arith.constant 0 : i32
        "tpu.region"() ({
          %run_scoped3A_280 = tpu.sem_alloc : memref<!tpu.dma_semaphore, #tpu.memory_space<semaphore_mem>>
          %dma_start3A_281 = arith.constant 0 : i32
          %dma_start3A_282 = arith.constant 0 : i32
          %dma_start3A_283 = tpu.memref_slice %arg13[%run_scoped3A_247, %dma_start3A_281, %dma_start3A_282] : memref<2x2x128xi32, #tpu.memory_space<vmem>> -> memref<1x2x128xi32, #tpu.memory_space<vmem>>
          %dma_start3A_284 = tpu.memref_squeeze %dma_start3A_283 : memref<1x2x128xi32, #tpu.memory_space<vmem>> -> memref<2x128xi32, #tpu.memory_space<vmem>>
          %dma_start3A_285 = arith.constant 0 : i32
          %dma_start3A_286 = tpu.memref_slice %arg3[%add3A_246, %dma_start3A_285] : memref<12544x128xi32, #tpu.memory_space<hbm>> -> memref<2x128xi32, #tpu.memory_space<hbm>>
          %dma_start3A_287 = arith.constant 0 : i32
          %dma_start3A_288 = arith.constant 0 : i32
          %dma_start3A_289 = tpu.memref_slice %arg13[%run_scoped3A_247, %dma_start3A_287, %dma_start3A_288] : memref<2x2x128xi32, #tpu.memory_space<vmem>> -> memref<1x2x128xi32, #tpu.memory_space<vmem>>
          %dma_start3A_290 = tpu.memref_squeeze %dma_start3A_289 : memref<1x2x128xi32, #tpu.memory_space<vmem>> -> memref<2x128xi32, #tpu.memory_space<vmem>>
          %dma_start3A_291 = arith.constant 0 : i32
          %dma_start3A_292 = tpu.memref_slice %arg3[%add3A_246, %dma_start3A_291] : memref<12544x128xi32, #tpu.memory_space<hbm>> -> memref<2x128xi32, #tpu.memory_space<hbm>>
          tpu.enqueue_dma source(%dma_start3A_292 : memref<2x128xi32, #tpu.memory_space<hbm>>) target(%dma_start3A_290 : memref<2x128xi32, #tpu.memory_space<vmem>>) target_semaphore(%run_scoped3A_280 : memref<!tpu.dma_semaphore, #tpu.memory_space<semaphore_mem>>)
          %dma_wait3A_293 = arith.constant 0 : i32
          %dma_wait3A_294 = arith.constant 0 : i32
          %dma_wait3A_295 = tpu.memref_slice %arg13[%run_scoped3A_247, %dma_wait3A_293, %dma_wait3A_294] : memref<2x2x128xi32, #tpu.memory_space<vmem>> -> memref<1x2x128xi32, #tpu.memory_space<vmem>>
          %dma_wait3A_296 = tpu.memref_squeeze %dma_wait3A_295 : memref<1x2x128xi32, #tpu.memory_space<vmem>> -> memref<2x128xi32, #tpu.memory_space<vmem>>
          %dma_wait3A_297 = arith.constant 0 : i32
          %dma_wait3A_298 = tpu.memref_slice %arg3[%add3A_246, %dma_wait3A_297] : memref<12544x128xi32, #tpu.memory_space<hbm>> -> memref<2x128xi32, #tpu.memory_space<hbm>>
          %dma_wait3A_299 = arith.constant 0 : i32
          %dma_wait3A_300 = arith.constant 0 : i32
          %dma_wait3A_301 = tpu.memref_slice %arg13[%run_scoped3A_247, %dma_wait3A_299, %dma_wait3A_300] : memref<2x2x128xi32, #tpu.memory_space<vmem>> -> memref<1x2x128xi32, #tpu.memory_space<vmem>>
          %dma_wait3A_302 = tpu.memref_squeeze %dma_wait3A_301 : memref<1x2x128xi32, #tpu.memory_space<vmem>> -> memref<2x128xi32, #tpu.memory_space<vmem>>
          %dma_wait3A_303 = arith.constant 0 : i32
          %dma_wait3A_304 = tpu.memref_slice %arg3[%add3A_246, %dma_wait3A_303] : memref<12544x128xi32, #tpu.memory_space<hbm>> -> memref<2x128xi32, #tpu.memory_space<hbm>>
          tpu.wait_dma2 semaphore(%run_scoped3A_280 : memref<!tpu.dma_semaphore, #tpu.memory_space<semaphore_mem>>) src(%dma_wait3A_304 : memref<2x128xi32, #tpu.memory_space<hbm>>) dst(%dma_wait3A_302 : memref<2x128xi32, #tpu.memory_space<vmem>>)
          tpu.yield
        }) : () -> ()
        %run_scoped3A_248 = arith.constant 0 : i32
        "tpu.region"() ({
          %run_scoped3A_280 = tpu.sem_alloc : memref<!tpu.dma_semaphore, #tpu.memory_space<semaphore_mem>>
          %dma_start3A_281 = arith.constant 0 : i32
          %dma_start3A_282 = arith.constant 0 : i32
          %dma_start3A_283 = tpu.memref_slice %arg14[%run_scoped3A_248, %dma_start3A_281, %dma_start3A_282] : memref<2x2x128xi32, #tpu.memory_space<vmem>> -> memref<1x2x128xi32, #tpu.memory_space<vmem>>
          %dma_start3A_284 = tpu.memref_squeeze %dma_start3A_283 : memref<1x2x128xi32, #tpu.memory_space<vmem>> -> memref<2x128xi32, #tpu.memory_space<vmem>>
          %dma_start3A_285 = arith.constant 0 : i32
          %dma_start3A_286 = tpu.memref_slice %arg4[%add3A_0, %add3A_246, %dma_start3A_285] : memref<5x12544x128xi32, #tpu.memory_space<hbm>> -> memref<1x2x128xi32, #tpu.memory_space<hbm>>
          %dma_start3A_287 = tpu.memref_squeeze %dma_start3A_286 : memref<1x2x128xi32, #tpu.memory_space<hbm>> -> memref<2x128xi32, #tpu.memory_space<hbm>>
          %dma_start3A_288 = arith.constant 0 : i32
          %dma_start3A_289 = arith.constant 0 : i32
          %dma_start3A_290 = tpu.memref_slice %arg14[%run_scoped3A_248, %dma_start3A_288, %dma_start3A_289] : memref<2x2x128xi32, #tpu.memory_space<vmem>> -> memref<1x2x128xi32, #tpu.memory_space<vmem>>
          %dma_start3A_291 = tpu.memref_squeeze %dma_start3A_290 : memref<1x2x128xi32, #tpu.memory_space<vmem>> -> memref<2x128xi32, #tpu.memory_space<vmem>>
          %dma_start3A_292 = arith.constant 0 : i32
          %dma_start3A_293 = tpu.memref_slice %arg4[%add3A_0, %add3A_246, %dma_start3A_292] : memref<5x12544x128xi32, #tpu.memory_space<hbm>> -> memref<1x2x128xi32, #tpu.memory_space<hbm>>
          %dma_start3A_294 = tpu.memref_squeeze %dma_start3A_293 : memref<1x2x128xi32, #tpu.memory_space<hbm>> -> memref<2x128xi32, #tpu.memory_space<hbm>>
          tpu.enqueue_dma source(%dma_start3A_294 : memref<2x128xi32, #tpu.memory_space<hbm>>) target(%dma_start3A_291 : memref<2x128xi32, #tpu.memory_space<vmem>>) target_semaphore(%run_scoped3A_280 : memref<!tpu.dma_semaphore, #tpu.memory_space<semaphore_mem>>)
          %dma_wait3A_295 = arith.constant 0 : i32
          %dma_wait3A_296 = arith.constant 0 : i32
          %dma_wait3A_297 = tpu.memref_slice %arg14[%run_scoped3A_248, %dma_wait3A_295, %dma_wait3A_296] : memref<2x2x128xi32, #tpu.memory_space<vmem>> -> memref<1x2x128xi32, #tpu.memory_space<vmem>>
          %dma_wait3A_298 = tpu.memref_squeeze %dma_wait3A_297 : memref<1x2x128xi32, #tpu.memory_space<vmem>> -> memref<2x128xi32, #tpu.memory_space<vmem>>
          %dma_wait3A_299 = arith.constant 0 : i32
          %dma_wait3A_300 = tpu.memref_slice %arg4[%add3A_0, %add3A_246, %dma_wait3A_299] : memref<5x12544x128xi32, #tpu.memory_space<hbm>> -> memref<1x2x128xi32, #tpu.memory_space<hbm>>
          %dma_wait3A_301 = tpu.memref_squeeze %dma_wait3A_300 : memref<1x2x128xi32, #tpu.memory_space<hbm>> -> memref<2x128xi32, #tpu.memory_space<hbm>>
          %dma_wait3A_302 = arith.constant 0 : i32
          %dma_wait3A_303 = arith.constant 0 : i32
          %dma_wait3A_304 = tpu.memref_slice %arg14[%run_scoped3A_248, %dma_wait3A_302, %dma_wait3A_303] : memref<2x2x128xi32, #tpu.memory_space<vmem>> -> memref<1x2x128xi32, #tpu.memory_space<vmem>>
          %dma_wait3A_305 = tpu.memref_squeeze %dma_wait3A_304 : memref<1x2x128xi32, #tpu.memory_space<vmem>> -> memref<2x128xi32, #tpu.memory_space<vmem>>
          %dma_wait3A_306 = arith.constant 0 : i32
          %dma_wait3A_307 = tpu.memref_slice %arg4[%add3A_0, %add3A_246, %dma_wait3A_306] : memref<5x12544x128xi32, #tpu.memory_space<hbm>> -> memref<1x2x128xi32, #tpu.memory_space<hbm>>
          %dma_wait3A_308 = tpu.memref_squeeze %dma_wait3A_307 : memref<1x2x128xi32, #tpu.memory_space<hbm>> -> memref<2x128xi32, #tpu.memory_space<hbm>>
          tpu.wait_dma2 semaphore(%run_scoped3A_280 : memref<!tpu.dma_semaphore, #tpu.memory_space<semaphore_mem>>) src(%dma_wait3A_308 : memref<2x128xi32, #tpu.memory_space<hbm>>) dst(%dma_wait3A_305 : memref<2x128xi32, #tpu.memory_space<vmem>>)
          tpu.yield
        }) : () -> ()
        %dma_start3A_249 = arith.constant 0 : i32
        %dma_start3A_250 = arith.constant 0 : i32
        %dma_start3A_251 = arith.constant 0 : i32
        %dma_start3A_252 = arith.constant 0 : i32
        %dma_start3A_253 = arith.constant 0 : i32
        %dma_start3A_254 = tpu.memref_slice %arg16[%dma_start3A_251, %dma_start3A_252, %dma_start3A_253] : memref<2x256x32xf32, #tpu.memory_space<vmem>> -> memref<1x128x32xf32, #tpu.memory_space<vmem>>
        %dma_start3A_255 = tpu.memref_squeeze %dma_start3A_254 : memref<1x128x32xf32, #tpu.memory_space<vmem>> -> memref<128x32xf32, #tpu.memory_space<vmem>>
        %dma_start3A_256 = arith.constant 0 : i32
        %dma_start3A_257 = tpu.memref_slice %arg14[%dma_start3A_249, %dma_start3A_250, %dma_start3A_256] : memref<2x2x128xi32, #tpu.memory_space<vmem>> -> memref<1x1x128xi32, #tpu.memory_space<vmem>>
        %dma_start3A_258 = tpu.memref_squeeze %dma_start3A_257 : memref<1x1x128xi32, #tpu.memory_space<vmem>> -> memref<128xi32, #tpu.memory_space<vmem>>
        %dma_start3A_259 = arith.constant 0 : i32
        %dma_start3A_260 = arith.constant 0 : i32
        %dma_start3A_261 = tpu.memref_slice %arg2[%dma_start3A_259, %dma_start3A_260] : memref<200704x32xf32, #tpu.memory_space<hbm>> -> memref<200704x32xf32, #tpu.memory_space<hbm>>
        tpu.enqueue_indirect_dma source(%dma_start3A_261 : memref<200704x32xf32, #tpu.memory_space<hbm>>) target(%dma_start3A_255 : memref<128x32xf32, #tpu.memory_space<vmem>>) offsets(%dma_start3A_258 : memref<128xi32, #tpu.memory_space<vmem>>) semaphore(%arg19 : memref<!tpu.dma_semaphore, #tpu.memory_space<semaphore_mem>>)
        %dma_start3A_262 = arith.constant 0 : i32
        %dma_start3A_263 = arith.constant 1 : i32
        %dma_start3A_264 = arith.constant 0 : i32
        %dma_start3A_265 = arith.constant 128 : i32
        %dma_start3A_266 = arith.constant 0 : i32
        %dma_start3A_267 = tpu.memref_slice %arg16[%dma_start3A_264, %dma_start3A_265, %dma_start3A_266] : memref<2x256x32xf32, #tpu.memory_space<vmem>> -> memref<1x128x32xf32, #tpu.memory_space<vmem>>
        %dma_start3A_268 = tpu.memref_squeeze %dma_start3A_267 : memref<1x128x32xf32, #tpu.memory_space<vmem>> -> memref<128x32xf32, #tpu.memory_space<vmem>>
        %dma_start3A_269 = arith.constant 0 : i32
        %dma_start3A_270 = tpu.memref_slice %arg14[%dma_start3A_262, %dma_start3A_263, %dma_start3A_269] : memref<2x2x128xi32, #tpu.memory_space<vmem>> -> memref<1x1x128xi32, #tpu.memory_space<vmem>>
        %dma_start3A_271 = tpu.memref_squeeze %dma_start3A_270 : memref<1x1x128xi32, #tpu.memory_space<vmem>> -> memref<128xi32, #tpu.memory_space<vmem>>
        %dma_start3A_272 = arith.constant 0 : i32
        %dma_start3A_273 = arith.constant 0 : i32
        %dma_start3A_274 = tpu.memref_slice %arg2[%dma_start3A_272, %dma_start3A_273] : memref<200704x32xf32, #tpu.memory_space<hbm>> -> memref<200704x32xf32, #tpu.memory_space<hbm>>
        tpu.enqueue_indirect_dma source(%dma_start3A_274 : memref<200704x32xf32, #tpu.memory_space<hbm>>) target(%dma_start3A_268 : memref<128x32xf32, #tpu.memory_space<vmem>>) offsets(%dma_start3A_271 : memref<128xi32, #tpu.memory_space<vmem>>) semaphore(%arg19 : memref<!tpu.dma_semaphore, #tpu.memory_space<semaphore_mem>>)
        %eq3A_275 = arith.constant 0 : i32
        %eq3A_276 = arith.cmpi eq, %arg0, %eq3A_275 : i32
        %convert_element_type3A_277 = arith.extui %eq3A_276 : i1 to i32
        %cond3A_278 = arith.constant 0 : i32
        %cond3A_279 = arith.cmpi ne, %convert_element_type3A_277, %cond3A_278 : i32
        scf.if %cond3A_279 {
          %run_scoped3A_280 = arith.constant 4 : i32
          %run_scoped3A_281 = arith.constant 0 : i32
          "tpu.region"() ({
            %run_scoped3A_304 = tpu.sem_alloc : memref<!tpu.dma_semaphore, #tpu.memory_space<semaphore_mem>>
            %dma_start3A_305 = arith.constant 0 : i32
            %dma_start3A_306 = arith.constant 0 : i32
            %dma_start3A_307 = tpu.memref_slice %arg15[%run_scoped3A_281, %dma_start3A_305, %dma_start3A_306] : memref<2x2x128xi32, #tpu.memory_space<vmem>> -> memref<1x2x128xi32, #tpu.memory_space<vmem>>
            %dma_start3A_308 = tpu.memref_squeeze %dma_start3A_307 : memref<1x2x128xi32, #tpu.memory_space<vmem>> -> memref<2x128xi32, #tpu.memory_space<vmem>>
            %dma_start3A_309 = arith.constant 0 : i32
            %dma_start3A_310 = tpu.memref_slice %arg4[%run_scoped3A_280, %add3A_246, %dma_start3A_309] : memref<5x12544x128xi32, #tpu.memory_space<hbm>> -> memref<1x2x128xi32, #tpu.memory_space<hbm>>
            %dma_start3A_311 = tpu.memref_squeeze %dma_start3A_310 : memref<1x2x128xi32, #tpu.memory_space<hbm>> -> memref<2x128xi32, #tpu.memory_space<hbm>>
            %dma_start3A_312 = arith.constant 0 : i32
            %dma_start3A_313 = arith.constant 0 : i32
            %dma_start3A_314 = tpu.memref_slice %arg15[%run_scoped3A_281, %dma_start3A_312, %dma_start3A_313] : memref<2x2x128xi32, #tpu.memory_space<vmem>> -> memref<1x2x128xi32, #tpu.memory_space<vmem>>
            %dma_start3A_315 = tpu.memref_squeeze %dma_start3A_314 : memref<1x2x128xi32, #tpu.memory_space<vmem>> -> memref<2x128xi32, #tpu.memory_space<vmem>>
            %dma_start3A_316 = arith.constant 0 : i32
            %dma_start3A_317 = tpu.memref_slice %arg4[%run_scoped3A_280, %add3A_246, %dma_start3A_316] : memref<5x12544x128xi32, #tpu.memory_space<hbm>> -> memref<1x2x128xi32, #tpu.memory_space<hbm>>
            %dma_start3A_318 = tpu.memref_squeeze %dma_start3A_317 : memref<1x2x128xi32, #tpu.memory_space<hbm>> -> memref<2x128xi32, #tpu.memory_space<hbm>>
            tpu.enqueue_dma source(%dma_start3A_318 : memref<2x128xi32, #tpu.memory_space<hbm>>) target(%dma_start3A_315 : memref<2x128xi32, #tpu.memory_space<vmem>>) target_semaphore(%run_scoped3A_304 : memref<!tpu.dma_semaphore, #tpu.memory_space<semaphore_mem>>)
            %dma_wait3A_319 = arith.constant 0 : i32
            %dma_wait3A_320 = arith.constant 0 : i32
            %dma_wait3A_321 = tpu.memref_slice %arg15[%run_scoped3A_281, %dma_wait3A_319, %dma_wait3A_320] : memref<2x2x128xi32, #tpu.memory_space<vmem>> -> memref<1x2x128xi32, #tpu.memory_space<vmem>>
            %dma_wait3A_322 = tpu.memref_squeeze %dma_wait3A_321 : memref<1x2x128xi32, #tpu.memory_space<vmem>> -> memref<2x128xi32, #tpu.memory_space<vmem>>
            %dma_wait3A_323 = arith.constant 0 : i32
            %dma_wait3A_324 = tpu.memref_slice %arg4[%run_scoped3A_280, %add3A_246, %dma_wait3A_323] : memref<5x12544x128xi32, #tpu.memory_space<hbm>> -> memref<1x2x128xi32, #tpu.memory_space<hbm>>
            %dma_wait3A_325 = tpu.memref_squeeze %dma_wait3A_324 : memref<1x2x128xi32, #tpu.memory_space<hbm>> -> memref<2x128xi32, #tpu.memory_space<hbm>>
            %dma_wait3A_326 = arith.constant 0 : i32
            %dma_wait3A_327 = arith.constant 0 : i32
            %dma_wait3A_328 = tpu.memref_slice %arg15[%run_scoped3A_281, %dma_wait3A_326, %dma_wait3A_327] : memref<2x2x128xi32, #tpu.memory_space<vmem>> -> memref<1x2x128xi32, #tpu.memory_space<vmem>>
            %dma_wait3A_329 = tpu.memref_squeeze %dma_wait3A_328 : memref<1x2x128xi32, #tpu.memory_space<vmem>> -> memref<2x128xi32, #tpu.memory_space<vmem>>
            %dma_wait3A_330 = arith.constant 0 : i32
            %dma_wait3A_331 = tpu.memref_slice %arg4[%run_scoped3A_280, %add3A_246, %dma_wait3A_330] : memref<5x12544x128xi32, #tpu.memory_space<hbm>> -> memref<1x2x128xi32, #tpu.memory_space<hbm>>
            %dma_wait3A_332 = tpu.memref_squeeze %dma_wait3A_331 : memref<1x2x128xi32, #tpu.memory_space<hbm>> -> memref<2x128xi32, #tpu.memory_space<hbm>>
            tpu.wait_dma2 semaphore(%run_scoped3A_304 : memref<!tpu.dma_semaphore, #tpu.memory_space<semaphore_mem>>) src(%dma_wait3A_332 : memref<2x128xi32, #tpu.memory_space<hbm>>) dst(%dma_wait3A_329 : memref<2x128xi32, #tpu.memory_space<vmem>>)
            tpu.yield
          }) : () -> ()
          %dma_start3A_282 = arith.constant 0 : i32
          %dma_start3A_283 = arith.constant 0 : i32
          %dma_start3A_284 = arith.constant 0 : i32
          %dma_start3A_285 = arith.constant 0 : i32
          %dma_start3A_286 = tpu.memref_slice %arg18[%dma_start3A_284, %dma_start3A_285] : memref<2x256xf32, #tpu.memory_space<vmem>> -> memref<1x128xf32, #tpu.memory_space<vmem>>
          %dma_start3A_287 = tpu.memref_squeeze %dma_start3A_286 : memref<1x128xf32, #tpu.memory_space<vmem>> -> memref<128xf32, #tpu.memory_space<vmem>>
          %dma_start3A_288 = arith.constant 0 : i32
          %dma_start3A_289 = tpu.memref_slice %arg15[%dma_start3A_282, %dma_start3A_283, %dma_start3A_288] : memref<2x2x128xi32, #tpu.memory_space<vmem>> -> memref<1x1x128xi32, #tpu.memory_space<vmem>>
          %dma_start3A_290 = tpu.memref_squeeze %dma_start3A_289 : memref<1x1x128xi32, #tpu.memory_space<vmem>> -> memref<128xi32, #tpu.memory_space<vmem>>
          %dma_start3A_291 = arith.constant 0 : i32
          %dma_start3A_292 = tpu.memref_slice %arg6[%dma_start3A_291] : memref<50176xf32, #tpu.memory_space<hbm>> -> memref<50176xf32, #tpu.memory_space<hbm>>
          tpu.enqueue_indirect_dma source(%dma_start3A_292 : memref<50176xf32, #tpu.memory_space<hbm>>) target(%dma_start3A_287 : memref<128xf32, #tpu.memory_space<vmem>>) offsets(%dma_start3A_290 : memref<128xi32, #tpu.memory_space<vmem>>) semaphore(%arg21 : memref<!tpu.dma_semaphore, #tpu.memory_space<semaphore_mem>>)
          %dma_start3A_293 = arith.constant 0 : i32
          %dma_start3A_294 = arith.constant 1 : i32
          %dma_start3A_295 = arith.constant 0 : i32
          %dma_start3A_296 = arith.constant 128 : i32
          %dma_start3A_297 = tpu.memref_slice %arg18[%dma_start3A_295, %dma_start3A_296] : memref<2x256xf32, #tpu.memory_space<vmem>> -> memref<1x128xf32, #tpu.memory_space<vmem>>
          %dma_start3A_298 = tpu.memref_squeeze %dma_start3A_297 : memref<1x128xf32, #tpu.memory_space<vmem>> -> memref<128xf32, #tpu.memory_space<vmem>>
          %dma_start3A_299 = arith.constant 0 : i32
          %dma_start3A_300 = tpu.memref_slice %arg15[%dma_start3A_293, %dma_start3A_294, %dma_start3A_299] : memref<2x2x128xi32, #tpu.memory_space<vmem>> -> memref<1x1x128xi32, #tpu.memory_space<vmem>>
          %dma_start3A_301 = tpu.memref_squeeze %dma_start3A_300 : memref<1x1x128xi32, #tpu.memory_space<vmem>> -> memref<128xi32, #tpu.memory_space<vmem>>
          %dma_start3A_302 = arith.constant 0 : i32
          %dma_start3A_303 = tpu.memref_slice %arg6[%dma_start3A_302] : memref<50176xf32, #tpu.memory_space<hbm>> -> memref<50176xf32, #tpu.memory_space<hbm>>
          tpu.enqueue_indirect_dma source(%dma_start3A_303 : memref<50176xf32, #tpu.memory_space<hbm>>) target(%dma_start3A_298 : memref<128xf32, #tpu.memory_space<vmem>>) offsets(%dma_start3A_301 : memref<128xi32, #tpu.memory_space<vmem>>) semaphore(%arg21 : memref<!tpu.dma_semaphore, #tpu.memory_space<semaphore_mem>>)
        } else {
        }
      } else {
      }
      %mul3A_203 = arith.constant 2 : i32
      %mul3A_204 = arith.muli %mul3A_203, %scan3A_169 : i32
      %add3A_205 = arith.constant 1 : i32
      %add3A_206 = arith.addi %mul3A_204, %add3A_205 : i32
      %dma_wait3A_207 = arith.constant 1 : i32
      %dma_wait3A_208 = arith.constant 0 : i32
      %dma_wait3A_209 = arith.constant 0 : i32
      %dma_wait3A_210 = tpu.memref_slice %arg16[%dma_wait3A_207, %dma_wait3A_208, %dma_wait3A_209] : memref<2x256x32xf32, #tpu.memory_space<vmem>> -> memref<1x256x32xf32, #tpu.memory_space<vmem>>
      %dma_wait3A_211 = tpu.memref_squeeze %dma_wait3A_210 : memref<1x256x32xf32, #tpu.memory_space<vmem>> -> memref<256x32xf32, #tpu.memory_space<vmem>>
      %dma_wait3A_212 = arith.constant 0 : i32
      %dma_wait3A_213 = arith.constant 0 : i32
      %dma_wait3A_214 = tpu.memref_slice %arg2[%dma_wait3A_212, %dma_wait3A_213] : memref<200704x32xf32, #tpu.memory_space<hbm>> -> memref<256x32xf32, #tpu.memory_space<hbm>>
      %dma_wait3A_215 = arith.constant 0 : i32
      %dma_wait3A_216 = arith.constant 0 : i32
      %dma_wait3A_217 = tpu.memref_slice %arg16[%dma_wait3A_207, %dma_wait3A_215, %dma_wait3A_216] : memref<2x256x32xf32, #tpu.memory_space<vmem>> -> memref<1x256x32xf32, #tpu.memory_space<vmem>>
      %dma_wait3A_218 = tpu.memref_squeeze %dma_wait3A_217 : memref<1x256x32xf32, #tpu.memory_space<vmem>> -> memref<256x32xf32, #tpu.memory_space<vmem>>
      %dma_wait3A_219 = arith.constant 0 : i32
      %dma_wait3A_220 = arith.constant 0 : i32
      %dma_wait3A_221 = tpu.memref_slice %arg2[%dma_wait3A_219, %dma_wait3A_220] : memref<200704x32xf32, #tpu.memory_space<hbm>> -> memref<256x32xf32, #tpu.memory_space<hbm>>
      tpu.wait_dma2 semaphore(%arg20 : memref<!tpu.dma_semaphore, #tpu.memory_space<semaphore_mem>>) src(%dma_wait3A_221 : memref<256x32xf32, #tpu.memory_space<hbm>>) dst(%dma_wait3A_218 : memref<256x32xf32, #tpu.memory_space<vmem>>)
      %run_scoped3A_222 = arith.constant 1 : i32
      %run_scoped3A_223 = arith.constant 1 : i32
      %run_scoped3A_224 = arith.constant 0 : i32
      "tpu.region"() ({
        %run_scoped3A_240 = tpu.sem_alloc : memref<!tpu.dma_semaphore, #tpu.memory_space<semaphore_mem>>
        %dma_start3A_241 = arith.constant 0 : i32
        %dma_start3A_242 = arith.constant 0 : i32
        %dma_start3A_243 = tpu.memref_slice %arg16[%run_scoped3A_222, %dma_start3A_241, %dma_start3A_242] : memref<2x256x32xf32, #tpu.memory_space<vmem>> -> memref<1x128x32xf32, #tpu.memory_space<vmem>>
        %dma_start3A_244 = tpu.memref_squeeze %dma_start3A_243 : memref<1x128x32xf32, #tpu.memory_space<vmem>> -> memref<128x32xf32, #tpu.memory_space<vmem>>
        %dma_start3A_245 = arith.constant 0 : i32
        %dma_start3A_246 = tpu.memref_slice %arg13[%run_scoped3A_223, %run_scoped3A_224, %dma_start3A_245] : memref<2x2x128xi32, #tpu.memory_space<vmem>> -> memref<1x1x128xi32, #tpu.memory_space<vmem>>
        %dma_start3A_247 = tpu.memref_squeeze %dma_start3A_246 : memref<1x1x128xi32, #tpu.memory_space<vmem>> -> memref<128xi32, #tpu.memory_space<vmem>>
        %dma_start3A_248 = arith.constant 0 : i32
        %dma_start3A_249 = arith.constant 0 : i32
        %dma_start3A_250 = tpu.memref_slice %arg11[%dma_start3A_248, %dma_start3A_249] : memref<50176x32xf32, #tpu.memory_space<vmem_shared>> -> memref<50176x32xf32, #tpu.memory_space<vmem_shared>>
        tpu.enqueue_indirect_dma source(%dma_start3A_244 : memref<128x32xf32, #tpu.memory_space<vmem>>) target(%dma_start3A_250 : memref<50176x32xf32, #tpu.memory_space<vmem_shared>>) offsets(%dma_start3A_247 : memref<128xi32, #tpu.memory_space<vmem>>) semaphore(%run_scoped3A_240 : memref<!tpu.dma_semaphore, #tpu.memory_space<semaphore_mem>>) {add = true}
        %dma_wait3A_251 = arith.constant 0 : i32
        %dma_wait3A_252 = arith.constant 0 : i32
        %dma_wait3A_253 = tpu.memref_slice %arg16[%run_scoped3A_222, %dma_wait3A_251, %dma_wait3A_252] : memref<2x256x32xf32, #tpu.memory_space<vmem>> -> memref<1x128x32xf32, #tpu.memory_space<vmem>>
        %dma_wait3A_254 = tpu.memref_squeeze %dma_wait3A_253 : memref<1x128x32xf32, #tpu.memory_space<vmem>> -> memref<128x32xf32, #tpu.memory_space<vmem>>
        %dma_wait3A_255 = arith.constant 0 : i32
        %dma_wait3A_256 = tpu.memref_slice %arg13[%run_scoped3A_223, %run_scoped3A_224, %dma_wait3A_255] : memref<2x2x128xi32, #tpu.memory_space<vmem>> -> memref<1x1x128xi32, #tpu.memory_space<vmem>>
        %dma_wait3A_257 = tpu.memref_squeeze %dma_wait3A_256 : memref<1x1x128xi32, #tpu.memory_space<vmem>> -> memref<128xi32, #tpu.memory_space<vmem>>
        %dma_wait3A_258 = arith.constant 0 : i32
        %dma_wait3A_259 = arith.constant 0 : i32
        %dma_wait3A_260 = tpu.memref_slice %arg11[%dma_wait3A_258, %dma_wait3A_259] : memref<50176x32xf32, #tpu.memory_space<vmem_shared>> -> memref<50176x32xf32, #tpu.memory_space<vmem_shared>>
        tpu.wait_indirect_dma semaphore(%run_scoped3A_240 : memref<!tpu.dma_semaphore, #tpu.memory_space<semaphore_mem>>) src(%dma_wait3A_254 : memref<128x32xf32, #tpu.memory_space<vmem>>) dst(%dma_wait3A_260 : memref<50176x32xf32, #tpu.memory_space<vmem_shared>>)
        tpu.yield
      }) : () -> ()
      %run_scoped3A_225 = arith.constant 1 : i32
      %run_scoped3A_226 = arith.constant 1 : i32
      %run_scoped3A_227 = arith.constant 1 : i32
      "tpu.region"() ({
        %run_scoped3A_240 = tpu.sem_alloc : memref<!tpu.dma_semaphore, #tpu.memory_space<semaphore_mem>>
        %dma_start3A_241 = arith.constant 128 : i32
        %dma_start3A_242 = arith.constant 0 : i32
        %dma_start3A_243 = tpu.memref_slice %arg16[%run_scoped3A_225, %dma_start3A_241, %dma_start3A_242] : memref<2x256x32xf32, #tpu.memory_space<vmem>> -> memref<1x128x32xf32, #tpu.memory_space<vmem>>
        %dma_start3A_244 = tpu.memref_squeeze %dma_start3A_243 : memref<1x128x32xf32, #tpu.memory_space<vmem>> -> memref<128x32xf32, #tpu.memory_space<vmem>>
        %dma_start3A_245 = arith.constant 0 : i32
        %dma_start3A_246 = tpu.memref_slice %arg13[%run_scoped3A_226, %run_scoped3A_227, %dma_start3A_245] : memref<2x2x128xi32, #tpu.memory_space<vmem>> -> memref<1x1x128xi32, #tpu.memory_space<vmem>>
        %dma_start3A_247 = tpu.memref_squeeze %dma_start3A_246 : memref<1x1x128xi32, #tpu.memory_space<vmem>> -> memref<128xi32, #tpu.memory_space<vmem>>
        %dma_start3A_248 = arith.constant 0 : i32
        %dma_start3A_249 = arith.constant 0 : i32
        %dma_start3A_250 = tpu.memref_slice %arg11[%dma_start3A_248, %dma_start3A_249] : memref<50176x32xf32, #tpu.memory_space<vmem_shared>> -> memref<50176x32xf32, #tpu.memory_space<vmem_shared>>
        tpu.enqueue_indirect_dma source(%dma_start3A_244 : memref<128x32xf32, #tpu.memory_space<vmem>>) target(%dma_start3A_250 : memref<50176x32xf32, #tpu.memory_space<vmem_shared>>) offsets(%dma_start3A_247 : memref<128xi32, #tpu.memory_space<vmem>>) semaphore(%run_scoped3A_240 : memref<!tpu.dma_semaphore, #tpu.memory_space<semaphore_mem>>) {add = true}
        %dma_wait3A_251 = arith.constant 128 : i32
        %dma_wait3A_252 = arith.constant 0 : i32
        %dma_wait3A_253 = tpu.memref_slice %arg16[%run_scoped3A_225, %dma_wait3A_251, %dma_wait3A_252] : memref<2x256x32xf32, #tpu.memory_space<vmem>> -> memref<1x128x32xf32, #tpu.memory_space<vmem>>
        %dma_wait3A_254 = tpu.memref_squeeze %dma_wait3A_253 : memref<1x128x32xf32, #tpu.memory_space<vmem>> -> memref<128x32xf32, #tpu.memory_space<vmem>>
        %dma_wait3A_255 = arith.constant 0 : i32
        %dma_wait3A_256 = tpu.memref_slice %arg13[%run_scoped3A_226, %run_scoped3A_227, %dma_wait3A_255] : memref<2x2x128xi32, #tpu.memory_space<vmem>> -> memref<1x1x128xi32, #tpu.memory_space<vmem>>
        %dma_wait3A_257 = tpu.memref_squeeze %dma_wait3A_256 : memref<1x1x128xi32, #tpu.memory_space<vmem>> -> memref<128xi32, #tpu.memory_space<vmem>>
        %dma_wait3A_258 = arith.constant 0 : i32
        %dma_wait3A_259 = arith.constant 0 : i32
        %dma_wait3A_260 = tpu.memref_slice %arg11[%dma_wait3A_258, %dma_wait3A_259] : memref<50176x32xf32, #tpu.memory_space<vmem_shared>> -> memref<50176x32xf32, #tpu.memory_space<vmem_shared>>
        tpu.wait_indirect_dma semaphore(%run_scoped3A_240 : memref<!tpu.dma_semaphore, #tpu.memory_space<semaphore_mem>>) src(%dma_wait3A_254 : memref<128x32xf32, #tpu.memory_space<vmem>>) dst(%dma_wait3A_260 : memref<50176x32xf32, #tpu.memory_space<vmem_shared>>)
        tpu.yield
      }) : () -> ()
      %eq3A_228 = arith.constant 1 : i32
      %eq3A_229 = arith.cmpi eq, %arg0, %eq3A_228 : i32
      %convert_element_type3A_230 = arith.extui %eq3A_229 : i1 to i32
      %cond3A_231 = arith.constant 0 : i32
      %cond3A_232 = arith.cmpi ne, %convert_element_type3A_230, %cond3A_231 : i32
      scf.if %cond3A_232 {
        %dma_wait3A_240 = arith.constant 1 : i32
        %dma_wait3A_241 = arith.constant 0 : i32
        %dma_wait3A_242 = tpu.memref_slice %arg18[%dma_wait3A_240, %dma_wait3A_241] : memref<2x256xf32, #tpu.memory_space<vmem>> -> memref<1x256xf32, #tpu.memory_space<vmem>>
        %dma_wait3A_243 = tpu.memref_squeeze %dma_wait3A_242 : memref<1x256xf32, #tpu.memory_space<vmem>> -> memref<256xf32, #tpu.memory_space<vmem>>
        %dma_wait3A_244 = arith.constant 0 : i32
        %dma_wait3A_245 = tpu.memref_slice %arg6[%dma_wait3A_244] : memref<50176xf32, #tpu.memory_space<hbm>> -> memref<256xf32, #tpu.memory_space<hbm>>
        %dma_wait3A_246 = arith.constant 0 : i32
        %dma_wait3A_247 = tpu.memref_slice %arg18[%dma_wait3A_240, %dma_wait3A_246] : memref<2x256xf32, #tpu.memory_space<vmem>> -> memref<1x256xf32, #tpu.memory_space<vmem>>
        %dma_wait3A_248 = tpu.memref_squeeze %dma_wait3A_247 : memref<1x256xf32, #tpu.memory_space<vmem>> -> memref<256xf32, #tpu.memory_space<vmem>>
        %dma_wait3A_249 = arith.constant 0 : i32
        %dma_wait3A_250 = tpu.memref_slice %arg6[%dma_wait3A_249] : memref<50176xf32, #tpu.memory_space<hbm>> -> memref<256xf32, #tpu.memory_space<hbm>>
        tpu.wait_dma2 semaphore(%arg22 : memref<!tpu.dma_semaphore, #tpu.memory_space<semaphore_mem>>) src(%dma_wait3A_250 : memref<256xf32, #tpu.memory_space<hbm>>) dst(%dma_wait3A_248 : memref<256xf32, #tpu.memory_space<vmem>>)
        %run_scoped3A_251 = arith.constant 1 : i32
        %run_scoped3A_252 = arith.constant 1 : i32
        %run_scoped3A_253 = arith.constant 0 : i32
        "tpu.region"() ({
          %run_scoped3A_257 = tpu.sem_alloc : memref<!tpu.dma_semaphore, #tpu.memory_space<semaphore_mem>>
          %dma_start3A_258 = arith.constant 0 : i32
          %dma_start3A_259 = tpu.memref_slice %arg18[%run_scoped3A_251, %dma_start3A_258] : memref<2x256xf32, #tpu.memory_space<vmem>> -> memref<1x128xf32, #tpu.memory_space<vmem>>
          %dma_start3A_260 = tpu.memref_squeeze %dma_start3A_259 : memref<1x128xf32, #tpu.memory_space<vmem>> -> memref<128xf32, #tpu.memory_space<vmem>>
          %dma_start3A_261 = arith.constant 0 : i32
          %dma_start3A_262 = tpu.memref_slice %arg13[%run_scoped3A_252, %run_scoped3A_253, %dma_start3A_261] : memref<2x2x128xi32, #tpu.memory_space<vmem>> -> memref<1x1x128xi32, #tpu.memory_space<vmem>>
          %dma_start3A_263 = tpu.memref_squeeze %dma_start3A_262 : memref<1x1x128xi32, #tpu.memory_space<vmem>> -> memref<128xi32, #tpu.memory_space<vmem>>
          %dma_start3A_264 = arith.constant 0 : i32
          %dma_start3A_265 = tpu.memref_slice %arg12[%dma_start3A_264] : memref<50176xf32, #tpu.memory_space<vmem_shared>> -> memref<50176xf32, #tpu.memory_space<vmem_shared>>
          tpu.enqueue_indirect_dma source(%dma_start3A_260 : memref<128xf32, #tpu.memory_space<vmem>>) target(%dma_start3A_265 : memref<50176xf32, #tpu.memory_space<vmem_shared>>) offsets(%dma_start3A_263 : memref<128xi32, #tpu.memory_space<vmem>>) semaphore(%run_scoped3A_257 : memref<!tpu.dma_semaphore, #tpu.memory_space<semaphore_mem>>) {add = true}
          %dma_wait3A_266 = arith.constant 0 : i32
          %dma_wait3A_267 = tpu.memref_slice %arg18[%run_scoped3A_251, %dma_wait3A_266] : memref<2x256xf32, #tpu.memory_space<vmem>> -> memref<1x128xf32, #tpu.memory_space<vmem>>
          %dma_wait3A_268 = tpu.memref_squeeze %dma_wait3A_267 : memref<1x128xf32, #tpu.memory_space<vmem>> -> memref<128xf32, #tpu.memory_space<vmem>>
          %dma_wait3A_269 = arith.constant 0 : i32
          %dma_wait3A_270 = tpu.memref_slice %arg13[%run_scoped3A_252, %run_scoped3A_253, %dma_wait3A_269] : memref<2x2x128xi32, #tpu.memory_space<vmem>> -> memref<1x1x128xi32, #tpu.memory_space<vmem>>
          %dma_wait3A_271 = tpu.memref_squeeze %dma_wait3A_270 : memref<1x1x128xi32, #tpu.memory_space<vmem>> -> memref<128xi32, #tpu.memory_space<vmem>>
          %dma_wait3A_272 = arith.constant 0 : i32
          %dma_wait3A_273 = tpu.memref_slice %arg12[%dma_wait3A_272] : memref<50176xf32, #tpu.memory_space<vmem_shared>> -> memref<50176xf32, #tpu.memory_space<vmem_shared>>
          tpu.wait_indirect_dma semaphore(%run_scoped3A_257 : memref<!tpu.dma_semaphore, #tpu.memory_space<semaphore_mem>>) src(%dma_wait3A_268 : memref<128xf32, #tpu.memory_space<vmem>>) dst(%dma_wait3A_273 : memref<50176xf32, #tpu.memory_space<vmem_shared>>)
          tpu.yield
        }) : () -> ()
        %run_scoped3A_254 = arith.constant 1 : i32
        %run_scoped3A_255 = arith.constant 1 : i32
        %run_scoped3A_256 = arith.constant 1 : i32
        "tpu.region"() ({
          %run_scoped3A_257 = tpu.sem_alloc : memref<!tpu.dma_semaphore, #tpu.memory_space<semaphore_mem>>
          %dma_start3A_258 = arith.constant 128 : i32
          %dma_start3A_259 = tpu.memref_slice %arg18[%run_scoped3A_254, %dma_start3A_258] : memref<2x256xf32, #tpu.memory_space<vmem>> -> memref<1x128xf32, #tpu.memory_space<vmem>>
          %dma_start3A_260 = tpu.memref_squeeze %dma_start3A_259 : memref<1x128xf32, #tpu.memory_space<vmem>> -> memref<128xf32, #tpu.memory_space<vmem>>
          %dma_start3A_261 = arith.constant 0 : i32
          %dma_start3A_262 = tpu.memref_slice %arg13[%run_scoped3A_255, %run_scoped3A_256, %dma_start3A_261] : memref<2x2x128xi32, #tpu.memory_space<vmem>> -> memref<1x1x128xi32, #tpu.memory_space<vmem>>
          %dma_start3A_263 = tpu.memref_squeeze %dma_start3A_262 : memref<1x1x128xi32, #tpu.memory_space<vmem>> -> memref<128xi32, #tpu.memory_space<vmem>>
          %dma_start3A_264 = arith.constant 0 : i32
          %dma_start3A_265 = tpu.memref_slice %arg12[%dma_start3A_264] : memref<50176xf32, #tpu.memory_space<vmem_shared>> -> memref<50176xf32, #tpu.memory_space<vmem_shared>>
          tpu.enqueue_indirect_dma source(%dma_start3A_260 : memref<128xf32, #tpu.memory_space<vmem>>) target(%dma_start3A_265 : memref<50176xf32, #tpu.memory_space<vmem_shared>>) offsets(%dma_start3A_263 : memref<128xi32, #tpu.memory_space<vmem>>) semaphore(%run_scoped3A_257 : memref<!tpu.dma_semaphore, #tpu.memory_space<semaphore_mem>>) {add = true}
          %dma_wait3A_266 = arith.constant 128 : i32
          %dma_wait3A_267 = tpu.memref_slice %arg18[%run_scoped3A_254, %dma_wait3A_266] : memref<2x256xf32, #tpu.memory_space<vmem>> -> memref<1x128xf32, #tpu.memory_space<vmem>>
          %dma_wait3A_268 = tpu.memref_squeeze %dma_wait3A_267 : memref<1x128xf32, #tpu.memory_space<vmem>> -> memref<128xf32, #tpu.memory_space<vmem>>
          %dma_wait3A_269 = arith.constant 0 : i32
          %dma_wait3A_270 = tpu.memref_slice %arg13[%run_scoped3A_255, %run_scoped3A_256, %dma_wait3A_269] : memref<2x2x128xi32, #tpu.memory_space<vmem>> -> memref<1x1x128xi32, #tpu.memory_space<vmem>>
          %dma_wait3A_271 = tpu.memref_squeeze %dma_wait3A_270 : memref<1x1x128xi32, #tpu.memory_space<vmem>> -> memref<128xi32, #tpu.memory_space<vmem>>
          %dma_wait3A_272 = arith.constant 0 : i32
          %dma_wait3A_273 = tpu.memref_slice %arg12[%dma_wait3A_272] : memref<50176xf32, #tpu.memory_space<vmem_shared>> -> memref<50176xf32, #tpu.memory_space<vmem_shared>>
          tpu.wait_indirect_dma semaphore(%run_scoped3A_257 : memref<!tpu.dma_semaphore, #tpu.memory_space<semaphore_mem>>) src(%dma_wait3A_268 : memref<128xf32, #tpu.memory_space<vmem>>) dst(%dma_wait3A_273 : memref<50176xf32, #tpu.memory_space<vmem_shared>>)
          tpu.yield
        }) : () -> ()
      } else {
      }
      %add3A_233 = arith.constant 2 : i32
      %add3A_234 = arith.addi %add3A_206, %add3A_233 : i32
      %lt3A_235 = arith.constant 392 : i32
      %lt3A_236 = arith.cmpi slt, %add3A_234, %lt3A_235 : i32
      %convert_element_type3A_237 = arith.extui %lt3A_236 : i1 to i32
      %cond3A_238 = arith.constant 0 : i32
      %cond3A_239 = arith.cmpi ne, %convert_element_type3A_237, %cond3A_238 : i32
      scf.if %cond3A_239 {
        %add3A_240 = arith.constant 2 : i32
        %add3A_241 = arith.addi %add3A_206, %add3A_240 : i32
        %mul3A_242 = arith.constant 784 : i32
        %mul3A_243 = arith.muli %arg1, %mul3A_242 : i32
        %mul3A_244 = arith.constant 2 : i32
        %mul3A_245 = arith.muli %add3A_241, %mul3A_244 : i32
        %add3A_246 = arith.addi %mul3A_243, %mul3A_245 : i32
        %run_scoped3A_247 = arith.constant 1 : i32
        "tpu.region"() ({
          %run_scoped3A_280 = tpu.sem_alloc : memref<!tpu.dma_semaphore, #tpu.memory_space<semaphore_mem>>
          %dma_start3A_281 = arith.constant 0 : i32
          %dma_start3A_282 = arith.constant 0 : i32
          %dma_start3A_283 = tpu.memref_slice %arg13[%run_scoped3A_247, %dma_start3A_281, %dma_start3A_282] : memref<2x2x128xi32, #tpu.memory_space<vmem>> -> memref<1x2x128xi32, #tpu.memory_space<vmem>>
          %dma_start3A_284 = tpu.memref_squeeze %dma_start3A_283 : memref<1x2x128xi32, #tpu.memory_space<vmem>> -> memref<2x128xi32, #tpu.memory_space<vmem>>
          %dma_start3A_285 = arith.constant 0 : i32
          %dma_start3A_286 = tpu.memref_slice %arg3[%add3A_246, %dma_start3A_285] : memref<12544x128xi32, #tpu.memory_space<hbm>> -> memref<2x128xi32, #tpu.memory_space<hbm>>
          %dma_start3A_287 = arith.constant 0 : i32
          %dma_start3A_288 = arith.constant 0 : i32
          %dma_start3A_289 = tpu.memref_slice %arg13[%run_scoped3A_247, %dma_start3A_287, %dma_start3A_288] : memref<2x2x128xi32, #tpu.memory_space<vmem>> -> memref<1x2x128xi32, #tpu.memory_space<vmem>>
          %dma_start3A_290 = tpu.memref_squeeze %dma_start3A_289 : memref<1x2x128xi32, #tpu.memory_space<vmem>> -> memref<2x128xi32, #tpu.memory_space<vmem>>
          %dma_start3A_291 = arith.constant 0 : i32
          %dma_start3A_292 = tpu.memref_slice %arg3[%add3A_246, %dma_start3A_291] : memref<12544x128xi32, #tpu.memory_space<hbm>> -> memref<2x128xi32, #tpu.memory_space<hbm>>
          tpu.enqueue_dma source(%dma_start3A_292 : memref<2x128xi32, #tpu.memory_space<hbm>>) target(%dma_start3A_290 : memref<2x128xi32, #tpu.memory_space<vmem>>) target_semaphore(%run_scoped3A_280 : memref<!tpu.dma_semaphore, #tpu.memory_space<semaphore_mem>>)
          %dma_wait3A_293 = arith.constant 0 : i32
          %dma_wait3A_294 = arith.constant 0 : i32
          %dma_wait3A_295 = tpu.memref_slice %arg13[%run_scoped3A_247, %dma_wait3A_293, %dma_wait3A_294] : memref<2x2x128xi32, #tpu.memory_space<vmem>> -> memref<1x2x128xi32, #tpu.memory_space<vmem>>
          %dma_wait3A_296 = tpu.memref_squeeze %dma_wait3A_295 : memref<1x2x128xi32, #tpu.memory_space<vmem>> -> memref<2x128xi32, #tpu.memory_space<vmem>>
          %dma_wait3A_297 = arith.constant 0 : i32
          %dma_wait3A_298 = tpu.memref_slice %arg3[%add3A_246, %dma_wait3A_297] : memref<12544x128xi32, #tpu.memory_space<hbm>> -> memref<2x128xi32, #tpu.memory_space<hbm>>
          %dma_wait3A_299 = arith.constant 0 : i32
          %dma_wait3A_300 = arith.constant 0 : i32
          %dma_wait3A_301 = tpu.memref_slice %arg13[%run_scoped3A_247, %dma_wait3A_299, %dma_wait3A_300] : memref<2x2x128xi32, #tpu.memory_space<vmem>> -> memref<1x2x128xi32, #tpu.memory_space<vmem>>
          %dma_wait3A_302 = tpu.memref_squeeze %dma_wait3A_301 : memref<1x2x128xi32, #tpu.memory_space<vmem>> -> memref<2x128xi32, #tpu.memory_space<vmem>>
          %dma_wait3A_303 = arith.constant 0 : i32
          %dma_wait3A_304 = tpu.memref_slice %arg3[%add3A_246, %dma_wait3A_303] : memref<12544x128xi32, #tpu.memory_space<hbm>> -> memref<2x128xi32, #tpu.memory_space<hbm>>
          tpu.wait_dma2 semaphore(%run_scoped3A_280 : memref<!tpu.dma_semaphore, #tpu.memory_space<semaphore_mem>>) src(%dma_wait3A_304 : memref<2x128xi32, #tpu.memory_space<hbm>>) dst(%dma_wait3A_302 : memref<2x128xi32, #tpu.memory_space<vmem>>)
          tpu.yield
        }) : () -> ()
        %run_scoped3A_248 = arith.constant 1 : i32
        "tpu.region"() ({
          %run_scoped3A_280 = tpu.sem_alloc : memref<!tpu.dma_semaphore, #tpu.memory_space<semaphore_mem>>
          %dma_start3A_281 = arith.constant 0 : i32
          %dma_start3A_282 = arith.constant 0 : i32
          %dma_start3A_283 = tpu.memref_slice %arg14[%run_scoped3A_248, %dma_start3A_281, %dma_start3A_282] : memref<2x2x128xi32, #tpu.memory_space<vmem>> -> memref<1x2x128xi32, #tpu.memory_space<vmem>>
          %dma_start3A_284 = tpu.memref_squeeze %dma_start3A_283 : memref<1x2x128xi32, #tpu.memory_space<vmem>> -> memref<2x128xi32, #tpu.memory_space<vmem>>
          %dma_start3A_285 = arith.constant 0 : i32
          %dma_start3A_286 = tpu.memref_slice %arg4[%add3A_0, %add3A_246, %dma_start3A_285] : memref<5x12544x128xi32, #tpu.memory_space<hbm>> -> memref<1x2x128xi32, #tpu.memory_space<hbm>>
          %dma_start3A_287 = tpu.memref_squeeze %dma_start3A_286 : memref<1x2x128xi32, #tpu.memory_space<hbm>> -> memref<2x128xi32, #tpu.memory_space<hbm>>
          %dma_start3A_288 = arith.constant 0 : i32
          %dma_start3A_289 = arith.constant 0 : i32
          %dma_start3A_290 = tpu.memref_slice %arg14[%run_scoped3A_248, %dma_start3A_288, %dma_start3A_289] : memref<2x2x128xi32, #tpu.memory_space<vmem>> -> memref<1x2x128xi32, #tpu.memory_space<vmem>>
          %dma_start3A_291 = tpu.memref_squeeze %dma_start3A_290 : memref<1x2x128xi32, #tpu.memory_space<vmem>> -> memref<2x128xi32, #tpu.memory_space<vmem>>
          %dma_start3A_292 = arith.constant 0 : i32
          %dma_start3A_293 = tpu.memref_slice %arg4[%add3A_0, %add3A_246, %dma_start3A_292] : memref<5x12544x128xi32, #tpu.memory_space<hbm>> -> memref<1x2x128xi32, #tpu.memory_space<hbm>>
          %dma_start3A_294 = tpu.memref_squeeze %dma_start3A_293 : memref<1x2x128xi32, #tpu.memory_space<hbm>> -> memref<2x128xi32, #tpu.memory_space<hbm>>
          tpu.enqueue_dma source(%dma_start3A_294 : memref<2x128xi32, #tpu.memory_space<hbm>>) target(%dma_start3A_291 : memref<2x128xi32, #tpu.memory_space<vmem>>) target_semaphore(%run_scoped3A_280 : memref<!tpu.dma_semaphore, #tpu.memory_space<semaphore_mem>>)
          %dma_wait3A_295 = arith.constant 0 : i32
          %dma_wait3A_296 = arith.constant 0 : i32
          %dma_wait3A_297 = tpu.memref_slice %arg14[%run_scoped3A_248, %dma_wait3A_295, %dma_wait3A_296] : memref<2x2x128xi32, #tpu.memory_space<vmem>> -> memref<1x2x128xi32, #tpu.memory_space<vmem>>
          %dma_wait3A_298 = tpu.memref_squeeze %dma_wait3A_297 : memref<1x2x128xi32, #tpu.memory_space<vmem>> -> memref<2x128xi32, #tpu.memory_space<vmem>>
          %dma_wait3A_299 = arith.constant 0 : i32
          %dma_wait3A_300 = tpu.memref_slice %arg4[%add3A_0, %add3A_246, %dma_wait3A_299] : memref<5x12544x128xi32, #tpu.memory_space<hbm>> -> memref<1x2x128xi32, #tpu.memory_space<hbm>>
          %dma_wait3A_301 = tpu.memref_squeeze %dma_wait3A_300 : memref<1x2x128xi32, #tpu.memory_space<hbm>> -> memref<2x128xi32, #tpu.memory_space<hbm>>
          %dma_wait3A_302 = arith.constant 0 : i32
          %dma_wait3A_303 = arith.constant 0 : i32
          %dma_wait3A_304 = tpu.memref_slice %arg14[%run_scoped3A_248, %dma_wait3A_302, %dma_wait3A_303] : memref<2x2x128xi32, #tpu.memory_space<vmem>> -> memref<1x2x128xi32, #tpu.memory_space<vmem>>
          %dma_wait3A_305 = tpu.memref_squeeze %dma_wait3A_304 : memref<1x2x128xi32, #tpu.memory_space<vmem>> -> memref<2x128xi32, #tpu.memory_space<vmem>>
          %dma_wait3A_306 = arith.constant 0 : i32
          %dma_wait3A_307 = tpu.memref_slice %arg4[%add3A_0, %add3A_246, %dma_wait3A_306] : memref<5x12544x128xi32, #tpu.memory_space<hbm>> -> memref<1x2x128xi32, #tpu.memory_space<hbm>>
          %dma_wait3A_308 = tpu.memref_squeeze %dma_wait3A_307 : memref<1x2x128xi32, #tpu.memory_space<hbm>> -> memref<2x128xi32, #tpu.memory_space<hbm>>
          tpu.wait_dma2 semaphore(%run_scoped3A_280 : memref<!tpu.dma_semaphore, #tpu.memory_space<semaphore_mem>>) src(%dma_wait3A_308 : memref<2x128xi32, #tpu.memory_space<hbm>>) dst(%dma_wait3A_305 : memref<2x128xi32, #tpu.memory_space<vmem>>)
          tpu.yield
        }) : () -> ()
        %dma_start3A_249 = arith.constant 1 : i32
        %dma_start3A_250 = arith.constant 0 : i32
        %dma_start3A_251 = arith.constant 1 : i32
        %dma_start3A_252 = arith.constant 0 : i32
        %dma_start3A_253 = arith.constant 0 : i32
        %dma_start3A_254 = tpu.memref_slice %arg16[%dma_start3A_251, %dma_start3A_252, %dma_start3A_253] : memref<2x256x32xf32, #tpu.memory_space<vmem>> -> memref<1x128x32xf32, #tpu.memory_space<vmem>>
        %dma_start3A_255 = tpu.memref_squeeze %dma_start3A_254 : memref<1x128x32xf32, #tpu.memory_space<vmem>> -> memref<128x32xf32, #tpu.memory_space<vmem>>
        %dma_start3A_256 = arith.constant 0 : i32
        %dma_start3A_257 = tpu.memref_slice %arg14[%dma_start3A_249, %dma_start3A_250, %dma_start3A_256] : memref<2x2x128xi32, #tpu.memory_space<vmem>> -> memref<1x1x128xi32, #tpu.memory_space<vmem>>
        %dma_start3A_258 = tpu.memref_squeeze %dma_start3A_257 : memref<1x1x128xi32, #tpu.memory_space<vmem>> -> memref<128xi32, #tpu.memory_space<vmem>>
        %dma_start3A_259 = arith.constant 0 : i32
        %dma_start3A_260 = arith.constant 0 : i32
        %dma_start3A_261 = tpu.memref_slice %arg2[%dma_start3A_259, %dma_start3A_260] : memref<200704x32xf32, #tpu.memory_space<hbm>> -> memref<200704x32xf32, #tpu.memory_space<hbm>>
        tpu.enqueue_indirect_dma source(%dma_start3A_261 : memref<200704x32xf32, #tpu.memory_space<hbm>>) target(%dma_start3A_255 : memref<128x32xf32, #tpu.memory_space<vmem>>) offsets(%dma_start3A_258 : memref<128xi32, #tpu.memory_space<vmem>>) semaphore(%arg20 : memref<!tpu.dma_semaphore, #tpu.memory_space<semaphore_mem>>)
        %dma_start3A_262 = arith.constant 1 : i32
        %dma_start3A_263 = arith.constant 1 : i32
        %dma_start3A_264 = arith.constant 1 : i32
        %dma_start3A_265 = arith.constant 128 : i32
        %dma_start3A_266 = arith.constant 0 : i32
        %dma_start3A_267 = tpu.memref_slice %arg16[%dma_start3A_264, %dma_start3A_265, %dma_start3A_266] : memref<2x256x32xf32, #tpu.memory_space<vmem>> -> memref<1x128x32xf32, #tpu.memory_space<vmem>>
        %dma_start3A_268 = tpu.memref_squeeze %dma_start3A_267 : memref<1x128x32xf32, #tpu.memory_space<vmem>> -> memref<128x32xf32, #tpu.memory_space<vmem>>
        %dma_start3A_269 = arith.constant 0 : i32
        %dma_start3A_270 = tpu.memref_slice %arg14[%dma_start3A_262, %dma_start3A_263, %dma_start3A_269] : memref<2x2x128xi32, #tpu.memory_space<vmem>> -> memref<1x1x128xi32, #tpu.memory_space<vmem>>
        %dma_start3A_271 = tpu.memref_squeeze %dma_start3A_270 : memref<1x1x128xi32, #tpu.memory_space<vmem>> -> memref<128xi32, #tpu.memory_space<vmem>>
        %dma_start3A_272 = arith.constant 0 : i32
        %dma_start3A_273 = arith.constant 0 : i32
        %dma_start3A_274 = tpu.memref_slice %arg2[%dma_start3A_272, %dma_start3A_273] : memref<200704x32xf32, #tpu.memory_space<hbm>> -> memref<200704x32xf32, #tpu.memory_space<hbm>>
        tpu.enqueue_indirect_dma source(%dma_start3A_274 : memref<200704x32xf32, #tpu.memory_space<hbm>>) target(%dma_start3A_268 : memref<128x32xf32, #tpu.memory_space<vmem>>) offsets(%dma_start3A_271 : memref<128xi32, #tpu.memory_space<vmem>>) semaphore(%arg20 : memref<!tpu.dma_semaphore, #tpu.memory_space<semaphore_mem>>)
        %eq3A_275 = arith.constant 1 : i32
        %eq3A_276 = arith.cmpi eq, %arg0, %eq3A_275 : i32
        %convert_element_type3A_277 = arith.extui %eq3A_276 : i1 to i32
        %cond3A_278 = arith.constant 0 : i32
        %cond3A_279 = arith.cmpi ne, %convert_element_type3A_277, %cond3A_278 : i32
        scf.if %cond3A_279 {
          %run_scoped3A_280 = arith.constant 4 : i32
          %run_scoped3A_281 = arith.constant 1 : i32
          "tpu.region"() ({
            %run_scoped3A_304 = tpu.sem_alloc : memref<!tpu.dma_semaphore, #tpu.memory_space<semaphore_mem>>
            %dma_start3A_305 = arith.constant 0 : i32
            %dma_start3A_306 = arith.constant 0 : i32
            %dma_start3A_307 = tpu.memref_slice %arg15[%run_scoped3A_281, %dma_start3A_305, %dma_start3A_306] : memref<2x2x128xi32, #tpu.memory_space<vmem>> -> memref<1x2x128xi32, #tpu.memory_space<vmem>>
            %dma_start3A_308 = tpu.memref_squeeze %dma_start3A_307 : memref<1x2x128xi32, #tpu.memory_space<vmem>> -> memref<2x128xi32, #tpu.memory_space<vmem>>
            %dma_start3A_309 = arith.constant 0 : i32
            %dma_start3A_310 = tpu.memref_slice %arg4[%run_scoped3A_280, %add3A_246, %dma_start3A_309] : memref<5x12544x128xi32, #tpu.memory_space<hbm>> -> memref<1x2x128xi32, #tpu.memory_space<hbm>>
            %dma_start3A_311 = tpu.memref_squeeze %dma_start3A_310 : memref<1x2x128xi32, #tpu.memory_space<hbm>> -> memref<2x128xi32, #tpu.memory_space<hbm>>
            %dma_start3A_312 = arith.constant 0 : i32
            %dma_start3A_313 = arith.constant 0 : i32
            %dma_start3A_314 = tpu.memref_slice %arg15[%run_scoped3A_281, %dma_start3A_312, %dma_start3A_313] : memref<2x2x128xi32, #tpu.memory_space<vmem>> -> memref<1x2x128xi32, #tpu.memory_space<vmem>>
            %dma_start3A_315 = tpu.memref_squeeze %dma_start3A_314 : memref<1x2x128xi32, #tpu.memory_space<vmem>> -> memref<2x128xi32, #tpu.memory_space<vmem>>
            %dma_start3A_316 = arith.constant 0 : i32
            %dma_start3A_317 = tpu.memref_slice %arg4[%run_scoped3A_280, %add3A_246, %dma_start3A_316] : memref<5x12544x128xi32, #tpu.memory_space<hbm>> -> memref<1x2x128xi32, #tpu.memory_space<hbm>>
            %dma_start3A_318 = tpu.memref_squeeze %dma_start3A_317 : memref<1x2x128xi32, #tpu.memory_space<hbm>> -> memref<2x128xi32, #tpu.memory_space<hbm>>
            tpu.enqueue_dma source(%dma_start3A_318 : memref<2x128xi32, #tpu.memory_space<hbm>>) target(%dma_start3A_315 : memref<2x128xi32, #tpu.memory_space<vmem>>) target_semaphore(%run_scoped3A_304 : memref<!tpu.dma_semaphore, #tpu.memory_space<semaphore_mem>>)
            %dma_wait3A_319 = arith.constant 0 : i32
            %dma_wait3A_320 = arith.constant 0 : i32
            %dma_wait3A_321 = tpu.memref_slice %arg15[%run_scoped3A_281, %dma_wait3A_319, %dma_wait3A_320] : memref<2x2x128xi32, #tpu.memory_space<vmem>> -> memref<1x2x128xi32, #tpu.memory_space<vmem>>
            %dma_wait3A_322 = tpu.memref_squeeze %dma_wait3A_321 : memref<1x2x128xi32, #tpu.memory_space<vmem>> -> memref<2x128xi32, #tpu.memory_space<vmem>>
            %dma_wait3A_323 = arith.constant 0 : i32
            %dma_wait3A_324 = tpu.memref_slice %arg4[%run_scoped3A_280, %add3A_246, %dma_wait3A_323] : memref<5x12544x128xi32, #tpu.memory_space<hbm>> -> memref<1x2x128xi32, #tpu.memory_space<hbm>>
            %dma_wait3A_325 = tpu.memref_squeeze %dma_wait3A_324 : memref<1x2x128xi32, #tpu.memory_space<hbm>> -> memref<2x128xi32, #tpu.memory_space<hbm>>
            %dma_wait3A_326 = arith.constant 0 : i32
            %dma_wait3A_327 = arith.constant 0 : i32
            %dma_wait3A_328 = tpu.memref_slice %arg15[%run_scoped3A_281, %dma_wait3A_326, %dma_wait3A_327] : memref<2x2x128xi32, #tpu.memory_space<vmem>> -> memref<1x2x128xi32, #tpu.memory_space<vmem>>
            %dma_wait3A_329 = tpu.memref_squeeze %dma_wait3A_328 : memref<1x2x128xi32, #tpu.memory_space<vmem>> -> memref<2x128xi32, #tpu.memory_space<vmem>>
            %dma_wait3A_330 = arith.constant 0 : i32
            %dma_wait3A_331 = tpu.memref_slice %arg4[%run_scoped3A_280, %add3A_246, %dma_wait3A_330] : memref<5x12544x128xi32, #tpu.memory_space<hbm>> -> memref<1x2x128xi32, #tpu.memory_space<hbm>>
            %dma_wait3A_332 = tpu.memref_squeeze %dma_wait3A_331 : memref<1x2x128xi32, #tpu.memory_space<hbm>> -> memref<2x128xi32, #tpu.memory_space<hbm>>
            tpu.wait_dma2 semaphore(%run_scoped3A_304 : memref<!tpu.dma_semaphore, #tpu.memory_space<semaphore_mem>>) src(%dma_wait3A_332 : memref<2x128xi32, #tpu.memory_space<hbm>>) dst(%dma_wait3A_329 : memref<2x128xi32, #tpu.memory_space<vmem>>)
            tpu.yield
          }) : () -> ()
          %dma_start3A_282 = arith.constant 1 : i32
          %dma_start3A_283 = arith.constant 0 : i32
          %dma_start3A_284 = arith.constant 1 : i32
          %dma_start3A_285 = arith.constant 0 : i32
          %dma_start3A_286 = tpu.memref_slice %arg18[%dma_start3A_284, %dma_start3A_285] : memref<2x256xf32, #tpu.memory_space<vmem>> -> memref<1x128xf32, #tpu.memory_space<vmem>>
          %dma_start3A_287 = tpu.memref_squeeze %dma_start3A_286 : memref<1x128xf32, #tpu.memory_space<vmem>> -> memref<128xf32, #tpu.memory_space<vmem>>
          %dma_start3A_288 = arith.constant 0 : i32
          %dma_start3A_289 = tpu.memref_slice %arg15[%dma_start3A_282, %dma_start3A_283, %dma_start3A_288] : memref<2x2x128xi32, #tpu.memory_space<vmem>> -> memref<1x1x128xi32, #tpu.memory_space<vmem>>
          %dma_start3A_290 = tpu.memref_squeeze %dma_start3A_289 : memref<1x1x128xi32, #tpu.memory_space<vmem>> -> memref<128xi32, #tpu.memory_space<vmem>>
          %dma_start3A_291 = arith.constant 0 : i32
          %dma_start3A_292 = tpu.memref_slice %arg6[%dma_start3A_291] : memref<50176xf32, #tpu.memory_space<hbm>> -> memref<50176xf32, #tpu.memory_space<hbm>>
          tpu.enqueue_indirect_dma source(%dma_start3A_292 : memref<50176xf32, #tpu.memory_space<hbm>>) target(%dma_start3A_287 : memref<128xf32, #tpu.memory_space<vmem>>) offsets(%dma_start3A_290 : memref<128xi32, #tpu.memory_space<vmem>>) semaphore(%arg22 : memref<!tpu.dma_semaphore, #tpu.memory_space<semaphore_mem>>)
          %dma_start3A_293 = arith.constant 1 : i32
          %dma_start3A_294 = arith.constant 1 : i32
          %dma_start3A_295 = arith.constant 1 : i32
          %dma_start3A_296 = arith.constant 128 : i32
          %dma_start3A_297 = tpu.memref_slice %arg18[%dma_start3A_295, %dma_start3A_296] : memref<2x256xf32, #tpu.memory_space<vmem>> -> memref<1x128xf32, #tpu.memory_space<vmem>>
          %dma_start3A_298 = tpu.memref_squeeze %dma_start3A_297 : memref<1x128xf32, #tpu.memory_space<vmem>> -> memref<128xf32, #tpu.memory_space<vmem>>
          %dma_start3A_299 = arith.constant 0 : i32
          %dma_start3A_300 = tpu.memref_slice %arg15[%dma_start3A_293, %dma_start3A_294, %dma_start3A_299] : memref<2x2x128xi32, #tpu.memory_space<vmem>> -> memref<1x1x128xi32, #tpu.memory_space<vmem>>
          %dma_start3A_301 = tpu.memref_squeeze %dma_start3A_300 : memref<1x1x128xi32, #tpu.memory_space<vmem>> -> memref<128xi32, #tpu.memory_space<vmem>>
          %dma_start3A_302 = arith.constant 0 : i32
          %dma_start3A_303 = tpu.memref_slice %arg6[%dma_start3A_302] : memref<50176xf32, #tpu.memory_space<hbm>> -> memref<50176xf32, #tpu.memory_space<hbm>>
          tpu.enqueue_indirect_dma source(%dma_start3A_303 : memref<50176xf32, #tpu.memory_space<hbm>>) target(%dma_start3A_298 : memref<128xf32, #tpu.memory_space<vmem>>) offsets(%dma_start3A_301 : memref<128xi32, #tpu.memory_space<vmem>>) semaphore(%arg22 : memref<!tpu.dma_semaphore, #tpu.memory_space<semaphore_mem>>)
        } else {
        }
      } else {
      }
    }
    %scan3A_77 = arith.constant 196 : i32
    %barrier3A_78 = arith.constant 0 : index
    tpu.barrier barrier_id(%barrier3A_78)
    %mul3A_79 = arith.constant 3136 : i32
    %mul3A_80 = arith.muli %arg1, %mul3A_79 : i32
    %mul3A_81 = arith.constant 3136 : i32
    %mul3A_82 = arith.muli %arg1, %mul3A_81 : i32
    "tpu.region"() ({
      %run_scoped3A_169 = tpu.sem_alloc : memref<!tpu.dma_semaphore, #tpu.memory_space<semaphore_mem>>
      %dma_start3A_170 = arith.constant 0 : i32
      %dma_start3A_171 = tpu.memref_slice %arg9[%add3A_0, %mul3A_82, %dma_start3A_170] : memref<4x50176x32xf32, #tpu.memory_space<hbm>> -> memref<1x3136x32xf32, #tpu.memory_space<hbm>>
      %dma_start3A_172 = tpu.memref_squeeze %dma_start3A_171 : memref<1x3136x32xf32, #tpu.memory_space<hbm>> -> memref<3136x32xf32, #tpu.memory_space<hbm>>
      %dma_start3A_173 = arith.constant 0 : i32
      %dma_start3A_174 = tpu.memref_slice %arg11[%mul3A_80, %dma_start3A_173] : memref<50176x32xf32, #tpu.memory_space<vmem_shared>> -> memref<3136x32xf32, #tpu.memory_space<vmem_shared>>
      tpu.enqueue_dma source(%dma_start3A_174 : memref<3136x32xf32, #tpu.memory_space<vmem_shared>>) target(%dma_start3A_172 : memref<3136x32xf32, #tpu.memory_space<hbm>>) target_semaphore(%run_scoped3A_169 : memref<!tpu.dma_semaphore, #tpu.memory_space<semaphore_mem>>)
      %dma_wait3A = arith.constant 0 : i32
      %dma_wait3A_175 = tpu.memref_slice %arg9[%add3A_0, %mul3A_82, %dma_wait3A] : memref<4x50176x32xf32, #tpu.memory_space<hbm>> -> memref<1x3136x32xf32, #tpu.memory_space<hbm>>
      %dma_wait3A_176 = tpu.memref_squeeze %dma_wait3A_175 : memref<1x3136x32xf32, #tpu.memory_space<hbm>> -> memref<3136x32xf32, #tpu.memory_space<hbm>>
      %dma_wait3A_177 = arith.constant 0 : i32
      %dma_wait3A_178 = tpu.memref_slice %arg11[%mul3A_80, %dma_wait3A_177] : memref<50176x32xf32, #tpu.memory_space<vmem_shared>> -> memref<3136x32xf32, #tpu.memory_space<vmem_shared>>
      tpu.wait_dma2 semaphore(%run_scoped3A_169 : memref<!tpu.dma_semaphore, #tpu.memory_space<semaphore_mem>>) src(%dma_wait3A_178 : memref<3136x32xf32, #tpu.memory_space<vmem_shared>>) dst(%dma_wait3A_176 : memref<3136x32xf32, #tpu.memory_space<hbm>>)
      tpu.yield
    }) : () -> ()
    %mul3A_83 = arith.constant 3136 : i32
    %mul3A_84 = arith.muli %arg1, %mul3A_83 : i32
    %mul3A_85 = arith.constant 3136 : i32
    %mul3A_86 = arith.muli %arg1, %mul3A_85 : i32
    "tpu.region"() ({
      %run_scoped3A_169 = tpu.sem_alloc : memref<!tpu.dma_semaphore, #tpu.memory_space<semaphore_mem>>
      %dma_start3A_170 = tpu.memref_slice %arg10[%arg0, %mul3A_86] : memref<2x50176xf32, #tpu.memory_space<hbm>> -> memref<1x3136xf32, #tpu.memory_space<hbm>>
      %dma_start3A_171 = tpu.memref_squeeze %dma_start3A_170 : memref<1x3136xf32, #tpu.memory_space<hbm>> -> memref<3136xf32, #tpu.memory_space<hbm>>
      %dma_start3A_172 = tpu.memref_slice %arg12[%mul3A_84] : memref<50176xf32, #tpu.memory_space<vmem_shared>> -> memref<3136xf32, #tpu.memory_space<vmem_shared>>
      tpu.enqueue_dma source(%dma_start3A_172 : memref<3136xf32, #tpu.memory_space<vmem_shared>>) target(%dma_start3A_171 : memref<3136xf32, #tpu.memory_space<hbm>>) target_semaphore(%run_scoped3A_169 : memref<!tpu.dma_semaphore, #tpu.memory_space<semaphore_mem>>)
      %dma_wait3A = tpu.memref_slice %arg10[%arg0, %mul3A_86] : memref<2x50176xf32, #tpu.memory_space<hbm>> -> memref<1x3136xf32, #tpu.memory_space<hbm>>
      %dma_wait3A_173 = tpu.memref_squeeze %dma_wait3A : memref<1x3136xf32, #tpu.memory_space<hbm>> -> memref<3136xf32, #tpu.memory_space<hbm>>
      %dma_wait3A_174 = tpu.memref_slice %arg12[%mul3A_84] : memref<50176xf32, #tpu.memory_space<vmem_shared>> -> memref<3136xf32, #tpu.memory_space<vmem_shared>>
      tpu.wait_dma2 semaphore(%run_scoped3A_169 : memref<!tpu.dma_semaphore, #tpu.memory_space<semaphore_mem>>) src(%dma_wait3A_174 : memref<3136xf32, #tpu.memory_space<vmem_shared>>) dst(%dma_wait3A_173 : memref<3136xf32, #tpu.memory_space<hbm>>)
      tpu.yield
    }) : () -> ()
    %barrier3A_87 = arith.constant 0 : index
    tpu.barrier barrier_id(%barrier3A_87)
    %add3A_88 = arith.constant 2 : i32
    %add3A_89 = arith.addi %add3A_88, %arg0 : i32
    %mul3A_90 = arith.constant 784 : i32
    %mul3A_91 = arith.muli %arg1, %mul3A_90 : i32
    %add3A_92 = arith.constant 0 : i32
    %add3A_93 = arith.addi %mul3A_91, %add3A_92 : i32
    %run_scoped3A_94 = arith.constant 0 : i32
    "tpu.region"() ({
      %run_scoped3A_169 = tpu.sem_alloc : memref<!tpu.dma_semaphore, #tpu.memory_space<semaphore_mem>>
      %dma_start3A_170 = arith.constant 0 : i32
      %dma_start3A_171 = arith.constant 0 : i32
      %dma_start3A_172 = tpu.memref_slice %arg13[%run_scoped3A_94, %dma_start3A_170, %dma_start3A_171] : memref<2x2x128xi32, #tpu.memory_space<vmem>> -> memref<1x2x128xi32, #tpu.memory_space<vmem>>
      %dma_start3A_173 = tpu.memref_squeeze %dma_start3A_172 : memref<1x2x128xi32, #tpu.memory_space<vmem>> -> memref<2x128xi32, #tpu.memory_space<vmem>>
      %dma_start3A_174 = arith.constant 0 : i32
      %dma_start3A_175 = tpu.memref_slice %arg3[%add3A_93, %dma_start3A_174] : memref<12544x128xi32, #tpu.memory_space<hbm>> -> memref<2x128xi32, #tpu.memory_space<hbm>>
      %dma_start3A_176 = arith.constant 0 : i32
      %dma_start3A_177 = arith.constant 0 : i32
      %dma_start3A_178 = tpu.memref_slice %arg13[%run_scoped3A_94, %dma_start3A_176, %dma_start3A_177] : memref<2x2x128xi32, #tpu.memory_space<vmem>> -> memref<1x2x128xi32, #tpu.memory_space<vmem>>
      %dma_start3A_179 = tpu.memref_squeeze %dma_start3A_178 : memref<1x2x128xi32, #tpu.memory_space<vmem>> -> memref<2x128xi32, #tpu.memory_space<vmem>>
      %dma_start3A_180 = arith.constant 0 : i32
      %dma_start3A_181 = tpu.memref_slice %arg3[%add3A_93, %dma_start3A_180] : memref<12544x128xi32, #tpu.memory_space<hbm>> -> memref<2x128xi32, #tpu.memory_space<hbm>>
      tpu.enqueue_dma source(%dma_start3A_181 : memref<2x128xi32, #tpu.memory_space<hbm>>) target(%dma_start3A_179 : memref<2x128xi32, #tpu.memory_space<vmem>>) target_semaphore(%run_scoped3A_169 : memref<!tpu.dma_semaphore, #tpu.memory_space<semaphore_mem>>)
      %dma_wait3A = arith.constant 0 : i32
      %dma_wait3A_182 = arith.constant 0 : i32
      %dma_wait3A_183 = tpu.memref_slice %arg13[%run_scoped3A_94, %dma_wait3A, %dma_wait3A_182] : memref<2x2x128xi32, #tpu.memory_space<vmem>> -> memref<1x2x128xi32, #tpu.memory_space<vmem>>
      %dma_wait3A_184 = tpu.memref_squeeze %dma_wait3A_183 : memref<1x2x128xi32, #tpu.memory_space<vmem>> -> memref<2x128xi32, #tpu.memory_space<vmem>>
      %dma_wait3A_185 = arith.constant 0 : i32
      %dma_wait3A_186 = tpu.memref_slice %arg3[%add3A_93, %dma_wait3A_185] : memref<12544x128xi32, #tpu.memory_space<hbm>> -> memref<2x128xi32, #tpu.memory_space<hbm>>
      %dma_wait3A_187 = arith.constant 0 : i32
      %dma_wait3A_188 = arith.constant 0 : i32
      %dma_wait3A_189 = tpu.memref_slice %arg13[%run_scoped3A_94, %dma_wait3A_187, %dma_wait3A_188] : memref<2x2x128xi32, #tpu.memory_space<vmem>> -> memref<1x2x128xi32, #tpu.memory_space<vmem>>
      %dma_wait3A_190 = tpu.memref_squeeze %dma_wait3A_189 : memref<1x2x128xi32, #tpu.memory_space<vmem>> -> memref<2x128xi32, #tpu.memory_space<vmem>>
      %dma_wait3A_191 = arith.constant 0 : i32
      %dma_wait3A_192 = tpu.memref_slice %arg3[%add3A_93, %dma_wait3A_191] : memref<12544x128xi32, #tpu.memory_space<hbm>> -> memref<2x128xi32, #tpu.memory_space<hbm>>
      tpu.wait_dma2 semaphore(%run_scoped3A_169 : memref<!tpu.dma_semaphore, #tpu.memory_space<semaphore_mem>>) src(%dma_wait3A_192 : memref<2x128xi32, #tpu.memory_space<hbm>>) dst(%dma_wait3A_190 : memref<2x128xi32, #tpu.memory_space<vmem>>)
      tpu.yield
    }) : () -> ()
    %run_scoped3A_95 = arith.constant 0 : i32
    "tpu.region"() ({
      %run_scoped3A_169 = tpu.sem_alloc : memref<!tpu.dma_semaphore, #tpu.memory_space<semaphore_mem>>
      %dma_start3A_170 = arith.constant 0 : i32
      %dma_start3A_171 = arith.constant 0 : i32
      %dma_start3A_172 = tpu.memref_slice %arg14[%run_scoped3A_95, %dma_start3A_170, %dma_start3A_171] : memref<2x2x128xi32, #tpu.memory_space<vmem>> -> memref<1x2x128xi32, #tpu.memory_space<vmem>>
      %dma_start3A_173 = tpu.memref_squeeze %dma_start3A_172 : memref<1x2x128xi32, #tpu.memory_space<vmem>> -> memref<2x128xi32, #tpu.memory_space<vmem>>
      %dma_start3A_174 = arith.constant 0 : i32
      %dma_start3A_175 = tpu.memref_slice %arg4[%add3A_89, %add3A_93, %dma_start3A_174] : memref<5x12544x128xi32, #tpu.memory_space<hbm>> -> memref<1x2x128xi32, #tpu.memory_space<hbm>>
      %dma_start3A_176 = tpu.memref_squeeze %dma_start3A_175 : memref<1x2x128xi32, #tpu.memory_space<hbm>> -> memref<2x128xi32, #tpu.memory_space<hbm>>
      %dma_start3A_177 = arith.constant 0 : i32
      %dma_start3A_178 = arith.constant 0 : i32
      %dma_start3A_179 = tpu.memref_slice %arg14[%run_scoped3A_95, %dma_start3A_177, %dma_start3A_178] : memref<2x2x128xi32, #tpu.memory_space<vmem>> -> memref<1x2x128xi32, #tpu.memory_space<vmem>>
      %dma_start3A_180 = tpu.memref_squeeze %dma_start3A_179 : memref<1x2x128xi32, #tpu.memory_space<vmem>> -> memref<2x128xi32, #tpu.memory_space<vmem>>
      %dma_start3A_181 = arith.constant 0 : i32
      %dma_start3A_182 = tpu.memref_slice %arg4[%add3A_89, %add3A_93, %dma_start3A_181] : memref<5x12544x128xi32, #tpu.memory_space<hbm>> -> memref<1x2x128xi32, #tpu.memory_space<hbm>>
      %dma_start3A_183 = tpu.memref_squeeze %dma_start3A_182 : memref<1x2x128xi32, #tpu.memory_space<hbm>> -> memref<2x128xi32, #tpu.memory_space<hbm>>
      tpu.enqueue_dma source(%dma_start3A_183 : memref<2x128xi32, #tpu.memory_space<hbm>>) target(%dma_start3A_180 : memref<2x128xi32, #tpu.memory_space<vmem>>) target_semaphore(%run_scoped3A_169 : memref<!tpu.dma_semaphore, #tpu.memory_space<semaphore_mem>>)
      %dma_wait3A = arith.constant 0 : i32
      %dma_wait3A_184 = arith.constant 0 : i32
      %dma_wait3A_185 = tpu.memref_slice %arg14[%run_scoped3A_95, %dma_wait3A, %dma_wait3A_184] : memref<2x2x128xi32, #tpu.memory_space<vmem>> -> memref<1x2x128xi32, #tpu.memory_space<vmem>>
      %dma_wait3A_186 = tpu.memref_squeeze %dma_wait3A_185 : memref<1x2x128xi32, #tpu.memory_space<vmem>> -> memref<2x128xi32, #tpu.memory_space<vmem>>
      %dma_wait3A_187 = arith.constant 0 : i32
      %dma_wait3A_188 = tpu.memref_slice %arg4[%add3A_89, %add3A_93, %dma_wait3A_187] : memref<5x12544x128xi32, #tpu.memory_space<hbm>> -> memref<1x2x128xi32, #tpu.memory_space<hbm>>
      %dma_wait3A_189 = tpu.memref_squeeze %dma_wait3A_188 : memref<1x2x128xi32, #tpu.memory_space<hbm>> -> memref<2x128xi32, #tpu.memory_space<hbm>>
      %dma_wait3A_190 = arith.constant 0 : i32
      %dma_wait3A_191 = arith.constant 0 : i32
      %dma_wait3A_192 = tpu.memref_slice %arg14[%run_scoped3A_95, %dma_wait3A_190, %dma_wait3A_191] : memref<2x2x128xi32, #tpu.memory_space<vmem>> -> memref<1x2x128xi32, #tpu.memory_space<vmem>>
      %dma_wait3A_193 = tpu.memref_squeeze %dma_wait3A_192 : memref<1x2x128xi32, #tpu.memory_space<vmem>> -> memref<2x128xi32, #tpu.memory_space<vmem>>
      %dma_wait3A_194 = arith.constant 0 : i32
      %dma_wait3A_195 = tpu.memref_slice %arg4[%add3A_89, %add3A_93, %dma_wait3A_194] : memref<5x12544x128xi32, #tpu.memory_space<hbm>> -> memref<1x2x128xi32, #tpu.memory_space<hbm>>
      %dma_wait3A_196 = tpu.memref_squeeze %dma_wait3A_195 : memref<1x2x128xi32, #tpu.memory_space<hbm>> -> memref<2x128xi32, #tpu.memory_space<hbm>>
      tpu.wait_dma2 semaphore(%run_scoped3A_169 : memref<!tpu.dma_semaphore, #tpu.memory_space<semaphore_mem>>) src(%dma_wait3A_196 : memref<2x128xi32, #tpu.memory_space<hbm>>) dst(%dma_wait3A_193 : memref<2x128xi32, #tpu.memory_space<vmem>>)
      tpu.yield
    }) : () -> ()
    %dma_start3A_96 = arith.constant 0 : i32
    %dma_start3A_97 = arith.constant 0 : i32
    %dma_start3A_98 = arith.constant 0 : i32
    %dma_start3A_99 = arith.constant 0 : i32
    %dma_start3A_100 = arith.constant 0 : i32
    %dma_start3A_101 = tpu.memref_slice %arg16[%dma_start3A_98, %dma_start3A_99, %dma_start3A_100] : memref<2x256x32xf32, #tpu.memory_space<vmem>> -> memref<1x128x32xf32, #tpu.memory_space<vmem>>
    %dma_start3A_102 = tpu.memref_squeeze %dma_start3A_101 : memref<1x128x32xf32, #tpu.memory_space<vmem>> -> memref<128x32xf32, #tpu.memory_space<vmem>>
    %dma_start3A_103 = arith.constant 0 : i32
    %dma_start3A_104 = tpu.memref_slice %arg14[%dma_start3A_96, %dma_start3A_97, %dma_start3A_103] : memref<2x2x128xi32, #tpu.memory_space<vmem>> -> memref<1x1x128xi32, #tpu.memory_space<vmem>>
    %dma_start3A_105 = tpu.memref_squeeze %dma_start3A_104 : memref<1x1x128xi32, #tpu.memory_space<vmem>> -> memref<128xi32, #tpu.memory_space<vmem>>
    %dma_start3A_106 = arith.constant 0 : i32
    %dma_start3A_107 = arith.constant 0 : i32
    %dma_start3A_108 = tpu.memref_slice %arg2[%dma_start3A_106, %dma_start3A_107] : memref<200704x32xf32, #tpu.memory_space<hbm>> -> memref<200704x32xf32, #tpu.memory_space<hbm>>
    tpu.enqueue_indirect_dma source(%dma_start3A_108 : memref<200704x32xf32, #tpu.memory_space<hbm>>) target(%dma_start3A_102 : memref<128x32xf32, #tpu.memory_space<vmem>>) offsets(%dma_start3A_105 : memref<128xi32, #tpu.memory_space<vmem>>) semaphore(%arg19 : memref<!tpu.dma_semaphore, #tpu.memory_space<semaphore_mem>>)
    %dma_start3A_109 = arith.constant 0 : i32
    %dma_start3A_110 = arith.constant 1 : i32
    %dma_start3A_111 = arith.constant 0 : i32
    %dma_start3A_112 = arith.constant 128 : i32
    %dma_start3A_113 = arith.constant 0 : i32
    %dma_start3A_114 = tpu.memref_slice %arg16[%dma_start3A_111, %dma_start3A_112, %dma_start3A_113] : memref<2x256x32xf32, #tpu.memory_space<vmem>> -> memref<1x128x32xf32, #tpu.memory_space<vmem>>
    %dma_start3A_115 = tpu.memref_squeeze %dma_start3A_114 : memref<1x128x32xf32, #tpu.memory_space<vmem>> -> memref<128x32xf32, #tpu.memory_space<vmem>>
    %dma_start3A_116 = arith.constant 0 : i32
    %dma_start3A_117 = tpu.memref_slice %arg14[%dma_start3A_109, %dma_start3A_110, %dma_start3A_116] : memref<2x2x128xi32, #tpu.memory_space<vmem>> -> memref<1x1x128xi32, #tpu.memory_space<vmem>>
    %dma_start3A_118 = tpu.memref_squeeze %dma_start3A_117 : memref<1x1x128xi32, #tpu.memory_space<vmem>> -> memref<128xi32, #tpu.memory_space<vmem>>
    %dma_start3A_119 = arith.constant 0 : i32
    %dma_start3A_120 = arith.constant 0 : i32
    %dma_start3A_121 = tpu.memref_slice %arg2[%dma_start3A_119, %dma_start3A_120] : memref<200704x32xf32, #tpu.memory_space<hbm>> -> memref<200704x32xf32, #tpu.memory_space<hbm>>
    tpu.enqueue_indirect_dma source(%dma_start3A_121 : memref<200704x32xf32, #tpu.memory_space<hbm>>) target(%dma_start3A_115 : memref<128x32xf32, #tpu.memory_space<vmem>>) offsets(%dma_start3A_118 : memref<128xi32, #tpu.memory_space<vmem>>) semaphore(%arg19 : memref<!tpu.dma_semaphore, #tpu.memory_space<semaphore_mem>>)
    %mul3A_122 = arith.constant 784 : i32
    %mul3A_123 = arith.muli %arg1, %mul3A_122 : i32
    %add3A_124 = arith.constant 2 : i32
    %add3A_125 = arith.addi %mul3A_123, %add3A_124 : i32
    %run_scoped3A_126 = arith.constant 1 : i32
    "tpu.region"() ({
      %run_scoped3A_169 = tpu.sem_alloc : memref<!tpu.dma_semaphore, #tpu.memory_space<semaphore_mem>>
      %dma_start3A_170 = arith.constant 0 : i32
      %dma_start3A_171 = arith.constant 0 : i32
      %dma_start3A_172 = tpu.memref_slice %arg13[%run_scoped3A_126, %dma_start3A_170, %dma_start3A_171] : memref<2x2x128xi32, #tpu.memory_space<vmem>> -> memref<1x2x128xi32, #tpu.memory_space<vmem>>
      %dma_start3A_173 = tpu.memref_squeeze %dma_start3A_172 : memref<1x2x128xi32, #tpu.memory_space<vmem>> -> memref<2x128xi32, #tpu.memory_space<vmem>>
      %dma_start3A_174 = arith.constant 0 : i32
      %dma_start3A_175 = tpu.memref_slice %arg3[%add3A_125, %dma_start3A_174] : memref<12544x128xi32, #tpu.memory_space<hbm>> -> memref<2x128xi32, #tpu.memory_space<hbm>>
      %dma_start3A_176 = arith.constant 0 : i32
      %dma_start3A_177 = arith.constant 0 : i32
      %dma_start3A_178 = tpu.memref_slice %arg13[%run_scoped3A_126, %dma_start3A_176, %dma_start3A_177] : memref<2x2x128xi32, #tpu.memory_space<vmem>> -> memref<1x2x128xi32, #tpu.memory_space<vmem>>
      %dma_start3A_179 = tpu.memref_squeeze %dma_start3A_178 : memref<1x2x128xi32, #tpu.memory_space<vmem>> -> memref<2x128xi32, #tpu.memory_space<vmem>>
      %dma_start3A_180 = arith.constant 0 : i32
      %dma_start3A_181 = tpu.memref_slice %arg3[%add3A_125, %dma_start3A_180] : memref<12544x128xi32, #tpu.memory_space<hbm>> -> memref<2x128xi32, #tpu.memory_space<hbm>>
      tpu.enqueue_dma source(%dma_start3A_181 : memref<2x128xi32, #tpu.memory_space<hbm>>) target(%dma_start3A_179 : memref<2x128xi32, #tpu.memory_space<vmem>>) target_semaphore(%run_scoped3A_169 : memref<!tpu.dma_semaphore, #tpu.memory_space<semaphore_mem>>)
      %dma_wait3A = arith.constant 0 : i32
      %dma_wait3A_182 = arith.constant 0 : i32
      %dma_wait3A_183 = tpu.memref_slice %arg13[%run_scoped3A_126, %dma_wait3A, %dma_wait3A_182] : memref<2x2x128xi32, #tpu.memory_space<vmem>> -> memref<1x2x128xi32, #tpu.memory_space<vmem>>
      %dma_wait3A_184 = tpu.memref_squeeze %dma_wait3A_183 : memref<1x2x128xi32, #tpu.memory_space<vmem>> -> memref<2x128xi32, #tpu.memory_space<vmem>>
      %dma_wait3A_185 = arith.constant 0 : i32
      %dma_wait3A_186 = tpu.memref_slice %arg3[%add3A_125, %dma_wait3A_185] : memref<12544x128xi32, #tpu.memory_space<hbm>> -> memref<2x128xi32, #tpu.memory_space<hbm>>
      %dma_wait3A_187 = arith.constant 0 : i32
      %dma_wait3A_188 = arith.constant 0 : i32
      %dma_wait3A_189 = tpu.memref_slice %arg13[%run_scoped3A_126, %dma_wait3A_187, %dma_wait3A_188] : memref<2x2x128xi32, #tpu.memory_space<vmem>> -> memref<1x2x128xi32, #tpu.memory_space<vmem>>
      %dma_wait3A_190 = tpu.memref_squeeze %dma_wait3A_189 : memref<1x2x128xi32, #tpu.memory_space<vmem>> -> memref<2x128xi32, #tpu.memory_space<vmem>>
      %dma_wait3A_191 = arith.constant 0 : i32
      %dma_wait3A_192 = tpu.memref_slice %arg3[%add3A_125, %dma_wait3A_191] : memref<12544x128xi32, #tpu.memory_space<hbm>> -> memref<2x128xi32, #tpu.memory_space<hbm>>
      tpu.wait_dma2 semaphore(%run_scoped3A_169 : memref<!tpu.dma_semaphore, #tpu.memory_space<semaphore_mem>>) src(%dma_wait3A_192 : memref<2x128xi32, #tpu.memory_space<hbm>>) dst(%dma_wait3A_190 : memref<2x128xi32, #tpu.memory_space<vmem>>)
      tpu.yield
    }) : () -> ()
    %run_scoped3A_127 = arith.constant 1 : i32
    "tpu.region"() ({
      %run_scoped3A_169 = tpu.sem_alloc : memref<!tpu.dma_semaphore, #tpu.memory_space<semaphore_mem>>
      %dma_start3A_170 = arith.constant 0 : i32
      %dma_start3A_171 = arith.constant 0 : i32
      %dma_start3A_172 = tpu.memref_slice %arg14[%run_scoped3A_127, %dma_start3A_170, %dma_start3A_171] : memref<2x2x128xi32, #tpu.memory_space<vmem>> -> memref<1x2x128xi32, #tpu.memory_space<vmem>>
      %dma_start3A_173 = tpu.memref_squeeze %dma_start3A_172 : memref<1x2x128xi32, #tpu.memory_space<vmem>> -> memref<2x128xi32, #tpu.memory_space<vmem>>
      %dma_start3A_174 = arith.constant 0 : i32
      %dma_start3A_175 = tpu.memref_slice %arg4[%add3A_89, %add3A_125, %dma_start3A_174] : memref<5x12544x128xi32, #tpu.memory_space<hbm>> -> memref<1x2x128xi32, #tpu.memory_space<hbm>>
      %dma_start3A_176 = tpu.memref_squeeze %dma_start3A_175 : memref<1x2x128xi32, #tpu.memory_space<hbm>> -> memref<2x128xi32, #tpu.memory_space<hbm>>
      %dma_start3A_177 = arith.constant 0 : i32
      %dma_start3A_178 = arith.constant 0 : i32
      %dma_start3A_179 = tpu.memref_slice %arg14[%run_scoped3A_127, %dma_start3A_177, %dma_start3A_178] : memref<2x2x128xi32, #tpu.memory_space<vmem>> -> memref<1x2x128xi32, #tpu.memory_space<vmem>>
      %dma_start3A_180 = tpu.memref_squeeze %dma_start3A_179 : memref<1x2x128xi32, #tpu.memory_space<vmem>> -> memref<2x128xi32, #tpu.memory_space<vmem>>
      %dma_start3A_181 = arith.constant 0 : i32
      %dma_start3A_182 = tpu.memref_slice %arg4[%add3A_89, %add3A_125, %dma_start3A_181] : memref<5x12544x128xi32, #tpu.memory_space<hbm>> -> memref<1x2x128xi32, #tpu.memory_space<hbm>>
      %dma_start3A_183 = tpu.memref_squeeze %dma_start3A_182 : memref<1x2x128xi32, #tpu.memory_space<hbm>> -> memref<2x128xi32, #tpu.memory_space<hbm>>
      tpu.enqueue_dma source(%dma_start3A_183 : memref<2x128xi32, #tpu.memory_space<hbm>>) target(%dma_start3A_180 : memref<2x128xi32, #tpu.memory_space<vmem>>) target_semaphore(%run_scoped3A_169 : memref<!tpu.dma_semaphore, #tpu.memory_space<semaphore_mem>>)
      %dma_wait3A = arith.constant 0 : i32
      %dma_wait3A_184 = arith.constant 0 : i32
      %dma_wait3A_185 = tpu.memref_slice %arg14[%run_scoped3A_127, %dma_wait3A, %dma_wait3A_184] : memref<2x2x128xi32, #tpu.memory_space<vmem>> -> memref<1x2x128xi32, #tpu.memory_space<vmem>>
      %dma_wait3A_186 = tpu.memref_squeeze %dma_wait3A_185 : memref<1x2x128xi32, #tpu.memory_space<vmem>> -> memref<2x128xi32, #tpu.memory_space<vmem>>
      %dma_wait3A_187 = arith.constant 0 : i32
      %dma_wait3A_188 = tpu.memref_slice %arg4[%add3A_89, %add3A_125, %dma_wait3A_187] : memref<5x12544x128xi32, #tpu.memory_space<hbm>> -> memref<1x2x128xi32, #tpu.memory_space<hbm>>
      %dma_wait3A_189 = tpu.memref_squeeze %dma_wait3A_188 : memref<1x2x128xi32, #tpu.memory_space<hbm>> -> memref<2x128xi32, #tpu.memory_space<hbm>>
      %dma_wait3A_190 = arith.constant 0 : i32
      %dma_wait3A_191 = arith.constant 0 : i32
      %dma_wait3A_192 = tpu.memref_slice %arg14[%run_scoped3A_127, %dma_wait3A_190, %dma_wait3A_191] : memref<2x2x128xi32, #tpu.memory_space<vmem>> -> memref<1x2x128xi32, #tpu.memory_space<vmem>>
      %dma_wait3A_193 = tpu.memref_squeeze %dma_wait3A_192 : memref<1x2x128xi32, #tpu.memory_space<vmem>> -> memref<2x128xi32, #tpu.memory_space<vmem>>
      %dma_wait3A_194 = arith.constant 0 : i32
      %dma_wait3A_195 = tpu.memref_slice %arg4[%add3A_89, %add3A_125, %dma_wait3A_194] : memref<5x12544x128xi32, #tpu.memory_space<hbm>> -> memref<1x2x128xi32, #tpu.memory_space<hbm>>
      %dma_wait3A_196 = tpu.memref_squeeze %dma_wait3A_195 : memref<1x2x128xi32, #tpu.memory_space<hbm>> -> memref<2x128xi32, #tpu.memory_space<hbm>>
      tpu.wait_dma2 semaphore(%run_scoped3A_169 : memref<!tpu.dma_semaphore, #tpu.memory_space<semaphore_mem>>) src(%dma_wait3A_196 : memref<2x128xi32, #tpu.memory_space<hbm>>) dst(%dma_wait3A_193 : memref<2x128xi32, #tpu.memory_space<vmem>>)
      tpu.yield
    }) : () -> ()
    %dma_start3A_128 = arith.constant 1 : i32
    %dma_start3A_129 = arith.constant 0 : i32
    %dma_start3A_130 = arith.constant 1 : i32
    %dma_start3A_131 = arith.constant 0 : i32
    %dma_start3A_132 = arith.constant 0 : i32
    %dma_start3A_133 = tpu.memref_slice %arg16[%dma_start3A_130, %dma_start3A_131, %dma_start3A_132] : memref<2x256x32xf32, #tpu.memory_space<vmem>> -> memref<1x128x32xf32, #tpu.memory_space<vmem>>
    %dma_start3A_134 = tpu.memref_squeeze %dma_start3A_133 : memref<1x128x32xf32, #tpu.memory_space<vmem>> -> memref<128x32xf32, #tpu.memory_space<vmem>>
    %dma_start3A_135 = arith.constant 0 : i32
    %dma_start3A_136 = tpu.memref_slice %arg14[%dma_start3A_128, %dma_start3A_129, %dma_start3A_135] : memref<2x2x128xi32, #tpu.memory_space<vmem>> -> memref<1x1x128xi32, #tpu.memory_space<vmem>>
    %dma_start3A_137 = tpu.memref_squeeze %dma_start3A_136 : memref<1x1x128xi32, #tpu.memory_space<vmem>> -> memref<128xi32, #tpu.memory_space<vmem>>
    %dma_start3A_138 = arith.constant 0 : i32
    %dma_start3A_139 = arith.constant 0 : i32
    %dma_start3A_140 = tpu.memref_slice %arg2[%dma_start3A_138, %dma_start3A_139] : memref<200704x32xf32, #tpu.memory_space<hbm>> -> memref<200704x32xf32, #tpu.memory_space<hbm>>
    tpu.enqueue_indirect_dma source(%dma_start3A_140 : memref<200704x32xf32, #tpu.memory_space<hbm>>) target(%dma_start3A_134 : memref<128x32xf32, #tpu.memory_space<vmem>>) offsets(%dma_start3A_137 : memref<128xi32, #tpu.memory_space<vmem>>) semaphore(%arg20 : memref<!tpu.dma_semaphore, #tpu.memory_space<semaphore_mem>>)
    %dma_start3A_141 = arith.constant 1 : i32
    %dma_start3A_142 = arith.constant 1 : i32
    %dma_start3A_143 = arith.constant 1 : i32
    %dma_start3A_144 = arith.constant 128 : i32
    %dma_start3A_145 = arith.constant 0 : i32
    %dma_start3A_146 = tpu.memref_slice %arg16[%dma_start3A_143, %dma_start3A_144, %dma_start3A_145] : memref<2x256x32xf32, #tpu.memory_space<vmem>> -> memref<1x128x32xf32, #tpu.memory_space<vmem>>
    %dma_start3A_147 = tpu.memref_squeeze %dma_start3A_146 : memref<1x128x32xf32, #tpu.memory_space<vmem>> -> memref<128x32xf32, #tpu.memory_space<vmem>>
    %dma_start3A_148 = arith.constant 0 : i32
    %dma_start3A_149 = tpu.memref_slice %arg14[%dma_start3A_141, %dma_start3A_142, %dma_start3A_148] : memref<2x2x128xi32, #tpu.memory_space<vmem>> -> memref<1x1x128xi32, #tpu.memory_space<vmem>>
    %dma_start3A_150 = tpu.memref_squeeze %dma_start3A_149 : memref<1x1x128xi32, #tpu.memory_space<vmem>> -> memref<128xi32, #tpu.memory_space<vmem>>
    %dma_start3A_151 = arith.constant 0 : i32
    %dma_start3A_152 = arith.constant 0 : i32
    %dma_start3A_153 = tpu.memref_slice %arg2[%dma_start3A_151, %dma_start3A_152] : memref<200704x32xf32, #tpu.memory_space<hbm>> -> memref<200704x32xf32, #tpu.memory_space<hbm>>
    tpu.enqueue_indirect_dma source(%dma_start3A_153 : memref<200704x32xf32, #tpu.memory_space<hbm>>) target(%dma_start3A_147 : memref<128x32xf32, #tpu.memory_space<vmem>>) offsets(%dma_start3A_150 : memref<128xi32, #tpu.memory_space<vmem>>) semaphore(%arg20 : memref<!tpu.dma_semaphore, #tpu.memory_space<semaphore_mem>>)
    %mul3A_154 = arith.constant 3136 : i32
    %mul3A_155 = arith.muli %arg1, %mul3A_154 : i32
    "tpu.region"() ({
      %run_scoped3A_169 = tpu.sem_alloc : memref<!tpu.dma_semaphore, #tpu.memory_space<semaphore_mem>>
      %dma_start3A_170 = arith.constant 0 : i32
      %dma_start3A_171 = tpu.memref_slice %arg11[%mul3A_155, %dma_start3A_170] : memref<50176x32xf32, #tpu.memory_space<vmem_shared>> -> memref<3136x32xf32, #tpu.memory_space<vmem_shared>>
      tpu.enqueue_dma source(%arg7 : memref<3136x32xf32, #tpu.memory_space<hbm>>) target(%dma_start3A_171 : memref<3136x32xf32, #tpu.memory_space<vmem_shared>>) target_semaphore(%run_scoped3A_169 : memref<!tpu.dma_semaphore, #tpu.memory_space<semaphore_mem>>)
      %dma_wait3A = arith.constant 0 : i32
      %dma_wait3A_172 = tpu.memref_slice %arg11[%mul3A_155, %dma_wait3A] : memref<50176x32xf32, #tpu.memory_space<vmem_shared>> -> memref<3136x32xf32, #tpu.memory_space<vmem_shared>>
      tpu.wait_dma2 semaphore(%run_scoped3A_169 : memref<!tpu.dma_semaphore, #tpu.memory_space<semaphore_mem>>) src(%arg7 : memref<3136x32xf32, #tpu.memory_space<hbm>>) dst(%dma_wait3A_172 : memref<3136x32xf32, #tpu.memory_space<vmem_shared>>)
      tpu.yield
    }) : () -> ()
    %barrier3A_156 = arith.constant 0 : index
    tpu.barrier barrier_id(%barrier3A_156)
    %scan3A_157 = arith.constant 0 : i32
    %scan3A_158 = arith.constant 0 : i32
    %scan3A_159 = arith.constant 196 : i32
    %scan3A_160 = arith.addi %scan3A_158, %scan3A_159 : i32
    %scan3A_161 = arith.constant 1 : i32
    scf.for %scan3A_169 = %scan3A_158 to %scan3A_160 step %scan3A_161  : i32 {
      %mul3A_170 = arith.constant 2 : i32
      %mul3A_171 = arith.muli %mul3A_170, %scan3A_169 : i32
      %dma_wait3A = arith.constant 0 : i32
      %dma_wait3A_172 = arith.constant 0 : i32
      %dma_wait3A_173 = arith.constant 0 : i32
      %dma_wait3A_174 = tpu.memref_slice %arg16[%dma_wait3A, %dma_wait3A_172, %dma_wait3A_173] : memref<2x256x32xf32, #tpu.memory_space<vmem>> -> memref<1x256x32xf32, #tpu.memory_space<vmem>>
      %dma_wait3A_175 = tpu.memref_squeeze %dma_wait3A_174 : memref<1x256x32xf32, #tpu.memory_space<vmem>> -> memref<256x32xf32, #tpu.memory_space<vmem>>
      %dma_wait3A_176 = arith.constant 0 : i32
      %dma_wait3A_177 = arith.constant 0 : i32
      %dma_wait3A_178 = tpu.memref_slice %arg2[%dma_wait3A_176, %dma_wait3A_177] : memref<200704x32xf32, #tpu.memory_space<hbm>> -> memref<256x32xf32, #tpu.memory_space<hbm>>
      %dma_wait3A_179 = arith.constant 0 : i32
      %dma_wait3A_180 = arith.constant 0 : i32
      %dma_wait3A_181 = tpu.memref_slice %arg16[%dma_wait3A, %dma_wait3A_179, %dma_wait3A_180] : memref<2x256x32xf32, #tpu.memory_space<vmem>> -> memref<1x256x32xf32, #tpu.memory_space<vmem>>
      %dma_wait3A_182 = tpu.memref_squeeze %dma_wait3A_181 : memref<1x256x32xf32, #tpu.memory_space<vmem>> -> memref<256x32xf32, #tpu.memory_space<vmem>>
      %dma_wait3A_183 = arith.constant 0 : i32
      %dma_wait3A_184 = arith.constant 0 : i32
      %dma_wait3A_185 = tpu.memref_slice %arg2[%dma_wait3A_183, %dma_wait3A_184] : memref<200704x32xf32, #tpu.memory_space<hbm>> -> memref<256x32xf32, #tpu.memory_space<hbm>>
      tpu.wait_dma2 semaphore(%arg19 : memref<!tpu.dma_semaphore, #tpu.memory_space<semaphore_mem>>) src(%dma_wait3A_185 : memref<256x32xf32, #tpu.memory_space<hbm>>) dst(%dma_wait3A_182 : memref<256x32xf32, #tpu.memory_space<vmem>>)
      %run_scoped3A_186 = arith.constant 0 : i32
      %run_scoped3A_187 = arith.constant 0 : i32
      %run_scoped3A_188 = arith.constant 0 : i32
      "tpu.region"() ({
        %run_scoped3A_230 = tpu.sem_alloc : memref<!tpu.dma_semaphore, #tpu.memory_space<semaphore_mem>>
        %dma_start3A_231 = arith.constant 0 : i32
        %dma_start3A_232 = arith.constant 0 : i32
        %dma_start3A_233 = tpu.memref_slice %arg16[%run_scoped3A_186, %dma_start3A_231, %dma_start3A_232] : memref<2x256x32xf32, #tpu.memory_space<vmem>> -> memref<1x128x32xf32, #tpu.memory_space<vmem>>
        %dma_start3A_234 = tpu.memref_squeeze %dma_start3A_233 : memref<1x128x32xf32, #tpu.memory_space<vmem>> -> memref<128x32xf32, #tpu.memory_space<vmem>>
        %dma_start3A_235 = arith.constant 0 : i32
        %dma_start3A_236 = tpu.memref_slice %arg13[%run_scoped3A_187, %run_scoped3A_188, %dma_start3A_235] : memref<2x2x128xi32, #tpu.memory_space<vmem>> -> memref<1x1x128xi32, #tpu.memory_space<vmem>>
        %dma_start3A_237 = tpu.memref_squeeze %dma_start3A_236 : memref<1x1x128xi32, #tpu.memory_space<vmem>> -> memref<128xi32, #tpu.memory_space<vmem>>
        %dma_start3A_238 = arith.constant 0 : i32
        %dma_start3A_239 = arith.constant 0 : i32
        %dma_start3A_240 = tpu.memref_slice %arg11[%dma_start3A_238, %dma_start3A_239] : memref<50176x32xf32, #tpu.memory_space<vmem_shared>> -> memref<50176x32xf32, #tpu.memory_space<vmem_shared>>
        tpu.enqueue_indirect_dma source(%dma_start3A_234 : memref<128x32xf32, #tpu.memory_space<vmem>>) target(%dma_start3A_240 : memref<50176x32xf32, #tpu.memory_space<vmem_shared>>) offsets(%dma_start3A_237 : memref<128xi32, #tpu.memory_space<vmem>>) semaphore(%run_scoped3A_230 : memref<!tpu.dma_semaphore, #tpu.memory_space<semaphore_mem>>) {add = true}
        %dma_wait3A_241 = arith.constant 0 : i32
        %dma_wait3A_242 = arith.constant 0 : i32
        %dma_wait3A_243 = tpu.memref_slice %arg16[%run_scoped3A_186, %dma_wait3A_241, %dma_wait3A_242] : memref<2x256x32xf32, #tpu.memory_space<vmem>> -> memref<1x128x32xf32, #tpu.memory_space<vmem>>
        %dma_wait3A_244 = tpu.memref_squeeze %dma_wait3A_243 : memref<1x128x32xf32, #tpu.memory_space<vmem>> -> memref<128x32xf32, #tpu.memory_space<vmem>>
        %dma_wait3A_245 = arith.constant 0 : i32
        %dma_wait3A_246 = tpu.memref_slice %arg13[%run_scoped3A_187, %run_scoped3A_188, %dma_wait3A_245] : memref<2x2x128xi32, #tpu.memory_space<vmem>> -> memref<1x1x128xi32, #tpu.memory_space<vmem>>
        %dma_wait3A_247 = tpu.memref_squeeze %dma_wait3A_246 : memref<1x1x128xi32, #tpu.memory_space<vmem>> -> memref<128xi32, #tpu.memory_space<vmem>>
        %dma_wait3A_248 = arith.constant 0 : i32
        %dma_wait3A_249 = arith.constant 0 : i32
        %dma_wait3A_250 = tpu.memref_slice %arg11[%dma_wait3A_248, %dma_wait3A_249] : memref<50176x32xf32, #tpu.memory_space<vmem_shared>> -> memref<50176x32xf32, #tpu.memory_space<vmem_shared>>
        tpu.wait_indirect_dma semaphore(%run_scoped3A_230 : memref<!tpu.dma_semaphore, #tpu.memory_space<semaphore_mem>>) src(%dma_wait3A_244 : memref<128x32xf32, #tpu.memory_space<vmem>>) dst(%dma_wait3A_250 : memref<50176x32xf32, #tpu.memory_space<vmem_shared>>)
        tpu.yield
      }) : () -> ()
      %run_scoped3A_189 = arith.constant 0 : i32
      %run_scoped3A_190 = arith.constant 0 : i32
      %run_scoped3A_191 = arith.constant 1 : i32
      "tpu.region"() ({
        %run_scoped3A_230 = tpu.sem_alloc : memref<!tpu.dma_semaphore, #tpu.memory_space<semaphore_mem>>
        %dma_start3A_231 = arith.constant 128 : i32
        %dma_start3A_232 = arith.constant 0 : i32
        %dma_start3A_233 = tpu.memref_slice %arg16[%run_scoped3A_189, %dma_start3A_231, %dma_start3A_232] : memref<2x256x32xf32, #tpu.memory_space<vmem>> -> memref<1x128x32xf32, #tpu.memory_space<vmem>>
        %dma_start3A_234 = tpu.memref_squeeze %dma_start3A_233 : memref<1x128x32xf32, #tpu.memory_space<vmem>> -> memref<128x32xf32, #tpu.memory_space<vmem>>
        %dma_start3A_235 = arith.constant 0 : i32
        %dma_start3A_236 = tpu.memref_slice %arg13[%run_scoped3A_190, %run_scoped3A_191, %dma_start3A_235] : memref<2x2x128xi32, #tpu.memory_space<vmem>> -> memref<1x1x128xi32, #tpu.memory_space<vmem>>
        %dma_start3A_237 = tpu.memref_squeeze %dma_start3A_236 : memref<1x1x128xi32, #tpu.memory_space<vmem>> -> memref<128xi32, #tpu.memory_space<vmem>>
        %dma_start3A_238 = arith.constant 0 : i32
        %dma_start3A_239 = arith.constant 0 : i32
        %dma_start3A_240 = tpu.memref_slice %arg11[%dma_start3A_238, %dma_start3A_239] : memref<50176x32xf32, #tpu.memory_space<vmem_shared>> -> memref<50176x32xf32, #tpu.memory_space<vmem_shared>>
        tpu.enqueue_indirect_dma source(%dma_start3A_234 : memref<128x32xf32, #tpu.memory_space<vmem>>) target(%dma_start3A_240 : memref<50176x32xf32, #tpu.memory_space<vmem_shared>>) offsets(%dma_start3A_237 : memref<128xi32, #tpu.memory_space<vmem>>) semaphore(%run_scoped3A_230 : memref<!tpu.dma_semaphore, #tpu.memory_space<semaphore_mem>>) {add = true}
        %dma_wait3A_241 = arith.constant 128 : i32
        %dma_wait3A_242 = arith.constant 0 : i32
        %dma_wait3A_243 = tpu.memref_slice %arg16[%run_scoped3A_189, %dma_wait3A_241, %dma_wait3A_242] : memref<2x256x32xf32, #tpu.memory_space<vmem>> -> memref<1x128x32xf32, #tpu.memory_space<vmem>>
        %dma_wait3A_244 = tpu.memref_squeeze %dma_wait3A_243 : memref<1x128x32xf32, #tpu.memory_space<vmem>> -> memref<128x32xf32, #tpu.memory_space<vmem>>
        %dma_wait3A_245 = arith.constant 0 : i32
        %dma_wait3A_246 = tpu.memref_slice %arg13[%run_scoped3A_190, %run_scoped3A_191, %dma_wait3A_245] : memref<2x2x128xi32, #tpu.memory_space<vmem>> -> memref<1x1x128xi32, #tpu.memory_space<vmem>>
        %dma_wait3A_247 = tpu.memref_squeeze %dma_wait3A_246 : memref<1x1x128xi32, #tpu.memory_space<vmem>> -> memref<128xi32, #tpu.memory_space<vmem>>
        %dma_wait3A_248 = arith.constant 0 : i32
        %dma_wait3A_249 = arith.constant 0 : i32
        %dma_wait3A_250 = tpu.memref_slice %arg11[%dma_wait3A_248, %dma_wait3A_249] : memref<50176x32xf32, #tpu.memory_space<vmem_shared>> -> memref<50176x32xf32, #tpu.memory_space<vmem_shared>>
        tpu.wait_indirect_dma semaphore(%run_scoped3A_230 : memref<!tpu.dma_semaphore, #tpu.memory_space<semaphore_mem>>) src(%dma_wait3A_244 : memref<128x32xf32, #tpu.memory_space<vmem>>) dst(%dma_wait3A_250 : memref<50176x32xf32, #tpu.memory_space<vmem_shared>>)
        tpu.yield
      }) : () -> ()
      %add3A_192 = arith.constant 2 : i32
      %add3A_193 = arith.addi %mul3A_171, %add3A_192 : i32
      %lt3A = arith.constant 392 : i32
      %lt3A_194 = arith.cmpi slt, %add3A_193, %lt3A : i32
      %convert_element_type3A_195 = arith.extui %lt3A_194 : i1 to i32
      %cond3A_196 = arith.constant 0 : i32
      %cond3A_197 = arith.cmpi ne, %convert_element_type3A_195, %cond3A_196 : i32
      scf.if %cond3A_197 {
        %add3A_230 = arith.constant 2 : i32
        %add3A_231 = arith.addi %mul3A_171, %add3A_230 : i32
        %mul3A_232 = arith.constant 784 : i32
        %mul3A_233 = arith.muli %arg1, %mul3A_232 : i32
        %mul3A_234 = arith.constant 2 : i32
        %mul3A_235 = arith.muli %add3A_231, %mul3A_234 : i32
        %add3A_236 = arith.addi %mul3A_233, %mul3A_235 : i32
        %run_scoped3A_237 = arith.constant 0 : i32
        "tpu.region"() ({
          %run_scoped3A_265 = tpu.sem_alloc : memref<!tpu.dma_semaphore, #tpu.memory_space<semaphore_mem>>
          %dma_start3A_266 = arith.constant 0 : i32
          %dma_start3A_267 = arith.constant 0 : i32
          %dma_start3A_268 = tpu.memref_slice %arg13[%run_scoped3A_237, %dma_start3A_266, %dma_start3A_267] : memref<2x2x128xi32, #tpu.memory_space<vmem>> -> memref<1x2x128xi32, #tpu.memory_space<vmem>>
          %dma_start3A_269 = tpu.memref_squeeze %dma_start3A_268 : memref<1x2x128xi32, #tpu.memory_space<vmem>> -> memref<2x128xi32, #tpu.memory_space<vmem>>
          %dma_start3A_270 = arith.constant 0 : i32
          %dma_start3A_271 = tpu.memref_slice %arg3[%add3A_236, %dma_start3A_270] : memref<12544x128xi32, #tpu.memory_space<hbm>> -> memref<2x128xi32, #tpu.memory_space<hbm>>
          %dma_start3A_272 = arith.constant 0 : i32
          %dma_start3A_273 = arith.constant 0 : i32
          %dma_start3A_274 = tpu.memref_slice %arg13[%run_scoped3A_237, %dma_start3A_272, %dma_start3A_273] : memref<2x2x128xi32, #tpu.memory_space<vmem>> -> memref<1x2x128xi32, #tpu.memory_space<vmem>>
          %dma_start3A_275 = tpu.memref_squeeze %dma_start3A_274 : memref<1x2x128xi32, #tpu.memory_space<vmem>> -> memref<2x128xi32, #tpu.memory_space<vmem>>
          %dma_start3A_276 = arith.constant 0 : i32
          %dma_start3A_277 = tpu.memref_slice %arg3[%add3A_236, %dma_start3A_276] : memref<12544x128xi32, #tpu.memory_space<hbm>> -> memref<2x128xi32, #tpu.memory_space<hbm>>
          tpu.enqueue_dma source(%dma_start3A_277 : memref<2x128xi32, #tpu.memory_space<hbm>>) target(%dma_start3A_275 : memref<2x128xi32, #tpu.memory_space<vmem>>) target_semaphore(%run_scoped3A_265 : memref<!tpu.dma_semaphore, #tpu.memory_space<semaphore_mem>>)
          %dma_wait3A_278 = arith.constant 0 : i32
          %dma_wait3A_279 = arith.constant 0 : i32
          %dma_wait3A_280 = tpu.memref_slice %arg13[%run_scoped3A_237, %dma_wait3A_278, %dma_wait3A_279] : memref<2x2x128xi32, #tpu.memory_space<vmem>> -> memref<1x2x128xi32, #tpu.memory_space<vmem>>
          %dma_wait3A_281 = tpu.memref_squeeze %dma_wait3A_280 : memref<1x2x128xi32, #tpu.memory_space<vmem>> -> memref<2x128xi32, #tpu.memory_space<vmem>>
          %dma_wait3A_282 = arith.constant 0 : i32
          %dma_wait3A_283 = tpu.memref_slice %arg3[%add3A_236, %dma_wait3A_282] : memref<12544x128xi32, #tpu.memory_space<hbm>> -> memref<2x128xi32, #tpu.memory_space<hbm>>
          %dma_wait3A_284 = arith.constant 0 : i32
          %dma_wait3A_285 = arith.constant 0 : i32
          %dma_wait3A_286 = tpu.memref_slice %arg13[%run_scoped3A_237, %dma_wait3A_284, %dma_wait3A_285] : memref<2x2x128xi32, #tpu.memory_space<vmem>> -> memref<1x2x128xi32, #tpu.memory_space<vmem>>
          %dma_wait3A_287 = tpu.memref_squeeze %dma_wait3A_286 : memref<1x2x128xi32, #tpu.memory_space<vmem>> -> memref<2x128xi32, #tpu.memory_space<vmem>>
          %dma_wait3A_288 = arith.constant 0 : i32
          %dma_wait3A_289 = tpu.memref_slice %arg3[%add3A_236, %dma_wait3A_288] : memref<12544x128xi32, #tpu.memory_space<hbm>> -> memref<2x128xi32, #tpu.memory_space<hbm>>
          tpu.wait_dma2 semaphore(%run_scoped3A_265 : memref<!tpu.dma_semaphore, #tpu.memory_space<semaphore_mem>>) src(%dma_wait3A_289 : memref<2x128xi32, #tpu.memory_space<hbm>>) dst(%dma_wait3A_287 : memref<2x128xi32, #tpu.memory_space<vmem>>)
          tpu.yield
        }) : () -> ()
        %run_scoped3A_238 = arith.constant 0 : i32
        "tpu.region"() ({
          %run_scoped3A_265 = tpu.sem_alloc : memref<!tpu.dma_semaphore, #tpu.memory_space<semaphore_mem>>
          %dma_start3A_266 = arith.constant 0 : i32
          %dma_start3A_267 = arith.constant 0 : i32
          %dma_start3A_268 = tpu.memref_slice %arg14[%run_scoped3A_238, %dma_start3A_266, %dma_start3A_267] : memref<2x2x128xi32, #tpu.memory_space<vmem>> -> memref<1x2x128xi32, #tpu.memory_space<vmem>>
          %dma_start3A_269 = tpu.memref_squeeze %dma_start3A_268 : memref<1x2x128xi32, #tpu.memory_space<vmem>> -> memref<2x128xi32, #tpu.memory_space<vmem>>
          %dma_start3A_270 = arith.constant 0 : i32
          %dma_start3A_271 = tpu.memref_slice %arg4[%add3A_89, %add3A_236, %dma_start3A_270] : memref<5x12544x128xi32, #tpu.memory_space<hbm>> -> memref<1x2x128xi32, #tpu.memory_space<hbm>>
          %dma_start3A_272 = tpu.memref_squeeze %dma_start3A_271 : memref<1x2x128xi32, #tpu.memory_space<hbm>> -> memref<2x128xi32, #tpu.memory_space<hbm>>
          %dma_start3A_273 = arith.constant 0 : i32
          %dma_start3A_274 = arith.constant 0 : i32
          %dma_start3A_275 = tpu.memref_slice %arg14[%run_scoped3A_238, %dma_start3A_273, %dma_start3A_274] : memref<2x2x128xi32, #tpu.memory_space<vmem>> -> memref<1x2x128xi32, #tpu.memory_space<vmem>>
          %dma_start3A_276 = tpu.memref_squeeze %dma_start3A_275 : memref<1x2x128xi32, #tpu.memory_space<vmem>> -> memref<2x128xi32, #tpu.memory_space<vmem>>
          %dma_start3A_277 = arith.constant 0 : i32
          %dma_start3A_278 = tpu.memref_slice %arg4[%add3A_89, %add3A_236, %dma_start3A_277] : memref<5x12544x128xi32, #tpu.memory_space<hbm>> -> memref<1x2x128xi32, #tpu.memory_space<hbm>>
          %dma_start3A_279 = tpu.memref_squeeze %dma_start3A_278 : memref<1x2x128xi32, #tpu.memory_space<hbm>> -> memref<2x128xi32, #tpu.memory_space<hbm>>
          tpu.enqueue_dma source(%dma_start3A_279 : memref<2x128xi32, #tpu.memory_space<hbm>>) target(%dma_start3A_276 : memref<2x128xi32, #tpu.memory_space<vmem>>) target_semaphore(%run_scoped3A_265 : memref<!tpu.dma_semaphore, #tpu.memory_space<semaphore_mem>>)
          %dma_wait3A_280 = arith.constant 0 : i32
          %dma_wait3A_281 = arith.constant 0 : i32
          %dma_wait3A_282 = tpu.memref_slice %arg14[%run_scoped3A_238, %dma_wait3A_280, %dma_wait3A_281] : memref<2x2x128xi32, #tpu.memory_space<vmem>> -> memref<1x2x128xi32, #tpu.memory_space<vmem>>
          %dma_wait3A_283 = tpu.memref_squeeze %dma_wait3A_282 : memref<1x2x128xi32, #tpu.memory_space<vmem>> -> memref<2x128xi32, #tpu.memory_space<vmem>>
          %dma_wait3A_284 = arith.constant 0 : i32
          %dma_wait3A_285 = tpu.memref_slice %arg4[%add3A_89, %add3A_236, %dma_wait3A_284] : memref<5x12544x128xi32, #tpu.memory_space<hbm>> -> memref<1x2x128xi32, #tpu.memory_space<hbm>>
          %dma_wait3A_286 = tpu.memref_squeeze %dma_wait3A_285 : memref<1x2x128xi32, #tpu.memory_space<hbm>> -> memref<2x128xi32, #tpu.memory_space<hbm>>
          %dma_wait3A_287 = arith.constant 0 : i32
          %dma_wait3A_288 = arith.constant 0 : i32
          %dma_wait3A_289 = tpu.memref_slice %arg14[%run_scoped3A_238, %dma_wait3A_287, %dma_wait3A_288] : memref<2x2x128xi32, #tpu.memory_space<vmem>> -> memref<1x2x128xi32, #tpu.memory_space<vmem>>
          %dma_wait3A_290 = tpu.memref_squeeze %dma_wait3A_289 : memref<1x2x128xi32, #tpu.memory_space<vmem>> -> memref<2x128xi32, #tpu.memory_space<vmem>>
          %dma_wait3A_291 = arith.constant 0 : i32
          %dma_wait3A_292 = tpu.memref_slice %arg4[%add3A_89, %add3A_236, %dma_wait3A_291] : memref<5x12544x128xi32, #tpu.memory_space<hbm>> -> memref<1x2x128xi32, #tpu.memory_space<hbm>>
          %dma_wait3A_293 = tpu.memref_squeeze %dma_wait3A_292 : memref<1x2x128xi32, #tpu.memory_space<hbm>> -> memref<2x128xi32, #tpu.memory_space<hbm>>
          tpu.wait_dma2 semaphore(%run_scoped3A_265 : memref<!tpu.dma_semaphore, #tpu.memory_space<semaphore_mem>>) src(%dma_wait3A_293 : memref<2x128xi32, #tpu.memory_space<hbm>>) dst(%dma_wait3A_290 : memref<2x128xi32, #tpu.memory_space<vmem>>)
          tpu.yield
        }) : () -> ()
        %dma_start3A_239 = arith.constant 0 : i32
        %dma_start3A_240 = arith.constant 0 : i32
        %dma_start3A_241 = arith.constant 0 : i32
        %dma_start3A_242 = arith.constant 0 : i32
        %dma_start3A_243 = arith.constant 0 : i32
        %dma_start3A_244 = tpu.memref_slice %arg16[%dma_start3A_241, %dma_start3A_242, %dma_start3A_243] : memref<2x256x32xf32, #tpu.memory_space<vmem>> -> memref<1x128x32xf32, #tpu.memory_space<vmem>>
        %dma_start3A_245 = tpu.memref_squeeze %dma_start3A_244 : memref<1x128x32xf32, #tpu.memory_space<vmem>> -> memref<128x32xf32, #tpu.memory_space<vmem>>
        %dma_start3A_246 = arith.constant 0 : i32
        %dma_start3A_247 = tpu.memref_slice %arg14[%dma_start3A_239, %dma_start3A_240, %dma_start3A_246] : memref<2x2x128xi32, #tpu.memory_space<vmem>> -> memref<1x1x128xi32, #tpu.memory_space<vmem>>
        %dma_start3A_248 = tpu.memref_squeeze %dma_start3A_247 : memref<1x1x128xi32, #tpu.memory_space<vmem>> -> memref<128xi32, #tpu.memory_space<vmem>>
        %dma_start3A_249 = arith.constant 0 : i32
        %dma_start3A_250 = arith.constant 0 : i32
        %dma_start3A_251 = tpu.memref_slice %arg2[%dma_start3A_249, %dma_start3A_250] : memref<200704x32xf32, #tpu.memory_space<hbm>> -> memref<200704x32xf32, #tpu.memory_space<hbm>>
        tpu.enqueue_indirect_dma source(%dma_start3A_251 : memref<200704x32xf32, #tpu.memory_space<hbm>>) target(%dma_start3A_245 : memref<128x32xf32, #tpu.memory_space<vmem>>) offsets(%dma_start3A_248 : memref<128xi32, #tpu.memory_space<vmem>>) semaphore(%arg19 : memref<!tpu.dma_semaphore, #tpu.memory_space<semaphore_mem>>)
        %dma_start3A_252 = arith.constant 0 : i32
        %dma_start3A_253 = arith.constant 1 : i32
        %dma_start3A_254 = arith.constant 0 : i32
        %dma_start3A_255 = arith.constant 128 : i32
        %dma_start3A_256 = arith.constant 0 : i32
        %dma_start3A_257 = tpu.memref_slice %arg16[%dma_start3A_254, %dma_start3A_255, %dma_start3A_256] : memref<2x256x32xf32, #tpu.memory_space<vmem>> -> memref<1x128x32xf32, #tpu.memory_space<vmem>>
        %dma_start3A_258 = tpu.memref_squeeze %dma_start3A_257 : memref<1x128x32xf32, #tpu.memory_space<vmem>> -> memref<128x32xf32, #tpu.memory_space<vmem>>
        %dma_start3A_259 = arith.constant 0 : i32
        %dma_start3A_260 = tpu.memref_slice %arg14[%dma_start3A_252, %dma_start3A_253, %dma_start3A_259] : memref<2x2x128xi32, #tpu.memory_space<vmem>> -> memref<1x1x128xi32, #tpu.memory_space<vmem>>
        %dma_start3A_261 = tpu.memref_squeeze %dma_start3A_260 : memref<1x1x128xi32, #tpu.memory_space<vmem>> -> memref<128xi32, #tpu.memory_space<vmem>>
        %dma_start3A_262 = arith.constant 0 : i32
        %dma_start3A_263 = arith.constant 0 : i32
        %dma_start3A_264 = tpu.memref_slice %arg2[%dma_start3A_262, %dma_start3A_263] : memref<200704x32xf32, #tpu.memory_space<hbm>> -> memref<200704x32xf32, #tpu.memory_space<hbm>>
        tpu.enqueue_indirect_dma source(%dma_start3A_264 : memref<200704x32xf32, #tpu.memory_space<hbm>>) target(%dma_start3A_258 : memref<128x32xf32, #tpu.memory_space<vmem>>) offsets(%dma_start3A_261 : memref<128xi32, #tpu.memory_space<vmem>>) semaphore(%arg19 : memref<!tpu.dma_semaphore, #tpu.memory_space<semaphore_mem>>)
      } else {
      }
      %mul3A_198 = arith.constant 2 : i32
      %mul3A_199 = arith.muli %mul3A_198, %scan3A_169 : i32
      %add3A_200 = arith.constant 1 : i32
      %add3A_201 = arith.addi %mul3A_199, %add3A_200 : i32
      %dma_wait3A_202 = arith.constant 1 : i32
      %dma_wait3A_203 = arith.constant 0 : i32
      %dma_wait3A_204 = arith.constant 0 : i32
      %dma_wait3A_205 = tpu.memref_slice %arg16[%dma_wait3A_202, %dma_wait3A_203, %dma_wait3A_204] : memref<2x256x32xf32, #tpu.memory_space<vmem>> -> memref<1x256x32xf32, #tpu.memory_space<vmem>>
      %dma_wait3A_206 = tpu.memref_squeeze %dma_wait3A_205 : memref<1x256x32xf32, #tpu.memory_space<vmem>> -> memref<256x32xf32, #tpu.memory_space<vmem>>
      %dma_wait3A_207 = arith.constant 0 : i32
      %dma_wait3A_208 = arith.constant 0 : i32
      %dma_wait3A_209 = tpu.memref_slice %arg2[%dma_wait3A_207, %dma_wait3A_208] : memref<200704x32xf32, #tpu.memory_space<hbm>> -> memref<256x32xf32, #tpu.memory_space<hbm>>
      %dma_wait3A_210 = arith.constant 0 : i32
      %dma_wait3A_211 = arith.constant 0 : i32
      %dma_wait3A_212 = tpu.memref_slice %arg16[%dma_wait3A_202, %dma_wait3A_210, %dma_wait3A_211] : memref<2x256x32xf32, #tpu.memory_space<vmem>> -> memref<1x256x32xf32, #tpu.memory_space<vmem>>
      %dma_wait3A_213 = tpu.memref_squeeze %dma_wait3A_212 : memref<1x256x32xf32, #tpu.memory_space<vmem>> -> memref<256x32xf32, #tpu.memory_space<vmem>>
      %dma_wait3A_214 = arith.constant 0 : i32
      %dma_wait3A_215 = arith.constant 0 : i32
      %dma_wait3A_216 = tpu.memref_slice %arg2[%dma_wait3A_214, %dma_wait3A_215] : memref<200704x32xf32, #tpu.memory_space<hbm>> -> memref<256x32xf32, #tpu.memory_space<hbm>>
      tpu.wait_dma2 semaphore(%arg20 : memref<!tpu.dma_semaphore, #tpu.memory_space<semaphore_mem>>) src(%dma_wait3A_216 : memref<256x32xf32, #tpu.memory_space<hbm>>) dst(%dma_wait3A_213 : memref<256x32xf32, #tpu.memory_space<vmem>>)
      %run_scoped3A_217 = arith.constant 1 : i32
      %run_scoped3A_218 = arith.constant 1 : i32
      %run_scoped3A_219 = arith.constant 0 : i32
      "tpu.region"() ({
        %run_scoped3A_230 = tpu.sem_alloc : memref<!tpu.dma_semaphore, #tpu.memory_space<semaphore_mem>>
        %dma_start3A_231 = arith.constant 0 : i32
        %dma_start3A_232 = arith.constant 0 : i32
        %dma_start3A_233 = tpu.memref_slice %arg16[%run_scoped3A_217, %dma_start3A_231, %dma_start3A_232] : memref<2x256x32xf32, #tpu.memory_space<vmem>> -> memref<1x128x32xf32, #tpu.memory_space<vmem>>
        %dma_start3A_234 = tpu.memref_squeeze %dma_start3A_233 : memref<1x128x32xf32, #tpu.memory_space<vmem>> -> memref<128x32xf32, #tpu.memory_space<vmem>>
        %dma_start3A_235 = arith.constant 0 : i32
        %dma_start3A_236 = tpu.memref_slice %arg13[%run_scoped3A_218, %run_scoped3A_219, %dma_start3A_235] : memref<2x2x128xi32, #tpu.memory_space<vmem>> -> memref<1x1x128xi32, #tpu.memory_space<vmem>>
        %dma_start3A_237 = tpu.memref_squeeze %dma_start3A_236 : memref<1x1x128xi32, #tpu.memory_space<vmem>> -> memref<128xi32, #tpu.memory_space<vmem>>
        %dma_start3A_238 = arith.constant 0 : i32
        %dma_start3A_239 = arith.constant 0 : i32
        %dma_start3A_240 = tpu.memref_slice %arg11[%dma_start3A_238, %dma_start3A_239] : memref<50176x32xf32, #tpu.memory_space<vmem_shared>> -> memref<50176x32xf32, #tpu.memory_space<vmem_shared>>
        tpu.enqueue_indirect_dma source(%dma_start3A_234 : memref<128x32xf32, #tpu.memory_space<vmem>>) target(%dma_start3A_240 : memref<50176x32xf32, #tpu.memory_space<vmem_shared>>) offsets(%dma_start3A_237 : memref<128xi32, #tpu.memory_space<vmem>>) semaphore(%run_scoped3A_230 : memref<!tpu.dma_semaphore, #tpu.memory_space<semaphore_mem>>) {add = true}
        %dma_wait3A_241 = arith.constant 0 : i32
        %dma_wait3A_242 = arith.constant 0 : i32
        %dma_wait3A_243 = tpu.memref_slice %arg16[%run_scoped3A_217, %dma_wait3A_241, %dma_wait3A_242] : memref<2x256x32xf32, #tpu.memory_space<vmem>> -> memref<1x128x32xf32, #tpu.memory_space<vmem>>
        %dma_wait3A_244 = tpu.memref_squeeze %dma_wait3A_243 : memref<1x128x32xf32, #tpu.memory_space<vmem>> -> memref<128x32xf32, #tpu.memory_space<vmem>>
        %dma_wait3A_245 = arith.constant 0 : i32
        %dma_wait3A_246 = tpu.memref_slice %arg13[%run_scoped3A_218, %run_scoped3A_219, %dma_wait3A_245] : memref<2x2x128xi32, #tpu.memory_space<vmem>> -> memref<1x1x128xi32, #tpu.memory_space<vmem>>
        %dma_wait3A_247 = tpu.memref_squeeze %dma_wait3A_246 : memref<1x1x128xi32, #tpu.memory_space<vmem>> -> memref<128xi32, #tpu.memory_space<vmem>>
        %dma_wait3A_248 = arith.constant 0 : i32
        %dma_wait3A_249 = arith.constant 0 : i32
        %dma_wait3A_250 = tpu.memref_slice %arg11[%dma_wait3A_248, %dma_wait3A_249] : memref<50176x32xf32, #tpu.memory_space<vmem_shared>> -> memref<50176x32xf32, #tpu.memory_space<vmem_shared>>
        tpu.wait_indirect_dma semaphore(%run_scoped3A_230 : memref<!tpu.dma_semaphore, #tpu.memory_space<semaphore_mem>>) src(%dma_wait3A_244 : memref<128x32xf32, #tpu.memory_space<vmem>>) dst(%dma_wait3A_250 : memref<50176x32xf32, #tpu.memory_space<vmem_shared>>)
        tpu.yield
      }) : () -> ()
      %run_scoped3A_220 = arith.constant 1 : i32
      %run_scoped3A_221 = arith.constant 1 : i32
      %run_scoped3A_222 = arith.constant 1 : i32
      "tpu.region"() ({
        %run_scoped3A_230 = tpu.sem_alloc : memref<!tpu.dma_semaphore, #tpu.memory_space<semaphore_mem>>
        %dma_start3A_231 = arith.constant 128 : i32
        %dma_start3A_232 = arith.constant 0 : i32
        %dma_start3A_233 = tpu.memref_slice %arg16[%run_scoped3A_220, %dma_start3A_231, %dma_start3A_232] : memref<2x256x32xf32, #tpu.memory_space<vmem>> -> memref<1x128x32xf32, #tpu.memory_space<vmem>>
        %dma_start3A_234 = tpu.memref_squeeze %dma_start3A_233 : memref<1x128x32xf32, #tpu.memory_space<vmem>> -> memref<128x32xf32, #tpu.memory_space<vmem>>
        %dma_start3A_235 = arith.constant 0 : i32
        %dma_start3A_236 = tpu.memref_slice %arg13[%run_scoped3A_221, %run_scoped3A_222, %dma_start3A_235] : memref<2x2x128xi32, #tpu.memory_space<vmem>> -> memref<1x1x128xi32, #tpu.memory_space<vmem>>
        %dma_start3A_237 = tpu.memref_squeeze %dma_start3A_236 : memref<1x1x128xi32, #tpu.memory_space<vmem>> -> memref<128xi32, #tpu.memory_space<vmem>>
        %dma_start3A_238 = arith.constant 0 : i32
        %dma_start3A_239 = arith.constant 0 : i32
        %dma_start3A_240 = tpu.memref_slice %arg11[%dma_start3A_238, %dma_start3A_239] : memref<50176x32xf32, #tpu.memory_space<vmem_shared>> -> memref<50176x32xf32, #tpu.memory_space<vmem_shared>>
        tpu.enqueue_indirect_dma source(%dma_start3A_234 : memref<128x32xf32, #tpu.memory_space<vmem>>) target(%dma_start3A_240 : memref<50176x32xf32, #tpu.memory_space<vmem_shared>>) offsets(%dma_start3A_237 : memref<128xi32, #tpu.memory_space<vmem>>) semaphore(%run_scoped3A_230 : memref<!tpu.dma_semaphore, #tpu.memory_space<semaphore_mem>>) {add = true}
        %dma_wait3A_241 = arith.constant 128 : i32
        %dma_wait3A_242 = arith.constant 0 : i32
        %dma_wait3A_243 = tpu.memref_slice %arg16[%run_scoped3A_220, %dma_wait3A_241, %dma_wait3A_242] : memref<2x256x32xf32, #tpu.memory_space<vmem>> -> memref<1x128x32xf32, #tpu.memory_space<vmem>>
        %dma_wait3A_244 = tpu.memref_squeeze %dma_wait3A_243 : memref<1x128x32xf32, #tpu.memory_space<vmem>> -> memref<128x32xf32, #tpu.memory_space<vmem>>
        %dma_wait3A_245 = arith.constant 0 : i32
        %dma_wait3A_246 = tpu.memref_slice %arg13[%run_scoped3A_221, %run_scoped3A_222, %dma_wait3A_245] : memref<2x2x128xi32, #tpu.memory_space<vmem>> -> memref<1x1x128xi32, #tpu.memory_space<vmem>>
        %dma_wait3A_247 = tpu.memref_squeeze %dma_wait3A_246 : memref<1x1x128xi32, #tpu.memory_space<vmem>> -> memref<128xi32, #tpu.memory_space<vmem>>
        %dma_wait3A_248 = arith.constant 0 : i32
        %dma_wait3A_249 = arith.constant 0 : i32
        %dma_wait3A_250 = tpu.memref_slice %arg11[%dma_wait3A_248, %dma_wait3A_249] : memref<50176x32xf32, #tpu.memory_space<vmem_shared>> -> memref<50176x32xf32, #tpu.memory_space<vmem_shared>>
        tpu.wait_indirect_dma semaphore(%run_scoped3A_230 : memref<!tpu.dma_semaphore, #tpu.memory_space<semaphore_mem>>) src(%dma_wait3A_244 : memref<128x32xf32, #tpu.memory_space<vmem>>) dst(%dma_wait3A_250 : memref<50176x32xf32, #tpu.memory_space<vmem_shared>>)
        tpu.yield
      }) : () -> ()
      %add3A_223 = arith.constant 2 : i32
      %add3A_224 = arith.addi %add3A_201, %add3A_223 : i32
      %lt3A_225 = arith.constant 392 : i32
      %lt3A_226 = arith.cmpi slt, %add3A_224, %lt3A_225 : i32
      %convert_element_type3A_227 = arith.extui %lt3A_226 : i1 to i32
      %cond3A_228 = arith.constant 0 : i32
      %cond3A_229 = arith.cmpi ne, %convert_element_type3A_227, %cond3A_228 : i32
      scf.if %cond3A_229 {
        %add3A_230 = arith.constant 2 : i32
        %add3A_231 = arith.addi %add3A_201, %add3A_230 : i32
        %mul3A_232 = arith.constant 784 : i32
        %mul3A_233 = arith.muli %arg1, %mul3A_232 : i32
        %mul3A_234 = arith.constant 2 : i32
        %mul3A_235 = arith.muli %add3A_231, %mul3A_234 : i32
        %add3A_236 = arith.addi %mul3A_233, %mul3A_235 : i32
        %run_scoped3A_237 = arith.constant 1 : i32
        "tpu.region"() ({
          %run_scoped3A_265 = tpu.sem_alloc : memref<!tpu.dma_semaphore, #tpu.memory_space<semaphore_mem>>
          %dma_start3A_266 = arith.constant 0 : i32
          %dma_start3A_267 = arith.constant 0 : i32
          %dma_start3A_268 = tpu.memref_slice %arg13[%run_scoped3A_237, %dma_start3A_266, %dma_start3A_267] : memref<2x2x128xi32, #tpu.memory_space<vmem>> -> memref<1x2x128xi32, #tpu.memory_space<vmem>>
          %dma_start3A_269 = tpu.memref_squeeze %dma_start3A_268 : memref<1x2x128xi32, #tpu.memory_space<vmem>> -> memref<2x128xi32, #tpu.memory_space<vmem>>
          %dma_start3A_270 = arith.constant 0 : i32
          %dma_start3A_271 = tpu.memref_slice %arg3[%add3A_236, %dma_start3A_270] : memref<12544x128xi32, #tpu.memory_space<hbm>> -> memref<2x128xi32, #tpu.memory_space<hbm>>
          %dma_start3A_272 = arith.constant 0 : i32
          %dma_start3A_273 = arith.constant 0 : i32
          %dma_start3A_274 = tpu.memref_slice %arg13[%run_scoped3A_237, %dma_start3A_272, %dma_start3A_273] : memref<2x2x128xi32, #tpu.memory_space<vmem>> -> memref<1x2x128xi32, #tpu.memory_space<vmem>>
          %dma_start3A_275 = tpu.memref_squeeze %dma_start3A_274 : memref<1x2x128xi32, #tpu.memory_space<vmem>> -> memref<2x128xi32, #tpu.memory_space<vmem>>
          %dma_start3A_276 = arith.constant 0 : i32
          %dma_start3A_277 = tpu.memref_slice %arg3[%add3A_236, %dma_start3A_276] : memref<12544x128xi32, #tpu.memory_space<hbm>> -> memref<2x128xi32, #tpu.memory_space<hbm>>
          tpu.enqueue_dma source(%dma_start3A_277 : memref<2x128xi32, #tpu.memory_space<hbm>>) target(%dma_start3A_275 : memref<2x128xi32, #tpu.memory_space<vmem>>) target_semaphore(%run_scoped3A_265 : memref<!tpu.dma_semaphore, #tpu.memory_space<semaphore_mem>>)
          %dma_wait3A_278 = arith.constant 0 : i32
          %dma_wait3A_279 = arith.constant 0 : i32
          %dma_wait3A_280 = tpu.memref_slice %arg13[%run_scoped3A_237, %dma_wait3A_278, %dma_wait3A_279] : memref<2x2x128xi32, #tpu.memory_space<vmem>> -> memref<1x2x128xi32, #tpu.memory_space<vmem>>
          %dma_wait3A_281 = tpu.memref_squeeze %dma_wait3A_280 : memref<1x2x128xi32, #tpu.memory_space<vmem>> -> memref<2x128xi32, #tpu.memory_space<vmem>>
          %dma_wait3A_282 = arith.constant 0 : i32
          %dma_wait3A_283 = tpu.memref_slice %arg3[%add3A_236, %dma_wait3A_282] : memref<12544x128xi32, #tpu.memory_space<hbm>> -> memref<2x128xi32, #tpu.memory_space<hbm>>
          %dma_wait3A_284 = arith.constant 0 : i32
          %dma_wait3A_285 = arith.constant 0 : i32
          %dma_wait3A_286 = tpu.memref_slice %arg13[%run_scoped3A_237, %dma_wait3A_284, %dma_wait3A_285] : memref<2x2x128xi32, #tpu.memory_space<vmem>> -> memref<1x2x128xi32, #tpu.memory_space<vmem>>
          %dma_wait3A_287 = tpu.memref_squeeze %dma_wait3A_286 : memref<1x2x128xi32, #tpu.memory_space<vmem>> -> memref<2x128xi32, #tpu.memory_space<vmem>>
          %dma_wait3A_288 = arith.constant 0 : i32
          %dma_wait3A_289 = tpu.memref_slice %arg3[%add3A_236, %dma_wait3A_288] : memref<12544x128xi32, #tpu.memory_space<hbm>> -> memref<2x128xi32, #tpu.memory_space<hbm>>
          tpu.wait_dma2 semaphore(%run_scoped3A_265 : memref<!tpu.dma_semaphore, #tpu.memory_space<semaphore_mem>>) src(%dma_wait3A_289 : memref<2x128xi32, #tpu.memory_space<hbm>>) dst(%dma_wait3A_287 : memref<2x128xi32, #tpu.memory_space<vmem>>)
          tpu.yield
        }) : () -> ()
        %run_scoped3A_238 = arith.constant 1 : i32
        "tpu.region"() ({
          %run_scoped3A_265 = tpu.sem_alloc : memref<!tpu.dma_semaphore, #tpu.memory_space<semaphore_mem>>
          %dma_start3A_266 = arith.constant 0 : i32
          %dma_start3A_267 = arith.constant 0 : i32
          %dma_start3A_268 = tpu.memref_slice %arg14[%run_scoped3A_238, %dma_start3A_266, %dma_start3A_267] : memref<2x2x128xi32, #tpu.memory_space<vmem>> -> memref<1x2x128xi32, #tpu.memory_space<vmem>>
          %dma_start3A_269 = tpu.memref_squeeze %dma_start3A_268 : memref<1x2x128xi32, #tpu.memory_space<vmem>> -> memref<2x128xi32, #tpu.memory_space<vmem>>
          %dma_start3A_270 = arith.constant 0 : i32
          %dma_start3A_271 = tpu.memref_slice %arg4[%add3A_89, %add3A_236, %dma_start3A_270] : memref<5x12544x128xi32, #tpu.memory_space<hbm>> -> memref<1x2x128xi32, #tpu.memory_space<hbm>>
          %dma_start3A_272 = tpu.memref_squeeze %dma_start3A_271 : memref<1x2x128xi32, #tpu.memory_space<hbm>> -> memref<2x128xi32, #tpu.memory_space<hbm>>
          %dma_start3A_273 = arith.constant 0 : i32
          %dma_start3A_274 = arith.constant 0 : i32
          %dma_start3A_275 = tpu.memref_slice %arg14[%run_scoped3A_238, %dma_start3A_273, %dma_start3A_274] : memref<2x2x128xi32, #tpu.memory_space<vmem>> -> memref<1x2x128xi32, #tpu.memory_space<vmem>>
          %dma_start3A_276 = tpu.memref_squeeze %dma_start3A_275 : memref<1x2x128xi32, #tpu.memory_space<vmem>> -> memref<2x128xi32, #tpu.memory_space<vmem>>
          %dma_start3A_277 = arith.constant 0 : i32
          %dma_start3A_278 = tpu.memref_slice %arg4[%add3A_89, %add3A_236, %dma_start3A_277] : memref<5x12544x128xi32, #tpu.memory_space<hbm>> -> memref<1x2x128xi32, #tpu.memory_space<hbm>>
          %dma_start3A_279 = tpu.memref_squeeze %dma_start3A_278 : memref<1x2x128xi32, #tpu.memory_space<hbm>> -> memref<2x128xi32, #tpu.memory_space<hbm>>
          tpu.enqueue_dma source(%dma_start3A_279 : memref<2x128xi32, #tpu.memory_space<hbm>>) target(%dma_start3A_276 : memref<2x128xi32, #tpu.memory_space<vmem>>) target_semaphore(%run_scoped3A_265 : memref<!tpu.dma_semaphore, #tpu.memory_space<semaphore_mem>>)
          %dma_wait3A_280 = arith.constant 0 : i32
          %dma_wait3A_281 = arith.constant 0 : i32
          %dma_wait3A_282 = tpu.memref_slice %arg14[%run_scoped3A_238, %dma_wait3A_280, %dma_wait3A_281] : memref<2x2x128xi32, #tpu.memory_space<vmem>> -> memref<1x2x128xi32, #tpu.memory_space<vmem>>
          %dma_wait3A_283 = tpu.memref_squeeze %dma_wait3A_282 : memref<1x2x128xi32, #tpu.memory_space<vmem>> -> memref<2x128xi32, #tpu.memory_space<vmem>>
          %dma_wait3A_284 = arith.constant 0 : i32
          %dma_wait3A_285 = tpu.memref_slice %arg4[%add3A_89, %add3A_236, %dma_wait3A_284] : memref<5x12544x128xi32, #tpu.memory_space<hbm>> -> memref<1x2x128xi32, #tpu.memory_space<hbm>>
          %dma_wait3A_286 = tpu.memref_squeeze %dma_wait3A_285 : memref<1x2x128xi32, #tpu.memory_space<hbm>> -> memref<2x128xi32, #tpu.memory_space<hbm>>
          %dma_wait3A_287 = arith.constant 0 : i32
          %dma_wait3A_288 = arith.constant 0 : i32
          %dma_wait3A_289 = tpu.memref_slice %arg14[%run_scoped3A_238, %dma_wait3A_287, %dma_wait3A_288] : memref<2x2x128xi32, #tpu.memory_space<vmem>> -> memref<1x2x128xi32, #tpu.memory_space<vmem>>
          %dma_wait3A_290 = tpu.memref_squeeze %dma_wait3A_289 : memref<1x2x128xi32, #tpu.memory_space<vmem>> -> memref<2x128xi32, #tpu.memory_space<vmem>>
          %dma_wait3A_291 = arith.constant 0 : i32
          %dma_wait3A_292 = tpu.memref_slice %arg4[%add3A_89, %add3A_236, %dma_wait3A_291] : memref<5x12544x128xi32, #tpu.memory_space<hbm>> -> memref<1x2x128xi32, #tpu.memory_space<hbm>>
          %dma_wait3A_293 = tpu.memref_squeeze %dma_wait3A_292 : memref<1x2x128xi32, #tpu.memory_space<hbm>> -> memref<2x128xi32, #tpu.memory_space<hbm>>
          tpu.wait_dma2 semaphore(%run_scoped3A_265 : memref<!tpu.dma_semaphore, #tpu.memory_space<semaphore_mem>>) src(%dma_wait3A_293 : memref<2x128xi32, #tpu.memory_space<hbm>>) dst(%dma_wait3A_290 : memref<2x128xi32, #tpu.memory_space<vmem>>)
          tpu.yield
        }) : () -> ()
        %dma_start3A_239 = arith.constant 1 : i32
        %dma_start3A_240 = arith.constant 0 : i32
        %dma_start3A_241 = arith.constant 1 : i32
        %dma_start3A_242 = arith.constant 0 : i32
        %dma_start3A_243 = arith.constant 0 : i32
        %dma_start3A_244 = tpu.memref_slice %arg16[%dma_start3A_241, %dma_start3A_242, %dma_start3A_243] : memref<2x256x32xf32, #tpu.memory_space<vmem>> -> memref<1x128x32xf32, #tpu.memory_space<vmem>>
        %dma_start3A_245 = tpu.memref_squeeze %dma_start3A_244 : memref<1x128x32xf32, #tpu.memory_space<vmem>> -> memref<128x32xf32, #tpu.memory_space<vmem>>
        %dma_start3A_246 = arith.constant 0 : i32
        %dma_start3A_247 = tpu.memref_slice %arg14[%dma_start3A_239, %dma_start3A_240, %dma_start3A_246] : memref<2x2x128xi32, #tpu.memory_space<vmem>> -> memref<1x1x128xi32, #tpu.memory_space<vmem>>
        %dma_start3A_248 = tpu.memref_squeeze %dma_start3A_247 : memref<1x1x128xi32, #tpu.memory_space<vmem>> -> memref<128xi32, #tpu.memory_space<vmem>>
        %dma_start3A_249 = arith.constant 0 : i32
        %dma_start3A_250 = arith.constant 0 : i32
        %dma_start3A_251 = tpu.memref_slice %arg2[%dma_start3A_249, %dma_start3A_250] : memref<200704x32xf32, #tpu.memory_space<hbm>> -> memref<200704x32xf32, #tpu.memory_space<hbm>>
        tpu.enqueue_indirect_dma source(%dma_start3A_251 : memref<200704x32xf32, #tpu.memory_space<hbm>>) target(%dma_start3A_245 : memref<128x32xf32, #tpu.memory_space<vmem>>) offsets(%dma_start3A_248 : memref<128xi32, #tpu.memory_space<vmem>>) semaphore(%arg20 : memref<!tpu.dma_semaphore, #tpu.memory_space<semaphore_mem>>)
        %dma_start3A_252 = arith.constant 1 : i32
        %dma_start3A_253 = arith.constant 1 : i32
        %dma_start3A_254 = arith.constant 1 : i32
        %dma_start3A_255 = arith.constant 128 : i32
        %dma_start3A_256 = arith.constant 0 : i32
        %dma_start3A_257 = tpu.memref_slice %arg16[%dma_start3A_254, %dma_start3A_255, %dma_start3A_256] : memref<2x256x32xf32, #tpu.memory_space<vmem>> -> memref<1x128x32xf32, #tpu.memory_space<vmem>>
        %dma_start3A_258 = tpu.memref_squeeze %dma_start3A_257 : memref<1x128x32xf32, #tpu.memory_space<vmem>> -> memref<128x32xf32, #tpu.memory_space<vmem>>
        %dma_start3A_259 = arith.constant 0 : i32
        %dma_start3A_260 = tpu.memref_slice %arg14[%dma_start3A_252, %dma_start3A_253, %dma_start3A_259] : memref<2x2x128xi32, #tpu.memory_space<vmem>> -> memref<1x1x128xi32, #tpu.memory_space<vmem>>
        %dma_start3A_261 = tpu.memref_squeeze %dma_start3A_260 : memref<1x1x128xi32, #tpu.memory_space<vmem>> -> memref<128xi32, #tpu.memory_space<vmem>>
        %dma_start3A_262 = arith.constant 0 : i32
        %dma_start3A_263 = arith.constant 0 : i32
        %dma_start3A_264 = tpu.memref_slice %arg2[%dma_start3A_262, %dma_start3A_263] : memref<200704x32xf32, #tpu.memory_space<hbm>> -> memref<200704x32xf32, #tpu.memory_space<hbm>>
        tpu.enqueue_indirect_dma source(%dma_start3A_264 : memref<200704x32xf32, #tpu.memory_space<hbm>>) target(%dma_start3A_258 : memref<128x32xf32, #tpu.memory_space<vmem>>) offsets(%dma_start3A_261 : memref<128xi32, #tpu.memory_space<vmem>>) semaphore(%arg20 : memref<!tpu.dma_semaphore, #tpu.memory_space<semaphore_mem>>)
      } else {
      }
    }
    %scan3A_162 = arith.constant 196 : i32
    %barrier3A_163 = arith.constant 0 : index
    tpu.barrier barrier_id(%barrier3A_163)
    %mul3A_164 = arith.constant 3136 : i32
    %mul3A_165 = arith.muli %arg1, %mul3A_164 : i32
    %mul3A_166 = arith.constant 3136 : i32
    %mul3A_167 = arith.muli %arg1, %mul3A_166 : i32
    "tpu.region"() ({
      %run_scoped3A_169 = tpu.sem_alloc : memref<!tpu.dma_semaphore, #tpu.memory_space<semaphore_mem>>
      %dma_start3A_170 = arith.constant 0 : i32
      %dma_start3A_171 = tpu.memref_slice %arg9[%add3A_89, %mul3A_167, %dma_start3A_170] : memref<4x50176x32xf32, #tpu.memory_space<hbm>> -> memref<1x3136x32xf32, #tpu.memory_space<hbm>>
      %dma_start3A_172 = tpu.memref_squeeze %dma_start3A_171 : memref<1x3136x32xf32, #tpu.memory_space<hbm>> -> memref<3136x32xf32, #tpu.memory_space<hbm>>
      %dma_start3A_173 = arith.constant 0 : i32
      %dma_start3A_174 = tpu.memref_slice %arg11[%mul3A_165, %dma_start3A_173] : memref<50176x32xf32, #tpu.memory_space<vmem_shared>> -> memref<3136x32xf32, #tpu.memory_space<vmem_shared>>
      tpu.enqueue_dma source(%dma_start3A_174 : memref<3136x32xf32, #tpu.memory_space<vmem_shared>>) target(%dma_start3A_172 : memref<3136x32xf32, #tpu.memory_space<hbm>>) target_semaphore(%run_scoped3A_169 : memref<!tpu.dma_semaphore, #tpu.memory_space<semaphore_mem>>)
      %dma_wait3A = arith.constant 0 : i32
      %dma_wait3A_175 = tpu.memref_slice %arg9[%add3A_89, %mul3A_167, %dma_wait3A] : memref<4x50176x32xf32, #tpu.memory_space<hbm>> -> memref<1x3136x32xf32, #tpu.memory_space<hbm>>
      %dma_wait3A_176 = tpu.memref_squeeze %dma_wait3A_175 : memref<1x3136x32xf32, #tpu.memory_space<hbm>> -> memref<3136x32xf32, #tpu.memory_space<hbm>>
      %dma_wait3A_177 = arith.constant 0 : i32
      %dma_wait3A_178 = tpu.memref_slice %arg11[%mul3A_165, %dma_wait3A_177] : memref<50176x32xf32, #tpu.memory_space<vmem_shared>> -> memref<3136x32xf32, #tpu.memory_space<vmem_shared>>
      tpu.wait_dma2 semaphore(%run_scoped3A_169 : memref<!tpu.dma_semaphore, #tpu.memory_space<semaphore_mem>>) src(%dma_wait3A_178 : memref<3136x32xf32, #tpu.memory_space<vmem_shared>>) dst(%dma_wait3A_176 : memref<3136x32xf32, #tpu.memory_space<hbm>>)
      tpu.yield
    }) : () -> ()
    %barrier3A_168 = arith.constant 0 : index
    tpu.barrier barrier_id(%barrier3A_168)
    return
  }
}

module attributes {stable_mosaic.version = 14 : i64} {
  func.func @body(%arg0: i32, %arg1: memref<2x512x32xf32, #tpu.memory_space<vmem>>, %arg2: memref<2x512xf32, #tpu.memory_space<vmem>>, %arg3: memref<2x8x32xf32, #tpu.memory_space<vmem>>, %arg4: memref<1x8xf32, #tpu.memory_space<vmem>>) attributes {dimension_semantics = [#tpu.dimension_semantics<arbitrary>], iteration_bounds = array<i64: 98>, scalar_prefetch = 0 : i64, scratch_operands = 0 : i64, tpu.core_type = #tpu.core_type<tc>, window_params = [{transform_indices = @transform_0, window_bounds = array<i64: 2, 512, 32>}, {transform_indices = @transform_1, window_bounds = array<i64: 2, 512>}, {pipeline_mode = #tpu.pipeline_mode<synchronous>, transform_indices = @transform_2, window_bounds = array<i64: 2, 8, 32>}, {pipeline_mode = #tpu.pipeline_mode<synchronous>, transform_indices = @transform_3, window_bounds = array<i64: 1, 8>}]} {
    %mul3A = arith.constant 512 : i32
    %mul3A_0 = arith.muli %arg0, %mul3A : i32
    %sub3A = arith.constant 50000 : i32
    %sub3A_1 = arith.subi %sub3A, %mul3A_0 : i32
    %iota3A = tpu.iota {dimensions = array<i32: 0>} : vector<512x32xi32>
    %lt3A = vector.broadcast %sub3A_1 : i32 to vector<512x32xi32>
    %lt3A_2 = arith.cmpi slt, %iota3A, %lt3A : vector<512x32xi32>
    %convert_element_type3A = arith.extui %lt3A_2 : vector<512x32xi1> to vector<512x32xi32>
    %convert_element_type3A_3 = arith.sitofp %convert_element_type3A : vector<512x32xi32> to vector<512x32xf32>
    %get3A = arith.constant 0 : index
    %get3A_4 = arith.constant 0 : index
    %get3A_5 = arith.constant 0 : index
    %get3A_6 = vector.load %arg1[%get3A, %get3A_4, %get3A_5] : memref<2x512x32xf32, #tpu.memory_space<vmem>>, vector<2x512x32xf32>
    %broadcast_in_dim3A = vector.shape_cast %convert_element_type3A_3 : vector<512x32xf32> to vector<1x512x32xf32>
    %mul3A_7 = vector.broadcast %broadcast_in_dim3A : vector<1x512x32xf32> to vector<2x512x32xf32>
    %mul3A_8 = arith.mulf %get3A_6, %mul3A_7 : vector<2x512x32xf32>
    %iota3A_9 = tpu.iota {dimensions = array<i32: 1>} : vector<1x512xi32>
    %lt3A_10 = vector.broadcast %sub3A_1 : i32 to vector<1x512xi32>
    %lt3A_11 = arith.cmpi slt, %iota3A_9, %lt3A_10 : vector<1x512xi32>
    %convert_element_type3A_12 = arith.extui %lt3A_11 : vector<1x512xi1> to vector<1x512xi32>
    %convert_element_type3A_13 = arith.sitofp %convert_element_type3A_12 : vector<1x512xi32> to vector<1x512xf32>
    %get3A_14 = arith.constant 0 : index
    %get3A_15 = arith.constant 0 : index
    %get3A_16 = vector.load %arg2[%get3A_14, %get3A_15] : memref<2x512xf32, #tpu.memory_space<vmem>>, vector<2x512xf32>
    %mul3A_17 = vector.broadcast %convert_element_type3A_13 : vector<1x512xf32> to vector<2x512xf32>
    %mul3A_18 = arith.mulf %get3A_16, %mul3A_17 : vector<2x512xf32>
    %reshape3A = vector.shape_cast %mul3A_18 : vector<2x512xf32> to vector<1x2x512xf32>
    %reduce_sum3A = arith.constant dense<0.000000e+00> : vector<1x512xf32>
    %reduce_sum3A_19 = vector.multi_reduction <add>, %reshape3A, %reduce_sum3A [1] : vector<1x2x512xf32> to vector<1x512xf32>
    %reduce_sum3A_20 = arith.constant dense<0.000000e+00> : vector<2x32xf32>
    %reduce_sum3A_21 = vector.multi_reduction <add>, %mul3A_8, %reduce_sum3A_20 [1] : vector<2x512x32xf32> to vector<2x32xf32>
    %mul3A_22 = arith.mulf %mul3A_8, %mul3A_8 : vector<2x512x32xf32>
    %reduce_sum3A_23 = arith.constant dense<0.000000e+00> : vector<2x32xf32>
    %reduce_sum3A_24 = vector.multi_reduction <add>, %mul3A_22, %reduce_sum3A_23 [1] : vector<2x512x32xf32> to vector<2x32xf32>
    %broadcast_in_dim3A_25 = vector.shape_cast %reduce_sum3A_21 : vector<2x32xf32> to vector<2x1x32xf32>
    %broadcast_in_dim3A_26 = vector.shape_cast %reduce_sum3A_24 : vector<2x32xf32> to vector<2x1x32xf32>
    %broadcast_in_dim3A_27 = arith.constant 0.000000e+00 : f32
    %broadcast_in_dim3A_28 = vector.broadcast %broadcast_in_dim3A_27 : f32 to vector<2x6x32xf32>
    %concatenate3A = tpu.concatenate %broadcast_in_dim3A_25, %broadcast_in_dim3A_26, %broadcast_in_dim3A_28 in 1 : vector<2x1x32xf32>, vector<2x1x32xf32>, vector<2x6x32xf32> -> vector<2x8x32xf32>
    %reduce_sum3A_29 = arith.constant dense<0.000000e+00> : vector<1xf32>
    %reduce_sum3A_30 = vector.multi_reduction <add>, %reduce_sum3A_19, %reduce_sum3A_29 [1] : vector<1x512xf32> to vector<1xf32>
    %broadcast_in_dim3A_31 = vector.shape_cast %reduce_sum3A_30 : vector<1xf32> to vector<1x1xf32>
    %mul3A_32 = arith.mulf %reduce_sum3A_19, %reduce_sum3A_19 : vector<1x512xf32>
    %reduce_sum3A_33 = arith.constant dense<0.000000e+00> : vector<1xf32>
    %reduce_sum3A_34 = vector.multi_reduction <add>, %mul3A_32, %reduce_sum3A_33 [1] : vector<1x512xf32> to vector<1xf32>
    %broadcast_in_dim3A_35 = vector.shape_cast %reduce_sum3A_34 : vector<1xf32> to vector<1x1xf32>
    %broadcast_in_dim3A_36 = arith.constant 0.000000e+00 : f32
    %broadcast_in_dim3A_37 = vector.broadcast %broadcast_in_dim3A_36 : f32 to vector<1x6xf32>
    %concatenate3A_38 = tpu.concatenate %broadcast_in_dim3A_31, %broadcast_in_dim3A_35, %broadcast_in_dim3A_37 in 1 : vector<1x1xf32>, vector<1x1xf32>, vector<1x6xf32> -> vector<1x8xf32>
    %eq3A = arith.constant 0 : i32
    %eq3A_39 = arith.cmpi eq, %arg0, %eq3A : i32
    %convert_element_type3A_40 = arith.extui %eq3A_39 : i1 to i32
    %cond3A = arith.constant 0 : i32
    %cond3A_41 = arith.cmpi ne, %convert_element_type3A_40, %cond3A : i32
    scf.if %cond3A_41 {
      %swap3A = arith.constant 0 : index
      %swap3A_46 = arith.constant 0 : index
      %swap3A_47 = arith.constant 0 : index
      %swap3A_48 = vector.load %arg3[%swap3A, %swap3A_46, %swap3A_47] : memref<2x8x32xf32, #tpu.memory_space<vmem>>, vector<2x8x32xf32>
      tpu.vector_store %arg3[%swap3A, %swap3A_46, %swap3A_47], %concatenate3A {strides = array<i32>} : memref<2x8x32xf32, #tpu.memory_space<vmem>>, vector<2x8x32xf32>,
      %swap3A_49 = arith.constant 0 : index
      %swap3A_50 = arith.constant 0 : index
      %swap3A_51 = vector.load %arg4[%swap3A_49, %swap3A_50] : memref<1x8xf32, #tpu.memory_space<vmem>>, vector<1x8xf32>
      tpu.vector_store %arg4[%swap3A_49, %swap3A_50], %concatenate3A_38 {strides = array<i32>} : memref<1x8xf32, #tpu.memory_space<vmem>>, vector<1x8xf32>,
    } else {
    }
    %gt3A = arith.constant 0 : i32
    %gt3A_42 = arith.cmpi sgt, %arg0, %gt3A : i32
    %convert_element_type3A_43 = arith.extui %gt3A_42 : i1 to i32
    %cond3A_44 = arith.constant 0 : i32
    %cond3A_45 = arith.cmpi ne, %convert_element_type3A_43, %cond3A_44 : i32
    scf.if %cond3A_45 {
      %get3A_46 = arith.constant 0 : index
      %get3A_47 = arith.constant 0 : index
      %get3A_48 = arith.constant 0 : index
      %get3A_49 = vector.load %arg3[%get3A_46, %get3A_47, %get3A_48] : memref<2x8x32xf32, #tpu.memory_space<vmem>>, vector<2x8x32xf32>
      %add3A = arith.addf %get3A_49, %concatenate3A : vector<2x8x32xf32>
      %swap3A = arith.constant 0 : index
      %swap3A_50 = arith.constant 0 : index
      %swap3A_51 = arith.constant 0 : index
      %swap3A_52 = vector.load %arg3[%swap3A, %swap3A_50, %swap3A_51] : memref<2x8x32xf32, #tpu.memory_space<vmem>>, vector<2x8x32xf32>
      tpu.vector_store %arg3[%swap3A, %swap3A_50, %swap3A_51], %add3A {strides = array<i32>} : memref<2x8x32xf32, #tpu.memory_space<vmem>>, vector<2x8x32xf32>,
      %get3A_53 = arith.constant 0 : index
      %get3A_54 = arith.constant 0 : index
      %get3A_55 = vector.load %arg4[%get3A_53, %get3A_54] : memref<1x8xf32, #tpu.memory_space<vmem>>, vector<1x8xf32>
      %add3A_56 = arith.addf %get3A_55, %concatenate3A_38 : vector<1x8xf32>
      %swap3A_57 = arith.constant 0 : index
      %swap3A_58 = arith.constant 0 : index
      %swap3A_59 = vector.load %arg4[%swap3A_57, %swap3A_58] : memref<1x8xf32, #tpu.memory_space<vmem>>, vector<1x8xf32>
      tpu.vector_store %arg4[%swap3A_57, %swap3A_58], %add3A_56 {strides = array<i32>} : memref<1x8xf32, #tpu.memory_space<vmem>>, vector<1x8xf32>,
    } else {
    }
    return
  }
  func.func @transform_0(%arg0: i32) -> (i32, i32, i32) {
    %c0_i32 = arith.constant 0 : i32
    %c0_i32_0 = arith.constant 0 : i32
    %c0_i32_1 = arith.constant 0 : i32
    return %c0_i32, %arg0, %c0_i32_0 : i32, i32, i32
  }
  func.func @transform_1(%arg0: i32) -> (i32, i32) {
    %c0_i32 = arith.constant 0 : i32
    %c0_i32_0 = arith.constant 0 : i32
    return %c0_i32, %arg0 : i32, i32
  }
  func.func @transform_2(%arg0: i32) -> (i32, i32, i32) {
    %c0_i32 = arith.constant 0 : i32
    %c0_i32_0 = arith.constant 0 : i32
    %c0_i32_1 = arith.constant 0 : i32
    %c0_i32_2 = arith.constant 0 : i32
    return %c0_i32, %c0_i32_0, %c0_i32_1 : i32, i32, i32
  }
  func.func @transform_3(%arg0: i32) -> (i32, i32) {
    %c0_i32 = arith.constant 0 : i32
    %c0_i32_0 = arith.constant 0 : i32
    %c0_i32_1 = arith.constant 0 : i32
    return %c0_i32, %c0_i32_0 : i32, i32
  }
}

module attributes {stable_mosaic.version = 14 : i64} {
  func.func @body(%arg0: i32, %arg1: memref<2x512x32xf32, #tpu.memory_space<vmem>>, %arg2: memref<2x512xf32, #tpu.memory_space<vmem>>, %arg3: memref<512x128xf32, #tpu.memory_space<vmem>>, %arg4: memref<2x8x32xf32, #tpu.memory_space<vmem>>, %arg5: memref<1x8xf32, #tpu.memory_space<vmem>>, %arg6: memref<2x32x128xf32, #tpu.memory_space<vmem>>, %arg7: memref<1x128xf32, #tpu.memory_space<vmem>>, %arg8: memref<128x256xf32, #tpu.memory_space<vmem>>, %arg9: memref<128x256xf32, #tpu.memory_space<vmem>>, %arg10: memref<512x129xf32, #tpu.memory_space<vmem>>, %arg11: memref<512x256xf32, #tpu.memory_space<vmem>>, %arg12: memref<512x128xf32, #tpu.memory_space<vmem>>) attributes {dimension_semantics = [#tpu.dimension_semantics<arbitrary>], iteration_bounds = array<i64: 98>, scalar_prefetch = 0 : i64, scratch_operands = 0 : i64, tpu.core_type = #tpu.core_type<tc>, window_params = [{transform_indices = @transform_0, window_bounds = array<i64: 2, 512, 32>}, {transform_indices = @transform_1, window_bounds = array<i64: 2, 512>}, {transform_indices = @transform_2, window_bounds = array<i64: 512, 128>}, {pipeline_mode = #tpu.pipeline_mode<synchronous>, transform_indices = @transform_3, window_bounds = array<i64: 2, 8, 32>}, {pipeline_mode = #tpu.pipeline_mode<synchronous>, transform_indices = @transform_4, window_bounds = array<i64: 1, 8>}, {pipeline_mode = #tpu.pipeline_mode<synchronous>, transform_indices = @transform_5, window_bounds = array<i64: 2, 32, 128>}, {pipeline_mode = #tpu.pipeline_mode<synchronous>, transform_indices = @transform_6, window_bounds = array<i64: 1, 128>}, {pipeline_mode = #tpu.pipeline_mode<synchronous>, transform_indices = @transform_7, window_bounds = array<i64: 128, 256>}, {pipeline_mode = #tpu.pipeline_mode<synchronous>, transform_indices = @transform_8, window_bounds = array<i64: 128, 256>}, {transform_indices = @transform_9, window_bounds = array<i64: 512, 129>}, {transform_indices = @transform_10, window_bounds = array<i64: 512, 256>}, {transform_indices = @transform_11, window_bounds = array<i64: 512, 128>}]} {
    %get3A = arith.constant 0 : index
    %get3A_0 = arith.constant 0 : index
    %get3A_1 = arith.constant 0 : index
    %get3A_2 = vector.load %arg4[%get3A, %get3A_0, %get3A_1] : memref<2x8x32xf32, #tpu.memory_space<vmem>>, vector<2x8x32xf32>
    %slice3A = vector.extract_strided_slice %get3A_2 {offsets = [0, 0, 0], sizes = [2, 1, 32], strides = [1, 1, 1]} : vector<2x8x32xf32> to vector<2x1x32xf32>
    %mul3A = arith.constant 2.000000e-05 : f32
    %mul3A_3 = vector.broadcast %mul3A : f32 to vector<2x1x32xf32>
    %mul3A_4 = arith.mulf %slice3A, %mul3A_3 : vector<2x1x32xf32>
    %slice3A_5 = vector.extract_strided_slice %get3A_2 {offsets = [0, 1, 0], sizes = [2, 1, 32], strides = [1, 1, 1]} : vector<2x8x32xf32> to vector<2x1x32xf32>
    %mul3A_6 = arith.constant 2.000000e-05 : f32
    %mul3A_7 = vector.broadcast %mul3A_6 : f32 to vector<2x1x32xf32>
    %mul3A_8 = arith.mulf %slice3A_5, %mul3A_7 : vector<2x1x32xf32>
    %mul3A_9 = arith.mulf %mul3A_4, %mul3A_4 : vector<2x1x32xf32>
    %sub3A = arith.subf %mul3A_8, %mul3A_9 : vector<2x1x32xf32>
    %add3A = arith.constant 9.99999974E-6 : f32
    %add3A_10 = vector.broadcast %add3A : f32 to vector<2x1x32xf32>
    %add3A_11 = arith.addf %sub3A, %add3A_10 : vector<2x1x32xf32>
    %rsqrt3A = math.rsqrt %add3A_11 : vector<2x1x32xf32>
    %get3A_12 = arith.constant 0 : index
    %get3A_13 = arith.constant 0 : index
    %get3A_14 = arith.constant 0 : index
    %get3A_15 = vector.load %arg1[%get3A_12, %get3A_13, %get3A_14] : memref<2x512x32xf32, #tpu.memory_space<vmem>>, vector<2x512x32xf32>
    %sub3A_16 = vector.broadcast %mul3A_4 : vector<2x1x32xf32> to vector<2x512x32xf32>
    %sub3A_17 = arith.subf %get3A_15, %sub3A_16 : vector<2x512x32xf32>
    %mul3A_18 = vector.broadcast %rsqrt3A : vector<2x1x32xf32> to vector<2x512x32xf32>
    %mul3A_19 = arith.mulf %sub3A_17, %mul3A_18 : vector<2x512x32xf32>
    %get3A_20 = arith.constant 0 : index
    %get3A_21 = arith.constant 0 : index
    %get3A_22 = vector.load %arg2[%get3A_20, %get3A_21] : memref<2x512xf32, #tpu.memory_space<vmem>>, vector<2x512xf32>
    %reshape3A = vector.shape_cast %get3A_22 : vector<2x512xf32> to vector<1x2x512xf32>
    %reduce_sum3A = arith.constant dense<0.000000e+00> : vector<1x512xf32>
    %reduce_sum3A_23 = vector.multi_reduction <add>, %reshape3A, %reduce_sum3A [1] : vector<1x2x512xf32> to vector<1x512xf32>
    %get3A_24 = arith.constant 0 : index
    %get3A_25 = arith.constant 0 : index
    %get3A_26 = vector.load %arg5[%get3A_24, %get3A_25] : memref<1x8xf32, #tpu.memory_space<vmem>>, vector<1x8xf32>
    %slice3A_27 = vector.extract_strided_slice %get3A_26 {offsets = [0, 0], sizes = [1, 1], strides = [1, 1]} : vector<1x8xf32> to vector<1x1xf32>
    %mul3A_28 = arith.constant 2.000000e-05 : f32
    %mul3A_29 = vector.broadcast %mul3A_28 : f32 to vector<1x1xf32>
    %mul3A_30 = arith.mulf %slice3A_27, %mul3A_29 : vector<1x1xf32>
    %slice3A_31 = vector.extract_strided_slice %get3A_26 {offsets = [0, 1], sizes = [1, 1], strides = [1, 1]} : vector<1x8xf32> to vector<1x1xf32>
    %mul3A_32 = arith.constant 2.000000e-05 : f32
    %mul3A_33 = vector.broadcast %mul3A_32 : f32 to vector<1x1xf32>
    %mul3A_34 = arith.mulf %slice3A_31, %mul3A_33 : vector<1x1xf32>
    %mul3A_35 = arith.mulf %mul3A_30, %mul3A_30 : vector<1x1xf32>
    %sub3A_36 = arith.subf %mul3A_34, %mul3A_35 : vector<1x1xf32>
    %add3A_37 = arith.constant 9.99999974E-6 : f32
    %add3A_38 = vector.broadcast %add3A_37 : f32 to vector<1x1xf32>
    %add3A_39 = arith.addf %sub3A_36, %add3A_38 : vector<1x1xf32>
    %rsqrt3A_40 = math.rsqrt %add3A_39 : vector<1x1xf32>
    %sub3A_41 = vector.broadcast %mul3A_30 : vector<1x1xf32> to vector<1x512xf32>
    %sub3A_42 = arith.subf %reduce_sum3A_23, %sub3A_41 : vector<1x512xf32>
    %mul3A_43 = vector.broadcast %rsqrt3A_40 : vector<1x1xf32> to vector<1x512xf32>
    %mul3A_44 = arith.mulf %sub3A_42, %mul3A_43 : vector<1x512xf32>
    %get3A_45 = arith.constant 0 : index
    %get3A_46 = arith.constant 0 : index
    %get3A_47 = arith.constant 0 : index
    %get3A_48 = vector.load %arg6[%get3A_45, %get3A_46, %get3A_47] : memref<2x32x128xf32, #tpu.memory_space<vmem>>, vector<2x32x128xf32>
    %get3A_49 = arith.constant 0 : index
    %get3A_50 = arith.constant 0 : index
    %get3A_51 = vector.load %arg7[%get3A_49, %get3A_50] : memref<1x128xf32, #tpu.memory_space<vmem>>, vector<1x128xf32>
    %dot_general3A = arith.constant dense<0.000000e+00> : vector<512x128xf32>
    %dot_general3A_52 = tpu.matmul %mul3A_44, %get3A_51, %dot_general3A {dimension_numbers = #tpu.dot_dimension_numbers<[0], [0], [1], [1], [0, 1, 1, 1], [], []>, transpose_lhs_hint = false} : vector<1x512xf32>, vector<1x128xf32>, vector<512x128xf32> -> vector<512x128xf32>
    %slice3A_53 = vector.extract_strided_slice %mul3A_19 {offsets = [0, 0, 0], sizes = [1, 512, 32], strides = [1, 1, 1]} : vector<2x512x32xf32> to vector<1x512x32xf32>
    %squeeze3A = vector.shape_cast %slice3A_53 : vector<1x512x32xf32> to vector<512x32xf32>
    %slice3A_54 = vector.extract_strided_slice %get3A_48 {offsets = [0, 0, 0], sizes = [1, 32, 128], strides = [1, 1, 1]} : vector<2x32x128xf32> to vector<1x32x128xf32>
    %squeeze3A_55 = vector.shape_cast %slice3A_54 : vector<1x32x128xf32> to vector<32x128xf32>
    %dot_general3A_56 = arith.constant dense<0.000000e+00> : vector<512x128xf32>
    %dot_general3A_57 = tpu.matmul %squeeze3A, %squeeze3A_55, %dot_general3A_56 {dimension_numbers = #tpu.dot_dimension_numbers<[1], [0], [0], [1], [0, 0, 1, 1], [], []>, transpose_lhs_hint = false} : vector<512x32xf32>, vector<32x128xf32>, vector<512x128xf32> -> vector<512x128xf32>
    %add3A_58 = arith.addf %dot_general3A_52, %dot_general3A_57 : vector<512x128xf32>
    %slice3A_59 = vector.extract_strided_slice %mul3A_19 {offsets = [1, 0, 0], sizes = [1, 512, 32], strides = [1, 1, 1]} : vector<2x512x32xf32> to vector<1x512x32xf32>
    %squeeze3A_60 = vector.shape_cast %slice3A_59 : vector<1x512x32xf32> to vector<512x32xf32>
    %slice3A_61 = vector.extract_strided_slice %get3A_48 {offsets = [1, 0, 0], sizes = [1, 32, 128], strides = [1, 1, 1]} : vector<2x32x128xf32> to vector<1x32x128xf32>
    %squeeze3A_62 = vector.shape_cast %slice3A_61 : vector<1x32x128xf32> to vector<32x128xf32>
    %dot_general3A_63 = arith.constant dense<0.000000e+00> : vector<512x128xf32>
    %dot_general3A_64 = tpu.matmul %squeeze3A_60, %squeeze3A_62, %dot_general3A_63 {dimension_numbers = #tpu.dot_dimension_numbers<[1], [0], [0], [1], [0, 0, 1, 1], [], []>, transpose_lhs_hint = false} : vector<512x32xf32>, vector<32x128xf32>, vector<512x128xf32> -> vector<512x128xf32>
    %add3A_65 = arith.addf %add3A_58, %dot_general3A_64 : vector<512x128xf32>
    %max3A = arith.constant 0.000000e+00 : f32
    %max3A_66 = vector.broadcast %max3A : f32 to vector<512x128xf32>
    %max3A_67 = arith.maximumf %add3A_65, %max3A_66 : vector<512x128xf32>
    %get3A_68 = arith.constant 0 : index
    %get3A_69 = arith.constant 0 : index
    %get3A_70 = vector.load %arg3[%get3A_68, %get3A_69] : memref<512x128xf32, #tpu.memory_space<vmem>>, vector<512x128xf32>
    %get3A_71 = arith.constant 0 : index
    %get3A_72 = arith.constant 0 : index
    %get3A_73 = vector.load %arg8[%get3A_71, %get3A_72] : memref<128x256xf32, #tpu.memory_space<vmem>>, vector<128x256xf32>
    %dot_general3A_74 = arith.constant dense<0.000000e+00> : vector<512x256xf32>
    %dot_general3A_75 = tpu.matmul %get3A_70, %get3A_73, %dot_general3A_74 {dimension_numbers = #tpu.dot_dimension_numbers<[1], [0], [0], [1], [0, 0, 1, 1], [], []>, transpose_lhs_hint = false} : vector<512x128xf32>, vector<128x256xf32>, vector<512x256xf32> -> vector<512x256xf32>
    %get3A_76 = arith.constant 0 : index
    %get3A_77 = arith.constant 0 : index
    %get3A_78 = vector.load %arg9[%get3A_76, %get3A_77] : memref<128x256xf32, #tpu.memory_space<vmem>>, vector<128x256xf32>
    %dot_general3A_79 = arith.constant dense<0.000000e+00> : vector<512x256xf32>
    %dot_general3A_80 = tpu.matmul %max3A_67, %get3A_78, %dot_general3A_79 {dimension_numbers = #tpu.dot_dimension_numbers<[1], [0], [0], [1], [0, 0, 1, 1], [], []>, transpose_lhs_hint = false} : vector<512x128xf32>, vector<128x256xf32>, vector<512x256xf32> -> vector<512x256xf32>
    %add3A_81 = arith.addf %dot_general3A_75, %dot_general3A_80 : vector<512x256xf32>
    %slice3A_82 = vector.extract_strided_slice %add3A_81 {offsets = [0, 0], sizes = [512, 129], strides = [1, 1]} : vector<512x256xf32> to vector<512x129xf32>
    %swap3A = arith.constant 0 : index
    %swap3A_83 = arith.constant 0 : index
    %swap3A_84 = vector.load %arg10[%swap3A, %swap3A_83] : memref<512x129xf32, #tpu.memory_space<vmem>>, vector<512x129xf32>
    tpu.vector_store %arg10[%swap3A, %swap3A_83], %slice3A_82 {strides = array<i32>} : memref<512x129xf32, #tpu.memory_space<vmem>>, vector<512x129xf32>,
    %swap3A_85 = arith.constant 0 : index
    %swap3A_86 = arith.constant 0 : index
    %swap3A_87 = vector.load %arg11[%swap3A_85, %swap3A_86] : memref<512x256xf32, #tpu.memory_space<vmem>>, vector<512x256xf32>
    tpu.vector_store %arg11[%swap3A_85, %swap3A_86], %add3A_81 {strides = array<i32>} : memref<512x256xf32, #tpu.memory_space<vmem>>, vector<512x256xf32>,
    %slice3A_88 = vector.extract_strided_slice %add3A_81 {offsets = [0, 0], sizes = [512, 128], strides = [1, 1]} : vector<512x256xf32> to vector<512x128xf32>
    %swap3A_89 = arith.constant 0 : index
    %swap3A_90 = arith.constant 0 : index
    %swap3A_91 = vector.load %arg12[%swap3A_89, %swap3A_90] : memref<512x128xf32, #tpu.memory_space<vmem>>, vector<512x128xf32>
    tpu.vector_store %arg12[%swap3A_89, %swap3A_90], %slice3A_88 {strides = array<i32>} : memref<512x128xf32, #tpu.memory_space<vmem>>, vector<512x128xf32>,
    return
  }
  func.func @transform_0(%arg0: i32) -> (i32, i32, i32) {
    %c0_i32 = arith.constant 0 : i32
    %c0_i32_0 = arith.constant 0 : i32
    %c0_i32_1 = arith.constant 0 : i32
    return %c0_i32, %arg0, %c0_i32_0 : i32, i32, i32
  }
  func.func @transform_1(%arg0: i32) -> (i32, i32) {
    %c0_i32 = arith.constant 0 : i32
    %c0_i32_0 = arith.constant 0 : i32
    return %c0_i32, %arg0 : i32, i32
  }
  func.func @transform_2(%arg0: i32) -> (i32, i32) {
    %c0_i32 = arith.constant 0 : i32
    %c0_i32_0 = arith.constant 0 : i32
    return %arg0, %c0_i32 : i32, i32
  }
  func.func @transform_3(%arg0: i32) -> (i32, i32, i32) {
    %c0_i32 = arith.constant 0 : i32
    %c0_i32_0 = arith.constant 0 : i32
    %c0_i32_1 = arith.constant 0 : i32
    %c0_i32_2 = arith.constant 0 : i32
    return %c0_i32, %c0_i32_0, %c0_i32_1 : i32, i32, i32
  }
  func.func @transform_4(%arg0: i32) -> (i32, i32) {
    %c0_i32 = arith.constant 0 : i32
    %c0_i32_0 = arith.constant 0 : i32
    %c0_i32_1 = arith.constant 0 : i32
    return %c0_i32, %c0_i32_0 : i32, i32
  }
  func.func @transform_5(%arg0: i32) -> (i32, i32, i32) {
    %c0_i32 = arith.constant 0 : i32
    %c0_i32_0 = arith.constant 0 : i32
    %c0_i32_1 = arith.constant 0 : i32
    %c0_i32_2 = arith.constant 0 : i32
    return %c0_i32, %c0_i32_0, %c0_i32_1 : i32, i32, i32
  }
  func.func @transform_6(%arg0: i32) -> (i32, i32) {
    %c0_i32 = arith.constant 0 : i32
    %c0_i32_0 = arith.constant 0 : i32
    %c0_i32_1 = arith.constant 0 : i32
    return %c0_i32, %c0_i32_0 : i32, i32
  }
  func.func @transform_7(%arg0: i32) -> (i32, i32) {
    %c0_i32 = arith.constant 0 : i32
    %c0_i32_0 = arith.constant 0 : i32
    %c0_i32_1 = arith.constant 0 : i32
    return %c0_i32, %c0_i32_0 : i32, i32
  }
  func.func @transform_8(%arg0: i32) -> (i32, i32) {
    %c0_i32 = arith.constant 0 : i32
    %c0_i32_0 = arith.constant 0 : i32
    %c0_i32_1 = arith.constant 0 : i32
    return %c0_i32, %c0_i32_0 : i32, i32
  }
  func.func @transform_9(%arg0: i32) -> (i32, i32) {
    %c0_i32 = arith.constant 0 : i32
    %c0_i32_0 = arith.constant 0 : i32
    return %arg0, %c0_i32 : i32, i32
  }
  func.func @transform_10(%arg0: i32) -> (i32, i32) {
    %c0_i32 = arith.constant 0 : i32
    %c0_i32_0 = arith.constant 0 : i32
    return %arg0, %c0_i32 : i32, i32
  }
  func.func @transform_11(%arg0: i32) -> (i32, i32) {
    %c0_i32 = arith.constant 0 : i32
    %c0_i32_0 = arith.constant 0 : i32
    return %arg0, %c0_i32 : i32, i32
  }
}

module attributes {stable_mosaic.version = 14 : i64} {
  func.func @body(%arg0: i32, %arg1: memref<4x512x32xf32, #tpu.memory_space<vmem>>, %arg2: memref<4x512xf32, #tpu.memory_space<vmem>>, %arg3: memref<4x8x32xf32, #tpu.memory_space<vmem>>, %arg4: memref<2x8xf32, #tpu.memory_space<vmem>>) attributes {dimension_semantics = [#tpu.dimension_semantics<arbitrary>], iteration_bounds = array<i64: 98>, scalar_prefetch = 0 : i64, scratch_operands = 0 : i64, tpu.core_type = #tpu.core_type<tc>, window_params = [{transform_indices = @transform_0, window_bounds = array<i64: 4, 512, 32>}, {transform_indices = @transform_1, window_bounds = array<i64: 4, 512>}, {pipeline_mode = #tpu.pipeline_mode<synchronous>, transform_indices = @transform_2, window_bounds = array<i64: 4, 8, 32>}, {pipeline_mode = #tpu.pipeline_mode<synchronous>, transform_indices = @transform_3, window_bounds = array<i64: 2, 8>}]} {
    %mul3A = arith.constant 512 : i32
    %mul3A_0 = arith.muli %arg0, %mul3A : i32
    %sub3A = arith.constant 50000 : i32
    %sub3A_1 = arith.subi %sub3A, %mul3A_0 : i32
    %iota3A = tpu.iota {dimensions = array<i32: 0>} : vector<512x32xi32>
    %lt3A = vector.broadcast %sub3A_1 : i32 to vector<512x32xi32>
    %lt3A_2 = arith.cmpi slt, %iota3A, %lt3A : vector<512x32xi32>
    %convert_element_type3A = arith.extui %lt3A_2 : vector<512x32xi1> to vector<512x32xi32>
    %convert_element_type3A_3 = arith.sitofp %convert_element_type3A : vector<512x32xi32> to vector<512x32xf32>
    %get3A = arith.constant 0 : index
    %get3A_4 = arith.constant 0 : index
    %get3A_5 = arith.constant 0 : index
    %get3A_6 = vector.load %arg1[%get3A, %get3A_4, %get3A_5] : memref<4x512x32xf32, #tpu.memory_space<vmem>>, vector<4x512x32xf32>
    %broadcast_in_dim3A = vector.shape_cast %convert_element_type3A_3 : vector<512x32xf32> to vector<1x512x32xf32>
    %mul3A_7 = vector.broadcast %broadcast_in_dim3A : vector<1x512x32xf32> to vector<4x512x32xf32>
    %mul3A_8 = arith.mulf %get3A_6, %mul3A_7 : vector<4x512x32xf32>
    %iota3A_9 = tpu.iota {dimensions = array<i32: 1>} : vector<1x512xi32>
    %lt3A_10 = vector.broadcast %sub3A_1 : i32 to vector<1x512xi32>
    %lt3A_11 = arith.cmpi slt, %iota3A_9, %lt3A_10 : vector<1x512xi32>
    %convert_element_type3A_12 = arith.extui %lt3A_11 : vector<1x512xi1> to vector<1x512xi32>
    %convert_element_type3A_13 = arith.sitofp %convert_element_type3A_12 : vector<1x512xi32> to vector<1x512xf32>
    %get3A_14 = arith.constant 0 : index
    %get3A_15 = arith.constant 0 : index
    %get3A_16 = vector.load %arg2[%get3A_14, %get3A_15] : memref<4x512xf32, #tpu.memory_space<vmem>>, vector<4x512xf32>
    %mul3A_17 = vector.broadcast %convert_element_type3A_13 : vector<1x512xf32> to vector<4x512xf32>
    %mul3A_18 = arith.mulf %get3A_16, %mul3A_17 : vector<4x512xf32>
    %reshape3A = vector.shape_cast %mul3A_18 : vector<4x512xf32> to vector<2x2x512xf32>
    %reduce_sum3A = arith.constant dense<0.000000e+00> : vector<2x512xf32>
    %reduce_sum3A_19 = vector.multi_reduction <add>, %reshape3A, %reduce_sum3A [1] : vector<2x2x512xf32> to vector<2x512xf32>
    %reduce_sum3A_20 = arith.constant dense<0.000000e+00> : vector<4x32xf32>
    %reduce_sum3A_21 = vector.multi_reduction <add>, %mul3A_8, %reduce_sum3A_20 [1] : vector<4x512x32xf32> to vector<4x32xf32>
    %mul3A_22 = arith.mulf %mul3A_8, %mul3A_8 : vector<4x512x32xf32>
    %reduce_sum3A_23 = arith.constant dense<0.000000e+00> : vector<4x32xf32>
    %reduce_sum3A_24 = vector.multi_reduction <add>, %mul3A_22, %reduce_sum3A_23 [1] : vector<4x512x32xf32> to vector<4x32xf32>
    %broadcast_in_dim3A_25 = vector.shape_cast %reduce_sum3A_21 : vector<4x32xf32> to vector<4x1x32xf32>
    %broadcast_in_dim3A_26 = vector.shape_cast %reduce_sum3A_24 : vector<4x32xf32> to vector<4x1x32xf32>
    %broadcast_in_dim3A_27 = arith.constant 0.000000e+00 : f32
    %broadcast_in_dim3A_28 = vector.broadcast %broadcast_in_dim3A_27 : f32 to vector<4x6x32xf32>
    %concatenate3A = tpu.concatenate %broadcast_in_dim3A_25, %broadcast_in_dim3A_26, %broadcast_in_dim3A_28 in 1 : vector<4x1x32xf32>, vector<4x1x32xf32>, vector<4x6x32xf32> -> vector<4x8x32xf32>
    %reduce_sum3A_29 = arith.constant dense<0.000000e+00> : vector<2xf32>
    %reduce_sum3A_30 = vector.multi_reduction <add>, %reduce_sum3A_19, %reduce_sum3A_29 [1] : vector<2x512xf32> to vector<2xf32>
    %broadcast_in_dim3A_31 = vector.shape_cast %reduce_sum3A_30 : vector<2xf32> to vector<2x1xf32>
    %mul3A_32 = arith.mulf %reduce_sum3A_19, %reduce_sum3A_19 : vector<2x512xf32>
    %reduce_sum3A_33 = arith.constant dense<0.000000e+00> : vector<2xf32>
    %reduce_sum3A_34 = vector.multi_reduction <add>, %mul3A_32, %reduce_sum3A_33 [1] : vector<2x512xf32> to vector<2xf32>
    %broadcast_in_dim3A_35 = vector.shape_cast %reduce_sum3A_34 : vector<2xf32> to vector<2x1xf32>
    %broadcast_in_dim3A_36 = arith.constant 0.000000e+00 : f32
    %broadcast_in_dim3A_37 = vector.broadcast %broadcast_in_dim3A_36 : f32 to vector<2x6xf32>
    %concatenate3A_38 = tpu.concatenate %broadcast_in_dim3A_31, %broadcast_in_dim3A_35, %broadcast_in_dim3A_37 in 1 : vector<2x1xf32>, vector<2x1xf32>, vector<2x6xf32> -> vector<2x8xf32>
    %eq3A = arith.constant 0 : i32
    %eq3A_39 = arith.cmpi eq, %arg0, %eq3A : i32
    %convert_element_type3A_40 = arith.extui %eq3A_39 : i1 to i32
    %cond3A = arith.constant 0 : i32
    %cond3A_41 = arith.cmpi ne, %convert_element_type3A_40, %cond3A : i32
    scf.if %cond3A_41 {
      %swap3A = arith.constant 0 : index
      %swap3A_46 = arith.constant 0 : index
      %swap3A_47 = arith.constant 0 : index
      %swap3A_48 = vector.load %arg3[%swap3A, %swap3A_46, %swap3A_47] : memref<4x8x32xf32, #tpu.memory_space<vmem>>, vector<4x8x32xf32>
      tpu.vector_store %arg3[%swap3A, %swap3A_46, %swap3A_47], %concatenate3A {strides = array<i32>} : memref<4x8x32xf32, #tpu.memory_space<vmem>>, vector<4x8x32xf32>,
      %swap3A_49 = arith.constant 0 : index
      %swap3A_50 = arith.constant 0 : index
      %swap3A_51 = vector.load %arg4[%swap3A_49, %swap3A_50] : memref<2x8xf32, #tpu.memory_space<vmem>>, vector<2x8xf32>
      tpu.vector_store %arg4[%swap3A_49, %swap3A_50], %concatenate3A_38 {strides = array<i32>} : memref<2x8xf32, #tpu.memory_space<vmem>>, vector<2x8xf32>,
    } else {
    }
    %gt3A = arith.constant 0 : i32
    %gt3A_42 = arith.cmpi sgt, %arg0, %gt3A : i32
    %convert_element_type3A_43 = arith.extui %gt3A_42 : i1 to i32
    %cond3A_44 = arith.constant 0 : i32
    %cond3A_45 = arith.cmpi ne, %convert_element_type3A_43, %cond3A_44 : i32
    scf.if %cond3A_45 {
      %get3A_46 = arith.constant 0 : index
      %get3A_47 = arith.constant 0 : index
      %get3A_48 = arith.constant 0 : index
      %get3A_49 = vector.load %arg3[%get3A_46, %get3A_47, %get3A_48] : memref<4x8x32xf32, #tpu.memory_space<vmem>>, vector<4x8x32xf32>
      %add3A = arith.addf %get3A_49, %concatenate3A : vector<4x8x32xf32>
      %swap3A = arith.constant 0 : index
      %swap3A_50 = arith.constant 0 : index
      %swap3A_51 = arith.constant 0 : index
      %swap3A_52 = vector.load %arg3[%swap3A, %swap3A_50, %swap3A_51] : memref<4x8x32xf32, #tpu.memory_space<vmem>>, vector<4x8x32xf32>
      tpu.vector_store %arg3[%swap3A, %swap3A_50, %swap3A_51], %add3A {strides = array<i32>} : memref<4x8x32xf32, #tpu.memory_space<vmem>>, vector<4x8x32xf32>,
      %get3A_53 = arith.constant 0 : index
      %get3A_54 = arith.constant 0 : index
      %get3A_55 = vector.load %arg4[%get3A_53, %get3A_54] : memref<2x8xf32, #tpu.memory_space<vmem>>, vector<2x8xf32>
      %add3A_56 = arith.addf %get3A_55, %concatenate3A_38 : vector<2x8xf32>
      %swap3A_57 = arith.constant 0 : index
      %swap3A_58 = arith.constant 0 : index
      %swap3A_59 = vector.load %arg4[%swap3A_57, %swap3A_58] : memref<2x8xf32, #tpu.memory_space<vmem>>, vector<2x8xf32>
      tpu.vector_store %arg4[%swap3A_57, %swap3A_58], %add3A_56 {strides = array<i32>} : memref<2x8xf32, #tpu.memory_space<vmem>>, vector<2x8xf32>,
    } else {
    }
    return
  }
  func.func @transform_0(%arg0: i32) -> (i32, i32, i32) {
    %c0_i32 = arith.constant 0 : i32
    %c0_i32_0 = arith.constant 0 : i32
    %c0_i32_1 = arith.constant 0 : i32
    return %c0_i32, %arg0, %c0_i32_0 : i32, i32, i32
  }
  func.func @transform_1(%arg0: i32) -> (i32, i32) {
    %c0_i32 = arith.constant 0 : i32
    %c0_i32_0 = arith.constant 0 : i32
    return %c0_i32, %arg0 : i32, i32
  }
  func.func @transform_2(%arg0: i32) -> (i32, i32, i32) {
    %c0_i32 = arith.constant 0 : i32
    %c0_i32_0 = arith.constant 0 : i32
    %c0_i32_1 = arith.constant 0 : i32
    %c0_i32_2 = arith.constant 0 : i32
    return %c0_i32, %c0_i32_0, %c0_i32_1 : i32, i32, i32
  }
  func.func @transform_3(%arg0: i32) -> (i32, i32) {
    %c0_i32 = arith.constant 0 : i32
    %c0_i32_0 = arith.constant 0 : i32
    %c0_i32_1 = arith.constant 0 : i32
    return %c0_i32, %c0_i32_0 : i32, i32
  }
}

module attributes {stable_mosaic.version = 14 : i64} {
  func.func @body(%arg0: i32, %arg1: memref<4x512x32xf32, #tpu.memory_space<vmem>>, %arg2: memref<4x512xf32, #tpu.memory_space<vmem>>, %arg3: memref<512x256xf32, #tpu.memory_space<vmem>>, %arg4: memref<4x8x32xf32, #tpu.memory_space<vmem>>, %arg5: memref<2x8xf32, #tpu.memory_space<vmem>>, %arg6: memref<4x32x256xf32, #tpu.memory_space<vmem>>, %arg7: memref<2x256xf32, #tpu.memory_space<vmem>>, %arg8: memref<256x384xf32, #tpu.memory_space<vmem>>, %arg9: memref<256x384xf32, #tpu.memory_space<vmem>>, %arg10: memref<512x259xf32, #tpu.memory_space<vmem>>) attributes {dimension_semantics = [#tpu.dimension_semantics<arbitrary>], iteration_bounds = array<i64: 98>, scalar_prefetch = 0 : i64, scratch_operands = 0 : i64, tpu.core_type = #tpu.core_type<tc>, window_params = [{transform_indices = @transform_0, window_bounds = array<i64: 4, 512, 32>}, {transform_indices = @transform_1, window_bounds = array<i64: 4, 512>}, {transform_indices = @transform_2, window_bounds = array<i64: 512, 256>}, {pipeline_mode = #tpu.pipeline_mode<synchronous>, transform_indices = @transform_3, window_bounds = array<i64: 4, 8, 32>}, {pipeline_mode = #tpu.pipeline_mode<synchronous>, transform_indices = @transform_4, window_bounds = array<i64: 2, 8>}, {pipeline_mode = #tpu.pipeline_mode<synchronous>, transform_indices = @transform_5, window_bounds = array<i64: 4, 32, 256>}, {pipeline_mode = #tpu.pipeline_mode<synchronous>, transform_indices = @transform_6, window_bounds = array<i64: 2, 256>}, {pipeline_mode = #tpu.pipeline_mode<synchronous>, transform_indices = @transform_7, window_bounds = array<i64: 256, 384>}, {pipeline_mode = #tpu.pipeline_mode<synchronous>, transform_indices = @transform_8, window_bounds = array<i64: 256, 384>}, {transform_indices = @transform_9, window_bounds = array<i64: 512, 259>}]} {
    %get3A = arith.constant 0 : index
    %get3A_0 = arith.constant 0 : index
    %get3A_1 = arith.constant 0 : index
    %get3A_2 = vector.load %arg4[%get3A, %get3A_0, %get3A_1] : memref<4x8x32xf32, #tpu.memory_space<vmem>>, vector<4x8x32xf32>
    %slice3A = vector.extract_strided_slice %get3A_2 {offsets = [0, 0, 0], sizes = [4, 1, 32], strides = [1, 1, 1]} : vector<4x8x32xf32> to vector<4x1x32xf32>
    %mul3A = arith.constant 2.000000e-05 : f32
    %mul3A_3 = vector.broadcast %mul3A : f32 to vector<4x1x32xf32>
    %mul3A_4 = arith.mulf %slice3A, %mul3A_3 : vector<4x1x32xf32>
    %slice3A_5 = vector.extract_strided_slice %get3A_2 {offsets = [0, 1, 0], sizes = [4, 1, 32], strides = [1, 1, 1]} : vector<4x8x32xf32> to vector<4x1x32xf32>
    %mul3A_6 = arith.constant 2.000000e-05 : f32
    %mul3A_7 = vector.broadcast %mul3A_6 : f32 to vector<4x1x32xf32>
    %mul3A_8 = arith.mulf %slice3A_5, %mul3A_7 : vector<4x1x32xf32>
    %mul3A_9 = arith.mulf %mul3A_4, %mul3A_4 : vector<4x1x32xf32>
    %sub3A = arith.subf %mul3A_8, %mul3A_9 : vector<4x1x32xf32>
    %add3A = arith.constant 9.99999974E-6 : f32
    %add3A_10 = vector.broadcast %add3A : f32 to vector<4x1x32xf32>
    %add3A_11 = arith.addf %sub3A, %add3A_10 : vector<4x1x32xf32>
    %rsqrt3A = math.rsqrt %add3A_11 : vector<4x1x32xf32>
    %get3A_12 = arith.constant 0 : index
    %get3A_13 = arith.constant 0 : index
    %get3A_14 = arith.constant 0 : index
    %get3A_15 = vector.load %arg1[%get3A_12, %get3A_13, %get3A_14] : memref<4x512x32xf32, #tpu.memory_space<vmem>>, vector<4x512x32xf32>
    %sub3A_16 = vector.broadcast %mul3A_4 : vector<4x1x32xf32> to vector<4x512x32xf32>
    %sub3A_17 = arith.subf %get3A_15, %sub3A_16 : vector<4x512x32xf32>
    %mul3A_18 = vector.broadcast %rsqrt3A : vector<4x1x32xf32> to vector<4x512x32xf32>
    %mul3A_19 = arith.mulf %sub3A_17, %mul3A_18 : vector<4x512x32xf32>
    %get3A_20 = arith.constant 0 : index
    %get3A_21 = arith.constant 0 : index
    %get3A_22 = vector.load %arg2[%get3A_20, %get3A_21] : memref<4x512xf32, #tpu.memory_space<vmem>>, vector<4x512xf32>
    %reshape3A = vector.shape_cast %get3A_22 : vector<4x512xf32> to vector<2x2x512xf32>
    %reduce_sum3A = arith.constant dense<0.000000e+00> : vector<2x512xf32>
    %reduce_sum3A_23 = vector.multi_reduction <add>, %reshape3A, %reduce_sum3A [1] : vector<2x2x512xf32> to vector<2x512xf32>
    %get3A_24 = arith.constant 0 : index
    %get3A_25 = arith.constant 0 : index
    %get3A_26 = vector.load %arg5[%get3A_24, %get3A_25] : memref<2x8xf32, #tpu.memory_space<vmem>>, vector<2x8xf32>
    %slice3A_27 = vector.extract_strided_slice %get3A_26 {offsets = [0, 0], sizes = [2, 1], strides = [1, 1]} : vector<2x8xf32> to vector<2x1xf32>
    %mul3A_28 = arith.constant 2.000000e-05 : f32
    %mul3A_29 = vector.broadcast %mul3A_28 : f32 to vector<2x1xf32>
    %mul3A_30 = arith.mulf %slice3A_27, %mul3A_29 : vector<2x1xf32>
    %slice3A_31 = vector.extract_strided_slice %get3A_26 {offsets = [0, 1], sizes = [2, 1], strides = [1, 1]} : vector<2x8xf32> to vector<2x1xf32>
    %mul3A_32 = arith.constant 2.000000e-05 : f32
    %mul3A_33 = vector.broadcast %mul3A_32 : f32 to vector<2x1xf32>
    %mul3A_34 = arith.mulf %slice3A_31, %mul3A_33 : vector<2x1xf32>
    %mul3A_35 = arith.mulf %mul3A_30, %mul3A_30 : vector<2x1xf32>
    %sub3A_36 = arith.subf %mul3A_34, %mul3A_35 : vector<2x1xf32>
    %add3A_37 = arith.constant 9.99999974E-6 : f32
    %add3A_38 = vector.broadcast %add3A_37 : f32 to vector<2x1xf32>
    %add3A_39 = arith.addf %sub3A_36, %add3A_38 : vector<2x1xf32>
    %rsqrt3A_40 = math.rsqrt %add3A_39 : vector<2x1xf32>
    %sub3A_41 = vector.broadcast %mul3A_30 : vector<2x1xf32> to vector<2x512xf32>
    %sub3A_42 = arith.subf %reduce_sum3A_23, %sub3A_41 : vector<2x512xf32>
    %mul3A_43 = vector.broadcast %rsqrt3A_40 : vector<2x1xf32> to vector<2x512xf32>
    %mul3A_44 = arith.mulf %sub3A_42, %mul3A_43 : vector<2x512xf32>
    %get3A_45 = arith.constant 0 : index
    %get3A_46 = arith.constant 0 : index
    %get3A_47 = arith.constant 0 : index
    %get3A_48 = vector.load %arg6[%get3A_45, %get3A_46, %get3A_47] : memref<4x32x256xf32, #tpu.memory_space<vmem>>, vector<4x32x256xf32>
    %get3A_49 = arith.constant 0 : index
    %get3A_50 = arith.constant 0 : index
    %get3A_51 = vector.load %arg7[%get3A_49, %get3A_50] : memref<2x256xf32, #tpu.memory_space<vmem>>, vector<2x256xf32>
    %dot_general3A = arith.constant dense<0.000000e+00> : vector<512x256xf32>
    %dot_general3A_52 = tpu.matmul %mul3A_44, %get3A_51, %dot_general3A {dimension_numbers = #tpu.dot_dimension_numbers<[0], [0], [1], [1], [0, 1, 1, 1], [], []>, transpose_lhs_hint = false} : vector<2x512xf32>, vector<2x256xf32>, vector<512x256xf32> -> vector<512x256xf32>
    %slice3A_53 = vector.extract_strided_slice %mul3A_19 {offsets = [0, 0, 0], sizes = [1, 512, 32], strides = [1, 1, 1]} : vector<4x512x32xf32> to vector<1x512x32xf32>
    %squeeze3A = vector.shape_cast %slice3A_53 : vector<1x512x32xf32> to vector<512x32xf32>
    %slice3A_54 = vector.extract_strided_slice %get3A_48 {offsets = [0, 0, 0], sizes = [1, 32, 256], strides = [1, 1, 1]} : vector<4x32x256xf32> to vector<1x32x256xf32>
    %squeeze3A_55 = vector.shape_cast %slice3A_54 : vector<1x32x256xf32> to vector<32x256xf32>
    %dot_general3A_56 = arith.constant dense<0.000000e+00> : vector<512x256xf32>
    %dot_general3A_57 = tpu.matmul %squeeze3A, %squeeze3A_55, %dot_general3A_56 {dimension_numbers = #tpu.dot_dimension_numbers<[1], [0], [0], [1], [0, 0, 1, 1], [], []>, transpose_lhs_hint = false} : vector<512x32xf32>, vector<32x256xf32>, vector<512x256xf32> -> vector<512x256xf32>
    %add3A_58 = arith.addf %dot_general3A_52, %dot_general3A_57 : vector<512x256xf32>
    %slice3A_59 = vector.extract_strided_slice %mul3A_19 {offsets = [1, 0, 0], sizes = [1, 512, 32], strides = [1, 1, 1]} : vector<4x512x32xf32> to vector<1x512x32xf32>
    %squeeze3A_60 = vector.shape_cast %slice3A_59 : vector<1x512x32xf32> to vector<512x32xf32>
    %slice3A_61 = vector.extract_strided_slice %get3A_48 {offsets = [1, 0, 0], sizes = [1, 32, 256], strides = [1, 1, 1]} : vector<4x32x256xf32> to vector<1x32x256xf32>
    %squeeze3A_62 = vector.shape_cast %slice3A_61 : vector<1x32x256xf32> to vector<32x256xf32>
    %dot_general3A_63 = arith.constant dense<0.000000e+00> : vector<512x256xf32>
    %dot_general3A_64 = tpu.matmul %squeeze3A_60, %squeeze3A_62, %dot_general3A_63 {dimension_numbers = #tpu.dot_dimension_numbers<[1], [0], [0], [1], [0, 0, 1, 1], [], []>, transpose_lhs_hint = false} : vector<512x32xf32>, vector<32x256xf32>, vector<512x256xf32> -> vector<512x256xf32>
    %add3A_65 = arith.addf %add3A_58, %dot_general3A_64 : vector<512x256xf32>
    %slice3A_66 = vector.extract_strided_slice %mul3A_19 {offsets = [2, 0, 0], sizes = [1, 512, 32], strides = [1, 1, 1]} : vector<4x512x32xf32> to vector<1x512x32xf32>
    %squeeze3A_67 = vector.shape_cast %slice3A_66 : vector<1x512x32xf32> to vector<512x32xf32>
    %slice3A_68 = vector.extract_strided_slice %get3A_48 {offsets = [2, 0, 0], sizes = [1, 32, 256], strides = [1, 1, 1]} : vector<4x32x256xf32> to vector<1x32x256xf32>
    %squeeze3A_69 = vector.shape_cast %slice3A_68 : vector<1x32x256xf32> to vector<32x256xf32>
    %dot_general3A_70 = arith.constant dense<0.000000e+00> : vector<512x256xf32>
    %dot_general3A_71 = tpu.matmul %squeeze3A_67, %squeeze3A_69, %dot_general3A_70 {dimension_numbers = #tpu.dot_dimension_numbers<[1], [0], [0], [1], [0, 0, 1, 1], [], []>, transpose_lhs_hint = false} : vector<512x32xf32>, vector<32x256xf32>, vector<512x256xf32> -> vector<512x256xf32>
    %add3A_72 = arith.addf %add3A_65, %dot_general3A_71 : vector<512x256xf32>
    %slice3A_73 = vector.extract_strided_slice %mul3A_19 {offsets = [3, 0, 0], sizes = [1, 512, 32], strides = [1, 1, 1]} : vector<4x512x32xf32> to vector<1x512x32xf32>
    %squeeze3A_74 = vector.shape_cast %slice3A_73 : vector<1x512x32xf32> to vector<512x32xf32>
    %slice3A_75 = vector.extract_strided_slice %get3A_48 {offsets = [3, 0, 0], sizes = [1, 32, 256], strides = [1, 1, 1]} : vector<4x32x256xf32> to vector<1x32x256xf32>
    %squeeze3A_76 = vector.shape_cast %slice3A_75 : vector<1x32x256xf32> to vector<32x256xf32>
    %dot_general3A_77 = arith.constant dense<0.000000e+00> : vector<512x256xf32>
    %dot_general3A_78 = tpu.matmul %squeeze3A_74, %squeeze3A_76, %dot_general3A_77 {dimension_numbers = #tpu.dot_dimension_numbers<[1], [0], [0], [1], [0, 0, 1, 1], [], []>, transpose_lhs_hint = false} : vector<512x32xf32>, vector<32x256xf32>, vector<512x256xf32> -> vector<512x256xf32>
    %add3A_79 = arith.addf %add3A_72, %dot_general3A_78 : vector<512x256xf32>
    %max3A = arith.constant 0.000000e+00 : f32
    %max3A_80 = vector.broadcast %max3A : f32 to vector<512x256xf32>
    %max3A_81 = arith.maximumf %add3A_79, %max3A_80 : vector<512x256xf32>
    %get3A_82 = arith.constant 0 : index
    %get3A_83 = arith.constant 0 : index
    %get3A_84 = vector.load %arg3[%get3A_82, %get3A_83] : memref<512x256xf32, #tpu.memory_space<vmem>>, vector<512x256xf32>
    %get3A_85 = arith.constant 0 : index
    %get3A_86 = arith.constant 0 : index
    %get3A_87 = vector.load %arg8[%get3A_85, %get3A_86] : memref<256x384xf32, #tpu.memory_space<vmem>>, vector<256x384xf32>
    %dot_general3A_88 = arith.constant dense<0.000000e+00> : vector<512x384xf32>
    %dot_general3A_89 = tpu.matmul %get3A_84, %get3A_87, %dot_general3A_88 {dimension_numbers = #tpu.dot_dimension_numbers<[1], [0], [0], [1], [0, 0, 1, 1], [], []>, transpose_lhs_hint = false} : vector<512x256xf32>, vector<256x384xf32>, vector<512x384xf32> -> vector<512x384xf32>
    %get3A_90 = arith.constant 0 : index
    %get3A_91 = arith.constant 0 : index
    %get3A_92 = vector.load %arg9[%get3A_90, %get3A_91] : memref<256x384xf32, #tpu.memory_space<vmem>>, vector<256x384xf32>
    %dot_general3A_93 = arith.constant dense<0.000000e+00> : vector<512x384xf32>
    %dot_general3A_94 = tpu.matmul %max3A_81, %get3A_92, %dot_general3A_93 {dimension_numbers = #tpu.dot_dimension_numbers<[1], [0], [0], [1], [0, 0, 1, 1], [], []>, transpose_lhs_hint = false} : vector<512x256xf32>, vector<256x384xf32>, vector<512x384xf32> -> vector<512x384xf32>
    %add3A_95 = arith.addf %dot_general3A_89, %dot_general3A_94 : vector<512x384xf32>
    %slice3A_96 = vector.extract_strided_slice %add3A_95 {offsets = [0, 0], sizes = [512, 259], strides = [1, 1]} : vector<512x384xf32> to vector<512x259xf32>
    %swap3A = arith.constant 0 : index
    %swap3A_97 = arith.constant 0 : index
    %swap3A_98 = vector.load %arg10[%swap3A, %swap3A_97] : memref<512x259xf32, #tpu.memory_space<vmem>>, vector<512x259xf32>
    tpu.vector_store %arg10[%swap3A, %swap3A_97], %slice3A_96 {strides = array<i32>} : memref<512x259xf32, #tpu.memory_space<vmem>>, vector<512x259xf32>,
    return
  }
  func.func @transform_0(%arg0: i32) -> (i32, i32, i32) {
    %c0_i32 = arith.constant 0 : i32
    %c0_i32_0 = arith.constant 0 : i32
    %c0_i32_1 = arith.constant 0 : i32
    return %c0_i32, %arg0, %c0_i32_0 : i32, i32, i32
  }
  func.func @transform_1(%arg0: i32) -> (i32, i32) {
    %c0_i32 = arith.constant 0 : i32
    %c0_i32_0 = arith.constant 0 : i32
    return %c0_i32, %arg0 : i32, i32
  }
  func.func @transform_2(%arg0: i32) -> (i32, i32) {
    %c0_i32 = arith.constant 0 : i32
    %c0_i32_0 = arith.constant 0 : i32
    return %arg0, %c0_i32 : i32, i32
  }
  func.func @transform_3(%arg0: i32) -> (i32, i32, i32) {
    %c0_i32 = arith.constant 0 : i32
    %c0_i32_0 = arith.constant 0 : i32
    %c0_i32_1 = arith.constant 0 : i32
    %c0_i32_2 = arith.constant 0 : i32
    return %c0_i32, %c0_i32_0, %c0_i32_1 : i32, i32, i32
  }
  func.func @transform_4(%arg0: i32) -> (i32, i32) {
    %c0_i32 = arith.constant 0 : i32
    %c0_i32_0 = arith.constant 0 : i32
    %c0_i32_1 = arith.constant 0 : i32
    return %c0_i32, %c0_i32_0 : i32, i32
  }
  func.func @transform_5(%arg0: i32) -> (i32, i32, i32) {
    %c0_i32 = arith.constant 0 : i32
    %c0_i32_0 = arith.constant 0 : i32
    %c0_i32_1 = arith.constant 0 : i32
    %c0_i32_2 = arith.constant 0 : i32
    return %c0_i32, %c0_i32_0, %c0_i32_1 : i32, i32, i32
  }
  func.func @transform_6(%arg0: i32) -> (i32, i32) {
    %c0_i32 = arith.constant 0 : i32
    %c0_i32_0 = arith.constant 0 : i32
    %c0_i32_1 = arith.constant 0 : i32
    return %c0_i32, %c0_i32_0 : i32, i32
  }
  func.func @transform_7(%arg0: i32) -> (i32, i32) {
    %c0_i32 = arith.constant 0 : i32
    %c0_i32_0 = arith.constant 0 : i32
    %c0_i32_1 = arith.constant 0 : i32
    return %c0_i32, %c0_i32_0 : i32, i32
  }
  func.func @transform_8(%arg0: i32) -> (i32, i32) {
    %c0_i32 = arith.constant 0 : i32
    %c0_i32_0 = arith.constant 0 : i32
    %c0_i32_1 = arith.constant 0 : i32
    return %c0_i32, %c0_i32_0 : i32, i32
  }
  func.func @transform_9(%arg0: i32) -> (i32, i32) {
    %c0_i32 = arith.constant 0 : i32
    %c0_i32_0 = arith.constant 0 : i32
    return %arg0, %c0_i32 : i32, i32
  }
}

</mosaic_0001>

<sc_bundles>
// kernel: kernel.11.cloned.1.call-start
scs
__scs_entry_jumppad:
0x0: {  	(pc) =	sbr.rel $0x88, $3  }
0x1: {  	(tag) =	ssettag $0x0;
	lr =	simm.s32 $0x1  }
0x2: {  	[smem:$0x3F98] =	sst lr;
	_ =	strace $0xD0000000  }
0x3: {  	_ = 	snop  }
0x4: {  	_ = 	snop  }
0x5: {  	_ = 	snop  }
0x6: {  	_ = 	snop  }
0x7: {  	_ = 	snop  }
__scs_overlays_trampoline_lowered:
0x8: {  	[smem:$0x3FA7] =	sst s0  }
0x9: {  	[smem:$0x3FA8] =	sst s1  }
0xa: {  	[smem:$0x3FA9] =	sst s2  }
0xb: {  	[smem:$0x3FAA] =	sst s3  }
0xc: {  	[smem:$0x3FAB] =	sst s4  }
0xd: {  	[smem:$0x3FAC] =	sst s5  }
0xe: {  	[smem:$0x3FAD] =	sst s6  }
0xf: {  	[smem:$0x3FAE] =	sst s7  }
0x10: {  	[smem:$0x3FAF] =	sst s8  }
0x11: {  	[smem:$0x3FB0] =	sst s9;
	s0 =	simm.s32 @!p0 $0x0  }
0x12: {  	s1 =	sld [smem:$0x3F96];
	s0 =	simm.s32 @p0 $0x1  }
0x13: {  	[smem:$0x3FB1] =	sst s0;
	s0 =	simm.s32 @!p1 $0x0  }
0x14: {  	s2 =	sld [smem:$0x3F95];
	s0 =	simm.s32 @p1 $0x1  }
0x15: {  	[smem:$0x3FB2] =	sst s0;
	s0 =	simm.s32 @!p2 $0x0  }
0x16: {  	s3 =	sld [smem:$0x3FDB];
	s0 =	simm.s32 @p2 $0x1  }
0x17: {  	s4 =	simm.s32 $0x1BF5;
	[smem:$0x3FB4] =	sst s0  }
0x18: {  	s0 =	sld [smem:$0x3F97];
	_ =	swait.ge [sflag:s4], $0x0  }
0x19: {  	s7 =	sld [smem:$0x3F98]  }
0x1a: {  	s8 =	sadd.s32 $0xFFFFE003, lr  }
0x1b: {  	s9 =	sadd.s32 $0xFFFFFEF7, lr;
	s5 =	simm.s32 $0xFFFFFFFF;
	p2 =	slt.u32 s8, $0xFFFFF086  }
0x1c: {  	p1 =	slt.u32 s9, $0xF7A;
	s5 =	simm.s32 @!p2 $0x0  }
0x1d: {  	s5 =	simm.s32 @p1 $0x1;
	p0 =	seq.s32 s7, s2  }
0x1e: {  	s7 =	smul.u32 @!p0 $0xF7A, s2;
	p2 =	seq.s32 @!p0 s5, $0x0  }
0x1f: {  	s9 =	smul.u32 $0xF7A, s1;
	s8 =	simm.s32 @!p0 $0x1BF5;
	p2 =	por !p2, p0  }
0x20: {  	[sflag:s8] =	ssyncset.s32 @!p0 $0xFFFFF086;
	s6 =	sadd.s32 @!p0 s3, s7;
	s7 =	simm.s32 @!p0 $0x108  }
0x21: {  	s3 =	sadd.s32 s3, s9;
	s6 =	sadd.s32 @!p0 $0x88, s6;
	s7 =	simm.s32 @p2 $0x1082  }
0x22: {  	[simem:s7], [sflag:s8] =	dma.local @!p0 [hbm:s6], $0xF7A  }
0x23: {  	s9 =	sor.u32 $0xD0000000, s2;
	s6 =	simm.s32 $0x108;
	_ =	swait.ge @!p0 [sflag:s8], $0x0  }
0x24: {  	s3 =	sadd.s32 $0x88, s3;
	s6 =	simm.s32 @!p1 $0x1082;
	[sflag:s4] =	ssyncset.s32 $0xFFFFF086  }
0x25: {  	[simem:s6], [sflag:s4] =	dma.local [hbm:s3], $0xF7A  }
0x26: {  	[smem:$0x3F98] =	sst s1;
	(tag) =	ssettag s2;
	_ =	strace s9  }
0x27: {  	s1 =	sld [smem:$0x3FA8]  }
0x28: {  	s2 =	sld [smem:$0x3FA9]  }
0x29: {  	s4 =	sld [smem:$0x3FAB]  }
0x2a: {  	p0 =	seq.s32 s5, $0x0;
	s5 =	sld [smem:$0x3FAC]  }
0x2b: {  	s6 =	sld [smem:$0x3FAD]  }
0x2c: {  	s7 =	sld [smem:$0x3FAE]  }
0x2d: {  	s3 =	simm.s32 $0x108;
	s8 =	sld [smem:$0x3FAF]  }
0x2e: {  	s3 =	simm.s32 @!p0 $0x1082;
	s9 =	sld [smem:$0x3FB0]  }
0x2f: {  	lr =	sadd.s32 s0, s3;
	s0 =	sld [smem:$0x3FA7]  }
0x30: {  	s3 =	sld [smem:$0x3FAA]  }
0x31: {  	[smem:$0x3FB3] =	sst s10  }
0x32: {  	s10 =	sld [smem:$0x3FB1];
	_ =	sdelay $0x3  }
0x33: {  	p0 =	seq.s32 s10, $0x1;
	s10 =	sld [smem:$0x3FB3];
	_ =	sdelay $0x3  }
0x34: {  	[smem:$0x3FB3] =	sst s10  }
0x35: {  	s10 =	sld [smem:$0x3FB2];
	_ =	sdelay $0x3  }
0x36: {  	p1 =	seq.s32 s10, $0x1;
	s10 =	sld [smem:$0x3FB3];
	_ =	sdelay $0x3  }
0x37: {  	[smem:$0x3FB3] =	sst s10  }
0x38: {  	s10 =	sld [smem:$0x3FB4]  }
0x39: {  	_ = 	snop;
	(pc) =	sbr.ind lr, $3  }
0x3a: {  	_ = 	snop  }
0x3b: {  	_ = 	snop  }
0x3c: {  	p2 =	seq.s32 s10, $0x1;
	s10 =	sld [smem:$0x3FB3]  }
0x3d: {  	_ =	shalt  }
0x3e: {  	_ =	shalt  }
0x3f: {  	_ =	shalt  }
0x40: {  	_ =	shalt  }
0x41: {  	_ =	shalt  }
0x42: {  	_ =	shalt  }
0x43: {  	_ =	shalt  }
0x44: {  	_ =	shalt  }
0x45: {  	_ =	shalt  }
0x46: {  	_ =	shalt  }
0x47: {  	_ =	shalt  }
0x48: {  	_ =	shalt  }
0x49: {  	_ =	shalt  }
0x4a: {  	_ =	shalt  }
0x4b: {  	_ =	shalt  }
0x4c: {  	_ =	shalt  }
0x4d: {  	_ =	shalt  }
0x4e: {  	_ =	shalt  }
0x4f: {  	_ =	shalt  }
0x50: {  	_ =	shalt  }
0x51: {  	_ =	shalt  }
0x52: {  	_ =	shalt  }
0x53: {  	_ =	shalt  }
0x54: {  	_ =	shalt  }
0x55: {  	_ =	shalt  }
0x56: {  	_ =	shalt  }
0x57: {  	_ =	shalt  }
0x58: {  	_ =	shalt  }
0x59: {  	_ =	shalt  }
0x5a: {  	_ =	shalt  }
0x5b: {  	_ =	shalt  }
0x5c: {  	_ =	shalt  }
0x5d: {  	_ =	shalt  }
0x5e: {  	_ =	shalt  }
0x5f: {  	_ =	shalt  }
0x60: {  	_ =	shalt  }
0x61: {  	_ =	shalt  }
0x62: {  	_ =	shalt  }
0x63: {  	_ =	shalt  }
0x64: {  	_ =	shalt  }
0x65: {  	_ =	shalt  }
0x66: {  	_ =	shalt  }
0x67: {  	_ =	shalt  }
0x68: {  	_ =	shalt  }
0x69: {  	_ =	shalt  }
0x6a: {  	_ =	shalt  }
0x6b: {  	_ =	shalt  }
0x6c: {  	_ =	shalt  }
0x6d: {  	_ =	shalt  }
0x6e: {  	_ =	shalt  }
0x6f: {  	_ =	shalt  }
0x70: {  	_ =	shalt  }
0x71: {  	_ =	shalt  }
0x72: {  	_ =	shalt  }
0x73: {  	_ =	shalt  }
0x74: {  	_ =	shalt  }
0x75: {  	_ =	shalt  }
0x76: {  	_ =	shalt  }
0x77: {  	_ =	shalt  }
0x78: {  	_ =	shalt  }
0x79: {  	_ =	shalt  }
0x7a: {  	_ =	shalt  }
0x7b: {  	_ =	shalt  }
0x7c: {  	_ =	shalt  }
0x7d: {  	_ =	shalt  }
0x7e: {  	_ =	shalt  }
0x7f: {  	_ =	shalt  }
0x80: {  	_ =	shalt  }
0x81: {  	_ =	shalt  }
0x82: {  	_ =	shalt  }
0x83: {  	_ =	shalt  }
0x84: {  	_ =	shalt  }
0x85: {  	_ =	shalt  }
0x86: {  	_ =	shalt  }
0x87: {  	_ =	shalt  }
.Lfunc_end0:
.L_simem_size_0:
called_computation.1_lowered:
.L_overlay_start_0:
0x88: {  	s2 =	sld [smem:$0x3FD9]  }
0x89: {  	s3 =	sld [smem:$0x3FFE];
	_ =	sdelay $0x1  }
0x8a: {  	s1 =	srdreg.scid  }
0x8b: {  	s0 =	sand.u32 $0x1, s1  }
0x8c: {  	s14 =	sshll.u32 s0, $0xA;
	s2 =	sadd.s32 s3, s2  }
0x8d: {  	s2 =	sadd.s32 s2, s14  }
0x8e: {  	[smem:$0x3FBF] =	sst s2  }
0x8f: {  	_ = 	snop  }
0x90: {  	s2 =	sld [smem:$0x3FD0];
	_ =	sdelay $0x2  }
0x91: {  	s15 =	simm.s32 $0xA;
	s4 =	simm.s32 $0x10  }
0x92: {  	[smem:s4], [sflag:s15] =	dma.local [hbm:s2], $0x1  }
0x93: {  	_ =	swait.eq [sflag:s15], $0x1  }
0x94: {  	[sflag:s15] =	ssyncset.done $0x0  }
0x95: {  	s16 =	sld [smem:$0x10];
	[sflag:s15] =	ssyncadd.s32 $0xFFFFFFFF  }
0x96: {  	s17 =	sld [smem:$0x12];
	(tm) =	ssettm $0x1  }
0x97: {  	s18 =	sld [smem:$0x3FFB];
	_ =	sdelay $0x3  }
0x98: {  	_ =	strace s18  }
0x99: {  	s4 =	sld [smem:$0x3FFC];
	_ =	sdelay $0x3  }
0x9a: {  	_ =	strace s4  }
0x9b: {  	s4 =	sld [smem:$0x3FFD];
	_ =	sdelay $0x3  }
0x9c: {  	_ =	strace s4  }
0x9d: {  	_ =	strace $0x8FFFFFFF  }
0x9e: {  	s19 =	sld [smem:$0x3FDB];
	_ =	sdelay $0x1  }
0x9f: {  	s5 =	simm.s32 $_scs_section_size  }
0xa0: {  	s6 =	simm.s32 $_size__tile_overlayer_lowered;
	s7 =	simm.s32 $_tile_overlayer_lowered  }
0xa1: {  	s22 =	simm.s32 $0x1BFF;
	s21 =	sshll.u32 s7, $0x1;
	s4 =	sadd.s32 s5, s19  }
0xa2: {  	s8 =	simm.s32 $0x0;
	s20 =	sshll.u32 s6, $0x1;
	s6 =	sadd.s32 s21, s4  }
0xa3: {  	[timem:s8], [sflag:s22] =	dma.local [hbm:s6], s20  }
0xa4: {  	_ =	swait.ge [sflag:s22], s20  }
0xa5: {  	s5 =	ssub.s32 $0x0, s20;
	[sflag:s22] =	ssyncset.done $0x0  }
0xa6: {  	[sflag:s22] =	ssyncadd.s32 s5;
	_ =	sdelay $0x1  }
0xa7: {  	s23 =	simm.s32 $0x1B8B  }
0xa8: {  	_ =	swait.ge [sflag:s23], $0x1  }
0xa9: {  	[sflag:s23] =	ssyncset.done $0x0  }
0xaa: {  	s25 =	simm.s32 $0x1B8E;
	s24 =	sld [smem:$0x3FFE];
	[sflag:s23] =	ssyncadd.s32 $0xFFFFFFFF  }
0xab: {  	s26 =	simm.s32 $execute0_lowered;
	[smem:$0x3FD2] =	sst s25  }
0xac: {  	s6 =	sshll.u32 s26, $0x1;
	_ =	strace $0x80000049;
	[dreg:$0x1] =	wrdreg $0xFFFFFFFF  }
0xad: {  	s28 =	simm.s32 $_size_execute0_lowered;
	s4 =	sadd.s32 s4, s6;
	[dreg:$0x0] =	wrdreg $0x0  }
0xae: {  	s6 =	sshll.u32 s28, $0x1;
	[dreg:$0x2] =	wrdreg s4  }
0xaf: {  	[dreg:$0x3] =	wrdreg s6  }
0xb0: {  	[dreg:$0x4] =	wrdreg $0xC0  }
0xb1: {  	_ =	task [dreg:s8], $0x5FFFF  }
0xb2: {  	[dreg:$0x1] =	wrdreg $0xFFFFFFFF  }
0xb3: {  	[dreg:$0x0] =	wrdreg $0x60  }
0xb4: {  	[dreg:$0x2] =	wrdreg s24  }
0xb5: {  	[dreg:$0x3] =	wrdreg s17  }
0xb6: {  	[dreg:$0x4] =	wrdreg s16  }
0xb7: {  	[dreg:$0x5] =	wrdreg $0x0  }
0xb8: {  	[dreg:$0x6] =	wrdreg $0x188000  }
0xb9: {  	[dreg:$0x7] =	wrdreg $0x9  }
0xba: {  	_ =	task.clear_ibuf [dreg:s8], $0x8FFFF;
	_ =	strace $0x90000049  }
0xbb: {  	s29 =	simm.s32 $0x9;
	_ =	strace $0x8000004B  }
0xbc: {  	_ =	swait.ge [sflag:s29], $0x1  }
0xbd: {  	[sflag:s29] =	ssyncadd.s32 $0xFFFFFFFF  }
0xbe: {  	_ =	strace $0x9000004B  }
0xbf: {  	_ =	sfence  }
0xc0: {  	s30 =	sld [smem:$0x0];
	_ =	sdelay $0x2  }
0xc1: {  	s31 =	sshll.u32 s1, $0xD;
	s1 =	sshrl.u32 s1, $0x2  }
0xc2: {  	s3 =	sand.u32 $0x4000, s31;
	s1 =	sadd.s32 s1, s30  }
0xc3: {  	s0 =	sor.u32 s3, s0;
	s1 =	sshll.u32 s1, $0x11  }
0xc4: {  	s0 =	sor.u32 s1, s0  }
0xc5: {  	s0 =	sadd.s32 $0x8F2B, s0  }
0xc6: {  	[sflag:s0] =	ssyncadd.remote.s32 $0x1  }
0xc7: {  	_ =	sfence.sel $0xFFFF  }
0xc8: {  	[dreg:$0x0] =	wrdreg $0xFFFFFFFF;
	(pc) =	sbr.abs _section_cstart, $3  }
0xc9: {  	[dreg:$0x1] =	wrdreg $0xFFFFFFFF  }
0xca: {  	_ =	task.clear_ibuf [dreg:s8], $0x2FFFF;
	_ =	strace $0x9FFFFFFF  }
0xcb: {  	(tm) =	ssettm $0x7FFFFFFF  }
tec
execute0_lowered:
.L_overlay_start_1:
0x0: {  	(tag) =	ssettag $0x1  }
0x1: {  	s0 =	rddreg [dreg:$0x0]  }
0x2: {  	s3 =	rddreg [dreg:$0x1]  }
0x3: {  	s5 =	rddreg [dreg:$0x2]  }
0x4: {  	s1 =	rddreg [dreg:$0x3]  }
0x5: {  	s2 =	rddreg [dreg:$0x4];
	s4 =	simm.s32 $0x0;
	s6 =	srdreg.scid  }
0x6: {  	s19 =	stileid.u32;
	s31 =	simm.s32 $0x19440;
	s28 =	simm.s32 $0x194C0  }
0x7: {  	s29 =	simm.s32 $0x2;
	s23 =	sand.u32 $0x1, s6;
	s6 =	smul.u32 $0x18800, s19  }
0x8: {  	s30 =	simm.s32 $0x195C0;
	[smem:$0x7FF] =	sst s4;
	s17 =	smul.u32 $0xC40, s19  }
0x9: {  	s7 =	sadd.s32 $0x97200, s0;
	s10 =	sadd.s32 $0x192A00, s0;
	s20 =	smul.u32 $0x3100, s19  }
0xa: {  	_ =	strace $0x8000004A;
	s8 =	ssub.s32 $0x2, s23;
	s9 =	smul.u32 $0x188000, s23  }
0xb: {  	s16 =	smul.u32 $0xC400, s23;
	p0 =	sne.s32 s23, $0x0;
	[dreg:$0x6] =	wrdreg s23  }
0xc: {  	p1 =	seq.s32 s23, $0x0;
	s11 =	sshrl.u32 s8, $0x1;
	s12 =	sshrl.u32 s6, $0x3  }
0xd: {  	s14 =	sor.u32 $0x100, s6;
	s8 =	ssub.s32 s8, s11;
	s24 =	sadd.s32 s7, s12  }
0xe: {  	s11 =	sadd.s32 s6, s9;
	s25 =	sadd.s32 s9, s14;
	s12 =	sadd.s32 s10, s12  }
0xf: {  	s18 =	sshrl.u32 s14, $0x3;
	s26 =	sadd.s32 s17, s16;
	s9 =	sadd.s32 $0x310000, s9  }
0x10: {  	[dreg:$0x7] =	wrdreg s24;
	s13 =	sshrl.u32 s11, $0x3;
	s18 =	sadd.s32 s7, s18  }
0x11: {  	s16 =	sadd.s32 s6, s9;
	s9 =	sadd.s32 s14, s9;
	s14 =	sadd.s32 $0xC4020, s12  }
0x12: {  	s22 =	sor.u32 $0x300, s11;
	s15 =	sadd.s32 s10, s13;
	[dreg:$0x15] =	wrdreg s14  }
0x13: {  	s13 =	sadd.s32 s3, s13;
	s9 =	sshrl.u32 s9, $0x3;
	[dreg:$0x9] =	wrdreg s18  }
0x14: {  	s24 =	sshrl.u32 s22, $0x3;
	s14 =	simm.s32 $0x1BA40;
	[dreg:$0x8] =	wrdreg s15  }
0x15: {  	s15 =	sshrl.u32 s25, $0x3;
	[dreg:$0xb] =	wrdreg s13;
	s9 =	sadd.s32 s10, s9  }
0x16: {  	s25 =	sor.u32 $0x200, s11;
	s13 =	sadd.s32 $0xC4000, s12;
	[dreg:$0xe] =	wrdreg s9  }
0x17: {  	s12 =	simm.s32 $0x19540;
	s15 =	sadd.s32 s10, s15;
	[dreg:$0x14] =	wrdreg s13  }
0x18: {  	s9 =	sadd.s32 $0x310200, s11;
	s13 =	simm.s32 $0x19740;
	[dreg:$0xa] =	wrdreg s15  }
0x19: {  	s15 =	sshrl.u32 s26, $0x3;
	s26 =	sadd.s32 $0x310300, s11;
	s11 =	sadd.s32 $0x12A600, s0  }
0x1a: {  	s5 =	sadd.s32 s5, s15;
	s15 =	sadd.s32 s20, s10;
	[dreg:$0x12] =	wrdreg s11  }
0x1b: {  	s11 =	simm.s32 $0x1AA40;
	[dreg:$0xc] =	wrdreg s5;
	s5 =	sshrl.u32 s16, $0x3  }
0x1c: {  	s16 =	sadd.s32 s20, s7;
	s7 =	sshrl.u32 s26, $0x3;
	s26 =	smax.u32 s8, $0x1  }
0x1d: {  	s20 =	sadd.s32 $0x40E400, s0;
	s21 =	sadd.s32 s10, s5;
	[dreg:$0x18] =	wrdreg s26  }
0x1e: {  	s3 =	sadd.s32 s3, s5;
	s5 =	sshrl.u32 s25, $0x3;
	[dreg:$0xd] =	wrdreg s21  }
0x1f: {  	s19 =	sadd.s32 s7, s10;
	s25 =	sadd.s32 s17, s2;
	[dreg:$0xf] =	wrdreg s3  }
0x20: {  	s7 =	simm.s32 $0x80;
	s3 =	sadd.s32 s24, s10;
	[dreg:$0x17] =	wrdreg s25  }
0x21: {  	s21 =	sadd.s32 $0x4200, s0;
	s0 =	sadd.s32 $0x12A400, s0;
	[dreg:$0x10] =	wrdreg s3  }
0x22: {  	s26 =	simm.s32 $0x1;
	s24 =	sadd.s32 s6, s1;
	[dreg:$0x13] =	wrdreg s0  }
0x23: {  	s25 =	simm.s32 $0x1CA40;
	s3 =	sadd.s32 s5, s10;
	[dreg:$0x16] =	wrdreg s24  }
0x24: {  	s0 =	simm.s32 $0x5;
	s24 =	simm.s32 $0x197C0;
	s5 =	simm.s32 $0x0  }
0x25: {  	[dreg:$0x11] =	wrdreg s3;
	s3 =	sshrl.u32 s9, $0x3;
	s9 =	simm.s32 $0x19A40  }
0x26: {  	s22 =	sadd.s32 s3, s10;
	s3 =	simm.s32 $0x19640;
	s10 =	simm.s32 $0x196C0  }
.LBB2_1:
0x27: {  	[dreg:$0x19] =	wrdreg s5  }
0x28: {  	s2 =	rddreg [dreg:$0x7]  }
0x29: {  	[tilespmem:s31], [sflag:$0x5] =	stream.linear.gather [hbm4b:s2+s4], $0x100, $0x38;
	[tilespmem:$0x1DC40] =	vst v63  }
0x2a: {  	_ =	swait.ge [sflag:s0], $0x100  }
0x2b: {  	[sflag:s0] =	ssyncset.done $0x0  }
0x2c: {  	s17 =	rddreg [dreg:$0x8];
	[sflag:s0] =	ssyncadd.s32 $0xFFFFFF00  }
0x2d: {  	[tilespmem:s3], [sflag:$0x5] =	stream.linear.gather [hbm4b:s17+s4], $0x100, $0x38;
	[tilespmem:$0x1DC40] =	vst v63  }
0x2e: {  	_ =	swait.ge [sflag:s0], $0x100  }
0x2f: {  	[sflag:s0] =	ssyncset.done $0x0  }
0x30: {  	[sflag:s0] =	ssyncadd.s32 $0xFFFFFF00  }
0x31: {  	[tilespmem:s9], [sflag:$0x1] =	stream.indirect.gather [hbm4b:s20+s7], $0x20, s3, s7, $0xb8;
	[tilespmem:$0x1DC40] =	vst v63  }
0x32: {  	_ = 	snop  }
0x33: {  	[tilespmem:s11], [sflag:$0x1] =	stream.indirect.gather [hbm4b:s20+s7], $0x20, s10, s7, $0xb8;
	[tilespmem:$0x1DC40] =	vst v63  }
0x34: {  	s5 =	simm.s32 @!p0 $0x0;
	s8 =	simm.s32 @!p0 $0x19840;
	s2 =	rddreg [dreg:$0x14]  }
0x35: {  	[tilespmem:s8], [sflag:$0x5] =	stream.linear.gather @!p0 [hbm4b:s2+s5], $0x100, $0x38;
	[tilespmem:$0x1DC40] =	vst v63  }
0x36: {  	s2 =	simm.s32 @!p0 $0x5  }
0x37: {  	_ =	swait.ge @!p0 [sflag:s2], $0x100  }
0x38: {  	[sflag:s2] =	ssyncset.done @!p0 $0x0  }
0x39: {  	s5 =	simm.s32 @!p0 $0x1DA40;
	[sflag:s2] =	ssyncadd.s32 @!p0 $0xFFFFFF00;
	s2 =	simm.s32 @!p0 $0x80  }
0x3a: {  	[tilespmem:s5], [sflag:$0x3] =	stream.indirect.gather @!p0 [hbm4b:s21+s2], $0x1, s8, s2, $0xb8;
	[tilespmem:$0x1DC40] =	vst v63  }
0x3b: {  	s6 =	simm.s32 @!p0 $0x1DAC0;
	s5 =	simm.s32 @!p0 $0x198C0  }
0x3c: {  	[tilespmem:s6], [sflag:$0x3] =	stream.indirect.gather @!p0 [hbm4b:s21+s2], $0x1, s5, s2, $0xb8;
	[tilespmem:$0x1DC40] =	vst v63  }
0x3d: {  	_ = 	snop  }
0x3e: {  	[tilespmem:s12], [sflag:$0x5] =	stream.linear.gather [hbm4b:s18+s4], $0x100, $0x38;
	[tilespmem:$0x1DC40] =	vst v63  }
0x3f: {  	_ =	swait.ge [sflag:s0], $0x100  }
0x40: {  	[sflag:s0] =	ssyncset.done $0x0  }
0x41: {  	s23 =	rddreg [dreg:$0xa];
	[sflag:s0] =	ssyncadd.s32 $0xFFFFFF00  }
0x42: {  	[tilespmem:s13], [sflag:$0x5] =	stream.linear.gather [hbm4b:s23+s4], $0x100, $0x38;
	[tilespmem:$0x1DC40] =	vst v63  }
0x43: {  	_ =	swait.ge [sflag:s0], $0x100  }
0x44: {  	[sflag:s0] =	ssyncset.done $0x0  }
0x45: {  	[sflag:s0] =	ssyncadd.s32 $0xFFFFFF00  }
0x46: {  	[tilespmem:s14], [sflag:$0x2] =	stream.indirect.gather [hbm4b:s20+s7], $0x20, s13, s7, $0xb8;
	[tilespmem:$0x1DC40] =	vst v63  }
0x47: {  	s8 =	simm.s32 @!p1 $0x19940  }
0x48: {  	[tilespmem:s25], [sflag:$0x2] =	stream.indirect.gather [hbm4b:s20+s7], $0x20, s24, s7, $0xb8;
	[tilespmem:$0x1DC40] =	vst v63  }
0x49: {  	s5 =	simm.s32 @!p1 $0x0;
	s23 =	simm.s32 @!p1 $0x5;
	s2 =	rddreg [dreg:$0x15]  }
0x4a: {  	[tilespmem:s8], [sflag:$0x5] =	stream.linear.gather @!p1 [hbm4b:s2+s5], $0x100, $0x38;
	[tilespmem:$0x1DC40] =	vst v63  }
0x4b: {  	_ =	swait.ge @!p1 [sflag:s23], $0x100  }
0x4c: {  	[sflag:s23] =	ssyncset.done @!p1 $0x0  }
0x4d: {  	s2 =	simm.s32 @!p1 $0x80;
	s5 =	simm.s32 @!p1 $0x1DB40;
	[sflag:s23] =	ssyncadd.s32 @!p1 $0xFFFFFF00  }
0x4e: {  	[tilespmem:s5], [sflag:$0x4] =	stream.indirect.gather @!p1 [hbm4b:s21+s2], $0x1, s8, s2, $0xb8;
	[tilespmem:$0x1DC40] =	vst v63  }
0x4f: {  	s8 =	simm.s32 @!p1 $0x199C0;
	s5 =	simm.s32 @!p1 $0x1DBC0  }
0x50: {  	[tilespmem:s5], [sflag:$0x4] =	stream.indirect.gather @!p1 [hbm4b:s21+s2], $0x1, s8, s2, $0xb8;
	[tilespmem:$0x1DC40] =	vst v63  }
0x51: {  	s5 =	stileid.u32;
	s8 =	rddreg [dreg:$0x16]  }
0x52: {  	s18 =	rddreg [dreg:$0x12];
	s6 =	sshll.u32 s5, $0x6;
	s17 =	sshrl.u32 s8, $0x3  }
0x53: {  	s5 =	sor.u32 $0x1C05, s6;
	[dreg:$0x1b] =	wrdreg s17  }
0x54: {  	[spmem:s17], [sflag:s5] =	dma.local [hbm:s18], $0x3100  }
0x55: {  	_ =	swait.ge [sflag:s0], $0x3100;
	[dreg:$0x1a] =	wrdreg s5  }
0x56: {  	s8 =	rddreg [dreg:$0x17]  }
0x57: {  	[sflag:s0] =	ssyncset.done $0x0;
	s18 =	rddreg [dreg:$0x13];
	s17 =	sshrl.u32 s8, $0x3  }
0x58: {  	[sflag:s0] =	ssyncadd.s32 $0xFFFFCF00;
	[dreg:$0x1c] =	wrdreg s17  }
0x59: {  	[spmem:s17], [sflag:s5] =	dma.local [hbm:s18], $0x188  }
0x5a: {  	_ =	swait.ge [sflag:s0], $0x188  }
0x5b: {  	[sflag:s0] =	ssyncset.done $0x0  }
0x5c: {  	s8 =	simm.s32 $0x0;
	[sflag:s0] =	ssyncadd.s32 $0xFFFFFE78  }
0x5d: {  	s17 =	smov.u32 s21;
	s21 =	smov.u32 s15;
	[bflag:$0x0] =	sbarrier.arrive $0xFFFF  }
.LBB2_2:
0x5e: {  	_ =	swait.ge [sflag:s26], $0x2000  }
0x5f: {  	[sflag:s26] =	ssyncset.done $0x0  }
0x60: {  	[sflag:s26] =	ssyncadd.s32 $0xFFFFE000  }
0x61: {  	[spmem:s1] =	stream.indirect.scatter.add.f32 [tilespmem:s9], [sflag:$0x5], $0x20, s31, s7, $0xb8;
	[tilespmem:$0x1DC40] =	vst v63  }
0x62: {  	_ =	swait.ge [sflag:s0], $0x1000  }
0x63: {  	[sflag:s0] =	ssyncset.done $0x0  }
0x64: {  	[sflag:s0] =	ssyncadd.s32 $0xFFFFF000  }
0x65: {  	[spmem:s1] =	stream.indirect.scatter.add.f32 [tilespmem:s11], [sflag:$0x5], $0x20, s28, s7, $0xb8;
	[tilespmem:$0x1DC40] =	vst v63  }
0x66: {  	_ =	swait.ge [sflag:s0], $0x1000  }
0x67: {  	[sflag:s0] =	ssyncset.done $0x0  }
0x68: {  	s5 =	simm.s32 @!p0 $0x3;
	[sflag:s0] =	ssyncadd.s32 $0xFFFFF000  }
0x69: {  	_ =	swait.ge @!p0 [sflag:s5], $0x100  }
0x6a: {  	[sflag:s5] =	ssyncset.done @!p0 $0x0  }
0x6b: {  	s6 =	simm.s32 @!p0 $0x80;
	[sflag:s5] =	ssyncadd.s32 @!p0 $0xFFFFFF00  }
0x6c: {  	s2 =	simm.s32 @!p0 $0x1DA40;
	s5 =	simm.s32 @!p0 $0x19440;
	s18 =	rddreg [dreg:$0x4]  }
0x6d: {  	[spmem:s18] =	stream.indirect.scatter.add.f32 @!p0 [tilespmem:s2], [sflag:$0x5], $0x1, s5, s6, $0xb8;
	[tilespmem:$0x1DC40] =	vst v63  }
0x6e: {  	s2 =	simm.s32 @!p0 $0x5  }
0x6f: {  	_ =	swait.ge @!p0 [sflag:s2], $0x80  }
0x70: {  	[sflag:s2] =	ssyncset.done @!p0 $0x0  }
0x71: {  	s15 =	simm.s32 @!p0 $0x1DAC0;
	s5 =	simm.s32 @!p0 $0x194C0;
	[sflag:s2] =	ssyncadd.s32 @!p0 $0xFFFFFF80  }
0x72: {  	[spmem:s18] =	stream.indirect.scatter.add.f32 @!p0 [tilespmem:s15], [sflag:$0x5], $0x1, s5, s6, $0xb8;
	[tilespmem:$0x1DC40] =	vst v63  }
0x73: {  	p2 =	seq.s32 s8, $0x30C0;
	_ =	swait.ge @!p0 [sflag:s2], $0x80  }
0x74: {  	s5 =	sadd.s32 @!p2 s8, s16;
	s15 =	simm.s32 @!p2 $0x19440;
	[sflag:s2] =	ssyncset.done @!p0 $0x0  }
0x75: {  	s5 =	sadd.s32 @!p2 $0x40, s5;
	[sflag:s2] =	ssyncadd.s32 @!p0 $0xFFFFFF80;
	s2 =	simm.s32 @!p2 $0x0  }
0x76: {  	[tilespmem:s15], [sflag:$0x5] =	stream.linear.gather @!p2 [hbm4b:s5+s2], $0x100, $0x38;
	[tilespmem:$0x1DC40] =	vst v63  }
0x77: {  	s5 =	simm.s32 @!p2 $0x5  }
0x78: {  	_ =	swait.ge @!p2 [sflag:s5], $0x100  }
0x79: {  	[sflag:s5] =	ssyncset.done @!p2 $0x0;
	s6 =	rddreg [dreg:$0x11]  }
0x7a: {  	[sflag:s5] =	ssyncadd.s32 @!p2 $0xFFFFFF00;
	s15 =	sadd.s32 @!p2 s8, s6;
	s6 =	simm.s32 @!p2 $0x19640  }
0x7b: {  	[tilespmem:s6], [sflag:$0x5] =	stream.linear.gather @!p2 [hbm4b:s15+s2], $0x100, $0x38;
	[tilespmem:$0x1DC40] =	vst v63  }
0x7c: {  	_ =	swait.ge @!p2 [sflag:s5], $0x100  }
0x7d: {  	[sflag:s5] =	ssyncset.done @!p2 $0x0  }
0x7e: {  	s2 =	simm.s32 @!p2 $0x80;
	[sflag:s5] =	ssyncadd.s32 @!p2 $0xFFFFFF00;
	s5 =	simm.s32 @!p2 $0x19A40  }
0x7f: {  	[tilespmem:s5], [sflag:$0x1] =	stream.indirect.gather @!p2 [hbm4b:s20+s2], $0x20, s6, s2, $0xb8;
	[tilespmem:$0x1DC40] =	vst v63  }
0x80: {  	s5 =	rddreg [dreg:$0x6]  }
0x81: {  	s6 =	simm.s32 @!p2 $0x1AA40;
	p3 =	sne.s32 @!p2 s5, $0x0;
	s5 =	simm.s32 @!p2 $0x196C0  }
0x82: {  	[tilespmem:s6], [sflag:$0x1] =	stream.indirect.gather @!p2 [hbm4b:s20+s2], $0x20, s5, s2, $0xb8;
	[tilespmem:$0x1DC40] =	vst v63  }
0x83: {  	p3 =	por p3, p2  }
0x84: {  	s2 =	sadd.s32 @!p3 s8, s21  }
0x85: {  	s5 =	simm.s32 @!p3 $0x0;
	s6 =	simm.s32 @!p3 $0x19840;
	s2 =	sadd.s32 @!p3 $0xC4040, s2  }
0x86: {  	[tilespmem:s6], [sflag:$0x5] =	stream.linear.gather @!p3 [hbm4b:s2+s5], $0x100, $0x38;
	[tilespmem:$0x1DC40] =	vst v63  }
0x87: {  	s2 =	simm.s32 @!p3 $0x5  }
0x88: {  	_ =	swait.ge @!p3 [sflag:s2], $0x100  }
0x89: {  	[sflag:s2] =	ssyncset.done @!p3 $0x0  }
0x8a: {  	s5 =	simm.s32 @!p3 $0x1DA40;
	[sflag:s2] =	ssyncadd.s32 @!p3 $0xFFFFFF00;
	s2 =	simm.s32 @!p3 $0x80  }
0x8b: {  	[tilespmem:s5], [sflag:$0x3] =	stream.indirect.gather @!p3 [hbm4b:s17+s2], $0x1, s6, s2, $0xb8;
	[tilespmem:$0x1DC40] =	vst v63  }
0x8c: {  	s5 =	simm.s32 @!p3 $0x198C0;
	s6 =	simm.s32 @!p3 $0x1DAC0  }
0x8d: {  	[tilespmem:s6], [sflag:$0x3] =	stream.indirect.gather @!p3 [hbm4b:s17+s2], $0x1, s5, s2, $0xb8;
	[tilespmem:$0x1DC40] =	vst v63  }
0x8e: {  	_ =	swait.ge [sflag:s29], $0x2000  }
0x8f: {  	[sflag:s29] =	ssyncset.done $0x0  }
0x90: {  	[sflag:s29] =	ssyncadd.s32 $0xFFFFE000  }
0x91: {  	[spmem:s1] =	stream.indirect.scatter.add.f32 [tilespmem:s14], [sflag:$0x5], $0x20, s12, s7, $0xb8;
	[tilespmem:$0x1DC40] =	vst v63  }
0x92: {  	_ =	swait.ge [sflag:s0], $0x1000  }
0x93: {  	[sflag:s0] =	ssyncset.done $0x0  }
0x94: {  	[sflag:s0] =	ssyncadd.s32 $0xFFFFF000  }
0x95: {  	[spmem:s1] =	stream.indirect.scatter.add.f32 [tilespmem:s25], [sflag:$0x5], $0x20, s30, s7, $0xb8;
	[tilespmem:$0x1DC40] =	vst v63  }
0x96: {  	_ =	swait.ge [sflag:s0], $0x1000  }
0x97: {  	[sflag:s0] =	ssyncset.done $0x0  }
0x98: {  	s2 =	simm.s32 @!p1 $0x4;
	[sflag:s0] =	ssyncadd.s32 $0xFFFFF000  }
0x99: {  	_ =	swait.ge @!p1 [sflag:s2], $0x100  }
0x9a: {  	s5 =	simm.s32 @!p1 $0x80;
	[sflag:s2] =	ssyncset.done @!p1 $0x0  }
0x9b: {  	s6 =	simm.s32 @!p1 $0x1DB40;
	[sflag:s2] =	ssyncadd.s32 @!p1 $0xFFFFFF00;
	s2 =	simm.s32 @!p1 $0x19540  }
0x9c: {  	[spmem:s18] =	stream.indirect.scatter.add.f32 @!p1 [tilespmem:s6], [sflag:$0x5], $0x1, s2, s5, $0xb8;
	[tilespmem:$0x1DC40] =	vst v63  }
0x9d: {  	_ =	swait.ge @!p1 [sflag:s23], $0x80  }
0x9e: {  	s2 =	simm.s32 @!p1 $0x195C0;
	[sflag:s23] =	ssyncset.done @!p1 $0x0  }
.Ltmp0:
0x9f: {  	s6 =	simm.s32 @!p1 $0x1DBC0;
	[sflag:s23] =	ssyncadd.s32 @!p1 $0xFFFFFF80;
	(pc) =	sbr.rel @p2 .LBB2_4-.Ltmp0, $4  }
0xa0: {  	[spmem:s18] =	stream.indirect.scatter.add.f32 @!p1 [tilespmem:s6], [sflag:$0x5], $0x1, s2, s5, $0xb8;
	[tilespmem:$0x1DC40] =	vst v63  }
0xa1: {  	_ =	swait.ge @!p1 [sflag:s23], $0x80  }
0xa2: {  	[sflag:s23] =	ssyncset.done @!p1 $0x0  }
0xa3: {  	s15 =	smov.u32 s21;
	[sflag:s23] =	ssyncadd.s32 @!p1 $0xFFFFFF80  }
0xa4: {  	s2 =	sadd.s32 s8, s16  }
0xa5: {  	s2 =	sadd.s32 $0x60, s2  }
0xa6: {  	[tilespmem:s12], [sflag:$0x5] =	stream.linear.gather [hbm4b:s2+s4], $0x100, $0x38;
	[tilespmem:$0x1DC40] =	vst v63  }
0xa7: {  	_ =	swait.ge [sflag:s0], $0x100  }
0xa8: {  	[sflag:s0] =	ssyncset.done $0x0;
	s21 =	rddreg [dreg:$0x10]  }
0xa9: {  	[sflag:s0] =	ssyncadd.s32 $0xFFFFFF00;
	s2 =	sadd.s32 s8, s21  }
0xaa: {  	[tilespmem:s13], [sflag:$0x5] =	stream.linear.gather [hbm4b:s2+s4], $0x100, $0x38;
	[tilespmem:$0x1DC40] =	vst v63  }
0xab: {  	_ =	swait.ge [sflag:s0], $0x100  }
0xac: {  	[sflag:s0] =	ssyncset.done $0x0  }
0xad: {  	[sflag:s0] =	ssyncadd.s32 $0xFFFFFF00  }
0xae: {  	[tilespmem:s14], [sflag:$0x2] =	stream.indirect.gather [hbm4b:s20+s7], $0x20, s13, s7, $0xb8;
	[tilespmem:$0x1DC40] =	vst v63  }
0xaf: {  	s2 =	sadd.s32 @!p1 s8, s15  }
0xb0: {  	[tilespmem:s25], [sflag:$0x2] =	stream.indirect.gather [hbm4b:s20+s7], $0x20, s24, s7, $0xb8;
	[tilespmem:$0x1DC40] =	vst v63  }
0xb1: {  	s5 =	simm.s32 @!p1 $0x0;
	s6 =	simm.s32 @!p1 $0x19940;
	s2 =	sadd.s32 @!p1 $0xC4060, s2  }
0xb2: {  	[tilespmem:s6], [sflag:$0x5] =	stream.linear.gather @!p1 [hbm4b:s2+s5], $0x100, $0x38;
	[tilespmem:$0x1DC40] =	vst v63  }
0xb3: {  	s2 =	simm.s32 @!p1 $0x5  }
0xb4: {  	_ =	swait.ge @!p1 [sflag:s2], $0x100  }
.Ltmp1:
0xb5: {  	s21 =	smov.u32 s15;
	[sflag:s2] =	ssyncset.done @!p1 $0x0;
	(pc) =	sbr.rel .LBB2_2-.Ltmp1, $4  }
0xb6: {  	s5 =	simm.s32 @!p1 $0x1DB40;
	[sflag:s2] =	ssyncadd.s32 @!p1 $0xFFFFFF00;
	s2 =	simm.s32 @!p1 $0x80  }
0xb7: {  	[tilespmem:s5], [sflag:$0x4] =	stream.indirect.gather @!p1 [hbm4b:s17+s2], $0x1, s6, s2, $0xb8;
	[tilespmem:$0x1DC40] =	vst v63  }
0xb8: {  	s8 =	sadd.s32 $0x40, s8;
	s5 =	simm.s32 @!p1 $0x199C0;
	s6 =	simm.s32 @!p1 $0x1DBC0  }
0xb9: {  	[tilespmem:s6], [sflag:$0x4] =	stream.indirect.gather @!p1 [hbm4b:s17+s2], $0x1, s5, s2, $0xb8;
	[tilespmem:$0x1DC40] =	vst v63  }
.LBB2_4:
0xba: {  	[bflag:$0x0] =	sbarrier.arrive $0xFFFF  }
0xbb: {  	s2 =	rddreg [dreg:$0xb]  }
0xbc: {  	s21 =	rddreg [dreg:$0x1a]  }
0xbd: {  	s23 =	rddreg [dreg:$0x1b]  }
0xbe: {  	[hbm:s2], [sflag:s21] =	dma.local [spmem:s23], $0x3100  }
0xbf: {  	_ =	swait.ge [sflag:s0], $0x3100  }
0xc0: {  	[sflag:s0] =	ssyncset.done $0x0;
	s8 =	rddreg [dreg:$0xc]  }
0xc1: {  	s5 =	rddreg [dreg:$0x1c];
	[sflag:s0] =	ssyncadd.s32 $0xFFFFCF00  }
0xc2: {  	[hbm:s8], [sflag:s21] =	dma.local [spmem:s5], $0x188  }
0xc3: {  	_ =	swait.ge [sflag:s0], $0x188  }
0xc4: {  	[sflag:s0] =	ssyncset.done $0x0  }
0xc5: {  	[sflag:s0] =	ssyncadd.s32 $0xFFFFFE78  }
0xc6: {  	[bflag:$0x0] =	sbarrier.arrive $0xFFFF  }
0xc7: {  	s2 =	simm.s32 $0x0;
	s18 =	rddreg [dreg:$0x7]  }
0xc8: {  	[tilespmem:s31], [sflag:$0x5] =	stream.linear.gather [hbm4b:s18+s2], $0x100, $0x38;
	[tilespmem:$0x1DC40] =	vst v63  }
0xc9: {  	_ =	swait.ge [sflag:s0], $0x100  }
0xca: {  	[sflag:s0] =	ssyncset.done $0x0  }
0xcb: {  	s6 =	rddreg [dreg:$0xd];
	[sflag:s0] =	ssyncadd.s32 $0xFFFFFF00  }
0xcc: {  	[tilespmem:s3], [sflag:$0x5] =	stream.linear.gather [hbm4b:s6+s2], $0x100, $0x38;
	[tilespmem:$0x1DC40] =	vst v63  }
0xcd: {  	_ =	swait.ge [sflag:s0], $0x100  }
0xce: {  	[sflag:s0] =	ssyncset.done $0x0  }
0xcf: {  	[sflag:s0] =	ssyncadd.s32 $0xFFFFFF00  }
0xd0: {  	[tilespmem:s9], [sflag:$0x1] =	stream.indirect.gather [hbm4b:s20+s7], $0x20, s3, s7, $0xb8;
	[tilespmem:$0x1DC40] =	vst v63  }
0xd1: {  	_ = 	snop  }
0xd2: {  	[tilespmem:s11], [sflag:$0x1] =	stream.indirect.gather [hbm4b:s20+s7], $0x20, s10, s7, $0xb8;
	[tilespmem:$0x1DC40] =	vst v63  }
0xd3: {  	s18 =	rddreg [dreg:$0x9]  }
0xd4: {  	[tilespmem:s12], [sflag:$0x5] =	stream.linear.gather [hbm4b:s18+s2], $0x100, $0x38;
	[tilespmem:$0x1DC40] =	vst v63  }
0xd5: {  	_ =	swait.ge [sflag:s0], $0x100  }
0xd6: {  	[sflag:s0] =	ssyncset.done $0x0  }
0xd7: {  	s8 =	rddreg [dreg:$0xe];
	[sflag:s0] =	ssyncadd.s32 $0xFFFFFF00  }
0xd8: {  	[tilespmem:s13], [sflag:$0x5] =	stream.linear.gather [hbm4b:s8+s2], $0x100, $0x38;
	[tilespmem:$0x1DC40] =	vst v63  }
0xd9: {  	_ =	swait.ge [sflag:s0], $0x100  }
0xda: {  	[sflag:s0] =	ssyncset.done $0x0  }
0xdb: {  	[sflag:s0] =	ssyncadd.s32 $0xFFFFFF00  }
0xdc: {  	[tilespmem:s14], [sflag:$0x2] =	stream.indirect.gather [hbm4b:s20+s7], $0x20, s13, s7, $0xb8;
	[tilespmem:$0x1DC40] =	vst v63  }
0xdd: {  	s6 =	rddreg [dreg:$0x12]  }
0xde: {  	[tilespmem:s25], [sflag:$0x2] =	stream.indirect.gather [hbm4b:s20+s7], $0x20, s24, s7, $0xb8;
	[tilespmem:$0x1DC40] =	vst v63  }
0xdf: {  	[spmem:s23], [sflag:s21] =	dma.local [hbm:s6], $0x3100  }
0xe0: {  	_ =	swait.ge [sflag:s0], $0x3100  }
0xe1: {  	[sflag:s0] =	ssyncset.done $0x0  }
0xe2: {  	[sflag:s0] =	ssyncadd.s32 $0xFFFFCF00  }
0xe3: {  	[bflag:$0x0] =	sbarrier.arrive $0xFFFF  }
0xe4: {  	_ =	swait.ge [sflag:s26], $0x2000  }
0xe5: {  	[sflag:s26] =	ssyncset.done $0x0  }
0xe6: {  	[sflag:s26] =	ssyncadd.s32 $0xFFFFE000  }
0xe7: {  	[spmem:s1] =	stream.indirect.scatter.add.f32 [tilespmem:s9], [sflag:$0x5], $0x20, s31, s7, $0xb8;
	[tilespmem:$0x1DC40] =	vst v63  }
0xe8: {  	_ =	swait.ge [sflag:s0], $0x1000  }
0xe9: {  	[sflag:s0] =	ssyncset.done $0x0  }
0xea: {  	[sflag:s0] =	ssyncadd.s32 $0xFFFFF000  }
0xeb: {  	[spmem:s1] =	stream.indirect.scatter.add.f32 [tilespmem:s11], [sflag:$0x5], $0x20, s28, s7, $0xb8;
	[tilespmem:$0x1DC40] =	vst v63  }
0xec: {  	_ =	swait.ge [sflag:s0], $0x1000  }
0xed: {  	s2 =	sadd.s32 $0x0, s16;
	[sflag:s0] =	ssyncset.done $0x0  }
0xee: {  	s8 =	sadd.s32 $0x40, s2;
	[sflag:s0] =	ssyncadd.s32 $0xFFFFF000  }
0xef: {  	[tilespmem:s31], [sflag:$0x5] =	stream.linear.gather [hbm4b:s8+s4], $0x100, $0x38;
	[tilespmem:$0x1DC40] =	vst v63  }
0xf0: {  	_ =	swait.ge [sflag:s0], $0x100  }
0xf1: {  	[sflag:s0] =	ssyncset.done $0x0  }
0xf2: {  	s6 =	sadd.s32 $0x0, s22;
	[sflag:s0] =	ssyncadd.s32 $0xFFFFFF00  }
0xf3: {  	[tilespmem:s3], [sflag:$0x5] =	stream.linear.gather [hbm4b:s6+s4], $0x100, $0x38;
	[tilespmem:$0x1DC40] =	vst v63  }
0xf4: {  	_ =	swait.ge [sflag:s0], $0x100  }
0xf5: {  	[sflag:s0] =	ssyncset.done $0x0  }
0xf6: {  	[sflag:s0] =	ssyncadd.s32 $0xFFFFFF00  }
0xf7: {  	[tilespmem:s9], [sflag:$0x1] =	stream.indirect.gather [hbm4b:s20+s7], $0x20, s3, s7, $0xb8;
	[tilespmem:$0x1DC40] =	vst v63  }
0xf8: {  	_ = 	snop  }
0xf9: {  	[tilespmem:s11], [sflag:$0x1] =	stream.indirect.gather [hbm4b:s20+s7], $0x20, s10, s7, $0xb8;
	[tilespmem:$0x1DC40] =	vst v63  }
0xfa: {  	_ =	swait.ge [sflag:s29], $0x2000  }
0xfb: {  	[sflag:s29] =	ssyncset.done $0x0  }
0xfc: {  	[sflag:s29] =	ssyncadd.s32 $0xFFFFE000  }
0xfd: {  	[spmem:s1] =	stream.indirect.scatter.add.f32 [tilespmem:s14], [sflag:$0x5], $0x20, s12, s7, $0xb8;
	[tilespmem:$0x1DC40] =	vst v63  }
0xfe: {  	_ =	swait.ge [sflag:s0], $0x1000  }
0xff: {  	[sflag:s0] =	ssyncset.done $0x0  }
0x100: {  	[sflag:s0] =	ssyncadd.s32 $0xFFFFF000  }
0x101: {  	[spmem:s1] =	stream.indirect.scatter.add.f32 [tilespmem:s25], [sflag:$0x5], $0x20, s30, s7, $0xb8;
	[tilespmem:$0x1DC40] =	vst v63  }
0x102: {  	_ =	swait.ge [sflag:s0], $0x1000  }
0x103: {  	[sflag:s0] =	ssyncset.done $0x0  }
0x104: {  	s2 =	sadd.s32 $0x60, s2;
	[sflag:s0] =	ssyncadd.s32 $0xFFFFF000  }
0x105: {  	[tilespmem:s12], [sflag:$0x5] =	stream.linear.gather [hbm4b:s2+s4], $0x100, $0x38;
	[tilespmem:$0x1DC40] =	vst v63  }
0x106: {  	_ =	swait.ge [sflag:s0], $0x100  }
0x107: {  	[sflag:s0] =	ssyncset.done $0x0  }
0x108: {  	s8 =	sadd.s32 $0x0, s19;
	[sflag:s0] =	ssyncadd.s32 $0xFFFFFF00  }
0x109: {  	[tilespmem:s13], [sflag:$0x5] =	stream.linear.gather [hbm4b:s8+s4], $0x100, $0x38;
	[tilespmem:$0x1DC40] =	vst v63  }
0x10a: {  	_ =	swait.ge [sflag:s0], $0x100  }
0x10b: {  	[sflag:s0] =	ssyncset.done $0x0  }
0x10c: {  	s5 =	simm.s32 $0x40;
	[sflag:s0] =	ssyncadd.s32 $0xFFFFFF00  }
0x10d: {  	[tilespmem:s14], [sflag:$0x2] =	stream.indirect.gather [hbm4b:s20+s7], $0x20, s13, s7, $0xb8;
	[tilespmem:$0x1DC40] =	vst v63  }
.LBB2_5:
0x10e: {  	[tilespmem:s25], [sflag:$0x2] =	stream.indirect.gather [hbm4b:s20+s7], $0x20, s24, s7, $0xb8;
	[tilespmem:$0x1DC40] =	vst v63  }
0x10f: {  	s6 =	smov.u32 s5  }
0x110: {  	p2 =	sne.s32 s5, $0x3080;
	s5 =	sadd.s32 $0x40, s5;
	_ =	swait.ge [sflag:s26], $0x2000  }
0x111: {  	[sflag:s26] =	ssyncset.done $0x0  }
0x112: {  	[sflag:s26] =	ssyncadd.s32 $0xFFFFE000  }
0x113: {  	[spmem:s1] =	stream.indirect.scatter.add.f32 [tilespmem:s9], [sflag:$0x5], $0x20, s31, s7, $0xb8;
	[tilespmem:$0x1DC40] =	vst v63  }
0x114: {  	_ =	swait.ge [sflag:s0], $0x1000  }
0x115: {  	[sflag:s0] =	ssyncset.done $0x0  }
0x116: {  	[sflag:s0] =	ssyncadd.s32 $0xFFFFF000  }
0x117: {  	[spmem:s1] =	stream.indirect.scatter.add.f32 [tilespmem:s11], [sflag:$0x5], $0x20, s28, s7, $0xb8;
	[tilespmem:$0x1DC40] =	vst v63  }
0x118: {  	_ =	swait.ge [sflag:s0], $0x1000  }
0x119: {  	s2 =	sadd.s32 s6, s16;
	[sflag:s0] =	ssyncset.done $0x0  }
0x11a: {  	s8 =	sadd.s32 $0x40, s2;
	[sflag:s0] =	ssyncadd.s32 $0xFFFFF000  }
0x11b: {  	[tilespmem:s31], [sflag:$0x5] =	stream.linear.gather [hbm4b:s8+s4], $0x100, $0x38;
	[tilespmem:$0x1DC40] =	vst v63  }
0x11c: {  	_ =	swait.ge [sflag:s0], $0x100  }
0x11d: {  	[sflag:s0] =	ssyncset.done $0x0  }
0x11e: {  	s8 =	sadd.s32 s6, s22;
	[sflag:s0] =	ssyncadd.s32 $0xFFFFFF00  }
0x11f: {  	[tilespmem:s3], [sflag:$0x5] =	stream.linear.gather [hbm4b:s8+s4], $0x100, $0x38;
	[tilespmem:$0x1DC40] =	vst v63  }
0x120: {  	_ =	swait.ge [sflag:s0], $0x100  }
0x121: {  	[sflag:s0] =	ssyncset.done $0x0  }
0x122: {  	[sflag:s0] =	ssyncadd.s32 $0xFFFFFF00  }
0x123: {  	[tilespmem:s9], [sflag:$0x1] =	stream.indirect.gather [hbm4b:s20+s7], $0x20, s3, s7, $0xb8;
	[tilespmem:$0x1DC40] =	vst v63  }
0x124: {  	_ = 	snop  }
0x125: {  	[tilespmem:s11], [sflag:$0x1] =	stream.indirect.gather [hbm4b:s20+s7], $0x20, s10, s7, $0xb8;
	[tilespmem:$0x1DC40] =	vst v63  }
0x126: {  	_ =	swait.ge [sflag:s29], $0x2000  }
0x127: {  	[sflag:s29] =	ssyncset.done $0x0  }
0x128: {  	[sflag:s29] =	ssyncadd.s32 $0xFFFFE000  }
0x129: {  	[spmem:s1] =	stream.indirect.scatter.add.f32 [tilespmem:s14], [sflag:$0x5], $0x20, s12, s7, $0xb8;
	[tilespmem:$0x1DC40] =	vst v63  }
0x12a: {  	_ =	swait.ge [sflag:s0], $0x1000  }
0x12b: {  	[sflag:s0] =	ssyncset.done $0x0  }
0x12c: {  	[sflag:s0] =	ssyncadd.s32 $0xFFFFF000  }
0x12d: {  	[spmem:s1] =	stream.indirect.scatter.add.f32 [tilespmem:s25], [sflag:$0x5], $0x20, s30, s7, $0xb8;
	[tilespmem:$0x1DC40] =	vst v63  }
0x12e: {  	_ =	swait.ge [sflag:s0], $0x1000  }
0x12f: {  	[sflag:s0] =	ssyncset.done $0x0  }
0x130: {  	s2 =	sadd.s32 $0x60, s2;
	[sflag:s0] =	ssyncadd.s32 $0xFFFFF000  }
0x131: {  	[tilespmem:s12], [sflag:$0x5] =	stream.linear.gather [hbm4b:s2+s4], $0x100, $0x38;
	[tilespmem:$0x1DC40] =	vst v63  }
0x132: {  	_ =	swait.ge [sflag:s0], $0x100  }
0x133: {  	[sflag:s0] =	ssyncset.done $0x0  }
0x134: {  	s2 =	sadd.s32 s6, s19;
	[sflag:s0] =	ssyncadd.s32 $0xFFFFFF00  }
0x135: {  	[tilespmem:s13], [sflag:$0x5] =	stream.linear.gather [hbm4b:s2+s4], $0x100, $0x38;
	[tilespmem:$0x1DC40] =	vst v63  }
.Ltmp2:
0x136: {  	_ = 	snop;
	(pc) =	sbr.rel @p2 .LBB2_5-.Ltmp2, $4  }
0x137: {  	_ =	swait.ge [sflag:s0], $0x100  }
0x138: {  	[sflag:s0] =	ssyncset.done $0x0  }
0x139: {  	[sflag:s0] =	ssyncadd.s32 $0xFFFFFF00  }
0x13a: {  	[tilespmem:s14], [sflag:$0x2] =	stream.indirect.gather [hbm4b:s20+s7], $0x20, s13, s7, $0xb8;
	[tilespmem:$0x1DC40] =	vst v63  }
0x13b: {  	[tilespmem:s25], [sflag:$0x2] =	stream.indirect.gather [hbm4b:s20+s7], $0x20, s24, s7, $0xb8;
	[tilespmem:$0x1DC40] =	vst v63  }
0x13c: {  	_ =	swait.ge [sflag:s26], $0x2000  }
0x13d: {  	[sflag:s26] =	ssyncset.done $0x0  }
0x13e: {  	[sflag:s26] =	ssyncadd.s32 $0xFFFFE000  }
0x13f: {  	[spmem:s1] =	stream.indirect.scatter.add.f32 [tilespmem:s9], [sflag:$0x5], $0x20, s31, s7, $0xb8;
	[tilespmem:$0x1DC40] =	vst v63  }
0x140: {  	_ =	swait.ge [sflag:s0], $0x1000  }
0x141: {  	[sflag:s0] =	ssyncset.done $0x0  }
0x142: {  	[sflag:s0] =	ssyncadd.s32 $0xFFFFF000  }
0x143: {  	[spmem:s1] =	stream.indirect.scatter.add.f32 [tilespmem:s11], [sflag:$0x5], $0x20, s28, s7, $0xb8;
	[tilespmem:$0x1DC40] =	vst v63  }
0x144: {  	_ =	swait.ge [sflag:s0], $0x1000  }
0x145: {  	[sflag:s0] =	ssyncset.done $0x0  }
0x146: {  	[sflag:s0] =	ssyncadd.s32 $0xFFFFF000  }
0x147: {  	_ =	swait.ge [sflag:s29], $0x2000  }
0x148: {  	[sflag:s29] =	ssyncset.done $0x0  }
0x149: {  	[sflag:s29] =	ssyncadd.s32 $0xFFFFE000  }
0x14a: {  	[spmem:s1] =	stream.indirect.scatter.add.f32 [tilespmem:s14], [sflag:$0x5], $0x20, s12, s7, $0xb8;
	[tilespmem:$0x1DC40] =	vst v63  }
0x14b: {  	_ =	swait.ge [sflag:s0], $0x1000  }
0x14c: {  	[sflag:s0] =	ssyncset.done $0x0  }
0x14d: {  	[sflag:s0] =	ssyncadd.s32 $0xFFFFF000  }
0x14e: {  	[spmem:s1] =	stream.indirect.scatter.add.f32 [tilespmem:s25], [sflag:$0x5], $0x20, s30, s7, $0xb8;
	[tilespmem:$0x1DC40] =	vst v63  }
0x14f: {  	_ =	swait.ge [sflag:s0], $0x1000  }
0x150: {  	[sflag:s0] =	ssyncset.done $0x0  }
0x151: {  	[sflag:s0] =	ssyncadd.s32 $0xFFFFF000  }
0x152: {  	[bflag:$0x0] =	sbarrier.arrive $0xFFFF  }
0x153: {  	s2 =	rddreg [dreg:$0xf]  }
0x154: {  	[hbm:s2], [sflag:s21] =	dma.local [spmem:s23], $0x3100  }
0x155: {  	_ =	swait.ge [sflag:s0], $0x3100  }
0x156: {  	s5 =	rddreg [dreg:$0x19]  }
0x157: {  	s23 =	rddreg [dreg:$0x18];
	s5 =	sadd.s32 $0x1, s5  }
0x158: {  	p2 =	sne.s32 s5, s23  }
.Ltmp3:
0x159: {  	_ = 	snop;
	(pc) =	sbr.rel @p2 .LBB2_1-.Ltmp3, $4  }
0x15a: {  	[sflag:s0] =	ssyncset.done $0x0  }
0x15b: {  	[sflag:s0] =	ssyncadd.s32 $0xFFFFCF00  }
0x15c: {  	[bflag:$0x0] =	sbarrier.arrive $0xFFFF  }
0x15d: {  	s21 =	smov.u32 s17  }
0x15e: {  	_ =	sfence.sel $0x180000  }
0x15f: {  	[bflag:$0x0] =	sbarrier.arrive $0xFFFF  }
0x160: {  	_ =	strace $0x9000004A  }
0x161: {  	s0 =	stileid.u32;
	[bflag:$0x2] =	sbarrier.arrive $0xFFFF  }
0x162: {  	p0 =	sne.s32 s0, $0x0;
	s0 =	rddreg [dreg:$0x5]  }
0x163: {  	s0 =	sadd.s32 @!p0 $0x100000, s0  }
0x164: {  	[sflag:s0] =	ssyncadd.tile.s32 @!p0 $0x1;
	_ =	shalt  }
.Lfunc_end2:
_tile_overlayer_lowered:
.L_overlay_start_2:
0x165: {  	(tag) =	ssettag $0x2  }
0x166: {  	s0 =	rddreg [dreg:$0x0];
	s2 =	stileid.u32  }
0x167: {  	s1 =	rddreg [dreg:$0x1];
	p0 =	sne.s32 s2, $0x0  }
0x168: {  	s3 =	rddreg [dreg:$0x2];
	[bflag:$0x3] =	sbarrier.arrive $0xFFFF;
	s2 =	simm.s32 @!p0 $0x1C05  }
0x169: {  	[timem:s3], [sflag:s2] =	dma.local @!p0 [hbm:s0], s1  }
0x16a: {  	s0 =	simm.s32 @!p0 $0x5  }
0x16b: {  	_ =	swait.ge @!p0 [sflag:s0], s1  }
0x16c: {  	s1 =	ssub.s32 @!p0 $0x0, s1;
	[sflag:s0] =	ssyncset.done @!p0 $0x0  }
0x16d: {  	[sflag:s0] =	ssyncadd.s32 @!p0 s1  }
0x16e: {  	[bflag:$0x3] =	sbarrier.arrive $0xFFFF  }
0x16f: {  	_ =	shalt  }

// kernel: kernel.8.cloned.1.call-start
scs
__scs_entry_jumppad:
0x0: {  	(pc) =	sbr.rel $0x88, $3  }
0x1: {  	(tag) =	ssettag $0x0;
	lr =	simm.s32 $0x1  }
0x2: {  	[smem:$0x3F98] =	sst lr;
	_ =	strace $0xD0000000  }
0x3: {  	_ = 	snop  }
0x4: {  	_ = 	snop  }
0x5: {  	_ = 	snop  }
0x6: {  	_ = 	snop  }
0x7: {  	_ = 	snop  }
__scs_overlays_trampoline_lowered:
0x8: {  	[smem:$0x3FA7] =	sst s0  }
0x9: {  	[smem:$0x3FA8] =	sst s1  }
0xa: {  	[smem:$0x3FA9] =	sst s2  }
0xb: {  	[smem:$0x3FAA] =	sst s3  }
0xc: {  	[smem:$0x3FAB] =	sst s4  }
0xd: {  	[smem:$0x3FAC] =	sst s5  }
0xe: {  	[smem:$0x3FAD] =	sst s6  }
0xf: {  	[smem:$0x3FAE] =	sst s7  }
0x10: {  	[smem:$0x3FAF] =	sst s8  }
0x11: {  	[smem:$0x3FB0] =	sst s9;
	s0 =	simm.s32 @!p0 $0x0  }
0x12: {  	s1 =	sld [smem:$0x3F96];
	s0 =	simm.s32 @p0 $0x1  }
0x13: {  	[smem:$0x3FB1] =	sst s0;
	s0 =	simm.s32 @!p1 $0x0  }
0x14: {  	s2 =	sld [smem:$0x3F95];
	s0 =	simm.s32 @p1 $0x1  }
0x15: {  	[smem:$0x3FB2] =	sst s0;
	s0 =	simm.s32 @!p2 $0x0  }
0x16: {  	s3 =	sld [smem:$0x3FDB];
	s0 =	simm.s32 @p2 $0x1  }
0x17: {  	s4 =	simm.s32 $0x1BF5;
	[smem:$0x3FB4] =	sst s0  }
0x18: {  	s0 =	sld [smem:$0x3F97];
	_ =	swait.ge [sflag:s4], $0x0  }
0x19: {  	s7 =	sld [smem:$0x3F98]  }
0x1a: {  	s8 =	sadd.s32 $0xFFFFE003, lr  }
0x1b: {  	s9 =	sadd.s32 $0xFFFFFEF7, lr;
	s5 =	simm.s32 $0xFFFFFFFF;
	p2 =	slt.u32 s8, $0xFFFFF086  }
0x1c: {  	p1 =	slt.u32 s9, $0xF7A;
	s5 =	simm.s32 @!p2 $0x0  }
0x1d: {  	s5 =	simm.s32 @p1 $0x1;
	p0 =	seq.s32 s7, s2  }
0x1e: {  	s7 =	smul.u32 @!p0 $0xF7A, s2;
	p2 =	seq.s32 @!p0 s5, $0x0  }
0x1f: {  	s9 =	smul.u32 $0xF7A, s1;
	s8 =	simm.s32 @!p0 $0x1BF5;
	p2 =	por !p2, p0  }
0x20: {  	[sflag:s8] =	ssyncset.s32 @!p0 $0xFFFFF086;
	s6 =	sadd.s32 @!p0 s3, s7;
	s7 =	simm.s32 @!p0 $0x108  }
0x21: {  	s3 =	sadd.s32 s3, s9;
	s6 =	sadd.s32 @!p0 $0x88, s6;
	s7 =	simm.s32 @p2 $0x1082  }
0x22: {  	[simem:s7], [sflag:s8] =	dma.local @!p0 [hbm:s6], $0xF7A  }
0x23: {  	s9 =	sor.u32 $0xD0000000, s2;
	s6 =	simm.s32 $0x108;
	_ =	swait.ge @!p0 [sflag:s8], $0x0  }
0x24: {  	s3 =	sadd.s32 $0x88, s3;
	s6 =	simm.s32 @!p1 $0x1082;
	[sflag:s4] =	ssyncset.s32 $0xFFFFF086  }
0x25: {  	[simem:s6], [sflag:s4] =	dma.local [hbm:s3], $0xF7A  }
0x26: {  	[smem:$0x3F98] =	sst s1;
	(tag) =	ssettag s2;
	_ =	strace s9  }
0x27: {  	s1 =	sld [smem:$0x3FA8]  }
0x28: {  	s2 =	sld [smem:$0x3FA9]  }
0x29: {  	s4 =	sld [smem:$0x3FAB]  }
0x2a: {  	p0 =	seq.s32 s5, $0x0;
	s5 =	sld [smem:$0x3FAC]  }
0x2b: {  	s6 =	sld [smem:$0x3FAD]  }
0x2c: {  	s7 =	sld [smem:$0x3FAE]  }
0x2d: {  	s3 =	simm.s32 $0x108;
	s8 =	sld [smem:$0x3FAF]  }
0x2e: {  	s3 =	simm.s32 @!p0 $0x1082;
	s9 =	sld [smem:$0x3FB0]  }
0x2f: {  	lr =	sadd.s32 s0, s3;
	s0 =	sld [smem:$0x3FA7]  }
0x30: {  	s3 =	sld [smem:$0x3FAA]  }
0x31: {  	[smem:$0x3FB3] =	sst s10  }
0x32: {  	s10 =	sld [smem:$0x3FB1];
	_ =	sdelay $0x3  }
0x33: {  	p0 =	seq.s32 s10, $0x1;
	s10 =	sld [smem:$0x3FB3];
	_ =	sdelay $0x3  }
0x34: {  	[smem:$0x3FB3] =	sst s10  }
0x35: {  	s10 =	sld [smem:$0x3FB2];
	_ =	sdelay $0x3  }
0x36: {  	p1 =	seq.s32 s10, $0x1;
	s10 =	sld [smem:$0x3FB3];
	_ =	sdelay $0x3  }
0x37: {  	[smem:$0x3FB3] =	sst s10  }
0x38: {  	s10 =	sld [smem:$0x3FB4]  }
0x39: {  	_ = 	snop;
	(pc) =	sbr.ind lr, $3  }
0x3a: {  	_ = 	snop  }
0x3b: {  	_ = 	snop  }
0x3c: {  	p2 =	seq.s32 s10, $0x1;
	s10 =	sld [smem:$0x3FB3]  }
0x3d: {  	_ =	shalt  }
0x3e: {  	_ =	shalt  }
0x3f: {  	_ =	shalt  }
0x40: {  	_ =	shalt  }
0x41: {  	_ =	shalt  }
0x42: {  	_ =	shalt  }
0x43: {  	_ =	shalt  }
0x44: {  	_ =	shalt  }
0x45: {  	_ =	shalt  }
0x46: {  	_ =	shalt  }
0x47: {  	_ =	shalt  }
0x48: {  	_ =	shalt  }
0x49: {  	_ =	shalt  }
0x4a: {  	_ =	shalt  }
0x4b: {  	_ =	shalt  }
0x4c: {  	_ =	shalt  }
0x4d: {  	_ =	shalt  }
0x4e: {  	_ =	shalt  }
0x4f: {  	_ =	shalt  }
0x50: {  	_ =	shalt  }
0x51: {  	_ =	shalt  }
0x52: {  	_ =	shalt  }
0x53: {  	_ =	shalt  }
0x54: {  	_ =	shalt  }
0x55: {  	_ =	shalt  }
0x56: {  	_ =	shalt  }
0x57: {  	_ =	shalt  }
0x58: {  	_ =	shalt  }
0x59: {  	_ =	shalt  }
0x5a: {  	_ =	shalt  }
0x5b: {  	_ =	shalt  }
0x5c: {  	_ =	shalt  }
0x5d: {  	_ =	shalt  }
0x5e: {  	_ =	shalt  }
0x5f: {  	_ =	shalt  }
0x60: {  	_ =	shalt  }
0x61: {  	_ =	shalt  }
0x62: {  	_ =	shalt  }
0x63: {  	_ =	shalt  }
0x64: {  	_ =	shalt  }
0x65: {  	_ =	shalt  }
0x66: {  	_ =	shalt  }
0x67: {  	_ =	shalt  }
0x68: {  	_ =	shalt  }
0x69: {  	_ =	shalt  }
0x6a: {  	_ =	shalt  }
0x6b: {  	_ =	shalt  }
0x6c: {  	_ =	shalt  }
0x6d: {  	_ =	shalt  }
0x6e: {  	_ =	shalt  }
0x6f: {  	_ =	shalt  }
0x70: {  	_ =	shalt  }
0x71: {  	_ =	shalt  }
0x72: {  	_ =	shalt  }
0x73: {  	_ =	shalt  }
0x74: {  	_ =	shalt  }
0x75: {  	_ =	shalt  }
0x76: {  	_ =	shalt  }
0x77: {  	_ =	shalt  }
0x78: {  	_ =	shalt  }
0x79: {  	_ =	shalt  }
0x7a: {  	_ =	shalt  }
0x7b: {  	_ =	shalt  }
0x7c: {  	_ =	shalt  }
0x7d: {  	_ =	shalt  }
0x7e: {  	_ =	shalt  }
0x7f: {  	_ =	shalt  }
0x80: {  	_ =	shalt  }
0x81: {  	_ =	shalt  }
0x82: {  	_ =	shalt  }
0x83: {  	_ =	shalt  }
0x84: {  	_ =	shalt  }
0x85: {  	_ =	shalt  }
0x86: {  	_ =	shalt  }
0x87: {  	_ =	shalt  }
.Lfunc_end0:
.L_simem_size_0:
called_computation_lowered:
.L_overlay_start_0:
0x88: {  	s2 =	sld [smem:$0x3FD9]  }
0x89: {  	s3 =	sld [smem:$0x3FFE];
	_ =	sdelay $0x1  }
0x8a: {  	s1 =	srdreg.scid  }
0x8b: {  	s0 =	sand.u32 $0x1, s1  }
0x8c: {  	s16 =	sshll.u32 s0, $0xA;
	s2 =	sadd.s32 s3, s2  }
0x8d: {  	s2 =	sadd.s32 s2, s16  }
0x8e: {  	[smem:$0x3FBF] =	sst s2  }
0x8f: {  	_ = 	snop  }
0x90: {  	(tm) =	ssettm $0x1  }
0x91: {  	s17 =	sld [smem:$0x3FFB];
	_ =	sdelay $0x3  }
0x92: {  	_ =	strace s17  }
0x93: {  	s2 =	sld [smem:$0x3FFC];
	_ =	sdelay $0x3  }
0x94: {  	_ =	strace s2  }
0x95: {  	s2 =	sld [smem:$0x3FFD];
	_ =	sdelay $0x3  }
0x96: {  	_ =	strace s2  }
0x97: {  	_ =	strace $0x8FFFFFFF  }
0x98: {  	s18 =	sld [smem:$0x3FDB];
	_ =	sdelay $0x1  }
0x99: {  	s19 =	simm.s32 $_scs_section_size  }
0x9a: {  	s4 =	simm.s32 $_size__tile_overlayer_lowered;
	s5 =	simm.s32 $_tile_overlayer_lowered  }
0x9b: {  	s22 =	simm.s32 $0x1BFF;
	s21 =	sshll.u32 s5, $0x1;
	s2 =	sadd.s32 s19, s18  }
0x9c: {  	s6 =	simm.s32 $0x0;
	s20 =	sshll.u32 s4, $0x1;
	s4 =	sadd.s32 s21, s2  }
0x9d: {  	[timem:s6], [sflag:s22] =	dma.local [hbm:s4], s20  }
0x9e: {  	_ =	swait.ge [sflag:s22], s20  }
0x9f: {  	s3 =	ssub.s32 $0x0, s20;
	[sflag:s22] =	ssyncset.done $0x0  }
0xa0: {  	[sflag:s22] =	ssyncadd.s32 s3;
	_ =	sdelay $0x1  }
0xa1: {  	s23 =	simm.s32 $0x1B8B  }
0xa2: {  	_ =	swait.ge [sflag:s23], $0x1  }
0xa3: {  	[sflag:s23] =	ssyncset.done $0x0  }
0xa4: {  	s25 =	simm.s32 $0x1B8E;
	s24 =	sld [smem:$0x3FFE];
	[sflag:s23] =	ssyncadd.s32 $0xFFFFFFFF  }
0xa5: {  	s26 =	simm.s32 $execute0_lowered;
	[smem:$0x3FD2] =	sst s25  }
0xa6: {  	s4 =	sshll.u32 s26, $0x1;
	_ =	strace $0x80000046;
	[dreg:$0x1] =	wrdreg $0xFFFFFFFF  }
0xa7: {  	s28 =	simm.s32 $_size_execute0_lowered;
	s2 =	sadd.s32 s2, s4;
	[dreg:$0x0] =	wrdreg $0x0  }
0xa8: {  	s4 =	sshll.u32 s28, $0x1;
	[dreg:$0x2] =	wrdreg s2  }
0xa9: {  	[dreg:$0x3] =	wrdreg s4  }
0xaa: {  	[dreg:$0x4] =	wrdreg $0xC0  }
0xab: {  	_ =	task [dreg:s6], $0x5FFFF  }
0xac: {  	[dreg:$0x1] =	wrdreg $0xFFFFFFFF  }
0xad: {  	[dreg:$0x0] =	wrdreg $0x60  }
0xae: {  	[dreg:$0x2] =	wrdreg s24  }
0xaf: {  	[dreg:$0x3] =	wrdreg $0x0  }
0xb0: {  	[dreg:$0x4] =	wrdreg $0x188000  }
0xb1: {  	[dreg:$0x5] =	wrdreg $0x9  }
0xb2: {  	_ =	task.clear_ibuf [dreg:s6], $0x6FFFF;
	_ =	strace $0x90000046  }
0xb3: {  	s29 =	simm.s32 $0x9;
	_ =	strace $0x80000048  }
0xb4: {  	_ =	swait.ge [sflag:s29], $0x1  }
0xb5: {  	[sflag:s29] =	ssyncadd.s32 $0xFFFFFFFF  }
0xb6: {  	_ =	strace $0x90000048  }
0xb7: {  	_ =	sfence  }
0xb8: {  	s30 =	sld [smem:$0x0];
	_ =	sdelay $0x2  }
0xb9: {  	s31 =	sshll.u32 s1, $0xD;
	s1 =	sshrl.u32 s1, $0x2  }
0xba: {  	s3 =	sand.u32 $0x4000, s31;
	s1 =	sadd.s32 s1, s30  }
0xbb: {  	s0 =	sor.u32 s3, s0;
	s1 =	sshll.u32 s1, $0x11  }
0xbc: {  	s0 =	sor.u32 s1, s0  }
0xbd: {  	s0 =	sadd.s32 $0x8F2B, s0  }
0xbe: {  	[sflag:s0] =	ssyncadd.remote.s32 $0x1  }
0xbf: {  	_ =	sfence.sel $0xFFFF  }
0xc0: {  	[dreg:$0x0] =	wrdreg $0xFFFFFFFF;
	(pc) =	sbr.abs _section_cstart, $3  }
0xc1: {  	[dreg:$0x1] =	wrdreg $0xFFFFFFFF  }
0xc2: {  	_ =	task.clear_ibuf [dreg:s6], $0x2FFFF;
	_ =	strace $0x9FFFFFFF  }
0xc3: {  	(tm) =	ssettm $0x7FFFFFFF  }
tec
execute0_lowered:
.L_overlay_start_1:
0x0: {  	(tag) =	ssettag $0x1  }
0x1: {  	s0 =	rddreg [dreg:$0x0]  }
0x2: {  	s2 =	rddreg [dreg:$0x1]  }
0x3: {  	s3 =	rddreg [dreg:$0x2];
	s1 =	srdreg.scid  }
0x4: {  	s18 =	stileid.u32;
	s4 =	simm.s32 $0x0;
	s28 =	simm.s32 $0x80  }
0x5: {  	s29 =	simm.s32 $0x19840;
	s31 =	simm.s32 $0x1A840;
	s30 =	simm.s32 $0x1B840  }
0x6: {  	s20 =	smul.u32 $0x18800, s18;
	[smem:$0x7FF] =	sst s4;
	s6 =	sadd.s32 $0x4200, s0  }
0x7: {  	s8 =	smul.u32 $0xC40, s18;
	s9 =	sadd.s32 $0x97200, s0;
	s10 =	sadd.s32 $0xC8200, s0  }
0x8: {  	s5 =	sand.u32 $0x1, s1;
	s13 =	sadd.s32 $0x12A600, s0;
	s14 =	sadd.s32 $0x12A400, s0  }
0x9: {  	s7 =	smul.u32 $0x188000, s5;
	_ =	strace $0x80000047;
	[dreg:$0x4] =	wrdreg s13  }
0xa: {  	s12 =	sadd.s32 $0x66200, s0;
	s11 =	smul.u32 $0xC400, s5;
	[dreg:$0x5] =	wrdreg s14  }
0xb: {  	s16 =	ssub.s32 $0x2, s5;
	p0 =	sne.s32 s5, $0x0;
	p1 =	seq.s32 s5, $0x0  }
0xc: {  	s22 =	sshrl.u32 s16, $0x1;
	s17 =	sshrl.u32 s20, $0x3;
	s24 =	sor.u32 $0x100, s20  }
0xd: {  	s1 =	sadd.s32 s20, s2;
	s13 =	sadd.s32 s20, s7;
	s11 =	sadd.s32 s8, s11  }
0xe: {  	s23 =	sadd.s32 s9, s17;
	s25 =	sshrl.u32 s24, $0x3;
	s7 =	sadd.s32 s7, s24  }
0xf: {  	s26 =	sadd.s32 s12, s17;
	[dreg:$0xc] =	wrdreg s1;
	s20 =	sadd.s32 s8, s3  }
0x10: {  	s24 =	smul.u32 $0x3100, s18;
	s1 =	simm.s32 $0x19740;
	s8 =	simm.s32 $0x1C840  }
0x11: {  	s21 =	sshrl.u32 s13, $0x3;
	s11 =	sshrl.u32 s11, $0x3;
	[dreg:$0x6] =	wrdreg s23  }
0x12: {  	[dreg:$0x8] =	wrdreg s26;
	s17 =	sadd.s32 s9, s25;
	s7 =	sshrl.u32 s7, $0x3  }
0x13: {  	s19 =	sadd.s32 s12, s25;
	[dreg:$0xd] =	wrdreg s20;
	s26 =	sor.u32 $0x200, s13  }
0x14: {  	s15 =	sadd.s32 s21, s0;
	s0 =	sadd.s32 s11, s0;
	[dreg:$0x9] =	wrdreg s17  }
0x15: {  	s11 =	ssub.s32 s16, s22;
	s14 =	sadd.s32 s10, s21;
	[dreg:$0xb] =	wrdreg s19  }
0x16: {  	s7 =	sadd.s32 s10, s7;
	s22 =	sor.u32 $0x300, s13;
	[dreg:$0x7] =	wrdreg s14  }
0x17: {  	s13 =	simm.s32 $0x195C0;
	[dreg:$0xa] =	wrdreg s7;
	s21 =	sadd.s32 $0x130A00, s15  }
0x18: {  	s0 =	sadd.s32 $0x12D800, s0;
	s23 =	sshrl.u32 s22, $0x3;
	s25 =	smax.u32 s11, $0x1  }
0x19: {  	s22 =	sadd.s32 s24, s9;
	s7 =	simm.s32 $0x197C0;
	[dreg:$0xe] =	wrdreg s21  }
.Ltmp0:
0x1a: {  	s9 =	simm.s32 $0x1;
	[dreg:$0xf] =	wrdreg s0;
	(pc) =	sbr.rel .LBB2_1-.Ltmp0, $4  }
0x1b: {  	s11 =	simm.s32 $0x194C0;
	s15 =	simm.s32 $0x0;
	[dreg:$0x10] =	wrdreg s25  }
0x1c: {  	s20 =	sadd.s32 s23, s10;
	s21 =	sadd.s32 s24, s12;
	s0 =	sshrl.u32 s26, $0x3  }
0x1d: {  	s24 =	simm.s32 $0x19440;
	s25 =	simm.s32 $0x3;
	s12 =	simm.s32 $0x2  }
0x1e: {  	s23 =	sadd.s32 s0, s10;
	s0 =	simm.s32 $0x19540;
	s10 =	simm.s32 $0x4  }
.LBB2_4:
0x1f: {  	[bflag:$0x0] =	sbarrier.arrive $0xFFFF  }
0x20: {  	s14 =	rddreg [dreg:$0xe]  }
0x21: {  	s15 =	rddreg [dreg:$0x12]  }
0x22: {  	s16 =	rddreg [dreg:$0x13]  }
0x23: {  	[hbm:s14], [sflag:s15] =	dma.local [spmem:s16], $0x3100  }
0x24: {  	_ =	swait.ge [sflag:s25], $0x3100  }
0x25: {  	[sflag:s25] =	ssyncset.done $0x0;
	s17 =	rddreg [dreg:$0xf]  }
0x26: {  	s18 =	rddreg [dreg:$0x14];
	[sflag:s25] =	ssyncadd.s32 $0xFFFFCF00  }
0x27: {  	[hbm:s17], [sflag:s15] =	dma.local [spmem:s18], $0x188  }
0x28: {  	_ =	swait.ge [sflag:s25], $0x188  }
0x29: {  	s19 =	rddreg [dreg:$0x11]  }
0x2a: {  	s26 =	rddreg [dreg:$0x10];
	s15 =	sadd.s32 $0x1, s19  }
0x2b: {  	p2 =	sne.s32 s15, s26  }
.Ltmp1:
0x2c: {  	_ = 	snop;
	(pc) =	sbr.rel @!p2 .LBB2_5-.Ltmp1, $3  }
0x2d: {  	[sflag:s25] =	ssyncset.done $0x0  }
0x2e: {  	[sflag:s25] =	ssyncadd.s32 $0xFFFFFE78  }
0x2f: {  	[bflag:$0x0] =	sbarrier.arrive $0xFFFF;
	_ =	sdelay $0x1  }
.LBB2_1:
0x30: {  	[dreg:$0x11] =	wrdreg s15  }
0x31: {  	s14 =	rddreg [dreg:$0x6]  }
0x32: {  	[tilespmem:s24], [sflag:$0x3] =	stream.linear.gather [hbm4b:s14+s4], $0x100, $0x38;
	[tilespmem:$0x1DA40] =	vst v63  }
0x33: {  	_ =	swait.ge [sflag:s25], $0x100  }
0x34: {  	[sflag:s25] =	ssyncset.done $0x0  }
0x35: {  	s16 =	simm.s32 $0x19640;
	s15 =	rddreg [dreg:$0x7];
	[sflag:s25] =	ssyncadd.s32 $0xFFFFFF00  }
0x36: {  	[tilespmem:s16], [sflag:$0x3] =	stream.linear.gather [hbm4b:s15+s4], $0x100, $0x38;
	[tilespmem:$0x1DA40] =	vst v63  }
0x37: {  	_ =	swait.ge [sflag:s25], $0x100  }
0x38: {  	[sflag:s25] =	ssyncset.done $0x0  }
0x39: {  	[sflag:s25] =	ssyncadd.s32 $0xFFFFFF00  }
0x3a: {  	[tilespmem:s29], [sflag:$0x1] =	stream.indirect.gather [hbm4b:s6+s28], $0x20, s16, s28, $0xb8;
	[tilespmem:$0x1DA40] =	vst v63  }
0x3b: {  	s17 =	simm.s32 $0x196C0  }
0x3c: {  	[tilespmem:s31], [sflag:$0x1] =	stream.indirect.gather [hbm4b:s6+s28], $0x20, s17, s28, $0xb8;
	[tilespmem:$0x1DA40] =	vst v63  }
0x3d: {  	s15 =	simm.s32 @!p0 $0x1D840;
	s14 =	rddreg [dreg:$0x8];
	s16 =	simm.s32 @!p0 $0x0  }
0x3e: {  	[tilespmem:s15], [sflag:$0x3] =	stream.linear.gather @!p0 [hbm4b:s14+s16], $0x100, $0x38;
	[tilespmem:$0x1DA40] =	vst v63  }
0x3f: {  	s16 =	simm.s32 @!p0 $0x3  }
0x40: {  	_ =	swait.ge @!p0 [sflag:s16], $0x100  }
0x41: {  	[sflag:s16] =	ssyncset.done @!p0 $0x0  }
0x42: {  	s18 =	rddreg [dreg:$0x9];
	[sflag:s16] =	ssyncadd.s32 @!p0 $0xFFFFFF00  }
0x43: {  	[tilespmem:s0], [sflag:$0x3] =	stream.linear.gather [hbm4b:s18+s4], $0x100, $0x38;
	[tilespmem:$0x1DA40] =	vst v63  }
0x44: {  	_ =	swait.ge [sflag:s25], $0x100  }
0x45: {  	[sflag:s25] =	ssyncset.done $0x0  }
0x46: {  	s19 =	rddreg [dreg:$0xa];
	[sflag:s25] =	ssyncadd.s32 $0xFFFFFF00  }
0x47: {  	[tilespmem:s1], [sflag:$0x3] =	stream.linear.gather [hbm4b:s19+s4], $0x100, $0x38;
	[tilespmem:$0x1DA40] =	vst v63  }
0x48: {  	_ =	swait.ge [sflag:s25], $0x100  }
0x49: {  	[sflag:s25] =	ssyncset.done $0x0  }
0x4a: {  	[sflag:s25] =	ssyncadd.s32 $0xFFFFFF00  }
0x4b: {  	[tilespmem:s30], [sflag:$0x2] =	stream.indirect.gather [hbm4b:s6+s28], $0x20, s1, s28, $0xb8;
	[tilespmem:$0x1DA40] =	vst v63  }
0x4c: {  	_ = 	snop  }
0x4d: {  	[tilespmem:s8], [sflag:$0x2] =	stream.indirect.gather [hbm4b:s6+s28], $0x20, s7, s28, $0xb8;
	[tilespmem:$0x1DA40] =	vst v63  }
0x4e: {  	s17 =	simm.s32 @!p1 $0x0;
	s16 =	simm.s32 @!p1 $0x1D940;
	s14 =	rddreg [dreg:$0xb]  }
0x4f: {  	[tilespmem:s16], [sflag:$0x3] =	stream.linear.gather @!p1 [hbm4b:s14+s17], $0x100, $0x38;
	[tilespmem:$0x1DA40] =	vst v63  }
0x50: {  	s17 =	simm.s32 @!p1 $0x3  }
0x51: {  	s26 =	stileid.u32;
	_ =	swait.ge @!p1 [sflag:s17], $0x100  }
0x52: {  	s18 =	sshll.u32 s26, $0x6;
	[sflag:s17] =	ssyncset.done @!p1 $0x0  }
0x53: {  	[sflag:s17] =	ssyncadd.s32 @!p1 $0xFFFFFF00;
	s17 =	sor.u32 $0x1C03, s18;
	s18 =	rddreg [dreg:$0xc]  }
0x54: {  	s26 =	rddreg [dreg:$0x4];
	s19 =	sshrl.u32 s18, $0x3  }
0x55: {  	[dreg:$0x13] =	wrdreg s19  }
0x56: {  	[spmem:s19], [sflag:s17] =	dma.local [hbm:s26], $0x3100  }
0x57: {  	_ =	swait.ge [sflag:s25], $0x3100;
	[dreg:$0x12] =	wrdreg s17  }
0x58: {  	s18 =	rddreg [dreg:$0xd]  }
0x59: {  	[sflag:s25] =	ssyncset.done $0x0;
	s26 =	rddreg [dreg:$0x5];
	s19 =	sshrl.u32 s18, $0x3  }
0x5a: {  	[sflag:s25] =	ssyncadd.s32 $0xFFFFCF00;
	[dreg:$0x14] =	wrdreg s19  }
0x5b: {  	[spmem:s19], [sflag:s17] =	dma.local [hbm:s26], $0x188  }
0x5c: {  	_ =	swait.ge [sflag:s25], $0x188  }
0x5d: {  	[sflag:s25] =	ssyncset.done $0x0  }
0x5e: {  	[sflag:s25] =	ssyncadd.s32 $0xFFFFFE78  }
0x5f: {  	s26 =	simm.s32 $0x0;
	[bflag:$0x0] =	sbarrier.arrive $0xFFFF  }
.LBB2_2:
0x60: {  	_ =	swait.ge [sflag:s9], $0x2000  }
0x61: {  	[sflag:s9] =	ssyncset.done $0x0  }
0x62: {  	[sflag:s9] =	ssyncadd.s32 $0xFFFFE000  }
0x63: {  	[spmem:s2] =	stream.indirect.scatter.add.f32 [tilespmem:s29], [sflag:$0x4], $0x20, s24, s28, $0xb8;
	[tilespmem:$0x1DA40] =	vst v63  }
0x64: {  	_ =	swait.ge [sflag:s10], $0x1000  }
0x65: {  	[sflag:s10] =	ssyncset.done $0x0  }
0x66: {  	[sflag:s10] =	ssyncadd.s32 $0xFFFFF000  }
0x67: {  	[spmem:s2] =	stream.indirect.scatter.add.f32 [tilespmem:s31], [sflag:$0x4], $0x20, s11, s28, $0xb8;
	[tilespmem:$0x1DA40] =	vst v63  }
0x68: {  	_ =	swait.ge [sflag:s10], $0x1000  }
0x69: {  	[sflag:s10] =	ssyncset.done $0x0  }
0x6a: {  	s18 =	simm.s32 @!p0 $0x80;
	s19 =	simm.s32 @!p0 $0x19440;
	[sflag:s10] =	ssyncadd.s32 $0xFFFFF000  }
0x6b: {  	[spmem:s3] =	stream.indirect.scatter.add.f32 @!p0 [tilespmem:s15], [sflag:$0x4], $0x1, s19, s18, $0xb8;
	[tilespmem:$0x1DA40] =	vst v63  }
0x6c: {  	s19 =	simm.s32 @!p0 $0x4  }
0x6d: {  	_ =	swait.ge @!p0 [sflag:s19], $0x80  }
0x6e: {  	[sflag:s19] =	ssyncset.done @!p0 $0x0  }
0x6f: {  	s17 =	simm.s32 @!p0 $0x194C0;
	s14 =	simm.s32 @!p0 $0x1D8C0;
	[sflag:s19] =	ssyncadd.s32 @!p0 $0xFFFFFF80  }
0x70: {  	[spmem:s3] =	stream.indirect.scatter.add.f32 @!p0 [tilespmem:s14], [sflag:$0x4], $0x1, s17, s18, $0xb8;
	[tilespmem:$0x1DA40] =	vst v63  }
0x71: {  	p2 =	seq.s32 s26, $0x30C0;
	_ =	swait.ge @!p0 [sflag:s19], $0x80  }
0x72: {  	s14 =	sadd.s32 @!p2 s26, s22;
	s17 =	simm.s32 @!p2 $0x0;
	[sflag:s19] =	ssyncset.done @!p0 $0x0  }
0x73: {  	s18 =	simm.s32 @!p2 $0x19440;
	s14 =	sadd.s32 @!p2 $0x40, s14;
	[sflag:s19] =	ssyncadd.s32 @!p0 $0xFFFFFF80  }
0x74: {  	[tilespmem:s18], [sflag:$0x4] =	stream.linear.gather @!p2 [hbm4b:s14+s17], $0x100, $0x38;
	[tilespmem:$0x1DA40] =	vst v63  }
0x75: {  	s14 =	simm.s32 @!p2 $0x4  }
0x76: {  	_ =	swait.ge @!p2 [sflag:s14], $0x100  }
0x77: {  	[sflag:s14] =	ssyncset.done @!p2 $0x0  }
0x78: {  	s19 =	simm.s32 @!p2 $0x19640;
	s18 =	sadd.s32 @!p2 s26, s23;
	[sflag:s14] =	ssyncadd.s32 @!p2 $0xFFFFFF00  }
0x79: {  	[tilespmem:s19], [sflag:$0x4] =	stream.linear.gather @!p2 [hbm4b:s18+s17], $0x100, $0x38;
	[tilespmem:$0x1DA40] =	vst v63  }
0x7a: {  	_ =	swait.ge @!p2 [sflag:s14], $0x100  }
0x7b: {  	p3 =	sne.s32 @!p2 s5, $0x0;
	[sflag:s14] =	ssyncset.done @!p2 $0x0  }
0x7c: {  	s17 =	simm.s32 @!p2 $0x19840;
	[sflag:s14] =	ssyncadd.s32 @!p2 $0xFFFFFF00;
	s14 =	simm.s32 @!p2 $0x80  }
0x7d: {  	[tilespmem:s17], [sflag:$0x1] =	stream.indirect.gather @!p2 [hbm4b:s6+s14], $0x20, s19, s14, $0xb8;
	[tilespmem:$0x1DA40] =	vst v63  }
0x7e: {  	p3 =	por p3, p2;
	s18 =	simm.s32 @!p2 $0x1A840;
	s17 =	simm.s32 @!p2 $0x196C0  }
0x7f: {  	[tilespmem:s18], [sflag:$0x1] =	stream.indirect.gather @!p2 [hbm4b:s6+s14], $0x20, s17, s14, $0xb8;
	[tilespmem:$0x1DA40] =	vst v63  }
0x80: {  	s14 =	sadd.s32 @!p3 s26, s21  }
0x81: {  	s17 =	simm.s32 @!p3 $0x0;
	s18 =	simm.s32 @!p3 $0x1D840;
	s14 =	sadd.s32 @!p3 $0x40, s14  }
0x82: {  	[tilespmem:s18], [sflag:$0x4] =	stream.linear.gather @!p3 [hbm4b:s14+s17], $0x100, $0x38;
	[tilespmem:$0x1DA40] =	vst v63  }
0x83: {  	s14 =	simm.s32 @!p3 $0x4  }
0x84: {  	_ =	swait.ge @!p3 [sflag:s14], $0x100  }
0x85: {  	[sflag:s14] =	ssyncset.done @!p3 $0x0  }
0x86: {  	[sflag:s14] =	ssyncadd.s32 @!p3 $0xFFFFFF00  }
0x87: {  	_ =	swait.ge [sflag:s12], $0x2000  }
0x88: {  	[sflag:s12] =	ssyncset.done $0x0  }
0x89: {  	[sflag:s12] =	ssyncadd.s32 $0xFFFFE000  }
0x8a: {  	[spmem:s2] =	stream.indirect.scatter.add.f32 [tilespmem:s30], [sflag:$0x4], $0x20, s0, s28, $0xb8;
	[tilespmem:$0x1DA40] =	vst v63  }
0x8b: {  	_ =	swait.ge [sflag:s10], $0x1000  }
0x8c: {  	[sflag:s10] =	ssyncset.done $0x0  }
0x8d: {  	[sflag:s10] =	ssyncadd.s32 $0xFFFFF000  }
0x8e: {  	[spmem:s2] =	stream.indirect.scatter.add.f32 [tilespmem:s8], [sflag:$0x4], $0x20, s13, s28, $0xb8;
	[tilespmem:$0x1DA40] =	vst v63  }
0x8f: {  	_ =	swait.ge [sflag:s10], $0x1000  }
0x90: {  	[sflag:s10] =	ssyncset.done $0x0  }
0x91: {  	s17 =	simm.s32 @!p1 $0x19540;
	s14 =	simm.s32 @!p1 $0x80;
	[sflag:s10] =	ssyncadd.s32 $0xFFFFF000  }
0x92: {  	[spmem:s3] =	stream.indirect.scatter.add.f32 @!p1 [tilespmem:s16], [sflag:$0x4], $0x1, s17, s14, $0xb8;
	[tilespmem:$0x1DA40] =	vst v63  }
0x93: {  	s17 =	simm.s32 @!p1 $0x4  }
0x94: {  	_ =	swait.ge @!p1 [sflag:s17], $0x80  }
0x95: {  	s19 =	simm.s32 @!p1 $0x1D9C0;
	[sflag:s17] =	ssyncset.done @!p1 $0x0  }
.Ltmp2:
0x96: {  	s18 =	simm.s32 @!p1 $0x195C0;
	[sflag:s17] =	ssyncadd.s32 @!p1 $0xFFFFFF80;
	(pc) =	sbr.rel @p2 .LBB2_4-.Ltmp2, $4  }
0x97: {  	[spmem:s3] =	stream.indirect.scatter.add.f32 @!p1 [tilespmem:s19], [sflag:$0x4], $0x1, s18, s14, $0xb8;
	[tilespmem:$0x1DA40] =	vst v63  }
0x98: {  	_ =	swait.ge @!p1 [sflag:s17], $0x80  }
0x99: {  	[sflag:s17] =	ssyncset.done @!p1 $0x0  }
0x9a: {  	[sflag:s17] =	ssyncadd.s32 @!p1 $0xFFFFFF80  }
0x9b: {  	s14 =	sadd.s32 s26, s22  }
0x9c: {  	s14 =	sadd.s32 $0x60, s14  }
0x9d: {  	[tilespmem:s0], [sflag:$0x4] =	stream.linear.gather [hbm4b:s14+s4], $0x100, $0x38;
	[tilespmem:$0x1DA40] =	vst v63  }
0x9e: {  	_ =	swait.ge [sflag:s10], $0x100  }
0x9f: {  	[sflag:s10] =	ssyncset.done $0x0  }
0xa0: {  	s19 =	sadd.s32 s26, s20;
	[sflag:s10] =	ssyncadd.s32 $0xFFFFFF00  }
0xa1: {  	[tilespmem:s1], [sflag:$0x4] =	stream.linear.gather [hbm4b:s19+s4], $0x100, $0x38;
	[tilespmem:$0x1DA40] =	vst v63  }
0xa2: {  	_ =	swait.ge [sflag:s10], $0x100  }
0xa3: {  	[sflag:s10] =	ssyncset.done $0x0  }
0xa4: {  	[sflag:s10] =	ssyncadd.s32 $0xFFFFFF00  }
0xa5: {  	[tilespmem:s30], [sflag:$0x2] =	stream.indirect.gather [hbm4b:s6+s28], $0x20, s1, s28, $0xb8;
	[tilespmem:$0x1DA40] =	vst v63  }
0xa6: {  	s14 =	sadd.s32 @!p1 s26, s21  }
0xa7: {  	[tilespmem:s8], [sflag:$0x2] =	stream.indirect.gather [hbm4b:s6+s28], $0x20, s7, s28, $0xb8;
	[tilespmem:$0x1DA40] =	vst v63  }
0xa8: {  	s17 =	simm.s32 @!p1 $0x0;
	s18 =	simm.s32 @!p1 $0x1D940;
	s14 =	sadd.s32 @!p1 $0x60, s14  }
0xa9: {  	[tilespmem:s18], [sflag:$0x3] =	stream.linear.gather @!p1 [hbm4b:s14+s17], $0x100, $0x38;
	[tilespmem:$0x1DA40] =	vst v63  }
.Ltmp3:
0xaa: {  	_ = 	snop;
	(pc) =	sbr.rel .LBB2_2-.Ltmp3, $4  }
0xab: {  	s14 =	simm.s32 @!p1 $0x3  }
0xac: {  	_ =	swait.ge @!p1 [sflag:s14], $0x100  }
0xad: {  	[sflag:s14] =	ssyncset.done @!p1 $0x0  }
0xae: {  	s26 =	sadd.s32 $0x40, s26;
	[sflag:s14] =	ssyncadd.s32 @!p1 $0xFFFFFF00  }
.LBB2_5:
0xaf: {  	_ =	sfence.sel $0x180000  }
0xb0: {  	[bflag:$0x0] =	sbarrier.arrive $0xFFFF  }
0xb1: {  	_ =	strace $0x90000047  }
0xb2: {  	s0 =	stileid.u32;
	[bflag:$0x2] =	sbarrier.arrive $0xFFFF  }
0xb3: {  	p0 =	sne.s32 s0, $0x0;
	s0 =	rddreg [dreg:$0x3]  }
0xb4: {  	s0 =	sadd.s32 @!p0 $0x100000, s0  }
0xb5: {  	[sflag:s0] =	ssyncadd.tile.s32 @!p0 $0x1;
	_ =	shalt  }
.Lfunc_end2:
_tile_overlayer_lowered:
.L_overlay_start_2:
0xb6: {  	(tag) =	ssettag $0x2  }
0xb7: {  	s0 =	rddreg [dreg:$0x0];
	s2 =	stileid.u32  }
0xb8: {  	s1 =	rddreg [dreg:$0x1];
	p0 =	sne.s32 s2, $0x0  }
0xb9: {  	s3 =	rddreg [dreg:$0x2];
	[bflag:$0x3] =	sbarrier.arrive $0xFFFF;
	s2 =	simm.s32 @!p0 $0x1C03  }
0xba: {  	[timem:s3], [sflag:s2] =	dma.local @!p0 [hbm:s0], s1  }
0xbb: {  	s0 =	simm.s32 @!p0 $0x3  }
0xbc: {  	_ =	swait.ge @!p0 [sflag:s0], s1  }
0xbd: {  	s1 =	ssub.s32 @!p0 $0x0, s1;
	[sflag:s0] =	ssyncset.done @!p0 $0x0  }
0xbe: {  	[sflag:s0] =	ssyncadd.s32 @!p0 s1  }
0xbf: {  	[bflag:$0x3] =	sbarrier.arrive $0xFFFF  }
0xc0: {  	_ =	shalt  }

</sc_bundles>
